<compile_context>
chip_gen: v7x
topology: tpu7x:2x2x1
jax: 0.10.2.dev20260603
libtpu: 0.0.44.dev20260713+nightly
codegen_flags: <defaults>
</compile_context>

<pallas_src>
import jax
import jax.numpy as jnp
from jax import lax
from jax.experimental import pallas as pl
from jax.experimental.pallas import tpu as pltpu
from jax.experimental.pallas import tpu_sc as plsc

_NC = 2
_NS = 16
_NH = 4


@jax.jit
def _sc_emb(tab_t, x_t):
    r_total, v = tab_t.shape
    f, b = x_t.shape
    d = r_total // f
    chunk = b // _NH
    w_len = ((v // 2) + 127) // 128 * 128
    npair = f // 2

    mesh = plsc.VectorSubcoreMesh(
        core_axis_name="c", subcore_axis_name="s",
        num_cores=_NC, num_subcores=_NS)

    def body(tab_hbm, x_hbm, out_hbm, tw_v, idx_v, orow_v, xshs,
             twsems, xsems, isems, osems):
        cid = lax.axis_index("c")
        sid = lax.axis_index("s")
        wid = sid * _NC + cid
        lane = jnp.arange(16, dtype=jnp.int32)

        def tw_copy(j, w):
            off = w * w_len
            return pltpu.make_async_copy(
                tab_hbm.at[d * j + wid].at[
                    pl.ds(off, (v - w_len) if w else w_len)],
                tw_v[w], twsems[w])

        def idx_copy(par, hh):
            h = hh % _NH
            return pltpu.make_async_copy(
                xshs[par].at[pl.ds(h * chunk, chunk)], idx_v[hh % 2],
                isems[hh % 2])

        def st_copy(j, h):
            return pltpu.make_async_copy(
                orow_v.at[pl.ds(h * chunk, chunk)],
                out_hbm.at[d * j + wid, pl.ds(h * chunk, chunk)],
                osems[h])

        def xsh_copy(j, par):
            return pltpu.make_async_copy(
                x_hbm.at[j], xshs[par], xsems[par])

        @pl.when(sid == 0)
        def _():
            xsh_copy(0, 0).start()
            xsh_copy(1, 1).start()
            xsh_copy(0, 0).wait()

        plsc.subcore_barrier()
        idx_copy(0, 0).start()
        tw_copy(0, 0).start()
        tw_copy(0, 1).start()

        def loop_body(k, _):
            for par in range(2):
                j = 2 * k + par
                tw_copy(j, 0).wait()
                for h in range(_NH):
                    idx_copy(par, h).wait()
                    idx_copy(par, h + 1).start()
                    if par == 0:
                        @pl.when(j > 0)
                        def _():
                            st_copy(j - 1, h).wait()
                    else:
                        st_copy(j - 1, h).wait()
                    base = h * chunk

                    @plsc.parallel_loop(0, chunk // 16, 1, unroll=16)
                    def pass0(t):
                        iv = idx_v[h % 2][pl.ds(t * 16, 16)]
                        orow_v[pl.ds(base + t * 16, 16)] = (
                            plsc.load_gather(tw_v[0], [iv],
                                             mask=iv < w_len))

                if par == 0:
                    tw_copy(j + 1, 0).start()
                else:
                    @pl.when(k + 1 < npair)
                    def _():
                        tw_copy(j + 1, 0).start()
                tw_copy(j, 1).wait()
                for h in range(_NH):
                    hh = _NH + h
                    idx_copy(par, hh).wait()
                    if hh + 1 < 2 * _NH:
                        idx_copy(par, hh + 1).start()
                    else:
                        if par == 0:
                            @pl.when(sid == 0)
                            def _():
                                xsh_copy(j + 1, 1).wait()

                            plsc.subcore_barrier()

                            @pl.when((sid == 0) & (k + 1 < npair))
                            def _():
                                xsh_copy(j + 2, 0).start()

                            idx_copy(1, 0).start()
                        else:
                            @pl.when(k + 1 < npair)
                            def _():
                                @pl.when(sid == 0)
                                def _():
                                    xsh_copy(j + 1, 0).wait()

                                plsc.subcore_barrier()

                                @pl.when(sid == 0)
                                def _():
                                    xsh_copy(j + 2, 1).start()

                                idx_copy(0, 0).start()
                    base = h * chunk

                    @plsc.parallel_loop(0, chunk // 16, 1, unroll=16)
                    def pass1(t):
                        iv = idx_v[hh % 2][pl.ds(t * 16, 16)]
                        m1 = iv >= w_len
                        g1 = plsc.load_gather(tw_v[1], [iv - w_len],
                                              mask=m1)
                        plsc.store_scatter(
                            orow_v, [base + t * 16 + lane], g1, mask=m1)

                    st_copy(j, h).start()
                if par == 0:
                    tw_copy(j + 1, 1).start()
                else:
                    @pl.when(k + 1 < npair)
                    def _():
                        tw_copy(j + 1, 1).start()
            return 0

        lax.fori_loop(0, npair, loop_body, 0)
        for h in range(_NH):
            st_copy(f - 1, h).wait()

    return pl.kernel(
        body,
        out_type=jax.ShapeDtypeStruct((r_total, b), jnp.float32),
        mesh=mesh,
        scratch_types=[
            [pltpu.VMEM((w_len,), jnp.float32),
             pltpu.VMEM((v - w_len,), jnp.float32)],
            [pltpu.VMEM((chunk,), jnp.int32) for _ in range(2)],
            pltpu.VMEM((b,), jnp.float32),
            [pltpu.VMEM_SHARED((b,), jnp.int32) for _ in range(2)],
            [pltpu.SemaphoreType.DMA for _ in range(2)],
            [pltpu.SemaphoreType.DMA for _ in range(2)],
            [pltpu.SemaphoreType.DMA for _ in range(2)],
            [pltpu.SemaphoreType.DMA for _ in range(_NH)],
        ],
        compiler_params=pltpu.CompilerParams(
            use_tc_tiling_on_sc=True, needs_layout_passes=False),
    )(tab_t, x_t)


def kernel(x, tables):
    f, v, d = tables.shape
    tab_t = jnp.swapaxes(tables, 1, 2).reshape(f * d, v)
    x_t = x.T.astype(jnp.int32)
    out_t = _sc_emb(tab_t, x_t)
    return out_t.T

# --- scband reference (transcript-rebuilt; emitter-appended) ---
"""Pipeline reference for scband-discrete-embedding-61005715472601 (READ-ONLY COPY).

The authoritative reference and input builder live on the scoring server;
editing this copy changes nothing except your own understanding.
"""

import jax, jax.numpy as jnp
import numpy as np

B = 16384
F = 26
V = 100000
D = 32

def setup_inputs(seed: int = 0) -> dict:
    key = jax.random.key(seed)
    k1, k2 = jax.random.split(key)
    x = jax.random.randint(k1, (B, F), 0, V, dtype=jnp.int32)
    # xavier_uniform for each [V, D] table: bound = sqrt(6 / (V + D))
    bound = float(np.sqrt(6.0 / (V + D)))
    tables = jax.random.uniform(k2, (F, V, D), minval=-bound, maxval=bound, dtype=jnp.float32)
    return {"x": x, "tables": tables}

def reference(x, tables):
    # DiscreteEmbedding with encoder_name='embedding', aggr='concat':
    # per-field embedding lookup, concatenated along feature dim.
    x = x.astype(jnp.int32)
    embs = []
    for i in range(F):
        embs.append(jnp.take(tables[i], x[:, i], axis=0))
    return jnp.concatenate(embs, axis=1)  # [B, F*D]

if __name__ == "__main__":
    import jax
    _d = setup_inputs()
    print(jax.jit(kernel)(*tuple(_d.values())))

</pallas_src>

<mosaic_0001>
#map = affine_map<(d0, d1) -> (0, 0)>
module attributes {stable_mosaic.version = 14 : i64} {
  func.func @body(%arg0: i32, %arg1: i32, %arg2: memref<832x100000xf32, #tpu.memory_space<hbm>>, %arg3: memref<26x16384xi32, #tpu.memory_space<hbm>>, %arg4: memref<832x16384xf32, #tpu.memory_space<hbm>>, %arg5: memref<50048xf32, #tpu.memory_space<vmem>>, %arg6: memref<49952xf32, #tpu.memory_space<vmem>>, %arg7: memref<4096xi32, #tpu.memory_space<vmem>>, %arg8: memref<4096xi32, #tpu.memory_space<vmem>>, %arg9: memref<16384xf32, #tpu.memory_space<vmem>>, %arg10: memref<16384xi32, #tpu.memory_space<vmem_shared>>, %arg11: memref<16384xi32, #tpu.memory_space<vmem_shared>>, %arg12: memref<!tpu.dma_semaphore, #tpu.memory_space<semaphore_mem>>, %arg13: memref<!tpu.dma_semaphore, #tpu.memory_space<semaphore_mem>>, %arg14: memref<!tpu.dma_semaphore, #tpu.memory_space<semaphore_mem>>, %arg15: memref<!tpu.dma_semaphore, #tpu.memory_space<semaphore_mem>>, %arg16: memref<!tpu.dma_semaphore, #tpu.memory_space<semaphore_mem>>, %arg17: memref<!tpu.dma_semaphore, #tpu.memory_space<semaphore_mem>>, %arg18: memref<!tpu.dma_semaphore, #tpu.memory_space<semaphore_mem>>, %arg19: memref<!tpu.dma_semaphore, #tpu.memory_space<semaphore_mem>>, %arg20: memref<!tpu.dma_semaphore, #tpu.memory_space<semaphore_mem>>, %arg21: memref<!tpu.dma_semaphore, #tpu.memory_space<semaphore_mem>>) attributes {dimension_semantics = [#tpu.dimension_semantics<core_parallel>, #tpu.dimension_semantics<subcore_parallel>], iteration_bounds = array<i64: 2, 16>, scalar_prefetch = 0 : i64, scratch_operands = 17 : i64, tpu.core_type = #tpu.core_type<sc_vector_subcore>, window_params = [{transform_indices = #map}, {transform_indices = #map}, {transform_indices = #map}]} {
    %mul3A = arith.constant 2 : i32
    %mul3A_0 = arith.muli %arg1, %mul3A : i32
    %add3A = arith.addi %mul3A_0, %arg0 : i32
    %iota3A = tpu.iota {dimensions = array<i32: 0>} : vector<16xi32>
    %eq3A = arith.constant 0 : i32
    %eq3A_1 = arith.cmpi eq, %arg1, %eq3A : i32
    %convert_element_type3A = arith.extui %eq3A_1 : i1 to i32
    %cond3A = arith.constant 0 : i32
    %cond3A_2 = arith.cmpi ne, %convert_element_type3A, %cond3A : i32
    scf.if %cond3A_2 {
      %dma_start3A_83 = arith.constant 0 : i32
      %dma_start3A_84 = arith.constant 0 : i32
      %dma_start3A_85 = tpu.memref_slice %arg3[%dma_start3A_83, %dma_start3A_84] : memref<26x16384xi32, #tpu.memory_space<hbm>> -> memref<1x16384xi32, #tpu.memory_space<hbm>>
      %dma_start3A_86 = tpu.memref_squeeze %dma_start3A_85 : memref<1x16384xi32, #tpu.memory_space<hbm>> -> memref<16384xi32, #tpu.memory_space<hbm>>
      tpu.enqueue_dma source(%dma_start3A_86 : memref<16384xi32, #tpu.memory_space<hbm>>) target(%arg10 : memref<16384xi32, #tpu.memory_space<vmem_shared>>) target_semaphore(%arg14 : memref<!tpu.dma_semaphore, #tpu.memory_space<semaphore_mem>>)
      %dma_start3A_87 = arith.constant 1 : i32
      %dma_start3A_88 = arith.constant 0 : i32
      %dma_start3A_89 = tpu.memref_slice %arg3[%dma_start3A_87, %dma_start3A_88] : memref<26x16384xi32, #tpu.memory_space<hbm>> -> memref<1x16384xi32, #tpu.memory_space<hbm>>
      %dma_start3A_90 = tpu.memref_squeeze %dma_start3A_89 : memref<1x16384xi32, #tpu.memory_space<hbm>> -> memref<16384xi32, #tpu.memory_space<hbm>>
      tpu.enqueue_dma source(%dma_start3A_90 : memref<16384xi32, #tpu.memory_space<hbm>>) target(%arg11 : memref<16384xi32, #tpu.memory_space<vmem_shared>>) target_semaphore(%arg15 : memref<!tpu.dma_semaphore, #tpu.memory_space<semaphore_mem>>)
      %dma_wait3A_91 = arith.constant 0 : i32
      %dma_wait3A_92 = arith.constant 0 : i32
      %dma_wait3A_93 = tpu.memref_slice %arg3[%dma_wait3A_91, %dma_wait3A_92] : memref<26x16384xi32, #tpu.memory_space<hbm>> -> memref<1x16384xi32, #tpu.memory_space<hbm>>
      %dma_wait3A_94 = tpu.memref_squeeze %dma_wait3A_93 : memref<1x16384xi32, #tpu.memory_space<hbm>> -> memref<16384xi32, #tpu.memory_space<hbm>>
      tpu.wait_dma2 semaphore(%arg14 : memref<!tpu.dma_semaphore, #tpu.memory_space<semaphore_mem>>) src(%dma_wait3A_94 : memref<16384xi32, #tpu.memory_space<hbm>>) dst(%arg10 : memref<16384xi32, #tpu.memory_space<vmem_shared>>)
    } else {
    }
    %barrier3A = arith.constant 0 : index
    tpu.barrier barrier_id(%barrier3A)
    %dma_start3A = arith.constant 0 : i32
    %dma_start3A_3 = tpu.memref_slice %arg10[%dma_start3A] : memref<16384xi32, #tpu.memory_space<vmem_shared>> -> memref<4096xi32, #tpu.memory_space<vmem_shared>>
    %dma_start3A_4 = arith.constant 0 : i32
    %dma_start3A_5 = tpu.memref_slice %arg10[%dma_start3A_4] : memref<16384xi32, #tpu.memory_space<vmem_shared>> -> memref<4096xi32, #tpu.memory_space<vmem_shared>>
    tpu.enqueue_dma source(%dma_start3A_5 : memref<4096xi32, #tpu.memory_space<vmem_shared>>) target(%arg7 : memref<4096xi32, #tpu.memory_space<vmem>>) target_semaphore(%arg16 : memref<!tpu.dma_semaphore, #tpu.memory_space<semaphore_mem>>)
    %add3A_6 = arith.constant 0 : i32
    %add3A_7 = arith.addi %add3A_6, %add3A : i32
    %dma_start3A_8 = arith.constant 0 : i32
    %dma_start3A_9 = tpu.memref_slice %arg2[%add3A_7, %dma_start3A_8] : memref<832x100000xf32, #tpu.memory_space<hbm>> -> memref<1x100000xf32, #tpu.memory_space<hbm>>
    %dma_start3A_10 = tpu.memref_squeeze %dma_start3A_9 : memref<1x100000xf32, #tpu.memory_space<hbm>> -> memref<100000xf32, #tpu.memory_space<hbm>>
    %dma_start3A_11 = arith.constant 0 : i32
    %dma_start3A_12 = tpu.memref_slice %dma_start3A_10[%dma_start3A_11] : memref<100000xf32, #tpu.memory_space<hbm>> -> memref<50048xf32, #tpu.memory_space<hbm>>
    %dma_start3A_13 = arith.constant 0 : i32
    %dma_start3A_14 = tpu.memref_slice %arg2[%add3A_7, %dma_start3A_13] : memref<832x100000xf32, #tpu.memory_space<hbm>> -> memref<1x100000xf32, #tpu.memory_space<hbm>>
    %dma_start3A_15 = tpu.memref_squeeze %dma_start3A_14 : memref<1x100000xf32, #tpu.memory_space<hbm>> -> memref<100000xf32, #tpu.memory_space<hbm>>
    %dma_start3A_16 = arith.constant 0 : i32
    %dma_start3A_17 = tpu.memref_slice %dma_start3A_15[%dma_start3A_16] : memref<100000xf32, #tpu.memory_space<hbm>> -> memref<50048xf32, #tpu.memory_space<hbm>>
    tpu.enqueue_dma source(%dma_start3A_17 : memref<50048xf32, #tpu.memory_space<hbm>>) target(%arg5 : memref<50048xf32, #tpu.memory_space<vmem>>) target_semaphore(%arg12 : memref<!tpu.dma_semaphore, #tpu.memory_space<semaphore_mem>>)
    %add3A_18 = arith.constant 0 : i32
    %add3A_19 = arith.addi %add3A_18, %add3A : i32
    %dma_start3A_20 = arith.constant 0 : i32
    %dma_start3A_21 = tpu.memref_slice %arg2[%add3A_19, %dma_start3A_20] : memref<832x100000xf32, #tpu.memory_space<hbm>> -> memref<1x100000xf32, #tpu.memory_space<hbm>>
    %dma_start3A_22 = tpu.memref_squeeze %dma_start3A_21 : memref<1x100000xf32, #tpu.memory_space<hbm>> -> memref<100000xf32, #tpu.memory_space<hbm>>
    %dma_start3A_23 = arith.constant 50048 : i32
    %dma_start3A_24 = tpu.memref_slice %dma_start3A_22[%dma_start3A_23] : memref<100000xf32, #tpu.memory_space<hbm>> -> memref<49952xf32, #tpu.memory_space<hbm>>
    %dma_start3A_25 = arith.constant 0 : i32
    %dma_start3A_26 = tpu.memref_slice %arg2[%add3A_19, %dma_start3A_25] : memref<832x100000xf32, #tpu.memory_space<hbm>> -> memref<1x100000xf32, #tpu.memory_space<hbm>>
    %dma_start3A_27 = tpu.memref_squeeze %dma_start3A_26 : memref<1x100000xf32, #tpu.memory_space<hbm>> -> memref<100000xf32, #tpu.memory_space<hbm>>
    %dma_start3A_28 = arith.constant 50048 : i32
    %dma_start3A_29 = tpu.memref_slice %dma_start3A_27[%dma_start3A_28] : memref<100000xf32, #tpu.memory_space<hbm>> -> memref<49952xf32, #tpu.memory_space<hbm>>
    tpu.enqueue_dma source(%dma_start3A_29 : memref<49952xf32, #tpu.memory_space<hbm>>) target(%arg6 : memref<49952xf32, #tpu.memory_space<vmem>>) target_semaphore(%arg13 : memref<!tpu.dma_semaphore, #tpu.memory_space<semaphore_mem>>)
    %scan3A = arith.constant 0 : i32
    %scan3A_30 = arith.constant 0 : i32
    %scan3A_31 = arith.constant 13 : i32
    %scan3A_32 = arith.addi %scan3A_30, %scan3A_31 : i32
    %scan3A_33 = arith.constant 1 : i32
    %scan3A_34 = scf.for %scan3A_83 = %scan3A_30 to %scan3A_32 step %scan3A_33 iter_args(%scan3A_84 = %scan3A) -> (i32)  : i32 {
      %mul3A_85 = arith.constant 2 : i32
      %mul3A_86 = arith.muli %mul3A_85, %scan3A_83 : i32
      %add3A_87 = arith.constant 0 : i32
      %add3A_88 = arith.addi %mul3A_86, %add3A_87 : i32
      %mul3A_89 = arith.constant 32 : i32
      %mul3A_90 = arith.muli %mul3A_89, %add3A_88 : i32
      %add3A_91 = arith.addi %mul3A_90, %add3A : i32
      %dma_wait3A_92 = arith.constant 0 : i32
      %dma_wait3A_93 = tpu.memref_slice %arg2[%add3A_91, %dma_wait3A_92] : memref<832x100000xf32, #tpu.memory_space<hbm>> -> memref<1x100000xf32, #tpu.memory_space<hbm>>
      %dma_wait3A_94 = tpu.memref_squeeze %dma_wait3A_93 : memref<1x100000xf32, #tpu.memory_space<hbm>> -> memref<100000xf32, #tpu.memory_space<hbm>>
      %dma_wait3A_95 = arith.constant 0 : i32
      %dma_wait3A_96 = tpu.memref_slice %dma_wait3A_94[%dma_wait3A_95] : memref<100000xf32, #tpu.memory_space<hbm>> -> memref<50048xf32, #tpu.memory_space<hbm>>
      %dma_wait3A_97 = arith.constant 0 : i32
      %dma_wait3A_98 = tpu.memref_slice %arg2[%add3A_91, %dma_wait3A_97] : memref<832x100000xf32, #tpu.memory_space<hbm>> -> memref<1x100000xf32, #tpu.memory_space<hbm>>
      %dma_wait3A_99 = tpu.memref_squeeze %dma_wait3A_98 : memref<1x100000xf32, #tpu.memory_space<hbm>> -> memref<100000xf32, #tpu.memory_space<hbm>>
      %dma_wait3A_100 = arith.constant 0 : i32
      %dma_wait3A_101 = tpu.memref_slice %dma_wait3A_99[%dma_wait3A_100] : memref<100000xf32, #tpu.memory_space<hbm>> -> memref<50048xf32, #tpu.memory_space<hbm>>
      tpu.wait_dma2 semaphore(%arg12 : memref<!tpu.dma_semaphore, #tpu.memory_space<semaphore_mem>>) src(%dma_wait3A_101 : memref<50048xf32, #tpu.memory_space<hbm>>) dst(%arg5 : memref<50048xf32, #tpu.memory_space<vmem>>)
      %dma_wait3A_102 = arith.constant 0 : i32
      %dma_wait3A_103 = tpu.memref_slice %arg10[%dma_wait3A_102] : memref<16384xi32, #tpu.memory_space<vmem_shared>> -> memref<4096xi32, #tpu.memory_space<vmem_shared>>
      %dma_wait3A_104 = arith.constant 0 : i32
      %dma_wait3A_105 = tpu.memref_slice %arg10[%dma_wait3A_104] : memref<16384xi32, #tpu.memory_space<vmem_shared>> -> memref<4096xi32, #tpu.memory_space<vmem_shared>>
      tpu.wait_dma2 semaphore(%arg16 : memref<!tpu.dma_semaphore, #tpu.memory_space<semaphore_mem>>) src(%dma_wait3A_105 : memref<4096xi32, #tpu.memory_space<vmem_shared>>) dst(%arg7 : memref<4096xi32, #tpu.memory_space<vmem>>)
      %dma_start3A_106 = arith.constant 4096 : i32
      %dma_start3A_107 = tpu.memref_slice %arg10[%dma_start3A_106] : memref<16384xi32, #tpu.memory_space<vmem_shared>> -> memref<4096xi32, #tpu.memory_space<vmem_shared>>
      %dma_start3A_108 = arith.constant 4096 : i32
      %dma_start3A_109 = tpu.memref_slice %arg10[%dma_start3A_108] : memref<16384xi32, #tpu.memory_space<vmem_shared>> -> memref<4096xi32, #tpu.memory_space<vmem_shared>>
      tpu.enqueue_dma source(%dma_start3A_109 : memref<4096xi32, #tpu.memory_space<vmem_shared>>) target(%arg8 : memref<4096xi32, #tpu.memory_space<vmem>>) target_semaphore(%arg17 : memref<!tpu.dma_semaphore, #tpu.memory_space<semaphore_mem>>)
      %gt3A = arith.constant 0 : i32
      %gt3A_110 = arith.cmpi sgt, %add3A_88, %gt3A : i32
      %convert_element_type3A_111 = arith.extui %gt3A_110 : i1 to i32
      %cond3A_112 = arith.constant 0 : i32
      %cond3A_113 = arith.cmpi ne, %convert_element_type3A_111, %cond3A_112 : i32
      scf.if %cond3A_113 {
        %sub3A_564 = arith.constant 1 : i32
        %sub3A_565 = arith.subi %add3A_88, %sub3A_564 : i32
        %mul3A_566 = arith.constant 32 : i32
        %mul3A_567 = arith.muli %mul3A_566, %sub3A_565 : i32
        %add3A_568 = arith.addi %mul3A_567, %add3A : i32
        %dma_wait3A_569 = arith.constant 0 : i32
        %dma_wait3A_570 = tpu.memref_slice %arg9[%dma_wait3A_569] : memref<16384xf32, #tpu.memory_space<vmem>> -> memref<4096xf32, #tpu.memory_space<vmem>>
        %dma_wait3A_571 = arith.constant 0 : i32
        %dma_wait3A_572 = tpu.memref_slice %arg4[%add3A_568, %dma_wait3A_571] : memref<832x16384xf32, #tpu.memory_space<hbm>> -> memref<1x4096xf32, #tpu.memory_space<hbm>>
        %dma_wait3A_573 = tpu.memref_squeeze %dma_wait3A_572 : memref<1x4096xf32, #tpu.memory_space<hbm>> -> memref<4096xf32, #tpu.memory_space<hbm>>
        %dma_wait3A_574 = arith.constant 0 : i32
        %dma_wait3A_575 = tpu.memref_slice %arg4[%add3A_568, %dma_wait3A_574] : memref<832x16384xf32, #tpu.memory_space<hbm>> -> memref<1x4096xf32, #tpu.memory_space<hbm>>
        %dma_wait3A_576 = tpu.memref_squeeze %dma_wait3A_575 : memref<1x4096xf32, #tpu.memory_space<hbm>> -> memref<4096xf32, #tpu.memory_space<hbm>>
        %dma_wait3A_577 = arith.constant 0 : i32
        %dma_wait3A_578 = tpu.memref_slice %arg9[%dma_wait3A_577] : memref<16384xf32, #tpu.memory_space<vmem>> -> memref<4096xf32, #tpu.memory_space<vmem>>
        tpu.wait_dma2 semaphore(%arg18 : memref<!tpu.dma_semaphore, #tpu.memory_space<semaphore_mem>>) src(%dma_wait3A_578 : memref<4096xf32, #tpu.memory_space<vmem>>) dst(%dma_wait3A_576 : memref<4096xf32, #tpu.memory_space<hbm>>)
      } else {
      }
      %parallel_loop3A = arith.constant 0 : i32
      %parallel_loop3A_114 = arith.constant 256 : i32
      %parallel_loop3A_115 = arith.constant 1 : i32
      scf.for %parallel_loop3A_564 = %parallel_loop3A to %parallel_loop3A_114 step %parallel_loop3A_115  : i32 {
        %parallel_loop3A_565 = arith.constant 16 : i32
        %parallel_loop3A_566 = arith.muli %parallel_loop3A_564, %parallel_loop3A_565 : i32
        %parallel_loop3A_567 = arith.index_cast %parallel_loop3A_566 : i32 to index
        %parallel_loop3A_568 = tpu.vector_load %arg7[%parallel_loop3A_567] {strides = array<i32>} : memref<4096xi32, #tpu.memory_space<vmem>>, vector<16xi32>,
        %parallel_loop3A_569 = arith.constant 50048 : i32
        %parallel_loop3A_570 = vector.broadcast %parallel_loop3A_569 : i32 to vector<16xi32>
        %parallel_loop3A_571 = arith.cmpi slt, %parallel_loop3A_568, %parallel_loop3A_570 : vector<16xi32>
        %parallel_loop3A_572 = tpu.vector_load_idx %arg5[%parallel_loop3A_568] masked %parallel_loop3A_571 : memref<50048xf32, #tpu.memory_space<vmem>>[vector<16xi32>], vector<16xf32>, vector<16xi1>
        %parallel_loop3A_573 = arith.constant 16 : i32
        %parallel_loop3A_574 = arith.muli %parallel_loop3A_564, %parallel_loop3A_573 : i32
        %parallel_loop3A_575 = arith.constant 0 : i32
        %parallel_loop3A_576 = arith.addi %parallel_loop3A_575, %parallel_loop3A_574 : i32
        %parallel_loop3A_577 = arith.index_cast %parallel_loop3A_576 : i32 to index
        %parallel_loop3A_578 = tpu.vector_load %arg9[%parallel_loop3A_577] {strides = array<i32>} : memref<16384xf32, #tpu.memory_space<vmem>>, vector<16xf32>,
        tpu.vector_store %arg9[%parallel_loop3A_577], %parallel_loop3A_572 {strides = array<i32>} : memref<16384xf32, #tpu.memory_space<vmem>>, vector<16xf32>,
      } {sc.loop_unroll_factor = 16 : i64, sc.parallel_access}
      %dma_wait3A_116 = arith.constant 4096 : i32
      %dma_wait3A_117 = tpu.memref_slice %arg10[%dma_wait3A_116] : memref<16384xi32, #tpu.memory_space<vmem_shared>> -> memref<4096xi32, #tpu.memory_space<vmem_shared>>
      %dma_wait3A_118 = arith.constant 4096 : i32
      %dma_wait3A_119 = tpu.memref_slice %arg10[%dma_wait3A_118] : memref<16384xi32, #tpu.memory_space<vmem_shared>> -> memref<4096xi32, #tpu.memory_space<vmem_shared>>
      tpu.wait_dma2 semaphore(%arg17 : memref<!tpu.dma_semaphore, #tpu.memory_space<semaphore_mem>>) src(%dma_wait3A_119 : memref<4096xi32, #tpu.memory_space<vmem_shared>>) dst(%arg8 : memref<4096xi32, #tpu.memory_space<vmem>>)
      %dma_start3A_120 = arith.constant 8192 : i32
      %dma_start3A_121 = tpu.memref_slice %arg10[%dma_start3A_120] : memref<16384xi32, #tpu.memory_space<vmem_shared>> -> memref<4096xi32, #tpu.memory_space<vmem_shared>>
      %dma_start3A_122 = arith.constant 8192 : i32
      %dma_start3A_123 = tpu.memref_slice %arg10[%dma_start3A_122] : memref<16384xi32, #tpu.memory_space<vmem_shared>> -> memref<4096xi32, #tpu.memory_space<vmem_shared>>
      tpu.enqueue_dma source(%dma_start3A_123 : memref<4096xi32, #tpu.memory_space<vmem_shared>>) target(%arg7 : memref<4096xi32, #tpu.memory_space<vmem>>) target_semaphore(%arg16 : memref<!tpu.dma_semaphore, #tpu.memory_space<semaphore_mem>>)
      %gt3A_124 = arith.constant 0 : i32
      %gt3A_125 = arith.cmpi sgt, %add3A_88, %gt3A_124 : i32
      %convert_element_type3A_126 = arith.extui %gt3A_125 : i1 to i32
      %cond3A_127 = arith.constant 0 : i32
      %cond3A_128 = arith.cmpi ne, %convert_element_type3A_126, %cond3A_127 : i32
      scf.if %cond3A_128 {
        %sub3A_564 = arith.constant 1 : i32
        %sub3A_565 = arith.subi %add3A_88, %sub3A_564 : i32
        %mul3A_566 = arith.constant 32 : i32
        %mul3A_567 = arith.muli %mul3A_566, %sub3A_565 : i32
        %add3A_568 = arith.addi %mul3A_567, %add3A : i32
        %dma_wait3A_569 = arith.constant 4096 : i32
        %dma_wait3A_570 = tpu.memref_slice %arg9[%dma_wait3A_569] : memref<16384xf32, #tpu.memory_space<vmem>> -> memref<4096xf32, #tpu.memory_space<vmem>>
        %dma_wait3A_571 = arith.constant 4096 : i32
        %dma_wait3A_572 = tpu.memref_slice %arg4[%add3A_568, %dma_wait3A_571] : memref<832x16384xf32, #tpu.memory_space<hbm>> -> memref<1x4096xf32, #tpu.memory_space<hbm>>
        %dma_wait3A_573 = tpu.memref_squeeze %dma_wait3A_572 : memref<1x4096xf32, #tpu.memory_space<hbm>> -> memref<4096xf32, #tpu.memory_space<hbm>>
        %dma_wait3A_574 = arith.constant 4096 : i32
        %dma_wait3A_575 = tpu.memref_slice %arg4[%add3A_568, %dma_wait3A_574] : memref<832x16384xf32, #tpu.memory_space<hbm>> -> memref<1x4096xf32, #tpu.memory_space<hbm>>
        %dma_wait3A_576 = tpu.memref_squeeze %dma_wait3A_575 : memref<1x4096xf32, #tpu.memory_space<hbm>> -> memref<4096xf32, #tpu.memory_space<hbm>>
        %dma_wait3A_577 = arith.constant 4096 : i32
        %dma_wait3A_578 = tpu.memref_slice %arg9[%dma_wait3A_577] : memref<16384xf32, #tpu.memory_space<vmem>> -> memref<4096xf32, #tpu.memory_space<vmem>>
        tpu.wait_dma2 semaphore(%arg19 : memref<!tpu.dma_semaphore, #tpu.memory_space<semaphore_mem>>) src(%dma_wait3A_578 : memref<4096xf32, #tpu.memory_space<vmem>>) dst(%dma_wait3A_576 : memref<4096xf32, #tpu.memory_space<hbm>>)
      } else {
      }
      %parallel_loop3A_129 = arith.constant 0 : i32
      %parallel_loop3A_130 = arith.constant 256 : i32
      %parallel_loop3A_131 = arith.constant 1 : i32
      scf.for %parallel_loop3A_564 = %parallel_loop3A_129 to %parallel_loop3A_130 step %parallel_loop3A_131  : i32 {
        %parallel_loop3A_565 = arith.constant 16 : i32
        %parallel_loop3A_566 = arith.muli %parallel_loop3A_564, %parallel_loop3A_565 : i32
        %parallel_loop3A_567 = arith.index_cast %parallel_loop3A_566 : i32 to index
        %parallel_loop3A_568 = tpu.vector_load %arg8[%parallel_loop3A_567] {strides = array<i32>} : memref<4096xi32, #tpu.memory_space<vmem>>, vector<16xi32>,
        %parallel_loop3A_569 = arith.constant 50048 : i32
        %parallel_loop3A_570 = vector.broadcast %parallel_loop3A_569 : i32 to vector<16xi32>
        %parallel_loop3A_571 = arith.cmpi slt, %parallel_loop3A_568, %parallel_loop3A_570 : vector<16xi32>
        %parallel_loop3A_572 = tpu.vector_load_idx %arg5[%parallel_loop3A_568] masked %parallel_loop3A_571 : memref<50048xf32, #tpu.memory_space<vmem>>[vector<16xi32>], vector<16xf32>, vector<16xi1>
        %parallel_loop3A_573 = arith.constant 16 : i32
        %parallel_loop3A_574 = arith.muli %parallel_loop3A_564, %parallel_loop3A_573 : i32
        %parallel_loop3A_575 = arith.constant 4096 : i32
        %parallel_loop3A_576 = arith.addi %parallel_loop3A_575, %parallel_loop3A_574 : i32
        %parallel_loop3A_577 = arith.index_cast %parallel_loop3A_576 : i32 to index
        %parallel_loop3A_578 = tpu.vector_load %arg9[%parallel_loop3A_577] {strides = array<i32>} : memref<16384xf32, #tpu.memory_space<vmem>>, vector<16xf32>,
        tpu.vector_store %arg9[%parallel_loop3A_577], %parallel_loop3A_572 {strides = array<i32>} : memref<16384xf32, #tpu.memory_space<vmem>>, vector<16xf32>,
      } {sc.loop_unroll_factor = 16 : i64, sc.parallel_access}
      %dma_wait3A_132 = arith.constant 8192 : i32
      %dma_wait3A_133 = tpu.memref_slice %arg10[%dma_wait3A_132] : memref<16384xi32, #tpu.memory_space<vmem_shared>> -> memref<4096xi32, #tpu.memory_space<vmem_shared>>
      %dma_wait3A_134 = arith.constant 8192 : i32
      %dma_wait3A_135 = tpu.memref_slice %arg10[%dma_wait3A_134] : memref<16384xi32, #tpu.memory_space<vmem_shared>> -> memref<4096xi32, #tpu.memory_space<vmem_shared>>
      tpu.wait_dma2 semaphore(%arg16 : memref<!tpu.dma_semaphore, #tpu.memory_space<semaphore_mem>>) src(%dma_wait3A_135 : memref<4096xi32, #tpu.memory_space<vmem_shared>>) dst(%arg7 : memref<4096xi32, #tpu.memory_space<vmem>>)
      %dma_start3A_136 = arith.constant 12288 : i32
      %dma_start3A_137 = tpu.memref_slice %arg10[%dma_start3A_136] : memref<16384xi32, #tpu.memory_space<vmem_shared>> -> memref<4096xi32, #tpu.memory_space<vmem_shared>>
      %dma_start3A_138 = arith.constant 12288 : i32
      %dma_start3A_139 = tpu.memref_slice %arg10[%dma_start3A_138] : memref<16384xi32, #tpu.memory_space<vmem_shared>> -> memref<4096xi32, #tpu.memory_space<vmem_shared>>
      tpu.enqueue_dma source(%dma_start3A_139 : memref<4096xi32, #tpu.memory_space<vmem_shared>>) target(%arg8 : memref<4096xi32, #tpu.memory_space<vmem>>) target_semaphore(%arg17 : memref<!tpu.dma_semaphore, #tpu.memory_space<semaphore_mem>>)
      %gt3A_140 = arith.constant 0 : i32
      %gt3A_141 = arith.cmpi sgt, %add3A_88, %gt3A_140 : i32
      %convert_element_type3A_142 = arith.extui %gt3A_141 : i1 to i32
      %cond3A_143 = arith.constant 0 : i32
      %cond3A_144 = arith.cmpi ne, %convert_element_type3A_142, %cond3A_143 : i32
      scf.if %cond3A_144 {
        %sub3A_564 = arith.constant 1 : i32
        %sub3A_565 = arith.subi %add3A_88, %sub3A_564 : i32
        %mul3A_566 = arith.constant 32 : i32
        %mul3A_567 = arith.muli %mul3A_566, %sub3A_565 : i32
        %add3A_568 = arith.addi %mul3A_567, %add3A : i32
        %dma_wait3A_569 = arith.constant 8192 : i32
        %dma_wait3A_570 = tpu.memref_slice %arg9[%dma_wait3A_569] : memref<16384xf32, #tpu.memory_space<vmem>> -> memref<4096xf32, #tpu.memory_space<vmem>>
        %dma_wait3A_571 = arith.constant 8192 : i32
        %dma_wait3A_572 = tpu.memref_slice %arg4[%add3A_568, %dma_wait3A_571] : memref<832x16384xf32, #tpu.memory_space<hbm>> -> memref<1x4096xf32, #tpu.memory_space<hbm>>
        %dma_wait3A_573 = tpu.memref_squeeze %dma_wait3A_572 : memref<1x4096xf32, #tpu.memory_space<hbm>> -> memref<4096xf32, #tpu.memory_space<hbm>>
        %dma_wait3A_574 = arith.constant 8192 : i32
        %dma_wait3A_575 = tpu.memref_slice %arg4[%add3A_568, %dma_wait3A_574] : memref<832x16384xf32, #tpu.memory_space<hbm>> -> memref<1x4096xf32, #tpu.memory_space<hbm>>
        %dma_wait3A_576 = tpu.memref_squeeze %dma_wait3A_575 : memref<1x4096xf32, #tpu.memory_space<hbm>> -> memref<4096xf32, #tpu.memory_space<hbm>>
        %dma_wait3A_577 = arith.constant 8192 : i32
        %dma_wait3A_578 = tpu.memref_slice %arg9[%dma_wait3A_577] : memref<16384xf32, #tpu.memory_space<vmem>> -> memref<4096xf32, #tpu.memory_space<vmem>>
        tpu.wait_dma2 semaphore(%arg20 : memref<!tpu.dma_semaphore, #tpu.memory_space<semaphore_mem>>) src(%dma_wait3A_578 : memref<4096xf32, #tpu.memory_space<vmem>>) dst(%dma_wait3A_576 : memref<4096xf32, #tpu.memory_space<hbm>>)
      } else {
      }
      %parallel_loop3A_145 = arith.constant 0 : i32
      %parallel_loop3A_146 = arith.constant 256 : i32
      %parallel_loop3A_147 = arith.constant 1 : i32
      scf.for %parallel_loop3A_564 = %parallel_loop3A_145 to %parallel_loop3A_146 step %parallel_loop3A_147  : i32 {
        %parallel_loop3A_565 = arith.constant 16 : i32
        %parallel_loop3A_566 = arith.muli %parallel_loop3A_564, %parallel_loop3A_565 : i32
        %parallel_loop3A_567 = arith.index_cast %parallel_loop3A_566 : i32 to index
        %parallel_loop3A_568 = tpu.vector_load %arg7[%parallel_loop3A_567] {strides = array<i32>} : memref<4096xi32, #tpu.memory_space<vmem>>, vector<16xi32>,
        %parallel_loop3A_569 = arith.constant 50048 : i32
        %parallel_loop3A_570 = vector.broadcast %parallel_loop3A_569 : i32 to vector<16xi32>
        %parallel_loop3A_571 = arith.cmpi slt, %parallel_loop3A_568, %parallel_loop3A_570 : vector<16xi32>
        %parallel_loop3A_572 = tpu.vector_load_idx %arg5[%parallel_loop3A_568] masked %parallel_loop3A_571 : memref<50048xf32, #tpu.memory_space<vmem>>[vector<16xi32>], vector<16xf32>, vector<16xi1>
        %parallel_loop3A_573 = arith.constant 16 : i32
        %parallel_loop3A_574 = arith.muli %parallel_loop3A_564, %parallel_loop3A_573 : i32
        %parallel_loop3A_575 = arith.constant 8192 : i32
        %parallel_loop3A_576 = arith.addi %parallel_loop3A_575, %parallel_loop3A_574 : i32
        %parallel_loop3A_577 = arith.index_cast %parallel_loop3A_576 : i32 to index
        %parallel_loop3A_578 = tpu.vector_load %arg9[%parallel_loop3A_577] {strides = array<i32>} : memref<16384xf32, #tpu.memory_space<vmem>>, vector<16xf32>,
        tpu.vector_store %arg9[%parallel_loop3A_577], %parallel_loop3A_572 {strides = array<i32>} : memref<16384xf32, #tpu.memory_space<vmem>>, vector<16xf32>,
      } {sc.loop_unroll_factor = 16 : i64, sc.parallel_access}
      %dma_wait3A_148 = arith.constant 12288 : i32
      %dma_wait3A_149 = tpu.memref_slice %arg10[%dma_wait3A_148] : memref<16384xi32, #tpu.memory_space<vmem_shared>> -> memref<4096xi32, #tpu.memory_space<vmem_shared>>
      %dma_wait3A_150 = arith.constant 12288 : i32
      %dma_wait3A_151 = tpu.memref_slice %arg10[%dma_wait3A_150] : memref<16384xi32, #tpu.memory_space<vmem_shared>> -> memref<4096xi32, #tpu.memory_space<vmem_shared>>
      tpu.wait_dma2 semaphore(%arg17 : memref<!tpu.dma_semaphore, #tpu.memory_space<semaphore_mem>>) src(%dma_wait3A_151 : memref<4096xi32, #tpu.memory_space<vmem_shared>>) dst(%arg8 : memref<4096xi32, #tpu.memory_space<vmem>>)
      %dma_start3A_152 = arith.constant 0 : i32
      %dma_start3A_153 = tpu.memref_slice %arg10[%dma_start3A_152] : memref<16384xi32, #tpu.memory_space<vmem_shared>> -> memref<4096xi32, #tpu.memory_space<vmem_shared>>
      %dma_start3A_154 = arith.constant 0 : i32
      %dma_start3A_155 = tpu.memref_slice %arg10[%dma_start3A_154] : memref<16384xi32, #tpu.memory_space<vmem_shared>> -> memref<4096xi32, #tpu.memory_space<vmem_shared>>
      tpu.enqueue_dma source(%dma_start3A_155 : memref<4096xi32, #tpu.memory_space<vmem_shared>>) target(%arg7 : memref<4096xi32, #tpu.memory_space<vmem>>) target_semaphore(%arg16 : memref<!tpu.dma_semaphore, #tpu.memory_space<semaphore_mem>>)
      %gt3A_156 = arith.constant 0 : i32
      %gt3A_157 = arith.cmpi sgt, %add3A_88, %gt3A_156 : i32
      %convert_element_type3A_158 = arith.extui %gt3A_157 : i1 to i32
      %cond3A_159 = arith.constant 0 : i32
      %cond3A_160 = arith.cmpi ne, %convert_element_type3A_158, %cond3A_159 : i32
      scf.if %cond3A_160 {
        %sub3A_564 = arith.constant 1 : i32
        %sub3A_565 = arith.subi %add3A_88, %sub3A_564 : i32
        %mul3A_566 = arith.constant 32 : i32
        %mul3A_567 = arith.muli %mul3A_566, %sub3A_565 : i32
        %add3A_568 = arith.addi %mul3A_567, %add3A : i32
        %dma_wait3A_569 = arith.constant 12288 : i32
        %dma_wait3A_570 = tpu.memref_slice %arg9[%dma_wait3A_569] : memref<16384xf32, #tpu.memory_space<vmem>> -> memref<4096xf32, #tpu.memory_space<vmem>>
        %dma_wait3A_571 = arith.constant 12288 : i32
        %dma_wait3A_572 = tpu.memref_slice %arg4[%add3A_568, %dma_wait3A_571] : memref<832x16384xf32, #tpu.memory_space<hbm>> -> memref<1x4096xf32, #tpu.memory_space<hbm>>
        %dma_wait3A_573 = tpu.memref_squeeze %dma_wait3A_572 : memref<1x4096xf32, #tpu.memory_space<hbm>> -> memref<4096xf32, #tpu.memory_space<hbm>>
        %dma_wait3A_574 = arith.constant 12288 : i32
        %dma_wait3A_575 = tpu.memref_slice %arg4[%add3A_568, %dma_wait3A_574] : memref<832x16384xf32, #tpu.memory_space<hbm>> -> memref<1x4096xf32, #tpu.memory_space<hbm>>
        %dma_wait3A_576 = tpu.memref_squeeze %dma_wait3A_575 : memref<1x4096xf32, #tpu.memory_space<hbm>> -> memref<4096xf32, #tpu.memory_space<hbm>>
        %dma_wait3A_577 = arith.constant 12288 : i32
        %dma_wait3A_578 = tpu.memref_slice %arg9[%dma_wait3A_577] : memref<16384xf32, #tpu.memory_space<vmem>> -> memref<4096xf32, #tpu.memory_space<vmem>>
        tpu.wait_dma2 semaphore(%arg21 : memref<!tpu.dma_semaphore, #tpu.memory_space<semaphore_mem>>) src(%dma_wait3A_578 : memref<4096xf32, #tpu.memory_space<vmem>>) dst(%dma_wait3A_576 : memref<4096xf32, #tpu.memory_space<hbm>>)
      } else {
      }
      %parallel_loop3A_161 = arith.constant 0 : i32
      %parallel_loop3A_162 = arith.constant 256 : i32
      %parallel_loop3A_163 = arith.constant 1 : i32
      scf.for %parallel_loop3A_564 = %parallel_loop3A_161 to %parallel_loop3A_162 step %parallel_loop3A_163  : i32 {
        %parallel_loop3A_565 = arith.constant 16 : i32
        %parallel_loop3A_566 = arith.muli %parallel_loop3A_564, %parallel_loop3A_565 : i32
        %parallel_loop3A_567 = arith.index_cast %parallel_loop3A_566 : i32 to index
        %parallel_loop3A_568 = tpu.vector_load %arg8[%parallel_loop3A_567] {strides = array<i32>} : memref<4096xi32, #tpu.memory_space<vmem>>, vector<16xi32>,
        %parallel_loop3A_569 = arith.constant 50048 : i32
        %parallel_loop3A_570 = vector.broadcast %parallel_loop3A_569 : i32 to vector<16xi32>
        %parallel_loop3A_571 = arith.cmpi slt, %parallel_loop3A_568, %parallel_loop3A_570 : vector<16xi32>
        %parallel_loop3A_572 = tpu.vector_load_idx %arg5[%parallel_loop3A_568] masked %parallel_loop3A_571 : memref<50048xf32, #tpu.memory_space<vmem>>[vector<16xi32>], vector<16xf32>, vector<16xi1>
        %parallel_loop3A_573 = arith.constant 16 : i32
        %parallel_loop3A_574 = arith.muli %parallel_loop3A_564, %parallel_loop3A_573 : i32
        %parallel_loop3A_575 = arith.constant 12288 : i32
        %parallel_loop3A_576 = arith.addi %parallel_loop3A_575, %parallel_loop3A_574 : i32
        %parallel_loop3A_577 = arith.index_cast %parallel_loop3A_576 : i32 to index
        %parallel_loop3A_578 = tpu.vector_load %arg9[%parallel_loop3A_577] {strides = array<i32>} : memref<16384xf32, #tpu.memory_space<vmem>>, vector<16xf32>,
        tpu.vector_store %arg9[%parallel_loop3A_577], %parallel_loop3A_572 {strides = array<i32>} : memref<16384xf32, #tpu.memory_space<vmem>>, vector<16xf32>,
      } {sc.loop_unroll_factor = 16 : i64, sc.parallel_access}
      %add3A_164 = arith.constant 1 : i32
      %add3A_165 = arith.addi %add3A_88, %add3A_164 : i32
      %mul3A_166 = arith.constant 32 : i32
      %mul3A_167 = arith.muli %mul3A_166, %add3A_165 : i32
      %add3A_168 = arith.addi %mul3A_167, %add3A : i32
      %dma_start3A_169 = arith.constant 0 : i32
      %dma_start3A_170 = tpu.memref_slice %arg2[%add3A_168, %dma_start3A_169] : memref<832x100000xf32, #tpu.memory_space<hbm>> -> memref<1x100000xf32, #tpu.memory_space<hbm>>
      %dma_start3A_171 = tpu.memref_squeeze %dma_start3A_170 : memref<1x100000xf32, #tpu.memory_space<hbm>> -> memref<100000xf32, #tpu.memory_space<hbm>>
      %dma_start3A_172 = arith.constant 0 : i32
      %dma_start3A_173 = tpu.memref_slice %dma_start3A_171[%dma_start3A_172] : memref<100000xf32, #tpu.memory_space<hbm>> -> memref<50048xf32, #tpu.memory_space<hbm>>
      %dma_start3A_174 = arith.constant 0 : i32
      %dma_start3A_175 = tpu.memref_slice %arg2[%add3A_168, %dma_start3A_174] : memref<832x100000xf32, #tpu.memory_space<hbm>> -> memref<1x100000xf32, #tpu.memory_space<hbm>>
      %dma_start3A_176 = tpu.memref_squeeze %dma_start3A_175 : memref<1x100000xf32, #tpu.memory_space<hbm>> -> memref<100000xf32, #tpu.memory_space<hbm>>
      %dma_start3A_177 = arith.constant 0 : i32
      %dma_start3A_178 = tpu.memref_slice %dma_start3A_176[%dma_start3A_177] : memref<100000xf32, #tpu.memory_space<hbm>> -> memref<50048xf32, #tpu.memory_space<hbm>>
      tpu.enqueue_dma source(%dma_start3A_178 : memref<50048xf32, #tpu.memory_space<hbm>>) target(%arg5 : memref<50048xf32, #tpu.memory_space<vmem>>) target_semaphore(%arg12 : memref<!tpu.dma_semaphore, #tpu.memory_space<semaphore_mem>>)
      %mul3A_179 = arith.constant 32 : i32
      %mul3A_180 = arith.muli %mul3A_179, %add3A_88 : i32
      %add3A_181 = arith.addi %mul3A_180, %add3A : i32
      %dma_wait3A_182 = arith.constant 0 : i32
      %dma_wait3A_183 = tpu.memref_slice %arg2[%add3A_181, %dma_wait3A_182] : memref<832x100000xf32, #tpu.memory_space<hbm>> -> memref<1x100000xf32, #tpu.memory_space<hbm>>
      %dma_wait3A_184 = tpu.memref_squeeze %dma_wait3A_183 : memref<1x100000xf32, #tpu.memory_space<hbm>> -> memref<100000xf32, #tpu.memory_space<hbm>>
      %dma_wait3A_185 = arith.constant 50048 : i32
      %dma_wait3A_186 = tpu.memref_slice %dma_wait3A_184[%dma_wait3A_185] : memref<100000xf32, #tpu.memory_space<hbm>> -> memref<49952xf32, #tpu.memory_space<hbm>>
      %dma_wait3A_187 = arith.constant 0 : i32
      %dma_wait3A_188 = tpu.memref_slice %arg2[%add3A_181, %dma_wait3A_187] : memref<832x100000xf32, #tpu.memory_space<hbm>> -> memref<1x100000xf32, #tpu.memory_space<hbm>>
      %dma_wait3A_189 = tpu.memref_squeeze %dma_wait3A_188 : memref<1x100000xf32, #tpu.memory_space<hbm>> -> memref<100000xf32, #tpu.memory_space<hbm>>
      %dma_wait3A_190 = arith.constant 50048 : i32
      %dma_wait3A_191 = tpu.memref_slice %dma_wait3A_189[%dma_wait3A_190] : memref<100000xf32, #tpu.memory_space<hbm>> -> memref<49952xf32, #tpu.memory_space<hbm>>
      tpu.wait_dma2 semaphore(%arg13 : memref<!tpu.dma_semaphore, #tpu.memory_space<semaphore_mem>>) src(%dma_wait3A_191 : memref<49952xf32, #tpu.memory_space<hbm>>) dst(%arg6 : memref<49952xf32, #tpu.memory_space<vmem>>)
      %dma_wait3A_192 = arith.constant 0 : i32
      %dma_wait3A_193 = tpu.memref_slice %arg10[%dma_wait3A_192] : memref<16384xi32, #tpu.memory_space<vmem_shared>> -> memref<4096xi32, #tpu.memory_space<vmem_shared>>
      %dma_wait3A_194 = arith.constant 0 : i32
      %dma_wait3A_195 = tpu.memref_slice %arg10[%dma_wait3A_194] : memref<16384xi32, #tpu.memory_space<vmem_shared>> -> memref<4096xi32, #tpu.memory_space<vmem_shared>>
      tpu.wait_dma2 semaphore(%arg16 : memref<!tpu.dma_semaphore, #tpu.memory_space<semaphore_mem>>) src(%dma_wait3A_195 : memref<4096xi32, #tpu.memory_space<vmem_shared>>) dst(%arg7 : memref<4096xi32, #tpu.memory_space<vmem>>)
      %dma_start3A_196 = arith.constant 4096 : i32
      %dma_start3A_197 = tpu.memref_slice %arg10[%dma_start3A_196] : memref<16384xi32, #tpu.memory_space<vmem_shared>> -> memref<4096xi32, #tpu.memory_space<vmem_shared>>
      %dma_start3A_198 = arith.constant 4096 : i32
      %dma_start3A_199 = tpu.memref_slice %arg10[%dma_start3A_198] : memref<16384xi32, #tpu.memory_space<vmem_shared>> -> memref<4096xi32, #tpu.memory_space<vmem_shared>>
      tpu.enqueue_dma source(%dma_start3A_199 : memref<4096xi32, #tpu.memory_space<vmem_shared>>) target(%arg8 : memref<4096xi32, #tpu.memory_space<vmem>>) target_semaphore(%arg17 : memref<!tpu.dma_semaphore, #tpu.memory_space<semaphore_mem>>)
      %parallel_loop3A_200 = arith.constant 0 : i32
      %parallel_loop3A_201 = arith.constant 256 : i32
      %parallel_loop3A_202 = arith.constant 1 : i32
      scf.for %parallel_loop3A_564 = %parallel_loop3A_200 to %parallel_loop3A_201 step %parallel_loop3A_202  : i32 {
        %parallel_loop3A_565 = arith.constant 16 : i32
        %parallel_loop3A_566 = arith.muli %parallel_loop3A_564, %parallel_loop3A_565 : i32
        %parallel_loop3A_567 = arith.index_cast %parallel_loop3A_566 : i32 to index
        %parallel_loop3A_568 = tpu.vector_load %arg7[%parallel_loop3A_567] {strides = array<i32>} : memref<4096xi32, #tpu.memory_space<vmem>>, vector<16xi32>,
        %parallel_loop3A_569 = arith.constant 50048 : i32
        %parallel_loop3A_570 = vector.broadcast %parallel_loop3A_569 : i32 to vector<16xi32>
        %parallel_loop3A_571 = arith.cmpi sge, %parallel_loop3A_568, %parallel_loop3A_570 : vector<16xi32>
        %parallel_loop3A_572 = arith.constant 50048 : i32
        %parallel_loop3A_573 = vector.broadcast %parallel_loop3A_572 : i32 to vector<16xi32>
        %parallel_loop3A_574 = arith.subi %parallel_loop3A_568, %parallel_loop3A_573 : vector<16xi32>
        %parallel_loop3A_575 = tpu.vector_load_idx %arg6[%parallel_loop3A_574] masked %parallel_loop3A_571 : memref<49952xf32, #tpu.memory_space<vmem>>[vector<16xi32>], vector<16xf32>, vector<16xi1>
        %parallel_loop3A_576 = arith.constant 16 : i32
        %parallel_loop3A_577 = arith.muli %parallel_loop3A_564, %parallel_loop3A_576 : i32
        %parallel_loop3A_578 = arith.constant 0 : i32
        %parallel_loop3A_579 = arith.addi %parallel_loop3A_578, %parallel_loop3A_577 : i32
        %parallel_loop3A_580 = vector.broadcast %parallel_loop3A_579 : i32 to vector<16xi32>
        %parallel_loop3A_581 = arith.addi %parallel_loop3A_580, %iota3A : vector<16xi32>
        tpu.vector_store_idx %arg9[%parallel_loop3A_581], %parallel_loop3A_575 masked %parallel_loop3A_571 : memref<16384xf32, #tpu.memory_space<vmem>>[vector<16xi32>], vector<16xf32>, vector<16xi1>
      } {sc.loop_unroll_factor = 16 : i64, sc.parallel_access}
      %mul3A_203 = arith.constant 32 : i32
      %mul3A_204 = arith.muli %mul3A_203, %add3A_88 : i32
      %add3A_205 = arith.addi %mul3A_204, %add3A : i32
      %dma_start3A_206 = arith.constant 0 : i32
      %dma_start3A_207 = tpu.memref_slice %arg9[%dma_start3A_206] : memref<16384xf32, #tpu.memory_space<vmem>> -> memref<4096xf32, #tpu.memory_space<vmem>>
      %dma_start3A_208 = arith.constant 0 : i32
      %dma_start3A_209 = tpu.memref_slice %arg4[%add3A_205, %dma_start3A_208] : memref<832x16384xf32, #tpu.memory_space<hbm>> -> memref<1x4096xf32, #tpu.memory_space<hbm>>
      %dma_start3A_210 = tpu.memref_squeeze %dma_start3A_209 : memref<1x4096xf32, #tpu.memory_space<hbm>> -> memref<4096xf32, #tpu.memory_space<hbm>>
      %dma_start3A_211 = arith.constant 0 : i32
      %dma_start3A_212 = tpu.memref_slice %arg4[%add3A_205, %dma_start3A_211] : memref<832x16384xf32, #tpu.memory_space<hbm>> -> memref<1x4096xf32, #tpu.memory_space<hbm>>
      %dma_start3A_213 = tpu.memref_squeeze %dma_start3A_212 : memref<1x4096xf32, #tpu.memory_space<hbm>> -> memref<4096xf32, #tpu.memory_space<hbm>>
      %dma_start3A_214 = arith.constant 0 : i32
      %dma_start3A_215 = tpu.memref_slice %arg9[%dma_start3A_214] : memref<16384xf32, #tpu.memory_space<vmem>> -> memref<4096xf32, #tpu.memory_space<vmem>>
      tpu.enqueue_dma source(%dma_start3A_215 : memref<4096xf32, #tpu.memory_space<vmem>>) target(%dma_start3A_213 : memref<4096xf32, #tpu.memory_space<hbm>>) target_semaphore(%arg18 : memref<!tpu.dma_semaphore, #tpu.memory_space<semaphore_mem>>)
      %dma_wait3A_216 = arith.constant 4096 : i32
      %dma_wait3A_217 = tpu.memref_slice %arg10[%dma_wait3A_216] : memref<16384xi32, #tpu.memory_space<vmem_shared>> -> memref<4096xi32, #tpu.memory_space<vmem_shared>>
      %dma_wait3A_218 = arith.constant 4096 : i32
      %dma_wait3A_219 = tpu.memref_slice %arg10[%dma_wait3A_218] : memref<16384xi32, #tpu.memory_space<vmem_shared>> -> memref<4096xi32, #tpu.memory_space<vmem_shared>>
      tpu.wait_dma2 semaphore(%arg17 : memref<!tpu.dma_semaphore, #tpu.memory_space<semaphore_mem>>) src(%dma_wait3A_219 : memref<4096xi32, #tpu.memory_space<vmem_shared>>) dst(%arg8 : memref<4096xi32, #tpu.memory_space<vmem>>)
      %dma_start3A_220 = arith.constant 8192 : i32
      %dma_start3A_221 = tpu.memref_slice %arg10[%dma_start3A_220] : memref<16384xi32, #tpu.memory_space<vmem_shared>> -> memref<4096xi32, #tpu.memory_space<vmem_shared>>
      %dma_start3A_222 = arith.constant 8192 : i32
      %dma_start3A_223 = tpu.memref_slice %arg10[%dma_start3A_222] : memref<16384xi32, #tpu.memory_space<vmem_shared>> -> memref<4096xi32, #tpu.memory_space<vmem_shared>>
      tpu.enqueue_dma source(%dma_start3A_223 : memref<4096xi32, #tpu.memory_space<vmem_shared>>) target(%arg7 : memref<4096xi32, #tpu.memory_space<vmem>>) target_semaphore(%arg16 : memref<!tpu.dma_semaphore, #tpu.memory_space<semaphore_mem>>)
      %parallel_loop3A_224 = arith.constant 0 : i32
      %parallel_loop3A_225 = arith.constant 256 : i32
      %parallel_loop3A_226 = arith.constant 1 : i32
      scf.for %parallel_loop3A_564 = %parallel_loop3A_224 to %parallel_loop3A_225 step %parallel_loop3A_226  : i32 {
        %parallel_loop3A_565 = arith.constant 16 : i32
        %parallel_loop3A_566 = arith.muli %parallel_loop3A_564, %parallel_loop3A_565 : i32
        %parallel_loop3A_567 = arith.index_cast %parallel_loop3A_566 : i32 to index
        %parallel_loop3A_568 = tpu.vector_load %arg8[%parallel_loop3A_567] {strides = array<i32>} : memref<4096xi32, #tpu.memory_space<vmem>>, vector<16xi32>,
        %parallel_loop3A_569 = arith.constant 50048 : i32
        %parallel_loop3A_570 = vector.broadcast %parallel_loop3A_569 : i32 to vector<16xi32>
        %parallel_loop3A_571 = arith.cmpi sge, %parallel_loop3A_568, %parallel_loop3A_570 : vector<16xi32>
        %parallel_loop3A_572 = arith.constant 50048 : i32
        %parallel_loop3A_573 = vector.broadcast %parallel_loop3A_572 : i32 to vector<16xi32>
        %parallel_loop3A_574 = arith.subi %parallel_loop3A_568, %parallel_loop3A_573 : vector<16xi32>
        %parallel_loop3A_575 = tpu.vector_load_idx %arg6[%parallel_loop3A_574] masked %parallel_loop3A_571 : memref<49952xf32, #tpu.memory_space<vmem>>[vector<16xi32>], vector<16xf32>, vector<16xi1>
        %parallel_loop3A_576 = arith.constant 16 : i32
        %parallel_loop3A_577 = arith.muli %parallel_loop3A_564, %parallel_loop3A_576 : i32
        %parallel_loop3A_578 = arith.constant 4096 : i32
        %parallel_loop3A_579 = arith.addi %parallel_loop3A_578, %parallel_loop3A_577 : i32
        %parallel_loop3A_580 = vector.broadcast %parallel_loop3A_579 : i32 to vector<16xi32>
        %parallel_loop3A_581 = arith.addi %parallel_loop3A_580, %iota3A : vector<16xi32>
        tpu.vector_store_idx %arg9[%parallel_loop3A_581], %parallel_loop3A_575 masked %parallel_loop3A_571 : memref<16384xf32, #tpu.memory_space<vmem>>[vector<16xi32>], vector<16xf32>, vector<16xi1>
      } {sc.loop_unroll_factor = 16 : i64, sc.parallel_access}
      %mul3A_227 = arith.constant 32 : i32
      %mul3A_228 = arith.muli %mul3A_227, %add3A_88 : i32
      %add3A_229 = arith.addi %mul3A_228, %add3A : i32
      %dma_start3A_230 = arith.constant 4096 : i32
      %dma_start3A_231 = tpu.memref_slice %arg9[%dma_start3A_230] : memref<16384xf32, #tpu.memory_space<vmem>> -> memref<4096xf32, #tpu.memory_space<vmem>>
      %dma_start3A_232 = arith.constant 4096 : i32
      %dma_start3A_233 = tpu.memref_slice %arg4[%add3A_229, %dma_start3A_232] : memref<832x16384xf32, #tpu.memory_space<hbm>> -> memref<1x4096xf32, #tpu.memory_space<hbm>>
      %dma_start3A_234 = tpu.memref_squeeze %dma_start3A_233 : memref<1x4096xf32, #tpu.memory_space<hbm>> -> memref<4096xf32, #tpu.memory_space<hbm>>
      %dma_start3A_235 = arith.constant 4096 : i32
      %dma_start3A_236 = tpu.memref_slice %arg4[%add3A_229, %dma_start3A_235] : memref<832x16384xf32, #tpu.memory_space<hbm>> -> memref<1x4096xf32, #tpu.memory_space<hbm>>
      %dma_start3A_237 = tpu.memref_squeeze %dma_start3A_236 : memref<1x4096xf32, #tpu.memory_space<hbm>> -> memref<4096xf32, #tpu.memory_space<hbm>>
      %dma_start3A_238 = arith.constant 4096 : i32
      %dma_start3A_239 = tpu.memref_slice %arg9[%dma_start3A_238] : memref<16384xf32, #tpu.memory_space<vmem>> -> memref<4096xf32, #tpu.memory_space<vmem>>
      tpu.enqueue_dma source(%dma_start3A_239 : memref<4096xf32, #tpu.memory_space<vmem>>) target(%dma_start3A_237 : memref<4096xf32, #tpu.memory_space<hbm>>) target_semaphore(%arg19 : memref<!tpu.dma_semaphore, #tpu.memory_space<semaphore_mem>>)
      %dma_wait3A_240 = arith.constant 8192 : i32
      %dma_wait3A_241 = tpu.memref_slice %arg10[%dma_wait3A_240] : memref<16384xi32, #tpu.memory_space<vmem_shared>> -> memref<4096xi32, #tpu.memory_space<vmem_shared>>
      %dma_wait3A_242 = arith.constant 8192 : i32
      %dma_wait3A_243 = tpu.memref_slice %arg10[%dma_wait3A_242] : memref<16384xi32, #tpu.memory_space<vmem_shared>> -> memref<4096xi32, #tpu.memory_space<vmem_shared>>
      tpu.wait_dma2 semaphore(%arg16 : memref<!tpu.dma_semaphore, #tpu.memory_space<semaphore_mem>>) src(%dma_wait3A_243 : memref<4096xi32, #tpu.memory_space<vmem_shared>>) dst(%arg7 : memref<4096xi32, #tpu.memory_space<vmem>>)
      %dma_start3A_244 = arith.constant 12288 : i32
      %dma_start3A_245 = tpu.memref_slice %arg10[%dma_start3A_244] : memref<16384xi32, #tpu.memory_space<vmem_shared>> -> memref<4096xi32, #tpu.memory_space<vmem_shared>>
      %dma_start3A_246 = arith.constant 12288 : i32
      %dma_start3A_247 = tpu.memref_slice %arg10[%dma_start3A_246] : memref<16384xi32, #tpu.memory_space<vmem_shared>> -> memref<4096xi32, #tpu.memory_space<vmem_shared>>
      tpu.enqueue_dma source(%dma_start3A_247 : memref<4096xi32, #tpu.memory_space<vmem_shared>>) target(%arg8 : memref<4096xi32, #tpu.memory_space<vmem>>) target_semaphore(%arg17 : memref<!tpu.dma_semaphore, #tpu.memory_space<semaphore_mem>>)
      %parallel_loop3A_248 = arith.constant 0 : i32
      %parallel_loop3A_249 = arith.constant 256 : i32
      %parallel_loop3A_250 = arith.constant 1 : i32
      scf.for %parallel_loop3A_564 = %parallel_loop3A_248 to %parallel_loop3A_249 step %parallel_loop3A_250  : i32 {
        %parallel_loop3A_565 = arith.constant 16 : i32
        %parallel_loop3A_566 = arith.muli %parallel_loop3A_564, %parallel_loop3A_565 : i32
        %parallel_loop3A_567 = arith.index_cast %parallel_loop3A_566 : i32 to index
        %parallel_loop3A_568 = tpu.vector_load %arg7[%parallel_loop3A_567] {strides = array<i32>} : memref<4096xi32, #tpu.memory_space<vmem>>, vector<16xi32>,
        %parallel_loop3A_569 = arith.constant 50048 : i32
        %parallel_loop3A_570 = vector.broadcast %parallel_loop3A_569 : i32 to vector<16xi32>
        %parallel_loop3A_571 = arith.cmpi sge, %parallel_loop3A_568, %parallel_loop3A_570 : vector<16xi32>
        %parallel_loop3A_572 = arith.constant 50048 : i32
        %parallel_loop3A_573 = vector.broadcast %parallel_loop3A_572 : i32 to vector<16xi32>
        %parallel_loop3A_574 = arith.subi %parallel_loop3A_568, %parallel_loop3A_573 : vector<16xi32>
        %parallel_loop3A_575 = tpu.vector_load_idx %arg6[%parallel_loop3A_574] masked %parallel_loop3A_571 : memref<49952xf32, #tpu.memory_space<vmem>>[vector<16xi32>], vector<16xf32>, vector<16xi1>
        %parallel_loop3A_576 = arith.constant 16 : i32
        %parallel_loop3A_577 = arith.muli %parallel_loop3A_564, %parallel_loop3A_576 : i32
        %parallel_loop3A_578 = arith.constant 8192 : i32
        %parallel_loop3A_579 = arith.addi %parallel_loop3A_578, %parallel_loop3A_577 : i32
        %parallel_loop3A_580 = vector.broadcast %parallel_loop3A_579 : i32 to vector<16xi32>
        %parallel_loop3A_581 = arith.addi %parallel_loop3A_580, %iota3A : vector<16xi32>
        tpu.vector_store_idx %arg9[%parallel_loop3A_581], %parallel_loop3A_575 masked %parallel_loop3A_571 : memref<16384xf32, #tpu.memory_space<vmem>>[vector<16xi32>], vector<16xf32>, vector<16xi1>
      } {sc.loop_unroll_factor = 16 : i64, sc.parallel_access}
      %mul3A_251 = arith.constant 32 : i32
      %mul3A_252 = arith.muli %mul3A_251, %add3A_88 : i32
      %add3A_253 = arith.addi %mul3A_252, %add3A : i32
      %dma_start3A_254 = arith.constant 8192 : i32
      %dma_start3A_255 = tpu.memref_slice %arg9[%dma_start3A_254] : memref<16384xf32, #tpu.memory_space<vmem>> -> memref<4096xf32, #tpu.memory_space<vmem>>
      %dma_start3A_256 = arith.constant 8192 : i32
      %dma_start3A_257 = tpu.memref_slice %arg4[%add3A_253, %dma_start3A_256] : memref<832x16384xf32, #tpu.memory_space<hbm>> -> memref<1x4096xf32, #tpu.memory_space<hbm>>
      %dma_start3A_258 = tpu.memref_squeeze %dma_start3A_257 : memref<1x4096xf32, #tpu.memory_space<hbm>> -> memref<4096xf32, #tpu.memory_space<hbm>>
      %dma_start3A_259 = arith.constant 8192 : i32
      %dma_start3A_260 = tpu.memref_slice %arg4[%add3A_253, %dma_start3A_259] : memref<832x16384xf32, #tpu.memory_space<hbm>> -> memref<1x4096xf32, #tpu.memory_space<hbm>>
      %dma_start3A_261 = tpu.memref_squeeze %dma_start3A_260 : memref<1x4096xf32, #tpu.memory_space<hbm>> -> memref<4096xf32, #tpu.memory_space<hbm>>
      %dma_start3A_262 = arith.constant 8192 : i32
      %dma_start3A_263 = tpu.memref_slice %arg9[%dma_start3A_262] : memref<16384xf32, #tpu.memory_space<vmem>> -> memref<4096xf32, #tpu.memory_space<vmem>>
      tpu.enqueue_dma source(%dma_start3A_263 : memref<4096xf32, #tpu.memory_space<vmem>>) target(%dma_start3A_261 : memref<4096xf32, #tpu.memory_space<hbm>>) target_semaphore(%arg20 : memref<!tpu.dma_semaphore, #tpu.memory_space<semaphore_mem>>)
      %dma_wait3A_264 = arith.constant 12288 : i32
      %dma_wait3A_265 = tpu.memref_slice %arg10[%dma_wait3A_264] : memref<16384xi32, #tpu.memory_space<vmem_shared>> -> memref<4096xi32, #tpu.memory_space<vmem_shared>>
      %dma_wait3A_266 = arith.constant 12288 : i32
      %dma_wait3A_267 = tpu.memref_slice %arg10[%dma_wait3A_266] : memref<16384xi32, #tpu.memory_space<vmem_shared>> -> memref<4096xi32, #tpu.memory_space<vmem_shared>>
      tpu.wait_dma2 semaphore(%arg17 : memref<!tpu.dma_semaphore, #tpu.memory_space<semaphore_mem>>) src(%dma_wait3A_267 : memref<4096xi32, #tpu.memory_space<vmem_shared>>) dst(%arg8 : memref<4096xi32, #tpu.memory_space<vmem>>)
      %eq3A_268 = arith.constant 0 : i32
      %eq3A_269 = arith.cmpi eq, %arg1, %eq3A_268 : i32
      %convert_element_type3A_270 = arith.extui %eq3A_269 : i1 to i32
      %cond3A_271 = arith.constant 0 : i32
      %cond3A_272 = arith.cmpi ne, %convert_element_type3A_270, %cond3A_271 : i32
      scf.if %cond3A_272 {
        %add3A_564 = arith.constant 1 : i32
        %add3A_565 = arith.addi %add3A_88, %add3A_564 : i32
        %dma_wait3A_566 = arith.constant 0 : i32
        %dma_wait3A_567 = tpu.memref_slice %arg3[%add3A_565, %dma_wait3A_566] : memref<26x16384xi32, #tpu.memory_space<hbm>> -> memref<1x16384xi32, #tpu.memory_space<hbm>>
        %dma_wait3A_568 = tpu.memref_squeeze %dma_wait3A_567 : memref<1x16384xi32, #tpu.memory_space<hbm>> -> memref<16384xi32, #tpu.memory_space<hbm>>
        tpu.wait_dma2 semaphore(%arg15 : memref<!tpu.dma_semaphore, #tpu.memory_space<semaphore_mem>>) src(%dma_wait3A_568 : memref<16384xi32, #tpu.memory_space<hbm>>) dst(%arg11 : memref<16384xi32, #tpu.memory_space<vmem_shared>>)
      } else {
      }
      %barrier3A_273 = arith.constant 0 : index
      tpu.barrier barrier_id(%barrier3A_273)
      %eq3A_274 = arith.constant 0 : i32
      %eq3A_275 = arith.cmpi eq, %arg1, %eq3A_274 : i32
      %add3A_276 = arith.constant 1 : i32
      %add3A_277 = arith.addi %scan3A_83, %add3A_276 : i32
      %lt3A = arith.constant 13 : i32
      %lt3A_278 = arith.cmpi slt, %add3A_277, %lt3A : i32
      %and3A = arith.andi %eq3A_275, %lt3A_278 : i1
      %convert_element_type3A_279 = arith.extui %and3A : i1 to i32
      %cond3A_280 = arith.constant 0 : i32
      %cond3A_281 = arith.cmpi ne, %convert_element_type3A_279, %cond3A_280 : i32
      scf.if %cond3A_281 {
        %add3A_564 = arith.constant 2 : i32
        %add3A_565 = arith.addi %add3A_88, %add3A_564 : i32
        %dma_start3A_566 = arith.constant 0 : i32
        %dma_start3A_567 = tpu.memref_slice %arg3[%add3A_565, %dma_start3A_566] : memref<26x16384xi32, #tpu.memory_space<hbm>> -> memref<1x16384xi32, #tpu.memory_space<hbm>>
        %dma_start3A_568 = tpu.memref_squeeze %dma_start3A_567 : memref<1x16384xi32, #tpu.memory_space<hbm>> -> memref<16384xi32, #tpu.memory_space<hbm>>
        tpu.enqueue_dma source(%dma_start3A_568 : memref<16384xi32, #tpu.memory_space<hbm>>) target(%arg10 : memref<16384xi32, #tpu.memory_space<vmem_shared>>) target_semaphore(%arg14 : memref<!tpu.dma_semaphore, #tpu.memory_space<semaphore_mem>>)
      } else {
      }
      %dma_start3A_282 = arith.constant 0 : i32
      %dma_start3A_283 = tpu.memref_slice %arg11[%dma_start3A_282] : memref<16384xi32, #tpu.memory_space<vmem_shared>> -> memref<4096xi32, #tpu.memory_space<vmem_shared>>
      %dma_start3A_284 = arith.constant 0 : i32
      %dma_start3A_285 = tpu.memref_slice %arg11[%dma_start3A_284] : memref<16384xi32, #tpu.memory_space<vmem_shared>> -> memref<4096xi32, #tpu.memory_space<vmem_shared>>
      tpu.enqueue_dma source(%dma_start3A_285 : memref<4096xi32, #tpu.memory_space<vmem_shared>>) target(%arg7 : memref<4096xi32, #tpu.memory_space<vmem>>) target_semaphore(%arg16 : memref<!tpu.dma_semaphore, #tpu.memory_space<semaphore_mem>>)
      %parallel_loop3A_286 = arith.constant 0 : i32
      %parallel_loop3A_287 = arith.constant 256 : i32
      %parallel_loop3A_288 = arith.constant 1 : i32
      scf.for %parallel_loop3A_564 = %parallel_loop3A_286 to %parallel_loop3A_287 step %parallel_loop3A_288  : i32 {
        %parallel_loop3A_565 = arith.constant 16 : i32
        %parallel_loop3A_566 = arith.muli %parallel_loop3A_564, %parallel_loop3A_565 : i32
        %parallel_loop3A_567 = arith.index_cast %parallel_loop3A_566 : i32 to index
        %parallel_loop3A_568 = tpu.vector_load %arg8[%parallel_loop3A_567] {strides = array<i32>} : memref<4096xi32, #tpu.memory_space<vmem>>, vector<16xi32>,
        %parallel_loop3A_569 = arith.constant 50048 : i32
        %parallel_loop3A_570 = vector.broadcast %parallel_loop3A_569 : i32 to vector<16xi32>
        %parallel_loop3A_571 = arith.cmpi sge, %parallel_loop3A_568, %parallel_loop3A_570 : vector<16xi32>
        %parallel_loop3A_572 = arith.constant 50048 : i32
        %parallel_loop3A_573 = vector.broadcast %parallel_loop3A_572 : i32 to vector<16xi32>
        %parallel_loop3A_574 = arith.subi %parallel_loop3A_568, %parallel_loop3A_573 : vector<16xi32>
        %parallel_loop3A_575 = tpu.vector_load_idx %arg6[%parallel_loop3A_574] masked %parallel_loop3A_571 : memref<49952xf32, #tpu.memory_space<vmem>>[vector<16xi32>], vector<16xf32>, vector<16xi1>
        %parallel_loop3A_576 = arith.constant 16 : i32
        %parallel_loop3A_577 = arith.muli %parallel_loop3A_564, %parallel_loop3A_576 : i32
        %parallel_loop3A_578 = arith.constant 12288 : i32
        %parallel_loop3A_579 = arith.addi %parallel_loop3A_578, %parallel_loop3A_577 : i32
        %parallel_loop3A_580 = vector.broadcast %parallel_loop3A_579 : i32 to vector<16xi32>
        %parallel_loop3A_581 = arith.addi %parallel_loop3A_580, %iota3A : vector<16xi32>
        tpu.vector_store_idx %arg9[%parallel_loop3A_581], %parallel_loop3A_575 masked %parallel_loop3A_571 : memref<16384xf32, #tpu.memory_space<vmem>>[vector<16xi32>], vector<16xf32>, vector<16xi1>
      } {sc.loop_unroll_factor = 16 : i64, sc.parallel_access}
      %mul3A_289 = arith.constant 32 : i32
      %mul3A_290 = arith.muli %mul3A_289, %add3A_88 : i32
      %add3A_291 = arith.addi %mul3A_290, %add3A : i32
      %dma_start3A_292 = arith.constant 12288 : i32
      %dma_start3A_293 = tpu.memref_slice %arg9[%dma_start3A_292] : memref<16384xf32, #tpu.memory_space<vmem>> -> memref<4096xf32, #tpu.memory_space<vmem>>
      %dma_start3A_294 = arith.constant 12288 : i32
      %dma_start3A_295 = tpu.memref_slice %arg4[%add3A_291, %dma_start3A_294] : memref<832x16384xf32, #tpu.memory_space<hbm>> -> memref<1x4096xf32, #tpu.memory_space<hbm>>
      %dma_start3A_296 = tpu.memref_squeeze %dma_start3A_295 : memref<1x4096xf32, #tpu.memory_space<hbm>> -> memref<4096xf32, #tpu.memory_space<hbm>>
      %dma_start3A_297 = arith.constant 12288 : i32
      %dma_start3A_298 = tpu.memref_slice %arg4[%add3A_291, %dma_start3A_297] : memref<832x16384xf32, #tpu.memory_space<hbm>> -> memref<1x4096xf32, #tpu.memory_space<hbm>>
      %dma_start3A_299 = tpu.memref_squeeze %dma_start3A_298 : memref<1x4096xf32, #tpu.memory_space<hbm>> -> memref<4096xf32, #tpu.memory_space<hbm>>
      %dma_start3A_300 = arith.constant 12288 : i32
      %dma_start3A_301 = tpu.memref_slice %arg9[%dma_start3A_300] : memref<16384xf32, #tpu.memory_space<vmem>> -> memref<4096xf32, #tpu.memory_space<vmem>>
      tpu.enqueue_dma source(%dma_start3A_301 : memref<4096xf32, #tpu.memory_space<vmem>>) target(%dma_start3A_299 : memref<4096xf32, #tpu.memory_space<hbm>>) target_semaphore(%arg21 : memref<!tpu.dma_semaphore, #tpu.memory_space<semaphore_mem>>)
      %add3A_302 = arith.constant 1 : i32
      %add3A_303 = arith.addi %add3A_88, %add3A_302 : i32
      %mul3A_304 = arith.constant 32 : i32
      %mul3A_305 = arith.muli %mul3A_304, %add3A_303 : i32
      %add3A_306 = arith.addi %mul3A_305, %add3A : i32
      %dma_start3A_307 = arith.constant 0 : i32
      %dma_start3A_308 = tpu.memref_slice %arg2[%add3A_306, %dma_start3A_307] : memref<832x100000xf32, #tpu.memory_space<hbm>> -> memref<1x100000xf32, #tpu.memory_space<hbm>>
      %dma_start3A_309 = tpu.memref_squeeze %dma_start3A_308 : memref<1x100000xf32, #tpu.memory_space<hbm>> -> memref<100000xf32, #tpu.memory_space<hbm>>
      %dma_start3A_310 = arith.constant 50048 : i32
      %dma_start3A_311 = tpu.memref_slice %dma_start3A_309[%dma_start3A_310] : memref<100000xf32, #tpu.memory_space<hbm>> -> memref<49952xf32, #tpu.memory_space<hbm>>
      %dma_start3A_312 = arith.constant 0 : i32
      %dma_start3A_313 = tpu.memref_slice %arg2[%add3A_306, %dma_start3A_312] : memref<832x100000xf32, #tpu.memory_space<hbm>> -> memref<1x100000xf32, #tpu.memory_space<hbm>>
      %dma_start3A_314 = tpu.memref_squeeze %dma_start3A_313 : memref<1x100000xf32, #tpu.memory_space<hbm>> -> memref<100000xf32, #tpu.memory_space<hbm>>
      %dma_start3A_315 = arith.constant 50048 : i32
      %dma_start3A_316 = tpu.memref_slice %dma_start3A_314[%dma_start3A_315] : memref<100000xf32, #tpu.memory_space<hbm>> -> memref<49952xf32, #tpu.memory_space<hbm>>
      tpu.enqueue_dma source(%dma_start3A_316 : memref<49952xf32, #tpu.memory_space<hbm>>) target(%arg6 : memref<49952xf32, #tpu.memory_space<vmem>>) target_semaphore(%arg13 : memref<!tpu.dma_semaphore, #tpu.memory_space<semaphore_mem>>)
      %mul3A_317 = arith.constant 2 : i32
      %mul3A_318 = arith.muli %mul3A_317, %scan3A_83 : i32
      %add3A_319 = arith.constant 1 : i32
      %add3A_320 = arith.addi %mul3A_318, %add3A_319 : i32
      %mul3A_321 = arith.constant 32 : i32
      %mul3A_322 = arith.muli %mul3A_321, %add3A_320 : i32
      %add3A_323 = arith.addi %mul3A_322, %add3A : i32
      %dma_wait3A_324 = arith.constant 0 : i32
      %dma_wait3A_325 = tpu.memref_slice %arg2[%add3A_323, %dma_wait3A_324] : memref<832x100000xf32, #tpu.memory_space<hbm>> -> memref<1x100000xf32, #tpu.memory_space<hbm>>
      %dma_wait3A_326 = tpu.memref_squeeze %dma_wait3A_325 : memref<1x100000xf32, #tpu.memory_space<hbm>> -> memref<100000xf32, #tpu.memory_space<hbm>>
      %dma_wait3A_327 = arith.constant 0 : i32
      %dma_wait3A_328 = tpu.memref_slice %dma_wait3A_326[%dma_wait3A_327] : memref<100000xf32, #tpu.memory_space<hbm>> -> memref<50048xf32, #tpu.memory_space<hbm>>
      %dma_wait3A_329 = arith.constant 0 : i32
      %dma_wait3A_330 = tpu.memref_slice %arg2[%add3A_323, %dma_wait3A_329] : memref<832x100000xf32, #tpu.memory_space<hbm>> -> memref<1x100000xf32, #tpu.memory_space<hbm>>
      %dma_wait3A_331 = tpu.memref_squeeze %dma_wait3A_330 : memref<1x100000xf32, #tpu.memory_space<hbm>> -> memref<100000xf32, #tpu.memory_space<hbm>>
      %dma_wait3A_332 = arith.constant 0 : i32
      %dma_wait3A_333 = tpu.memref_slice %dma_wait3A_331[%dma_wait3A_332] : memref<100000xf32, #tpu.memory_space<hbm>> -> memref<50048xf32, #tpu.memory_space<hbm>>
      tpu.wait_dma2 semaphore(%arg12 : memref<!tpu.dma_semaphore, #tpu.memory_space<semaphore_mem>>) src(%dma_wait3A_333 : memref<50048xf32, #tpu.memory_space<hbm>>) dst(%arg5 : memref<50048xf32, #tpu.memory_space<vmem>>)
      %dma_wait3A_334 = arith.constant 0 : i32
      %dma_wait3A_335 = tpu.memref_slice %arg11[%dma_wait3A_334] : memref<16384xi32, #tpu.memory_space<vmem_shared>> -> memref<4096xi32, #tpu.memory_space<vmem_shared>>
      %dma_wait3A_336 = arith.constant 0 : i32
      %dma_wait3A_337 = tpu.memref_slice %arg11[%dma_wait3A_336] : memref<16384xi32, #tpu.memory_space<vmem_shared>> -> memref<4096xi32, #tpu.memory_space<vmem_shared>>
      tpu.wait_dma2 semaphore(%arg16 : memref<!tpu.dma_semaphore, #tpu.memory_space<semaphore_mem>>) src(%dma_wait3A_337 : memref<4096xi32, #tpu.memory_space<vmem_shared>>) dst(%arg7 : memref<4096xi32, #tpu.memory_space<vmem>>)
      %dma_start3A_338 = arith.constant 4096 : i32
      %dma_start3A_339 = tpu.memref_slice %arg11[%dma_start3A_338] : memref<16384xi32, #tpu.memory_space<vmem_shared>> -> memref<4096xi32, #tpu.memory_space<vmem_shared>>
      %dma_start3A_340 = arith.constant 4096 : i32
      %dma_start3A_341 = tpu.memref_slice %arg11[%dma_start3A_340] : memref<16384xi32, #tpu.memory_space<vmem_shared>> -> memref<4096xi32, #tpu.memory_space<vmem_shared>>
      tpu.enqueue_dma source(%dma_start3A_341 : memref<4096xi32, #tpu.memory_space<vmem_shared>>) target(%arg8 : memref<4096xi32, #tpu.memory_space<vmem>>) target_semaphore(%arg17 : memref<!tpu.dma_semaphore, #tpu.memory_space<semaphore_mem>>)
      %sub3A = arith.constant 1 : i32
      %sub3A_342 = arith.subi %add3A_320, %sub3A : i32
      %mul3A_343 = arith.constant 32 : i32
      %mul3A_344 = arith.muli %mul3A_343, %sub3A_342 : i32
      %add3A_345 = arith.addi %mul3A_344, %add3A : i32
      %dma_wait3A_346 = arith.constant 0 : i32
      %dma_wait3A_347 = tpu.memref_slice %arg9[%dma_wait3A_346] : memref<16384xf32, #tpu.memory_space<vmem>> -> memref<4096xf32, #tpu.memory_space<vmem>>
      %dma_wait3A_348 = arith.constant 0 : i32
      %dma_wait3A_349 = tpu.memref_slice %arg4[%add3A_345, %dma_wait3A_348] : memref<832x16384xf32, #tpu.memory_space<hbm>> -> memref<1x4096xf32, #tpu.memory_space<hbm>>
      %dma_wait3A_350 = tpu.memref_squeeze %dma_wait3A_349 : memref<1x4096xf32, #tpu.memory_space<hbm>> -> memref<4096xf32, #tpu.memory_space<hbm>>
      %dma_wait3A_351 = arith.constant 0 : i32
      %dma_wait3A_352 = tpu.memref_slice %arg4[%add3A_345, %dma_wait3A_351] : memref<832x16384xf32, #tpu.memory_space<hbm>> -> memref<1x4096xf32, #tpu.memory_space<hbm>>
      %dma_wait3A_353 = tpu.memref_squeeze %dma_wait3A_352 : memref<1x4096xf32, #tpu.memory_space<hbm>> -> memref<4096xf32, #tpu.memory_space<hbm>>
      %dma_wait3A_354 = arith.constant 0 : i32
      %dma_wait3A_355 = tpu.memref_slice %arg9[%dma_wait3A_354] : memref<16384xf32, #tpu.memory_space<vmem>> -> memref<4096xf32, #tpu.memory_space<vmem>>
      tpu.wait_dma2 semaphore(%arg18 : memref<!tpu.dma_semaphore, #tpu.memory_space<semaphore_mem>>) src(%dma_wait3A_355 : memref<4096xf32, #tpu.memory_space<vmem>>) dst(%dma_wait3A_353 : memref<4096xf32, #tpu.memory_space<hbm>>)
      %parallel_loop3A_356 = arith.constant 0 : i32
      %parallel_loop3A_357 = arith.constant 256 : i32
      %parallel_loop3A_358 = arith.constant 1 : i32
      scf.for %parallel_loop3A_564 = %parallel_loop3A_356 to %parallel_loop3A_357 step %parallel_loop3A_358  : i32 {
        %parallel_loop3A_565 = arith.constant 16 : i32
        %parallel_loop3A_566 = arith.muli %parallel_loop3A_564, %parallel_loop3A_565 : i32
        %parallel_loop3A_567 = arith.index_cast %parallel_loop3A_566 : i32 to index
        %parallel_loop3A_568 = tpu.vector_load %arg7[%parallel_loop3A_567] {strides = array<i32>} : memref<4096xi32, #tpu.memory_space<vmem>>, vector<16xi32>,
        %parallel_loop3A_569 = arith.constant 50048 : i32
        %parallel_loop3A_570 = vector.broadcast %parallel_loop3A_569 : i32 to vector<16xi32>
        %parallel_loop3A_571 = arith.cmpi slt, %parallel_loop3A_568, %parallel_loop3A_570 : vector<16xi32>
        %parallel_loop3A_572 = tpu.vector_load_idx %arg5[%parallel_loop3A_568] masked %parallel_loop3A_571 : memref<50048xf32, #tpu.memory_space<vmem>>[vector<16xi32>], vector<16xf32>, vector<16xi1>
        %parallel_loop3A_573 = arith.constant 16 : i32
        %parallel_loop3A_574 = arith.muli %parallel_loop3A_564, %parallel_loop3A_573 : i32
        %parallel_loop3A_575 = arith.constant 0 : i32
        %parallel_loop3A_576 = arith.addi %parallel_loop3A_575, %parallel_loop3A_574 : i32
        %parallel_loop3A_577 = arith.index_cast %parallel_loop3A_576 : i32 to index
        %parallel_loop3A_578 = tpu.vector_load %arg9[%parallel_loop3A_577] {strides = array<i32>} : memref<16384xf32, #tpu.memory_space<vmem>>, vector<16xf32>,
        tpu.vector_store %arg9[%parallel_loop3A_577], %parallel_loop3A_572 {strides = array<i32>} : memref<16384xf32, #tpu.memory_space<vmem>>, vector<16xf32>,
      } {sc.loop_unroll_factor = 16 : i64, sc.parallel_access}
      %dma_wait3A_359 = arith.constant 4096 : i32
      %dma_wait3A_360 = tpu.memref_slice %arg11[%dma_wait3A_359] : memref<16384xi32, #tpu.memory_space<vmem_shared>> -> memref<4096xi32, #tpu.memory_space<vmem_shared>>
      %dma_wait3A_361 = arith.constant 4096 : i32
      %dma_wait3A_362 = tpu.memref_slice %arg11[%dma_wait3A_361] : memref<16384xi32, #tpu.memory_space<vmem_shared>> -> memref<4096xi32, #tpu.memory_space<vmem_shared>>
      tpu.wait_dma2 semaphore(%arg17 : memref<!tpu.dma_semaphore, #tpu.memory_space<semaphore_mem>>) src(%dma_wait3A_362 : memref<4096xi32, #tpu.memory_space<vmem_shared>>) dst(%arg8 : memref<4096xi32, #tpu.memory_space<vmem>>)
      %dma_start3A_363 = arith.constant 8192 : i32
      %dma_start3A_364 = tpu.memref_slice %arg11[%dma_start3A_363] : memref<16384xi32, #tpu.memory_space<vmem_shared>> -> memref<4096xi32, #tpu.memory_space<vmem_shared>>
      %dma_start3A_365 = arith.constant 8192 : i32
      %dma_start3A_366 = tpu.memref_slice %arg11[%dma_start3A_365] : memref<16384xi32, #tpu.memory_space<vmem_shared>> -> memref<4096xi32, #tpu.memory_space<vmem_shared>>
      tpu.enqueue_dma source(%dma_start3A_366 : memref<4096xi32, #tpu.memory_space<vmem_shared>>) target(%arg7 : memref<4096xi32, #tpu.memory_space<vmem>>) target_semaphore(%arg16 : memref<!tpu.dma_semaphore, #tpu.memory_space<semaphore_mem>>)
      %sub3A_367 = arith.constant 1 : i32
      %sub3A_368 = arith.subi %add3A_320, %sub3A_367 : i32
      %mul3A_369 = arith.constant 32 : i32
      %mul3A_370 = arith.muli %mul3A_369, %sub3A_368 : i32
      %add3A_371 = arith.addi %mul3A_370, %add3A : i32
      %dma_wait3A_372 = arith.constant 4096 : i32
      %dma_wait3A_373 = tpu.memref_slice %arg9[%dma_wait3A_372] : memref<16384xf32, #tpu.memory_space<vmem>> -> memref<4096xf32, #tpu.memory_space<vmem>>
      %dma_wait3A_374 = arith.constant 4096 : i32
      %dma_wait3A_375 = tpu.memref_slice %arg4[%add3A_371, %dma_wait3A_374] : memref<832x16384xf32, #tpu.memory_space<hbm>> -> memref<1x4096xf32, #tpu.memory_space<hbm>>
      %dma_wait3A_376 = tpu.memref_squeeze %dma_wait3A_375 : memref<1x4096xf32, #tpu.memory_space<hbm>> -> memref<4096xf32, #tpu.memory_space<hbm>>
      %dma_wait3A_377 = arith.constant 4096 : i32
      %dma_wait3A_378 = tpu.memref_slice %arg4[%add3A_371, %dma_wait3A_377] : memref<832x16384xf32, #tpu.memory_space<hbm>> -> memref<1x4096xf32, #tpu.memory_space<hbm>>
      %dma_wait3A_379 = tpu.memref_squeeze %dma_wait3A_378 : memref<1x4096xf32, #tpu.memory_space<hbm>> -> memref<4096xf32, #tpu.memory_space<hbm>>
      %dma_wait3A_380 = arith.constant 4096 : i32
      %dma_wait3A_381 = tpu.memref_slice %arg9[%dma_wait3A_380] : memref<16384xf32, #tpu.memory_space<vmem>> -> memref<4096xf32, #tpu.memory_space<vmem>>
      tpu.wait_dma2 semaphore(%arg19 : memref<!tpu.dma_semaphore, #tpu.memory_space<semaphore_mem>>) src(%dma_wait3A_381 : memref<4096xf32, #tpu.memory_space<vmem>>) dst(%dma_wait3A_379 : memref<4096xf32, #tpu.memory_space<hbm>>)
      %parallel_loop3A_382 = arith.constant 0 : i32
      %parallel_loop3A_383 = arith.constant 256 : i32
      %parallel_loop3A_384 = arith.constant 1 : i32
      scf.for %parallel_loop3A_564 = %parallel_loop3A_382 to %parallel_loop3A_383 step %parallel_loop3A_384  : i32 {
        %parallel_loop3A_565 = arith.constant 16 : i32
        %parallel_loop3A_566 = arith.muli %parallel_loop3A_564, %parallel_loop3A_565 : i32
        %parallel_loop3A_567 = arith.index_cast %parallel_loop3A_566 : i32 to index
        %parallel_loop3A_568 = tpu.vector_load %arg8[%parallel_loop3A_567] {strides = array<i32>} : memref<4096xi32, #tpu.memory_space<vmem>>, vector<16xi32>,
        %parallel_loop3A_569 = arith.constant 50048 : i32
        %parallel_loop3A_570 = vector.broadcast %parallel_loop3A_569 : i32 to vector<16xi32>
        %parallel_loop3A_571 = arith.cmpi slt, %parallel_loop3A_568, %parallel_loop3A_570 : vector<16xi32>
        %parallel_loop3A_572 = tpu.vector_load_idx %arg5[%parallel_loop3A_568] masked %parallel_loop3A_571 : memref<50048xf32, #tpu.memory_space<vmem>>[vector<16xi32>], vector<16xf32>, vector<16xi1>
        %parallel_loop3A_573 = arith.constant 16 : i32
        %parallel_loop3A_574 = arith.muli %parallel_loop3A_564, %parallel_loop3A_573 : i32
        %parallel_loop3A_575 = arith.constant 4096 : i32
        %parallel_loop3A_576 = arith.addi %parallel_loop3A_575, %parallel_loop3A_574 : i32
        %parallel_loop3A_577 = arith.index_cast %parallel_loop3A_576 : i32 to index
        %parallel_loop3A_578 = tpu.vector_load %arg9[%parallel_loop3A_577] {strides = array<i32>} : memref<16384xf32, #tpu.memory_space<vmem>>, vector<16xf32>,
        tpu.vector_store %arg9[%parallel_loop3A_577], %parallel_loop3A_572 {strides = array<i32>} : memref<16384xf32, #tpu.memory_space<vmem>>, vector<16xf32>,
      } {sc.loop_unroll_factor = 16 : i64, sc.parallel_access}
      %dma_wait3A_385 = arith.constant 8192 : i32
      %dma_wait3A_386 = tpu.memref_slice %arg11[%dma_wait3A_385] : memref<16384xi32, #tpu.memory_space<vmem_shared>> -> memref<4096xi32, #tpu.memory_space<vmem_shared>>
      %dma_wait3A_387 = arith.constant 8192 : i32
      %dma_wait3A_388 = tpu.memref_slice %arg11[%dma_wait3A_387] : memref<16384xi32, #tpu.memory_space<vmem_shared>> -> memref<4096xi32, #tpu.memory_space<vmem_shared>>
      tpu.wait_dma2 semaphore(%arg16 : memref<!tpu.dma_semaphore, #tpu.memory_space<semaphore_mem>>) src(%dma_wait3A_388 : memref<4096xi32, #tpu.memory_space<vmem_shared>>) dst(%arg7 : memref<4096xi32, #tpu.memory_space<vmem>>)
      %dma_start3A_389 = arith.constant 12288 : i32
      %dma_start3A_390 = tpu.memref_slice %arg11[%dma_start3A_389] : memref<16384xi32, #tpu.memory_space<vmem_shared>> -> memref<4096xi32, #tpu.memory_space<vmem_shared>>
      %dma_start3A_391 = arith.constant 12288 : i32
      %dma_start3A_392 = tpu.memref_slice %arg11[%dma_start3A_391] : memref<16384xi32, #tpu.memory_space<vmem_shared>> -> memref<4096xi32, #tpu.memory_space<vmem_shared>>
      tpu.enqueue_dma source(%dma_start3A_392 : memref<4096xi32, #tpu.memory_space<vmem_shared>>) target(%arg8 : memref<4096xi32, #tpu.memory_space<vmem>>) target_semaphore(%arg17 : memref<!tpu.dma_semaphore, #tpu.memory_space<semaphore_mem>>)
      %sub3A_393 = arith.constant 1 : i32
      %sub3A_394 = arith.subi %add3A_320, %sub3A_393 : i32
      %mul3A_395 = arith.constant 32 : i32
      %mul3A_396 = arith.muli %mul3A_395, %sub3A_394 : i32
      %add3A_397 = arith.addi %mul3A_396, %add3A : i32
      %dma_wait3A_398 = arith.constant 8192 : i32
      %dma_wait3A_399 = tpu.memref_slice %arg9[%dma_wait3A_398] : memref<16384xf32, #tpu.memory_space<vmem>> -> memref<4096xf32, #tpu.memory_space<vmem>>
      %dma_wait3A_400 = arith.constant 8192 : i32
      %dma_wait3A_401 = tpu.memref_slice %arg4[%add3A_397, %dma_wait3A_400] : memref<832x16384xf32, #tpu.memory_space<hbm>> -> memref<1x4096xf32, #tpu.memory_space<hbm>>
      %dma_wait3A_402 = tpu.memref_squeeze %dma_wait3A_401 : memref<1x4096xf32, #tpu.memory_space<hbm>> -> memref<4096xf32, #tpu.memory_space<hbm>>
      %dma_wait3A_403 = arith.constant 8192 : i32
      %dma_wait3A_404 = tpu.memref_slice %arg4[%add3A_397, %dma_wait3A_403] : memref<832x16384xf32, #tpu.memory_space<hbm>> -> memref<1x4096xf32, #tpu.memory_space<hbm>>
      %dma_wait3A_405 = tpu.memref_squeeze %dma_wait3A_404 : memref<1x4096xf32, #tpu.memory_space<hbm>> -> memref<4096xf32, #tpu.memory_space<hbm>>
      %dma_wait3A_406 = arith.constant 8192 : i32
      %dma_wait3A_407 = tpu.memref_slice %arg9[%dma_wait3A_406] : memref<16384xf32, #tpu.memory_space<vmem>> -> memref<4096xf32, #tpu.memory_space<vmem>>
      tpu.wait_dma2 semaphore(%arg20 : memref<!tpu.dma_semaphore, #tpu.memory_space<semaphore_mem>>) src(%dma_wait3A_407 : memref<4096xf32, #tpu.memory_space<vmem>>) dst(%dma_wait3A_405 : memref<4096xf32, #tpu.memory_space<hbm>>)
      %parallel_loop3A_408 = arith.constant 0 : i32
      %parallel_loop3A_409 = arith.constant 256 : i32
      %parallel_loop3A_410 = arith.constant 1 : i32
      scf.for %parallel_loop3A_564 = %parallel_loop3A_408 to %parallel_loop3A_409 step %parallel_loop3A_410  : i32 {
        %parallel_loop3A_565 = arith.constant 16 : i32
        %parallel_loop3A_566 = arith.muli %parallel_loop3A_564, %parallel_loop3A_565 : i32
        %parallel_loop3A_567 = arith.index_cast %parallel_loop3A_566 : i32 to index
        %parallel_loop3A_568 = tpu.vector_load %arg7[%parallel_loop3A_567] {strides = array<i32>} : memref<4096xi32, #tpu.memory_space<vmem>>, vector<16xi32>,
        %parallel_loop3A_569 = arith.constant 50048 : i32
        %parallel_loop3A_570 = vector.broadcast %parallel_loop3A_569 : i32 to vector<16xi32>
        %parallel_loop3A_571 = arith.cmpi slt, %parallel_loop3A_568, %parallel_loop3A_570 : vector<16xi32>
        %parallel_loop3A_572 = tpu.vector_load_idx %arg5[%parallel_loop3A_568] masked %parallel_loop3A_571 : memref<50048xf32, #tpu.memory_space<vmem>>[vector<16xi32>], vector<16xf32>, vector<16xi1>
        %parallel_loop3A_573 = arith.constant 16 : i32
        %parallel_loop3A_574 = arith.muli %parallel_loop3A_564, %parallel_loop3A_573 : i32
        %parallel_loop3A_575 = arith.constant 8192 : i32
        %parallel_loop3A_576 = arith.addi %parallel_loop3A_575, %parallel_loop3A_574 : i32
        %parallel_loop3A_577 = arith.index_cast %parallel_loop3A_576 : i32 to index
        %parallel_loop3A_578 = tpu.vector_load %arg9[%parallel_loop3A_577] {strides = array<i32>} : memref<16384xf32, #tpu.memory_space<vmem>>, vector<16xf32>,
        tpu.vector_store %arg9[%parallel_loop3A_577], %parallel_loop3A_572 {strides = array<i32>} : memref<16384xf32, #tpu.memory_space<vmem>>, vector<16xf32>,
      } {sc.loop_unroll_factor = 16 : i64, sc.parallel_access}
      %dma_wait3A_411 = arith.constant 12288 : i32
      %dma_wait3A_412 = tpu.memref_slice %arg11[%dma_wait3A_411] : memref<16384xi32, #tpu.memory_space<vmem_shared>> -> memref<4096xi32, #tpu.memory_space<vmem_shared>>
      %dma_wait3A_413 = arith.constant 12288 : i32
      %dma_wait3A_414 = tpu.memref_slice %arg11[%dma_wait3A_413] : memref<16384xi32, #tpu.memory_space<vmem_shared>> -> memref<4096xi32, #tpu.memory_space<vmem_shared>>
      tpu.wait_dma2 semaphore(%arg17 : memref<!tpu.dma_semaphore, #tpu.memory_space<semaphore_mem>>) src(%dma_wait3A_414 : memref<4096xi32, #tpu.memory_space<vmem_shared>>) dst(%arg8 : memref<4096xi32, #tpu.memory_space<vmem>>)
      %dma_start3A_415 = arith.constant 0 : i32
      %dma_start3A_416 = tpu.memref_slice %arg11[%dma_start3A_415] : memref<16384xi32, #tpu.memory_space<vmem_shared>> -> memref<4096xi32, #tpu.memory_space<vmem_shared>>
      %dma_start3A_417 = arith.constant 0 : i32
      %dma_start3A_418 = tpu.memref_slice %arg11[%dma_start3A_417] : memref<16384xi32, #tpu.memory_space<vmem_shared>> -> memref<4096xi32, #tpu.memory_space<vmem_shared>>
      tpu.enqueue_dma source(%dma_start3A_418 : memref<4096xi32, #tpu.memory_space<vmem_shared>>) target(%arg7 : memref<4096xi32, #tpu.memory_space<vmem>>) target_semaphore(%arg16 : memref<!tpu.dma_semaphore, #tpu.memory_space<semaphore_mem>>)
      %sub3A_419 = arith.constant 1 : i32
      %sub3A_420 = arith.subi %add3A_320, %sub3A_419 : i32
      %mul3A_421 = arith.constant 32 : i32
      %mul3A_422 = arith.muli %mul3A_421, %sub3A_420 : i32
      %add3A_423 = arith.addi %mul3A_422, %add3A : i32
      %dma_wait3A_424 = arith.constant 12288 : i32
      %dma_wait3A_425 = tpu.memref_slice %arg9[%dma_wait3A_424] : memref<16384xf32, #tpu.memory_space<vmem>> -> memref<4096xf32, #tpu.memory_space<vmem>>
      %dma_wait3A_426 = arith.constant 12288 : i32
      %dma_wait3A_427 = tpu.memref_slice %arg4[%add3A_423, %dma_wait3A_426] : memref<832x16384xf32, #tpu.memory_space<hbm>> -> memref<1x4096xf32, #tpu.memory_space<hbm>>
      %dma_wait3A_428 = tpu.memref_squeeze %dma_wait3A_427 : memref<1x4096xf32, #tpu.memory_space<hbm>> -> memref<4096xf32, #tpu.memory_space<hbm>>
      %dma_wait3A_429 = arith.constant 12288 : i32
      %dma_wait3A_430 = tpu.memref_slice %arg4[%add3A_423, %dma_wait3A_429] : memref<832x16384xf32, #tpu.memory_space<hbm>> -> memref<1x4096xf32, #tpu.memory_space<hbm>>
      %dma_wait3A_431 = tpu.memref_squeeze %dma_wait3A_430 : memref<1x4096xf32, #tpu.memory_space<hbm>> -> memref<4096xf32, #tpu.memory_space<hbm>>
      %dma_wait3A_432 = arith.constant 12288 : i32
      %dma_wait3A_433 = tpu.memref_slice %arg9[%dma_wait3A_432] : memref<16384xf32, #tpu.memory_space<vmem>> -> memref<4096xf32, #tpu.memory_space<vmem>>
      tpu.wait_dma2 semaphore(%arg21 : memref<!tpu.dma_semaphore, #tpu.memory_space<semaphore_mem>>) src(%dma_wait3A_433 : memref<4096xf32, #tpu.memory_space<vmem>>) dst(%dma_wait3A_431 : memref<4096xf32, #tpu.memory_space<hbm>>)
      %parallel_loop3A_434 = arith.constant 0 : i32
      %parallel_loop3A_435 = arith.constant 256 : i32
      %parallel_loop3A_436 = arith.constant 1 : i32
      scf.for %parallel_loop3A_564 = %parallel_loop3A_434 to %parallel_loop3A_435 step %parallel_loop3A_436  : i32 {
        %parallel_loop3A_565 = arith.constant 16 : i32
        %parallel_loop3A_566 = arith.muli %parallel_loop3A_564, %parallel_loop3A_565 : i32
        %parallel_loop3A_567 = arith.index_cast %parallel_loop3A_566 : i32 to index
        %parallel_loop3A_568 = tpu.vector_load %arg8[%parallel_loop3A_567] {strides = array<i32>} : memref<4096xi32, #tpu.memory_space<vmem>>, vector<16xi32>,
        %parallel_loop3A_569 = arith.constant 50048 : i32
        %parallel_loop3A_570 = vector.broadcast %parallel_loop3A_569 : i32 to vector<16xi32>
        %parallel_loop3A_571 = arith.cmpi slt, %parallel_loop3A_568, %parallel_loop3A_570 : vector<16xi32>
        %parallel_loop3A_572 = tpu.vector_load_idx %arg5[%parallel_loop3A_568] masked %parallel_loop3A_571 : memref<50048xf32, #tpu.memory_space<vmem>>[vector<16xi32>], vector<16xf32>, vector<16xi1>
        %parallel_loop3A_573 = arith.constant 16 : i32
        %parallel_loop3A_574 = arith.muli %parallel_loop3A_564, %parallel_loop3A_573 : i32
        %parallel_loop3A_575 = arith.constant 12288 : i32
        %parallel_loop3A_576 = arith.addi %parallel_loop3A_575, %parallel_loop3A_574 : i32
        %parallel_loop3A_577 = arith.index_cast %parallel_loop3A_576 : i32 to index
        %parallel_loop3A_578 = tpu.vector_load %arg9[%parallel_loop3A_577] {strides = array<i32>} : memref<16384xf32, #tpu.memory_space<vmem>>, vector<16xf32>,
        tpu.vector_store %arg9[%parallel_loop3A_577], %parallel_loop3A_572 {strides = array<i32>} : memref<16384xf32, #tpu.memory_space<vmem>>, vector<16xf32>,
      } {sc.loop_unroll_factor = 16 : i64, sc.parallel_access}
      %add3A_437 = arith.constant 1 : i32
      %add3A_438 = arith.addi %scan3A_83, %add3A_437 : i32
      %lt3A_439 = arith.constant 13 : i32
      %lt3A_440 = arith.cmpi slt, %add3A_438, %lt3A_439 : i32
      %convert_element_type3A_441 = arith.extui %lt3A_440 : i1 to i32
      %cond3A_442 = arith.constant 0 : i32
      %cond3A_443 = arith.cmpi ne, %convert_element_type3A_441, %cond3A_442 : i32
      scf.if %cond3A_443 {
        %add3A_564 = arith.constant 1 : i32
        %add3A_565 = arith.addi %add3A_320, %add3A_564 : i32
        %mul3A_566 = arith.constant 32 : i32
        %mul3A_567 = arith.muli %mul3A_566, %add3A_565 : i32
        %add3A_568 = arith.addi %mul3A_567, %add3A : i32
        %dma_start3A_569 = arith.constant 0 : i32
        %dma_start3A_570 = tpu.memref_slice %arg2[%add3A_568, %dma_start3A_569] : memref<832x100000xf32, #tpu.memory_space<hbm>> -> memref<1x100000xf32, #tpu.memory_space<hbm>>
        %dma_start3A_571 = tpu.memref_squeeze %dma_start3A_570 : memref<1x100000xf32, #tpu.memory_space<hbm>> -> memref<100000xf32, #tpu.memory_space<hbm>>
        %dma_start3A_572 = arith.constant 0 : i32
        %dma_start3A_573 = tpu.memref_slice %dma_start3A_571[%dma_start3A_572] : memref<100000xf32, #tpu.memory_space<hbm>> -> memref<50048xf32, #tpu.memory_space<hbm>>
        %dma_start3A_574 = arith.constant 0 : i32
        %dma_start3A_575 = tpu.memref_slice %arg2[%add3A_568, %dma_start3A_574] : memref<832x100000xf32, #tpu.memory_space<hbm>> -> memref<1x100000xf32, #tpu.memory_space<hbm>>
        %dma_start3A_576 = tpu.memref_squeeze %dma_start3A_575 : memref<1x100000xf32, #tpu.memory_space<hbm>> -> memref<100000xf32, #tpu.memory_space<hbm>>
        %dma_start3A_577 = arith.constant 0 : i32
        %dma_start3A_578 = tpu.memref_slice %dma_start3A_576[%dma_start3A_577] : memref<100000xf32, #tpu.memory_space<hbm>> -> memref<50048xf32, #tpu.memory_space<hbm>>
        tpu.enqueue_dma source(%dma_start3A_578 : memref<50048xf32, #tpu.memory_space<hbm>>) target(%arg5 : memref<50048xf32, #tpu.memory_space<vmem>>) target_semaphore(%arg12 : memref<!tpu.dma_semaphore, #tpu.memory_space<semaphore_mem>>)
      } else {
      }
      %mul3A_444 = arith.constant 32 : i32
      %mul3A_445 = arith.muli %mul3A_444, %add3A_320 : i32
      %add3A_446 = arith.addi %mul3A_445, %add3A : i32
      %dma_wait3A_447 = arith.constant 0 : i32
      %dma_wait3A_448 = tpu.memref_slice %arg2[%add3A_446, %dma_wait3A_447] : memref<832x100000xf32, #tpu.memory_space<hbm>> -> memref<1x100000xf32, #tpu.memory_space<hbm>>
      %dma_wait3A_449 = tpu.memref_squeeze %dma_wait3A_448 : memref<1x100000xf32, #tpu.memory_space<hbm>> -> memref<100000xf32, #tpu.memory_space<hbm>>
      %dma_wait3A_450 = arith.constant 50048 : i32
      %dma_wait3A_451 = tpu.memref_slice %dma_wait3A_449[%dma_wait3A_450] : memref<100000xf32, #tpu.memory_space<hbm>> -> memref<49952xf32, #tpu.memory_space<hbm>>
      %dma_wait3A_452 = arith.constant 0 : i32
      %dma_wait3A_453 = tpu.memref_slice %arg2[%add3A_446, %dma_wait3A_452] : memref<832x100000xf32, #tpu.memory_space<hbm>> -> memref<1x100000xf32, #tpu.memory_space<hbm>>
      %dma_wait3A_454 = tpu.memref_squeeze %dma_wait3A_453 : memref<1x100000xf32, #tpu.memory_space<hbm>> -> memref<100000xf32, #tpu.memory_space<hbm>>
      %dma_wait3A_455 = arith.constant 50048 : i32
      %dma_wait3A_456 = tpu.memref_slice %dma_wait3A_454[%dma_wait3A_455] : memref<100000xf32, #tpu.memory_space<hbm>> -> memref<49952xf32, #tpu.memory_space<hbm>>
      tpu.wait_dma2 semaphore(%arg13 : memref<!tpu.dma_semaphore, #tpu.memory_space<semaphore_mem>>) src(%dma_wait3A_456 : memref<49952xf32, #tpu.memory_space<hbm>>) dst(%arg6 : memref<49952xf32, #tpu.memory_space<vmem>>)
      %dma_wait3A_457 = arith.constant 0 : i32
      %dma_wait3A_458 = tpu.memref_slice %arg11[%dma_wait3A_457] : memref<16384xi32, #tpu.memory_space<vmem_shared>> -> memref<4096xi32, #tpu.memory_space<vmem_shared>>
      %dma_wait3A_459 = arith.constant 0 : i32
      %dma_wait3A_460 = tpu.memref_slice %arg11[%dma_wait3A_459] : memref<16384xi32, #tpu.memory_space<vmem_shared>> -> memref<4096xi32, #tpu.memory_space<vmem_shared>>
      tpu.wait_dma2 semaphore(%arg16 : memref<!tpu.dma_semaphore, #tpu.memory_space<semaphore_mem>>) src(%dma_wait3A_460 : memref<4096xi32, #tpu.memory_space<vmem_shared>>) dst(%arg7 : memref<4096xi32, #tpu.memory_space<vmem>>)
      %dma_start3A_461 = arith.constant 4096 : i32
      %dma_start3A_462 = tpu.memref_slice %arg11[%dma_start3A_461] : memref<16384xi32, #tpu.memory_space<vmem_shared>> -> memref<4096xi32, #tpu.memory_space<vmem_shared>>
      %dma_start3A_463 = arith.constant 4096 : i32
      %dma_start3A_464 = tpu.memref_slice %arg11[%dma_start3A_463] : memref<16384xi32, #tpu.memory_space<vmem_shared>> -> memref<4096xi32, #tpu.memory_space<vmem_shared>>
      tpu.enqueue_dma source(%dma_start3A_464 : memref<4096xi32, #tpu.memory_space<vmem_shared>>) target(%arg8 : memref<4096xi32, #tpu.memory_space<vmem>>) target_semaphore(%arg17 : memref<!tpu.dma_semaphore, #tpu.memory_space<semaphore_mem>>)
      %parallel_loop3A_465 = arith.constant 0 : i32
      %parallel_loop3A_466 = arith.constant 256 : i32
      %parallel_loop3A_467 = arith.constant 1 : i32
      scf.for %parallel_loop3A_564 = %parallel_loop3A_465 to %parallel_loop3A_466 step %parallel_loop3A_467  : i32 {
        %parallel_loop3A_565 = arith.constant 16 : i32
        %parallel_loop3A_566 = arith.muli %parallel_loop3A_564, %parallel_loop3A_565 : i32
        %parallel_loop3A_567 = arith.index_cast %parallel_loop3A_566 : i32 to index
        %parallel_loop3A_568 = tpu.vector_load %arg7[%parallel_loop3A_567] {strides = array<i32>} : memref<4096xi32, #tpu.memory_space<vmem>>, vector<16xi32>,
        %parallel_loop3A_569 = arith.constant 50048 : i32
        %parallel_loop3A_570 = vector.broadcast %parallel_loop3A_569 : i32 to vector<16xi32>
        %parallel_loop3A_571 = arith.cmpi sge, %parallel_loop3A_568, %parallel_loop3A_570 : vector<16xi32>
        %parallel_loop3A_572 = arith.constant 50048 : i32
        %parallel_loop3A_573 = vector.broadcast %parallel_loop3A_572 : i32 to vector<16xi32>
        %parallel_loop3A_574 = arith.subi %parallel_loop3A_568, %parallel_loop3A_573 : vector<16xi32>
        %parallel_loop3A_575 = tpu.vector_load_idx %arg6[%parallel_loop3A_574] masked %parallel_loop3A_571 : memref<49952xf32, #tpu.memory_space<vmem>>[vector<16xi32>], vector<16xf32>, vector<16xi1>
        %parallel_loop3A_576 = arith.constant 16 : i32
        %parallel_loop3A_577 = arith.muli %parallel_loop3A_564, %parallel_loop3A_576 : i32
        %parallel_loop3A_578 = arith.constant 0 : i32
        %parallel_loop3A_579 = arith.addi %parallel_loop3A_578, %parallel_loop3A_577 : i32
        %parallel_loop3A_580 = vector.broadcast %parallel_loop3A_579 : i32 to vector<16xi32>
        %parallel_loop3A_581 = arith.addi %parallel_loop3A_580, %iota3A : vector<16xi32>
        tpu.vector_store_idx %arg9[%parallel_loop3A_581], %parallel_loop3A_575 masked %parallel_loop3A_571 : memref<16384xf32, #tpu.memory_space<vmem>>[vector<16xi32>], vector<16xf32>, vector<16xi1>
      } {sc.loop_unroll_factor = 16 : i64, sc.parallel_access}
      %mul3A_468 = arith.constant 32 : i32
      %mul3A_469 = arith.muli %mul3A_468, %add3A_320 : i32
      %add3A_470 = arith.addi %mul3A_469, %add3A : i32
      %dma_start3A_471 = arith.constant 0 : i32
      %dma_start3A_472 = tpu.memref_slice %arg9[%dma_start3A_471] : memref<16384xf32, #tpu.memory_space<vmem>> -> memref<4096xf32, #tpu.memory_space<vmem>>
      %dma_start3A_473 = arith.constant 0 : i32
      %dma_start3A_474 = tpu.memref_slice %arg4[%add3A_470, %dma_start3A_473] : memref<832x16384xf32, #tpu.memory_space<hbm>> -> memref<1x4096xf32, #tpu.memory_space<hbm>>
      %dma_start3A_475 = tpu.memref_squeeze %dma_start3A_474 : memref<1x4096xf32, #tpu.memory_space<hbm>> -> memref<4096xf32, #tpu.memory_space<hbm>>
      %dma_start3A_476 = arith.constant 0 : i32
      %dma_start3A_477 = tpu.memref_slice %arg4[%add3A_470, %dma_start3A_476] : memref<832x16384xf32, #tpu.memory_space<hbm>> -> memref<1x4096xf32, #tpu.memory_space<hbm>>
      %dma_start3A_478 = tpu.memref_squeeze %dma_start3A_477 : memref<1x4096xf32, #tpu.memory_space<hbm>> -> memref<4096xf32, #tpu.memory_space<hbm>>
      %dma_start3A_479 = arith.constant 0 : i32
      %dma_start3A_480 = tpu.memref_slice %arg9[%dma_start3A_479] : memref<16384xf32, #tpu.memory_space<vmem>> -> memref<4096xf32, #tpu.memory_space<vmem>>
      tpu.enqueue_dma source(%dma_start3A_480 : memref<4096xf32, #tpu.memory_space<vmem>>) target(%dma_start3A_478 : memref<4096xf32, #tpu.memory_space<hbm>>) target_semaphore(%arg18 : memref<!tpu.dma_semaphore, #tpu.memory_space<semaphore_mem>>)
      %dma_wait3A_481 = arith.constant 4096 : i32
      %dma_wait3A_482 = tpu.memref_slice %arg11[%dma_wait3A_481] : memref<16384xi32, #tpu.memory_space<vmem_shared>> -> memref<4096xi32, #tpu.memory_space<vmem_shared>>
      %dma_wait3A_483 = arith.constant 4096 : i32
      %dma_wait3A_484 = tpu.memref_slice %arg11[%dma_wait3A_483] : memref<16384xi32, #tpu.memory_space<vmem_shared>> -> memref<4096xi32, #tpu.memory_space<vmem_shared>>
      tpu.wait_dma2 semaphore(%arg17 : memref<!tpu.dma_semaphore, #tpu.memory_space<semaphore_mem>>) src(%dma_wait3A_484 : memref<4096xi32, #tpu.memory_space<vmem_shared>>) dst(%arg8 : memref<4096xi32, #tpu.memory_space<vmem>>)
      %dma_start3A_485 = arith.constant 8192 : i32
      %dma_start3A_486 = tpu.memref_slice %arg11[%dma_start3A_485] : memref<16384xi32, #tpu.memory_space<vmem_shared>> -> memref<4096xi32, #tpu.memory_space<vmem_shared>>
      %dma_start3A_487 = arith.constant 8192 : i32
      %dma_start3A_488 = tpu.memref_slice %arg11[%dma_start3A_487] : memref<16384xi32, #tpu.memory_space<vmem_shared>> -> memref<4096xi32, #tpu.memory_space<vmem_shared>>
      tpu.enqueue_dma source(%dma_start3A_488 : memref<4096xi32, #tpu.memory_space<vmem_shared>>) target(%arg7 : memref<4096xi32, #tpu.memory_space<vmem>>) target_semaphore(%arg16 : memref<!tpu.dma_semaphore, #tpu.memory_space<semaphore_mem>>)
      %parallel_loop3A_489 = arith.constant 0 : i32
      %parallel_loop3A_490 = arith.constant 256 : i32
      %parallel_loop3A_491 = arith.constant 1 : i32
      scf.for %parallel_loop3A_564 = %parallel_loop3A_489 to %parallel_loop3A_490 step %parallel_loop3A_491  : i32 {
        %parallel_loop3A_565 = arith.constant 16 : i32
        %parallel_loop3A_566 = arith.muli %parallel_loop3A_564, %parallel_loop3A_565 : i32
        %parallel_loop3A_567 = arith.index_cast %parallel_loop3A_566 : i32 to index
        %parallel_loop3A_568 = tpu.vector_load %arg8[%parallel_loop3A_567] {strides = array<i32>} : memref<4096xi32, #tpu.memory_space<vmem>>, vector<16xi32>,
        %parallel_loop3A_569 = arith.constant 50048 : i32
        %parallel_loop3A_570 = vector.broadcast %parallel_loop3A_569 : i32 to vector<16xi32>
        %parallel_loop3A_571 = arith.cmpi sge, %parallel_loop3A_568, %parallel_loop3A_570 : vector<16xi32>
        %parallel_loop3A_572 = arith.constant 50048 : i32
        %parallel_loop3A_573 = vector.broadcast %parallel_loop3A_572 : i32 to vector<16xi32>
        %parallel_loop3A_574 = arith.subi %parallel_loop3A_568, %parallel_loop3A_573 : vector<16xi32>
        %parallel_loop3A_575 = tpu.vector_load_idx %arg6[%parallel_loop3A_574] masked %parallel_loop3A_571 : memref<49952xf32, #tpu.memory_space<vmem>>[vector<16xi32>], vector<16xf32>, vector<16xi1>
        %parallel_loop3A_576 = arith.constant 16 : i32
        %parallel_loop3A_577 = arith.muli %parallel_loop3A_564, %parallel_loop3A_576 : i32
        %parallel_loop3A_578 = arith.constant 4096 : i32
        %parallel_loop3A_579 = arith.addi %parallel_loop3A_578, %parallel_loop3A_577 : i32
        %parallel_loop3A_580 = vector.broadcast %parallel_loop3A_579 : i32 to vector<16xi32>
        %parallel_loop3A_581 = arith.addi %parallel_loop3A_580, %iota3A : vector<16xi32>
        tpu.vector_store_idx %arg9[%parallel_loop3A_581], %parallel_loop3A_575 masked %parallel_loop3A_571 : memref<16384xf32, #tpu.memory_space<vmem>>[vector<16xi32>], vector<16xf32>, vector<16xi1>
      } {sc.loop_unroll_factor = 16 : i64, sc.parallel_access}
      %mul3A_492 = arith.constant 32 : i32
      %mul3A_493 = arith.muli %mul3A_492, %add3A_320 : i32
      %add3A_494 = arith.addi %mul3A_493, %add3A : i32
      %dma_start3A_495 = arith.constant 4096 : i32
      %dma_start3A_496 = tpu.memref_slice %arg9[%dma_start3A_495] : memref<16384xf32, #tpu.memory_space<vmem>> -> memref<4096xf32, #tpu.memory_space<vmem>>
      %dma_start3A_497 = arith.constant 4096 : i32
      %dma_start3A_498 = tpu.memref_slice %arg4[%add3A_494, %dma_start3A_497] : memref<832x16384xf32, #tpu.memory_space<hbm>> -> memref<1x4096xf32, #tpu.memory_space<hbm>>
      %dma_start3A_499 = tpu.memref_squeeze %dma_start3A_498 : memref<1x4096xf32, #tpu.memory_space<hbm>> -> memref<4096xf32, #tpu.memory_space<hbm>>
      %dma_start3A_500 = arith.constant 4096 : i32
      %dma_start3A_501 = tpu.memref_slice %arg4[%add3A_494, %dma_start3A_500] : memref<832x16384xf32, #tpu.memory_space<hbm>> -> memref<1x4096xf32, #tpu.memory_space<hbm>>
      %dma_start3A_502 = tpu.memref_squeeze %dma_start3A_501 : memref<1x4096xf32, #tpu.memory_space<hbm>> -> memref<4096xf32, #tpu.memory_space<hbm>>
      %dma_start3A_503 = arith.constant 4096 : i32
      %dma_start3A_504 = tpu.memref_slice %arg9[%dma_start3A_503] : memref<16384xf32, #tpu.memory_space<vmem>> -> memref<4096xf32, #tpu.memory_space<vmem>>
      tpu.enqueue_dma source(%dma_start3A_504 : memref<4096xf32, #tpu.memory_space<vmem>>) target(%dma_start3A_502 : memref<4096xf32, #tpu.memory_space<hbm>>) target_semaphore(%arg19 : memref<!tpu.dma_semaphore, #tpu.memory_space<semaphore_mem>>)
      %dma_wait3A_505 = arith.constant 8192 : i32
      %dma_wait3A_506 = tpu.memref_slice %arg11[%dma_wait3A_505] : memref<16384xi32, #tpu.memory_space<vmem_shared>> -> memref<4096xi32, #tpu.memory_space<vmem_shared>>
      %dma_wait3A_507 = arith.constant 8192 : i32
      %dma_wait3A_508 = tpu.memref_slice %arg11[%dma_wait3A_507] : memref<16384xi32, #tpu.memory_space<vmem_shared>> -> memref<4096xi32, #tpu.memory_space<vmem_shared>>
      tpu.wait_dma2 semaphore(%arg16 : memref<!tpu.dma_semaphore, #tpu.memory_space<semaphore_mem>>) src(%dma_wait3A_508 : memref<4096xi32, #tpu.memory_space<vmem_shared>>) dst(%arg7 : memref<4096xi32, #tpu.memory_space<vmem>>)
      %dma_start3A_509 = arith.constant 12288 : i32
      %dma_start3A_510 = tpu.memref_slice %arg11[%dma_start3A_509] : memref<16384xi32, #tpu.memory_space<vmem_shared>> -> memref<4096xi32, #tpu.memory_space<vmem_shared>>
      %dma_start3A_511 = arith.constant 12288 : i32
      %dma_start3A_512 = tpu.memref_slice %arg11[%dma_start3A_511] : memref<16384xi32, #tpu.memory_space<vmem_shared>> -> memref<4096xi32, #tpu.memory_space<vmem_shared>>
      tpu.enqueue_dma source(%dma_start3A_512 : memref<4096xi32, #tpu.memory_space<vmem_shared>>) target(%arg8 : memref<4096xi32, #tpu.memory_space<vmem>>) target_semaphore(%arg17 : memref<!tpu.dma_semaphore, #tpu.memory_space<semaphore_mem>>)
      %parallel_loop3A_513 = arith.constant 0 : i32
      %parallel_loop3A_514 = arith.constant 256 : i32
      %parallel_loop3A_515 = arith.constant 1 : i32
      scf.for %parallel_loop3A_564 = %parallel_loop3A_513 to %parallel_loop3A_514 step %parallel_loop3A_515  : i32 {
        %parallel_loop3A_565 = arith.constant 16 : i32
        %parallel_loop3A_566 = arith.muli %parallel_loop3A_564, %parallel_loop3A_565 : i32
        %parallel_loop3A_567 = arith.index_cast %parallel_loop3A_566 : i32 to index
        %parallel_loop3A_568 = tpu.vector_load %arg7[%parallel_loop3A_567] {strides = array<i32>} : memref<4096xi32, #tpu.memory_space<vmem>>, vector<16xi32>,
        %parallel_loop3A_569 = arith.constant 50048 : i32
        %parallel_loop3A_570 = vector.broadcast %parallel_loop3A_569 : i32 to vector<16xi32>
        %parallel_loop3A_571 = arith.cmpi sge, %parallel_loop3A_568, %parallel_loop3A_570 : vector<16xi32>
        %parallel_loop3A_572 = arith.constant 50048 : i32
        %parallel_loop3A_573 = vector.broadcast %parallel_loop3A_572 : i32 to vector<16xi32>
        %parallel_loop3A_574 = arith.subi %parallel_loop3A_568, %parallel_loop3A_573 : vector<16xi32>
        %parallel_loop3A_575 = tpu.vector_load_idx %arg6[%parallel_loop3A_574] masked %parallel_loop3A_571 : memref<49952xf32, #tpu.memory_space<vmem>>[vector<16xi32>], vector<16xf32>, vector<16xi1>
        %parallel_loop3A_576 = arith.constant 16 : i32
        %parallel_loop3A_577 = arith.muli %parallel_loop3A_564, %parallel_loop3A_576 : i32
        %parallel_loop3A_578 = arith.constant 8192 : i32
        %parallel_loop3A_579 = arith.addi %parallel_loop3A_578, %parallel_loop3A_577 : i32
        %parallel_loop3A_580 = vector.broadcast %parallel_loop3A_579 : i32 to vector<16xi32>
        %parallel_loop3A_581 = arith.addi %parallel_loop3A_580, %iota3A : vector<16xi32>
        tpu.vector_store_idx %arg9[%parallel_loop3A_581], %parallel_loop3A_575 masked %parallel_loop3A_571 : memref<16384xf32, #tpu.memory_space<vmem>>[vector<16xi32>], vector<16xf32>, vector<16xi1>
      } {sc.loop_unroll_factor = 16 : i64, sc.parallel_access}
      %mul3A_516 = arith.constant 32 : i32
      %mul3A_517 = arith.muli %mul3A_516, %add3A_320 : i32
      %add3A_518 = arith.addi %mul3A_517, %add3A : i32
      %dma_start3A_519 = arith.constant 8192 : i32
      %dma_start3A_520 = tpu.memref_slice %arg9[%dma_start3A_519] : memref<16384xf32, #tpu.memory_space<vmem>> -> memref<4096xf32, #tpu.memory_space<vmem>>
      %dma_start3A_521 = arith.constant 8192 : i32
      %dma_start3A_522 = tpu.memref_slice %arg4[%add3A_518, %dma_start3A_521] : memref<832x16384xf32, #tpu.memory_space<hbm>> -> memref<1x4096xf32, #tpu.memory_space<hbm>>
      %dma_start3A_523 = tpu.memref_squeeze %dma_start3A_522 : memref<1x4096xf32, #tpu.memory_space<hbm>> -> memref<4096xf32, #tpu.memory_space<hbm>>
      %dma_start3A_524 = arith.constant 8192 : i32
      %dma_start3A_525 = tpu.memref_slice %arg4[%add3A_518, %dma_start3A_524] : memref<832x16384xf32, #tpu.memory_space<hbm>> -> memref<1x4096xf32, #tpu.memory_space<hbm>>
      %dma_start3A_526 = tpu.memref_squeeze %dma_start3A_525 : memref<1x4096xf32, #tpu.memory_space<hbm>> -> memref<4096xf32, #tpu.memory_space<hbm>>
      %dma_start3A_527 = arith.constant 8192 : i32
      %dma_start3A_528 = tpu.memref_slice %arg9[%dma_start3A_527] : memref<16384xf32, #tpu.memory_space<vmem>> -> memref<4096xf32, #tpu.memory_space<vmem>>
      tpu.enqueue_dma source(%dma_start3A_528 : memref<4096xf32, #tpu.memory_space<vmem>>) target(%dma_start3A_526 : memref<4096xf32, #tpu.memory_space<hbm>>) target_semaphore(%arg20 : memref<!tpu.dma_semaphore, #tpu.memory_space<semaphore_mem>>)
      %dma_wait3A_529 = arith.constant 12288 : i32
      %dma_wait3A_530 = tpu.memref_slice %arg11[%dma_wait3A_529] : memref<16384xi32, #tpu.memory_space<vmem_shared>> -> memref<4096xi32, #tpu.memory_space<vmem_shared>>
      %dma_wait3A_531 = arith.constant 12288 : i32
      %dma_wait3A_532 = tpu.memref_slice %arg11[%dma_wait3A_531] : memref<16384xi32, #tpu.memory_space<vmem_shared>> -> memref<4096xi32, #tpu.memory_space<vmem_shared>>
      tpu.wait_dma2 semaphore(%arg17 : memref<!tpu.dma_semaphore, #tpu.memory_space<semaphore_mem>>) src(%dma_wait3A_532 : memref<4096xi32, #tpu.memory_space<vmem_shared>>) dst(%arg8 : memref<4096xi32, #tpu.memory_space<vmem>>)
      %add3A_533 = arith.constant 1 : i32
      %add3A_534 = arith.addi %scan3A_83, %add3A_533 : i32
      %lt3A_535 = arith.constant 13 : i32
      %lt3A_536 = arith.cmpi slt, %add3A_534, %lt3A_535 : i32
      %convert_element_type3A_537 = arith.extui %lt3A_536 : i1 to i32
      %cond3A_538 = arith.constant 0 : i32
      %cond3A_539 = arith.cmpi ne, %convert_element_type3A_537, %cond3A_538 : i32
      scf.if %cond3A_539 {
        %eq3A_564 = arith.constant 0 : i32
        %eq3A_565 = arith.cmpi eq, %arg1, %eq3A_564 : i32
        %convert_element_type3A_566 = arith.extui %eq3A_565 : i1 to i32
        %cond3A_567 = arith.constant 0 : i32
        %cond3A_568 = arith.cmpi ne, %convert_element_type3A_566, %cond3A_567 : i32
        scf.if %cond3A_568 {
          %add3A_579 = arith.constant 1 : i32
          %add3A_580 = arith.addi %add3A_320, %add3A_579 : i32
          %dma_wait3A_581 = arith.constant 0 : i32
          %dma_wait3A_582 = tpu.memref_slice %arg3[%add3A_580, %dma_wait3A_581] : memref<26x16384xi32, #tpu.memory_space<hbm>> -> memref<1x16384xi32, #tpu.memory_space<hbm>>
          %dma_wait3A_583 = tpu.memref_squeeze %dma_wait3A_582 : memref<1x16384xi32, #tpu.memory_space<hbm>> -> memref<16384xi32, #tpu.memory_space<hbm>>
          tpu.wait_dma2 semaphore(%arg14 : memref<!tpu.dma_semaphore, #tpu.memory_space<semaphore_mem>>) src(%dma_wait3A_583 : memref<16384xi32, #tpu.memory_space<hbm>>) dst(%arg10 : memref<16384xi32, #tpu.memory_space<vmem_shared>>)
        } else {
        }
        %barrier3A_569 = arith.constant 0 : index
        tpu.barrier barrier_id(%barrier3A_569)
        %eq3A_570 = arith.constant 0 : i32
        %eq3A_571 = arith.cmpi eq, %arg1, %eq3A_570 : i32
        %convert_element_type3A_572 = arith.extui %eq3A_571 : i1 to i32
        %cond3A_573 = arith.constant 0 : i32
        %cond3A_574 = arith.cmpi ne, %convert_element_type3A_572, %cond3A_573 : i32
        scf.if %cond3A_574 {
          %add3A_579 = arith.constant 2 : i32
          %add3A_580 = arith.addi %add3A_320, %add3A_579 : i32
          %dma_start3A_581 = arith.constant 0 : i32
          %dma_start3A_582 = tpu.memref_slice %arg3[%add3A_580, %dma_start3A_581] : memref<26x16384xi32, #tpu.memory_space<hbm>> -> memref<1x16384xi32, #tpu.memory_space<hbm>>
          %dma_start3A_583 = tpu.memref_squeeze %dma_start3A_582 : memref<1x16384xi32, #tpu.memory_space<hbm>> -> memref<16384xi32, #tpu.memory_space<hbm>>
          tpu.enqueue_dma source(%dma_start3A_583 : memref<16384xi32, #tpu.memory_space<hbm>>) target(%arg11 : memref<16384xi32, #tpu.memory_space<vmem_shared>>) target_semaphore(%arg15 : memref<!tpu.dma_semaphore, #tpu.memory_space<semaphore_mem>>)
        } else {
        }
        %dma_start3A_575 = arith.constant 0 : i32
        %dma_start3A_576 = tpu.memref_slice %arg10[%dma_start3A_575] : memref<16384xi32, #tpu.memory_space<vmem_shared>> -> memref<4096xi32, #tpu.memory_space<vmem_shared>>
        %dma_start3A_577 = arith.constant 0 : i32
        %dma_start3A_578 = tpu.memref_slice %arg10[%dma_start3A_577] : memref<16384xi32, #tpu.memory_space<vmem_shared>> -> memref<4096xi32, #tpu.memory_space<vmem_shared>>
        tpu.enqueue_dma source(%dma_start3A_578 : memref<4096xi32, #tpu.memory_space<vmem_shared>>) target(%arg7 : memref<4096xi32, #tpu.memory_space<vmem>>) target_semaphore(%arg16 : memref<!tpu.dma_semaphore, #tpu.memory_space<semaphore_mem>>)
      } else {
      }
      %parallel_loop3A_540 = arith.constant 0 : i32
      %parallel_loop3A_541 = arith.constant 256 : i32
      %parallel_loop3A_542 = arith.constant 1 : i32
      scf.for %parallel_loop3A_564 = %parallel_loop3A_540 to %parallel_loop3A_541 step %parallel_loop3A_542  : i32 {
        %parallel_loop3A_565 = arith.constant 16 : i32
        %parallel_loop3A_566 = arith.muli %parallel_loop3A_564, %parallel_loop3A_565 : i32
        %parallel_loop3A_567 = arith.index_cast %parallel_loop3A_566 : i32 to index
        %parallel_loop3A_568 = tpu.vector_load %arg8[%parallel_loop3A_567] {strides = array<i32>} : memref<4096xi32, #tpu.memory_space<vmem>>, vector<16xi32>,
        %parallel_loop3A_569 = arith.constant 50048 : i32
        %parallel_loop3A_570 = vector.broadcast %parallel_loop3A_569 : i32 to vector<16xi32>
        %parallel_loop3A_571 = arith.cmpi sge, %parallel_loop3A_568, %parallel_loop3A_570 : vector<16xi32>
        %parallel_loop3A_572 = arith.constant 50048 : i32
        %parallel_loop3A_573 = vector.broadcast %parallel_loop3A_572 : i32 to vector<16xi32>
        %parallel_loop3A_574 = arith.subi %parallel_loop3A_568, %parallel_loop3A_573 : vector<16xi32>
        %parallel_loop3A_575 = tpu.vector_load_idx %arg6[%parallel_loop3A_574] masked %parallel_loop3A_571 : memref<49952xf32, #tpu.memory_space<vmem>>[vector<16xi32>], vector<16xf32>, vector<16xi1>
        %parallel_loop3A_576 = arith.constant 16 : i32
        %parallel_loop3A_577 = arith.muli %parallel_loop3A_564, %parallel_loop3A_576 : i32
        %parallel_loop3A_578 = arith.constant 12288 : i32
        %parallel_loop3A_579 = arith.addi %parallel_loop3A_578, %parallel_loop3A_577 : i32
        %parallel_loop3A_580 = vector.broadcast %parallel_loop3A_579 : i32 to vector<16xi32>
        %parallel_loop3A_581 = arith.addi %parallel_loop3A_580, %iota3A : vector<16xi32>
        tpu.vector_store_idx %arg9[%parallel_loop3A_581], %parallel_loop3A_575 masked %parallel_loop3A_571 : memref<16384xf32, #tpu.memory_space<vmem>>[vector<16xi32>], vector<16xf32>, vector<16xi1>
      } {sc.loop_unroll_factor = 16 : i64, sc.parallel_access}
      %mul3A_543 = arith.constant 32 : i32
      %mul3A_544 = arith.muli %mul3A_543, %add3A_320 : i32
      %add3A_545 = arith.addi %mul3A_544, %add3A : i32
      %dma_start3A_546 = arith.constant 12288 : i32
      %dma_start3A_547 = tpu.memref_slice %arg9[%dma_start3A_546] : memref<16384xf32, #tpu.memory_space<vmem>> -> memref<4096xf32, #tpu.memory_space<vmem>>
      %dma_start3A_548 = arith.constant 12288 : i32
      %dma_start3A_549 = tpu.memref_slice %arg4[%add3A_545, %dma_start3A_548] : memref<832x16384xf32, #tpu.memory_space<hbm>> -> memref<1x4096xf32, #tpu.memory_space<hbm>>
      %dma_start3A_550 = tpu.memref_squeeze %dma_start3A_549 : memref<1x4096xf32, #tpu.memory_space<hbm>> -> memref<4096xf32, #tpu.memory_space<hbm>>
      %dma_start3A_551 = arith.constant 12288 : i32
      %dma_start3A_552 = tpu.memref_slice %arg4[%add3A_545, %dma_start3A_551] : memref<832x16384xf32, #tpu.memory_space<hbm>> -> memref<1x4096xf32, #tpu.memory_space<hbm>>
      %dma_start3A_553 = tpu.memref_squeeze %dma_start3A_552 : memref<1x4096xf32, #tpu.memory_space<hbm>> -> memref<4096xf32, #tpu.memory_space<hbm>>
      %dma_start3A_554 = arith.constant 12288 : i32
      %dma_start3A_555 = tpu.memref_slice %arg9[%dma_start3A_554] : memref<16384xf32, #tpu.memory_space<vmem>> -> memref<4096xf32, #tpu.memory_space<vmem>>
      tpu.enqueue_dma source(%dma_start3A_555 : memref<4096xf32, #tpu.memory_space<vmem>>) target(%dma_start3A_553 : memref<4096xf32, #tpu.memory_space<hbm>>) target_semaphore(%arg21 : memref<!tpu.dma_semaphore, #tpu.memory_space<semaphore_mem>>)
      %add3A_556 = arith.constant 1 : i32
      %add3A_557 = arith.addi %scan3A_83, %add3A_556 : i32
      %lt3A_558 = arith.constant 13 : i32
      %lt3A_559 = arith.cmpi slt, %add3A_557, %lt3A_558 : i32
      %convert_element_type3A_560 = arith.extui %lt3A_559 : i1 to i32
      %cond3A_561 = arith.constant 0 : i32
      %cond3A_562 = arith.cmpi ne, %convert_element_type3A_560, %cond3A_561 : i32
      scf.if %cond3A_562 {
        %add3A_564 = arith.constant 1 : i32
        %add3A_565 = arith.addi %add3A_320, %add3A_564 : i32
        %mul3A_566 = arith.constant 32 : i32
        %mul3A_567 = arith.muli %mul3A_566, %add3A_565 : i32
        %add3A_568 = arith.addi %mul3A_567, %add3A : i32
        %dma_start3A_569 = arith.constant 0 : i32
        %dma_start3A_570 = tpu.memref_slice %arg2[%add3A_568, %dma_start3A_569] : memref<832x100000xf32, #tpu.memory_space<hbm>> -> memref<1x100000xf32, #tpu.memory_space<hbm>>
        %dma_start3A_571 = tpu.memref_squeeze %dma_start3A_570 : memref<1x100000xf32, #tpu.memory_space<hbm>> -> memref<100000xf32, #tpu.memory_space<hbm>>
        %dma_start3A_572 = arith.constant 50048 : i32
        %dma_start3A_573 = tpu.memref_slice %dma_start3A_571[%dma_start3A_572] : memref<100000xf32, #tpu.memory_space<hbm>> -> memref<49952xf32, #tpu.memory_space<hbm>>
        %dma_start3A_574 = arith.constant 0 : i32
        %dma_start3A_575 = tpu.memref_slice %arg2[%add3A_568, %dma_start3A_574] : memref<832x100000xf32, #tpu.memory_space<hbm>> -> memref<1x100000xf32, #tpu.memory_space<hbm>>
        %dma_start3A_576 = tpu.memref_squeeze %dma_start3A_575 : memref<1x100000xf32, #tpu.memory_space<hbm>> -> memref<100000xf32, #tpu.memory_space<hbm>>
        %dma_start3A_577 = arith.constant 50048 : i32
        %dma_start3A_578 = tpu.memref_slice %dma_start3A_576[%dma_start3A_577] : memref<100000xf32, #tpu.memory_space<hbm>> -> memref<49952xf32, #tpu.memory_space<hbm>>
        tpu.enqueue_dma source(%dma_start3A_578 : memref<49952xf32, #tpu.memory_space<hbm>>) target(%arg6 : memref<49952xf32, #tpu.memory_space<vmem>>) target_semaphore(%arg13 : memref<!tpu.dma_semaphore, #tpu.memory_space<semaphore_mem>>)
      } else {
      }
      %scan3A_563 = arith.constant 0 : i32
      scf.yield %scan3A_563 : i32
    }
    %scan3A_35 = arith.constant 13 : i32
    %add3A_36 = arith.constant 800 : i32
    %add3A_37 = arith.addi %add3A_36, %add3A : i32
    %dma_wait3A = arith.constant 0 : i32
    %dma_wait3A_38 = tpu.memref_slice %arg9[%dma_wait3A] : memref<16384xf32, #tpu.memory_space<vmem>> -> memref<4096xf32, #tpu.memory_space<vmem>>
    %dma_wait3A_39 = arith.constant 0 : i32
    %dma_wait3A_40 = tpu.memref_slice %arg4[%add3A_37, %dma_wait3A_39] : memref<832x16384xf32, #tpu.memory_space<hbm>> -> memref<1x4096xf32, #tpu.memory_space<hbm>>
    %dma_wait3A_41 = tpu.memref_squeeze %dma_wait3A_40 : memref<1x4096xf32, #tpu.memory_space<hbm>> -> memref<4096xf32, #tpu.memory_space<hbm>>
    %dma_wait3A_42 = arith.constant 0 : i32
    %dma_wait3A_43 = tpu.memref_slice %arg4[%add3A_37, %dma_wait3A_42] : memref<832x16384xf32, #tpu.memory_space<hbm>> -> memref<1x4096xf32, #tpu.memory_space<hbm>>
    %dma_wait3A_44 = tpu.memref_squeeze %dma_wait3A_43 : memref<1x4096xf32, #tpu.memory_space<hbm>> -> memref<4096xf32, #tpu.memory_space<hbm>>
    %dma_wait3A_45 = arith.constant 0 : i32
    %dma_wait3A_46 = tpu.memref_slice %arg9[%dma_wait3A_45] : memref<16384xf32, #tpu.memory_space<vmem>> -> memref<4096xf32, #tpu.memory_space<vmem>>
    tpu.wait_dma2 semaphore(%arg18 : memref<!tpu.dma_semaphore, #tpu.memory_space<semaphore_mem>>) src(%dma_wait3A_46 : memref<4096xf32, #tpu.memory_space<vmem>>) dst(%dma_wait3A_44 : memref<4096xf32, #tpu.memory_space<hbm>>)
    %add3A_47 = arith.constant 800 : i32
    %add3A_48 = arith.addi %add3A_47, %add3A : i32
    %dma_wait3A_49 = arith.constant 4096 : i32
    %dma_wait3A_50 = tpu.memref_slice %arg9[%dma_wait3A_49] : memref<16384xf32, #tpu.memory_space<vmem>> -> memref<4096xf32, #tpu.memory_space<vmem>>
    %dma_wait3A_51 = arith.constant 4096 : i32
    %dma_wait3A_52 = tpu.memref_slice %arg4[%add3A_48, %dma_wait3A_51] : memref<832x16384xf32, #tpu.memory_space<hbm>> -> memref<1x4096xf32, #tpu.memory_space<hbm>>
    %dma_wait3A_53 = tpu.memref_squeeze %dma_wait3A_52 : memref<1x4096xf32, #tpu.memory_space<hbm>> -> memref<4096xf32, #tpu.memory_space<hbm>>
    %dma_wait3A_54 = arith.constant 4096 : i32
    %dma_wait3A_55 = tpu.memref_slice %arg4[%add3A_48, %dma_wait3A_54] : memref<832x16384xf32, #tpu.memory_space<hbm>> -> memref<1x4096xf32, #tpu.memory_space<hbm>>
    %dma_wait3A_56 = tpu.memref_squeeze %dma_wait3A_55 : memref<1x4096xf32, #tpu.memory_space<hbm>> -> memref<4096xf32, #tpu.memory_space<hbm>>
    %dma_wait3A_57 = arith.constant 4096 : i32
    %dma_wait3A_58 = tpu.memref_slice %arg9[%dma_wait3A_57] : memref<16384xf32, #tpu.memory_space<vmem>> -> memref<4096xf32, #tpu.memory_space<vmem>>
    tpu.wait_dma2 semaphore(%arg19 : memref<!tpu.dma_semaphore, #tpu.memory_space<semaphore_mem>>) src(%dma_wait3A_58 : memref<4096xf32, #tpu.memory_space<vmem>>) dst(%dma_wait3A_56 : memref<4096xf32, #tpu.memory_space<hbm>>)
    %add3A_59 = arith.constant 800 : i32
    %add3A_60 = arith.addi %add3A_59, %add3A : i32
    %dma_wait3A_61 = arith.constant 8192 : i32
    %dma_wait3A_62 = tpu.memref_slice %arg9[%dma_wait3A_61] : memref<16384xf32, #tpu.memory_space<vmem>> -> memref<4096xf32, #tpu.memory_space<vmem>>
    %dma_wait3A_63 = arith.constant 8192 : i32
    %dma_wait3A_64 = tpu.memref_slice %arg4[%add3A_60, %dma_wait3A_63] : memref<832x16384xf32, #tpu.memory_space<hbm>> -> memref<1x4096xf32, #tpu.memory_space<hbm>>
    %dma_wait3A_65 = tpu.memref_squeeze %dma_wait3A_64 : memref<1x4096xf32, #tpu.memory_space<hbm>> -> memref<4096xf32, #tpu.memory_space<hbm>>
    %dma_wait3A_66 = arith.constant 8192 : i32
    %dma_wait3A_67 = tpu.memref_slice %arg4[%add3A_60, %dma_wait3A_66] : memref<832x16384xf32, #tpu.memory_space<hbm>> -> memref<1x4096xf32, #tpu.memory_space<hbm>>
    %dma_wait3A_68 = tpu.memref_squeeze %dma_wait3A_67 : memref<1x4096xf32, #tpu.memory_space<hbm>> -> memref<4096xf32, #tpu.memory_space<hbm>>
    %dma_wait3A_69 = arith.constant 8192 : i32
    %dma_wait3A_70 = tpu.memref_slice %arg9[%dma_wait3A_69] : memref<16384xf32, #tpu.memory_space<vmem>> -> memref<4096xf32, #tpu.memory_space<vmem>>
    tpu.wait_dma2 semaphore(%arg20 : memref<!tpu.dma_semaphore, #tpu.memory_space<semaphore_mem>>) src(%dma_wait3A_70 : memref<4096xf32, #tpu.memory_space<vmem>>) dst(%dma_wait3A_68 : memref<4096xf32, #tpu.memory_space<hbm>>)
    %add3A_71 = arith.constant 800 : i32
    %add3A_72 = arith.addi %add3A_71, %add3A : i32
    %dma_wait3A_73 = arith.constant 12288 : i32
    %dma_wait3A_74 = tpu.memref_slice %arg9[%dma_wait3A_73] : memref<16384xf32, #tpu.memory_space<vmem>> -> memref<4096xf32, #tpu.memory_space<vmem>>
    %dma_wait3A_75 = arith.constant 12288 : i32
    %dma_wait3A_76 = tpu.memref_slice %arg4[%add3A_72, %dma_wait3A_75] : memref<832x16384xf32, #tpu.memory_space<hbm>> -> memref<1x4096xf32, #tpu.memory_space<hbm>>
    %dma_wait3A_77 = tpu.memref_squeeze %dma_wait3A_76 : memref<1x4096xf32, #tpu.memory_space<hbm>> -> memref<4096xf32, #tpu.memory_space<hbm>>
    %dma_wait3A_78 = arith.constant 12288 : i32
    %dma_wait3A_79 = tpu.memref_slice %arg4[%add3A_72, %dma_wait3A_78] : memref<832x16384xf32, #tpu.memory_space<hbm>> -> memref<1x4096xf32, #tpu.memory_space<hbm>>
    %dma_wait3A_80 = tpu.memref_squeeze %dma_wait3A_79 : memref<1x4096xf32, #tpu.memory_space<hbm>> -> memref<4096xf32, #tpu.memory_space<hbm>>
    %dma_wait3A_81 = arith.constant 12288 : i32
    %dma_wait3A_82 = tpu.memref_slice %arg9[%dma_wait3A_81] : memref<16384xf32, #tpu.memory_space<vmem>> -> memref<4096xf32, #tpu.memory_space<vmem>>
    tpu.wait_dma2 semaphore(%arg21 : memref<!tpu.dma_semaphore, #tpu.memory_space<semaphore_mem>>) src(%dma_wait3A_82 : memref<4096xf32, #tpu.memory_space<vmem>>) dst(%dma_wait3A_80 : memref<4096xf32, #tpu.memory_space<hbm>>)
    return
  }
}

</mosaic_0001>

<sc_bundles>
// kernel: _sc_emb.3.cloned.1.call-start
scs
__scs_entry_jumppad:
0x0: {  	(pc) =	sbr.rel $0x88, $3  }
0x1: {  	(tag) =	ssettag $0x0;
	lr =	simm.s32 $0x1  }
0x2: {  	[smem:$0x3F9F] =	sst lr;
	_ =	strace $0xD0000000  }
0x3: {  	_ = 	snop  }
0x4: {  	_ = 	snop  }
0x5: {  	_ = 	snop  }
0x6: {  	_ = 	snop  }
0x7: {  	_ = 	snop  }
__scs_overlays_trampoline_lowered:
0x8: {  	[smem:$0x3FAE] =	sst s0  }
0x9: {  	[smem:$0x3FAF] =	sst s1  }
0xa: {  	[smem:$0x3FB0] =	sst s2  }
0xb: {  	[smem:$0x3FB1] =	sst s3  }
0xc: {  	[smem:$0x3FB2] =	sst s4  }
0xd: {  	[smem:$0x3FB3] =	sst s5  }
0xe: {  	[smem:$0x3FB4] =	sst s6  }
0xf: {  	[smem:$0x3FB5] =	sst s7  }
0x10: {  	[smem:$0x3FB6] =	sst s8  }
0x11: {  	[smem:$0x3FB7] =	sst s9;
	s0 =	simm.s32 @!p0 $0x0  }
0x12: {  	s1 =	sld [smem:$0x3F9D];
	s0 =	simm.s32 @p0 $0x1  }
0x13: {  	[smem:$0x3FB8] =	sst s0;
	s0 =	simm.s32 @!p1 $0x0  }
0x14: {  	s2 =	sld [smem:$0x3F9C];
	s0 =	simm.s32 @p1 $0x1  }
0x15: {  	[smem:$0x3FB9] =	sst s0;
	s0 =	simm.s32 @!p2 $0x0  }
0x16: {  	s3 =	sld [smem:$0x3FDB];
	s0 =	simm.s32 @p2 $0x1  }
0x17: {  	s4 =	simm.s32 $0x1BF5;
	[smem:$0x3FBB] =	sst s0  }
0x18: {  	s0 =	sld [smem:$0x3F9E];
	_ =	swait.ge [sflag:s4], $0x0  }
0x19: {  	s7 =	sld [smem:$0x3F9F]  }
0x1a: {  	s8 =	sadd.s32 $0xFFFFE003, lr  }
0x1b: {  	s9 =	sadd.s32 $0xFFFFFEF7, lr;
	s5 =	simm.s32 $0xFFFFFFFF;
	p2 =	slt.u32 s8, $0xFFFFF086  }
0x1c: {  	p1 =	slt.u32 s9, $0xF7A;
	s5 =	simm.s32 @!p2 $0x0  }
0x1d: {  	s5 =	simm.s32 @p1 $0x1;
	p0 =	seq.s32 s7, s2  }
0x1e: {  	s7 =	smul.u32 @!p0 $0xF7A, s2;
	p2 =	seq.s32 @!p0 s5, $0x0  }
0x1f: {  	s9 =	smul.u32 $0xF7A, s1;
	s8 =	simm.s32 @!p0 $0x1BF5;
	p2 =	por !p2, p0  }
0x20: {  	[sflag:s8] =	ssyncset.s32 @!p0 $0xFFFFF086;
	s6 =	sadd.s32 @!p0 s3, s7;
	s7 =	simm.s32 @!p0 $0x108  }
0x21: {  	s3 =	sadd.s32 s3, s9;
	s6 =	sadd.s32 @!p0 $0x88, s6;
	s7 =	simm.s32 @p2 $0x1082  }
0x22: {  	[simem:s7], [sflag:s8] =	dma.local @!p0 [hbm:s6], $0xF7A  }
0x23: {  	s9 =	sor.u32 $0xD0000000, s2;
	s6 =	simm.s32 $0x108;
	_ =	swait.ge @!p0 [sflag:s8], $0x0  }
0x24: {  	s3 =	sadd.s32 $0x88, s3;
	s6 =	simm.s32 @!p1 $0x1082;
	[sflag:s4] =	ssyncset.s32 $0xFFFFF086  }
0x25: {  	[simem:s6], [sflag:s4] =	dma.local [hbm:s3], $0xF7A  }
0x26: {  	[smem:$0x3F9F] =	sst s1;
	(tag) =	ssettag s2;
	_ =	strace s9  }
0x27: {  	s1 =	sld [smem:$0x3FAF]  }
0x28: {  	s2 =	sld [smem:$0x3FB0]  }
0x29: {  	s4 =	sld [smem:$0x3FB2]  }
0x2a: {  	p0 =	seq.s32 s5, $0x0;
	s5 =	sld [smem:$0x3FB3]  }
0x2b: {  	s6 =	sld [smem:$0x3FB4]  }
0x2c: {  	s7 =	sld [smem:$0x3FB5]  }
0x2d: {  	s3 =	simm.s32 $0x108;
	s8 =	sld [smem:$0x3FB6]  }
0x2e: {  	s3 =	simm.s32 @!p0 $0x1082;
	s9 =	sld [smem:$0x3FB7]  }
0x2f: {  	lr =	sadd.s32 s0, s3;
	s0 =	sld [smem:$0x3FAE]  }
0x30: {  	s3 =	sld [smem:$0x3FB1]  }
0x31: {  	[smem:$0x3FBA] =	sst s10  }
0x32: {  	s10 =	sld [smem:$0x3FB8];
	_ =	sdelay $0x3  }
0x33: {  	p0 =	seq.s32 s10, $0x1;
	s10 =	sld [smem:$0x3FBA];
	_ =	sdelay $0x3  }
0x34: {  	[smem:$0x3FBA] =	sst s10  }
0x35: {  	s10 =	sld [smem:$0x3FB9];
	_ =	sdelay $0x3  }
0x36: {  	p1 =	seq.s32 s10, $0x1;
	s10 =	sld [smem:$0x3FBA];
	_ =	sdelay $0x3  }
0x37: {  	[smem:$0x3FBA] =	sst s10  }
0x38: {  	s10 =	sld [smem:$0x3FBB]  }
0x39: {  	_ = 	snop;
	(pc) =	sbr.ind lr, $3  }
0x3a: {  	_ = 	snop  }
0x3b: {  	_ = 	snop  }
0x3c: {  	p2 =	seq.s32 s10, $0x1;
	s10 =	sld [smem:$0x3FBA]  }
0x3d: {  	_ =	shalt  }
0x3e: {  	_ =	shalt  }
0x3f: {  	_ =	shalt  }
0x40: {  	_ =	shalt  }
0x41: {  	_ =	shalt  }
0x42: {  	_ =	shalt  }
0x43: {  	_ =	shalt  }
0x44: {  	_ =	shalt  }
0x45: {  	_ =	shalt  }
0x46: {  	_ =	shalt  }
0x47: {  	_ =	shalt  }
0x48: {  	_ =	shalt  }
0x49: {  	_ =	shalt  }
0x4a: {  	_ =	shalt  }
0x4b: {  	_ =	shalt  }
0x4c: {  	_ =	shalt  }
0x4d: {  	_ =	shalt  }
0x4e: {  	_ =	shalt  }
0x4f: {  	_ =	shalt  }
0x50: {  	_ =	shalt  }
0x51: {  	_ =	shalt  }
0x52: {  	_ =	shalt  }
0x53: {  	_ =	shalt  }
0x54: {  	_ =	shalt  }
0x55: {  	_ =	shalt  }
0x56: {  	_ =	shalt  }
0x57: {  	_ =	shalt  }
0x58: {  	_ =	shalt  }
0x59: {  	_ =	shalt  }
0x5a: {  	_ =	shalt  }
0x5b: {  	_ =	shalt  }
0x5c: {  	_ =	shalt  }
0x5d: {  	_ =	shalt  }
0x5e: {  	_ =	shalt  }
0x5f: {  	_ =	shalt  }
0x60: {  	_ =	shalt  }
0x61: {  	_ =	shalt  }
0x62: {  	_ =	shalt  }
0x63: {  	_ =	shalt  }
0x64: {  	_ =	shalt  }
0x65: {  	_ =	shalt  }
0x66: {  	_ =	shalt  }
0x67: {  	_ =	shalt  }
0x68: {  	_ =	shalt  }
0x69: {  	_ =	shalt  }
0x6a: {  	_ =	shalt  }
0x6b: {  	_ =	shalt  }
0x6c: {  	_ =	shalt  }
0x6d: {  	_ =	shalt  }
0x6e: {  	_ =	shalt  }
0x6f: {  	_ =	shalt  }
0x70: {  	_ =	shalt  }
0x71: {  	_ =	shalt  }
0x72: {  	_ =	shalt  }
0x73: {  	_ =	shalt  }
0x74: {  	_ =	shalt  }
0x75: {  	_ =	shalt  }
0x76: {  	_ =	shalt  }
0x77: {  	_ =	shalt  }
0x78: {  	_ =	shalt  }
0x79: {  	_ =	shalt  }
0x7a: {  	_ =	shalt  }
0x7b: {  	_ =	shalt  }
0x7c: {  	_ =	shalt  }
0x7d: {  	_ =	shalt  }
0x7e: {  	_ =	shalt  }
0x7f: {  	_ =	shalt  }
0x80: {  	_ =	shalt  }
0x81: {  	_ =	shalt  }
0x82: {  	_ =	shalt  }
0x83: {  	_ =	shalt  }
0x84: {  	_ =	shalt  }
0x85: {  	_ =	shalt  }
0x86: {  	_ =	shalt  }
0x87: {  	_ =	shalt  }
.Lfunc_end0:
.L_simem_size_0:
called_computation_lowered:
.L_overlay_start_0:
0x88: {  	s2 =	sld [smem:$0x3FD9]  }
0x89: {  	s3 =	sld [smem:$0x3FFE];
	_ =	sdelay $0x1  }
0x8a: {  	s1 =	srdreg.scid  }
0x8b: {  	s0 =	sand.u32 $0x1, s1  }
0x8c: {  	s18 =	sshll.u32 s0, $0xA;
	s2 =	sadd.s32 s3, s2  }
0x8d: {  	s2 =	sadd.s32 s2, s18  }
0x8e: {  	[smem:$0x3FC6] =	sst s2  }
0x8f: {  	_ = 	snop  }
0x90: {  	s2 =	sld [smem:$0x3FC9]  }
0x91: {  	s19 =	sld [smem:$0x3FC8]  }
0x92: {  	s4 =	sld [smem:$0x3FD0];
	(tm) =	ssettm $0x1  }
0x93: {  	s5 =	sld [smem:$0x3FFB];
	_ =	sdelay $0x3  }
0x94: {  	_ =	strace s5  }
0x95: {  	s5 =	sld [smem:$0x3FFC];
	_ =	sdelay $0x3  }
0x96: {  	_ =	strace s5  }
0x97: {  	s5 =	sld [smem:$0x3FFD];
	_ =	sdelay $0x3  }
0x98: {  	_ =	strace s5  }
0x99: {  	_ =	strace $0x8FFFFFFF  }
0x9a: {  	s20 =	sld [smem:$0x3FDB];
	_ =	sdelay $0x1  }
0x9b: {  	s6 =	simm.s32 $_scs_section_size  }
0x9c: {  	s7 =	simm.s32 $_size__tile_overlayer_lowered;
	s8 =	simm.s32 $_tile_overlayer_lowered  }
0x9d: {  	s23 =	simm.s32 $0x1BFF;
	s22 =	sshll.u32 s8, $0x1;
	s5 =	sadd.s32 s6, s20  }
0x9e: {  	s9 =	simm.s32 $0x0;
	s21 =	sshll.u32 s7, $0x1;
	s7 =	sadd.s32 s22, s5  }
0x9f: {  	[timem:s9], [sflag:s23] =	dma.local [hbm:s7], s21  }
0xa0: {  	_ =	swait.ge [sflag:s23], s21  }
0xa1: {  	s6 =	ssub.s32 $0x0, s21;
	[sflag:s23] =	ssyncset.done $0x0  }
0xa2: {  	[sflag:s23] =	ssyncadd.s32 s6;
	_ =	sdelay $0x1  }
0xa3: {  	s24 =	simm.s32 $0x1B8B  }
0xa4: {  	_ =	swait.ge [sflag:s24], $0x1  }
0xa5: {  	[sflag:s24] =	ssyncset.done $0x0  }
0xa6: {  	s25 =	simm.s32 $0x1B8E;
	[sflag:s24] =	ssyncadd.s32 $0xFFFFFFFF  }
0xa7: {  	s26 =	simm.s32 $execute0_lowered;
	[smem:$0x3FD2] =	sst s25  }
0xa8: {  	s6 =	sshll.u32 s26, $0x1;
	_ =	strace $0x80000046;
	[dreg:$0x1] =	wrdreg $0xFFFFFFFF  }
0xa9: {  	s28 =	simm.s32 $_size_execute0_lowered;
	s5 =	sadd.s32 s5, s6;
	[dreg:$0x0] =	wrdreg $0x0  }
0xaa: {  	s6 =	sshll.u32 s28, $0x1;
	[dreg:$0x2] =	wrdreg s5  }
0xab: {  	[dreg:$0x3] =	wrdreg s6  }
0xac: {  	[dreg:$0x4] =	wrdreg $0xC0  }
0xad: {  	_ =	task [dreg:s9], $0x5FFFF  }
0xae: {  	[dreg:$0x1] =	wrdreg $0xFFFFFFFF  }
0xaf: {  	[dreg:$0x0] =	wrdreg $0x60  }
0xb0: {  	[dreg:$0x2] =	wrdreg s2  }
0xb1: {  	[dreg:$0x3] =	wrdreg s19  }
0xb2: {  	[dreg:$0x4] =	wrdreg s4  }
0xb3: {  	[dreg:$0x5] =	wrdreg $0x1E7000  }
0xb4: {  	[dreg:$0x6] =	wrdreg $0x1EB000  }
0xb5: {  	[dreg:$0x7] =	wrdreg $0x9  }
0xb6: {  	_ =	task.clear_ibuf [dreg:s9], $0x8FFFF;
	_ =	strace $0x90000046  }
0xb7: {  	s29 =	simm.s32 $0x9;
	_ =	strace $0x80000048  }
0xb8: {  	_ =	swait.ge [sflag:s29], $0x1  }
0xb9: {  	[sflag:s29] =	ssyncadd.s32 $0xFFFFFFFF  }
0xba: {  	_ =	strace $0x90000048  }
0xbb: {  	_ =	sfence  }
0xbc: {  	s30 =	sld [smem:$0x0];
	_ =	sdelay $0x2  }
0xbd: {  	s31 =	sshll.u32 s1, $0xD;
	s1 =	sshrl.u32 s1, $0x2  }
0xbe: {  	s3 =	sand.u32 $0x4000, s31;
	s1 =	sadd.s32 s1, s30  }
0xbf: {  	s0 =	sor.u32 s3, s0;
	s1 =	sshll.u32 s1, $0x11  }
0xc0: {  	s0 =	sor.u32 s1, s0  }
0xc1: {  	s0 =	sadd.s32 $0x8F2B, s0  }
0xc2: {  	[sflag:s0] =	ssyncadd.remote.s32 $0x1  }
0xc3: {  	_ =	sfence.sel $0xFFFF  }
0xc4: {  	[dreg:$0x0] =	wrdreg $0xFFFFFFFF;
	(pc) =	sbr.abs _section_cstart, $3  }
0xc5: {  	[dreg:$0x1] =	wrdreg $0xFFFFFFFF  }
0xc6: {  	_ =	task.clear_ibuf [dreg:s9], $0x2FFFF;
	_ =	strace $0x9FFFFFFF  }
0xc7: {  	(tm) =	ssettm $0x7FFFFFFF  }
tec
execute0_lowered:
.L_overlay_start_1:
0x0: {  	(tag) =	ssettag $0x1  }
0x1: {  	s13 =	rddreg [dreg:$0x0]  }
0x2: {  	s3 =	rddreg [dreg:$0x1]  }
0x3: {  	s26 =	rddreg [dreg:$0x2]  }
0x4: {  	s4 =	rddreg [dreg:$0x3]  }
0x5: {  	s0 =	srdreg.scid;
	s5 =	stileid.u32  }
0x6: {  	s6 =	rddreg [dreg:$0x4];
	s8 =	simm.s32 $0x0;
	s30 =	simm.s32 $0xC380  }
0x7: {  	s12 =	simm.s32 $0x19700;
	[smem:$0x7FF] =	sst s8;
	s18 =	sadd.s32 $0x10, s3  }
0x8: {  	s7 =	sshll.u32 s5, $0x1;
	_ =	strace $0x80000047;
	[dreg:$0x7] =	wrdreg s18  }
0x9: {  	s0 =	sand.u32 $0x1, s0;
	s21 =	sadd.s32 $0x3000, s4;
	[dreg:$0x6] =	wrdreg s7  }
0xa: {  	s2 =	sshrl.u32 s5, $0x2;
	s23 =	sadd.s32 $0x1000, s26;
	[dreg:$0xc] =	wrdreg s21  }
0xb: {  	s9 =	sadd.s32 $0x2000, s4;
	s24 =	sadd.s32 $0x2000, s26;
	[dreg:$0xe] =	wrdreg s23  }
0xc: {  	s22 =	sshll.u32 s5, $0xF;
	s25 =	sadd.s32 $0x3000, s26;
	[dreg:$0xf] =	wrdreg s24  }
0xd: {  	s29 =	sadd.s32 $0x1000, s6;
	s31 =	sadd.s32 $0x2000, s6;
	[dreg:$0x10] =	wrdreg s25  }
0xe: {  	p0 =	sne.s32 s5, $0x0;
	p1 =	seq.s32 s5, $0x0;
	[dreg:$0x11] =	wrdreg s29  }
0xf: {  	s1 =	sor.u32 s0, s7;
	s2 =	smul.u32 $0xC3800, s2;
	[dreg:$0x12] =	wrdreg s31  }
0x10: {  	s0 =	ssub.s32 $0x2, s0;
	s20 =	sor.u32 $0x40, s7;
	[dreg:$0xb] =	wrdreg s9  }
0x11: {  	s7 =	sadd.s32 $0x1000, s4;
	s31 =	sadd.s32 $0x3000, s6;
	[dreg:$0x9] =	wrdreg s20  }
0x12: {  	s1 =	sshll.u32 s1, $0x7;
	s17 =	sshrl.u32 s0, $0x1;
	[dreg:$0xa] =	wrdreg s7  }
0x13: {  	[dreg:$0x13] =	wrdreg s31;
	s28 =	sand.u32 $0x380, s1;
	s0 =	ssub.s32 s0, s17  }
0x14: {  	s2 =	sor.u32 s2, s28;
	s0 =	smax.u32 s0, $0x1;
	[dreg:$0x17] =	wrdreg s28  }
0x15: {  	s19 =	sshrl.u32 s2, $0x3;
	[dreg:$0x14] =	wrdreg s0;
	s0 =	sshrl.u32 @!p0 s4, $0x3  }
0x16: {  	s23 =	simm.s32 $0x6;
	s1 =	sadd.s32 s13, s19;
	[dreg:$0x15] =	wrdreg s0  }
0x17: {  	s25 =	simm.s32 $0x1A700;
	s0 =	sshrl.u32 @!p0 s6, $0x3;
	[dreg:$0x8] =	wrdreg s1  }
0x18: {  	v0 =	vimm.s32 $0x0;
	vm0 =	vcmask $0x300;
	s20 =	simm.s32 $0x18700;
	s1 =	sand.u32 $0x60000, s22;
	[dreg:$0x16] =	wrdreg s0  }
0x19: {  	v1 =	vlaneseq.u32;
	v0 =	vsel vm0, $0x7, v0;
	s4 =	simm.s32 $0x5;
	s2 =	simm.s32 $0x0;
	[dreg:$0xd] =	wrdreg s1  }
.LBB2_1:
0x1a: {  	[dreg:$0x18] =	wrdreg s2  }
0x1b: {  	s0 =	simm.s32 @!p0 $0x1;
	s1 =	simm.s32 @!p0 $0x10;
	s5 =	rddreg [dreg:$0x1]  }
0x1c: {  	s2 =	simm.s32 @!p0 $0x80;
	s3 =	simm.s32 @!p0 $0x1C03;
	s6 =	rddreg [dreg:$0x15]  }
0x1d: {  	[spmem:s6@s1], [sflag:s3] =	dma.strided @!p0 [hbm:s5@s2], $0x800, s0, $0x10   }
0x1e: {  	s5 =	rddreg [dreg:$0x7]  }
0x1f: {  	s3 =	simm.s32 @!p0 $0x1C04;
	s6 =	rddreg [dreg:$0x16]  }
0x20: {  	[spmem:s6@s1], [sflag:s3] =	dma.strided @!p0 [hbm:s5@s2], $0x800, s0, $0x10   }
0x21: {  	s0 =	simm.s32 @!p0 $0x3  }
0x22: {  	_ =	swait.ge @!p0 [sflag:s0], $0x800  }
0x23: {  	[sflag:s0] =	ssyncset.done @!p0 $0x0  }
0x24: {  	[sflag:s0] =	ssyncadd.s32 @!p0 $0xFFFFF800  }
0x25: {  	[bflag:$0x0] =	sbarrier.arrive $0xFFFF  }
0x26: {  	s24 =	simm.s32 $0x80;
	s21 =	rddreg [dreg:$0x3]  }
0x27: {  	[tilespmem:s20], [sflag:$0x5] =	stream.linear.gather [spmem:s21], $0x1000, $0x38;
	[tilespmem:$0x1EF00] =	vst v63  }
0x28: {  	s31 =	simm.s32 $0x400;
	s29 =	simm.s32 $0x80;
	s22 =	rddreg [dreg:$0x8]  }
0x29: {  	[tilespmem:s8], [sflag:$0x1] =	stream.strided.gather [hbm4b:s22+s24], $0xC380, s31, s24, $0x38;
	[tilespmem:$0x1EF00] =	vst v63  }
0x2a: {  	s10 =	simm.s32 $0x400;
	s11 =	simm.s32 $0x0;
	s0 =	sadd.s32 $0xC380, s22  }
0x2b: {  	[tilespmem:s30], [sflag:$0x2] =	stream.strided.gather [hbm4b:s0+s24], $0xC380, s31, s24, $0x38;
	[tilespmem:$0x1EF00] =	vst v63  }
.LBB2_2:
0x2c: {  	s0 =	simm.s32 $0x1  }
0x2d: {  	_ =	swait.ge [sflag:s0], $0xC380  }
0x2e: {  	[sflag:s0] =	ssyncset.done $0x0  }
0x2f: {  	[sflag:s0] =	ssyncadd.s32 $0xFFFF3C80  }
0x30: {  	_ =	swait.ge [sflag:s4], $0x1000  }
0x31: {  	p2 =	seq.s32 s11, $0x0;
	[sflag:s4] =	ssyncset.done $0x0  }
0x32: {  	s0 =	simm.s32 @!p2 $0x7;
	[sflag:s4] =	ssyncadd.s32 $0xFFFFF000  }
0x33: {  	[tilespmem:s12], [sflag:$0x6] =	stream.linear.gather [spmem:s7], $0x1000, $0x38;
	[tilespmem:$0x1EF00] =	vst v63  }
0x34: {  	_ =	swait.ge @!p2 [sflag:s0], $0x1000  }
0x35: {  	[sflag:s0] =	ssyncset.done @!p2 $0x0  }
0x36: {  	s31 =	simm.s32 $0x18780;
	[sflag:s0] =	ssyncadd.s32 @!p2 $0xFFFFF000  }
0x37: {  	v2 =	vld [tilespmem:s31+$0x70]  }
0x38: {  	v3 =	vld [tilespmem:s31+$0xFFFFFF90]  }
0x39: {  	v4 =	vld [tilespmem:s31+$0xFFFFFFA0]  }
0x3a: {  	v5 =	vld [tilespmem:s31+$0xFFFFFFB0]  }
0x3b: {  	v6 =	vld [tilespmem:s31+$0xFFFFFFC0]  }
0x3c: {  	v7 =	vld [tilespmem:s31+$0xFFFFFFD0]  }
0x3d: {  	v8 =	vld [tilespmem:s31+$0xFFFFFFE0]  }
0x3e: {  	v9 =	vld [tilespmem:s31+$0xFFFFFFF0]  }
0x3f: {  	v10 =	vld [tilespmem:s31+$0x0]  }
0x40: {  	v11 =	vld [tilespmem:s31+$0x10]  }
0x41: {  	v12 =	vld [tilespmem:s31+$0x20];
	vm0 =	vlt.s32 v2, $0xC380  }
0x42: {  	v13 =	vld [tilespmem:s31+$0x30];
	vm1 =	vlt.s32 v3, $0xC380  }
0x43: {  	v14 =	vld [tilespmem:s31+$0x40];
	vm14 =	vlt.s32 v4, $0xC380  }
0x44: {  	v15 =	vld [tilespmem:s31+$0x50];
	vm2 =	vlt.s32 v5, $0xC380  }
0x45: {  	v16 =	vld [tilespmem:s31+$0x60];
	vm3 =	vlt.s32 v6, $0xC380  }
0x46: {  	v17 =	vld [tilespmem:s31+$0xFFFFFF80];
	vm4 =	vlt.s32 v7, $0xC380  }
0x47: {  	vm5 =	vlt.s32 v8, $0xC380;
	v2 =	vld.idx.msk [tilespmem:v2+s8+$0x0], vm0  }
0x48: {  	vm6 =	vlt.s32 v9, $0xC380;
	v3 =	vld.idx.msk [tilespmem:v3+s8+$0x0], vm1  }
0x49: {  	vm15 =	vlt.s32 v10, $0xC380;
	v4 =	vld.idx.msk [tilespmem:v4+s8+$0x0], vm14  }
0x4a: {  	vm9 =	vlt.s32 v11, $0xC380;
	v5 =	vld.idx.msk [tilespmem:v5+s8+$0x0], vm2  }
0x4b: {  	s0 =	simm.s32 $0x1A780;
	vm10 =	vlt.s32 v12, $0xC380;
	v6 =	vld.idx.msk [tilespmem:v6+s8+$0x0], vm3  }
0x4c: {  	vm11 =	vlt.s32 v17, $0xC380;
	v7 =	vld.idx.msk [tilespmem:v7+s8+$0x0], vm4;
	[tilespmem:s0+$0x70] =	vst v2  }
0x4d: {  	vm12 =	vlt.s32 v13, $0xC380;
	v8 =	vld.idx.msk [tilespmem:v8+s8+$0x0], vm5;
	[tilespmem:s0+$0xFFFFFF90] =	vst v3  }
0x4e: {  	vm13 =	vlt.s32 v14, $0xC380;
	v9 =	vld.idx.msk [tilespmem:v9+s8+$0x0], vm6;
	[tilespmem:s0+$0xFFFFFFA0] =	vst v4  }
0x4f: {  	vm14 =	vlt.s32 v15, $0xC380;
	v10 =	vld.idx.msk [tilespmem:v10+s8+$0x0], vm15;
	[tilespmem:s0+$0xFFFFFFB0] =	vst v5  }
0x50: {  	vm15 =	vlt.s32 v16, $0xC380;
	v11 =	vld.idx.msk [tilespmem:v11+s8+$0x0], vm9;
	[tilespmem:s0+$0xFFFFFFC0] =	vst v6  }
0x51: {  	v3 =	vld.idx.msk [tilespmem:v12+s8+$0x0], vm10;
	[tilespmem:s0+$0xFFFFFFD0] =	vst v7  }
0x52: {  	v2 =	vld.idx.msk [tilespmem:v17+s8+$0x0], vm11;
	[tilespmem:s0+$0xFFFFFFE0] =	vst v8  }
0x53: {  	v4 =	vld.idx.msk [tilespmem:v13+s8+$0x0], vm12;
	[tilespmem:s0+$0xFFFFFFF0] =	vst v9  }
0x54: {  	s1 =	sshll.u32 s11, $0x1;
	v5 =	vld.idx.msk [tilespmem:v14+s8+$0x0], vm13;
	[tilespmem:s0+$0x0] =	vst v10  }
0x55: {  	v6 =	vld.idx.msk [tilespmem:v15+s8+$0x0], vm14;
	[dreg:$0x19] =	wrdreg s1  }
0x56: {  	s2 =	simm.s32 $0x18880;
	s1 =	simm.s32 $0x0;
	[tilespmem:s0+$0x10] =	vst v11;
	v7 =	vld.idx.msk [tilespmem:v16+s8+$0x0], vm15  }
.LBB2_3:
0x57: {  	v8 =	vld [tilespmem:s2+$0x70];
	s1 =	sadd.s32 $0x10, s1;
	[tilespmem:s0+$0x20] =	vst v3  }
0x58: {  	v3 =	vld [tilespmem:s2+$0xFFFFFF90];
	p3 =	slt.u32 s1, $0xF0;
	[tilespmem:s0+$0xFFFFFF80] =	vst v2  }
0x59: {  	v2 =	vld [tilespmem:s2+$0xFFFFFFA0];
	[tilespmem:s0+$0x30] =	vst v4  }
0x5a: {  	v4 =	vld [tilespmem:s2+$0xFFFFFFB0];
	[tilespmem:s0+$0x40] =	vst v5  }
0x5b: {  	v5 =	vld [tilespmem:s2+$0xFFFFFFC0];
	[tilespmem:s0+$0x50] =	vst v6  }
0x5c: {  	v6 =	vld [tilespmem:s2+$0xFFFFFFD0];
	vm5 =	vlt.s32 v8, $0xC380;
	[tilespmem:s0+$0x60] =	vst v7  }
0x5d: {  	vm9 =	vlt.s32 v3, $0xC380;
	v7 =	vld [tilespmem:s2+$0xFFFFFFE0]  }
0x5e: {  	vm1 =	vlt.s32 v2, $0xC380;
	v9 =	vld [tilespmem:s2+$0xFFFFFFF0]  }
0x5f: {  	vm2 =	vlt.s32 v4, $0xC380;
	v10 =	vld [tilespmem:s2+$0x0]  }
0x60: {  	vm3 =	vlt.s32 v5, $0xC380;
	v11 =	vld [tilespmem:s2+$0x10]  }
0x61: {  	vm0 =	vlt.s32 v6, $0xC380;
	v12 =	vld [tilespmem:s2+$0x20]  }
0x62: {  	vm4 =	vlt.s32 v7, $0xC380;
	v8 =	vld.idx.msk [tilespmem:v8+s8+$0x0], vm5  }
0x63: {  	vm5 =	vlt.s32 v9, $0xC380;
	v13 =	vld [tilespmem:s2+$0x30]  }
0x64: {  	vm6 =	vlt.s32 v10, $0xC380;
	v14 =	vld [tilespmem:s2+$0x40]  }
0x65: {  	vm7 =	vlt.s32 v11, $0xC380;
	v15 =	vld [tilespmem:s2+$0x50]  }
0x66: {  	vm8 =	vlt.s32 v12, $0xC380;
	v16 =	vld [tilespmem:s2+$0x60]  }
0x67: {  	s0 =	sadd.s32 $0x100, s0;
	v17 =	vld [tilespmem:s2+$0xFFFFFF80]  }
0x68: {  	v3 =	vld.idx.msk [tilespmem:v3+s8+$0x0], vm9;
	vm9 =	vlt.s32 v13, $0xC380;
	[tilespmem:s0+$0x70] =	vst v8  }
0x69: {  	v2 =	vld.idx.msk [tilespmem:v2+s8+$0x0], vm1;
	vm1 =	vlt.s32 v14, $0xC380  }
0x6a: {  	v4 =	vld.idx.msk [tilespmem:v4+s8+$0x0], vm2;
	vm2 =	vlt.s32 v15, $0xC380  }
0x6b: {  	v5 =	vld.idx.msk [tilespmem:v5+s8+$0x0], vm3;
	vm3 =	vlt.s32 v16, $0xC380  }
0x6c: {  	vm10 =	vlt.s32 v17, $0xC380;
	v6 =	vld.idx.msk [tilespmem:v6+s8+$0x0], vm0  }
0x6d: {  	v7 =	vld.idx.msk [tilespmem:v7+s8+$0x0], vm4  }
0x6e: {  	[tilespmem:s0+$0xFFFFFF90] =	vst v3;
	v8 =	vld.idx.msk [tilespmem:v9+s8+$0x0], vm5  }
0x6f: {  	[tilespmem:s0+$0xFFFFFFA0] =	vst v2;
	v9 =	vld.idx.msk [tilespmem:v10+s8+$0x0], vm6  }
0x70: {  	[tilespmem:s0+$0xFFFFFFB0] =	vst v4;
	v10 =	vld.idx.msk [tilespmem:v11+s8+$0x0], vm7  }
0x71: {  	[tilespmem:s0+$0xFFFFFFC0] =	vst v5;
	v3 =	vld.idx.msk [tilespmem:v12+s8+$0x0], vm8  }
.Ltmp0:
0x72: {  	v2 =	vld.idx.msk [tilespmem:v17+s8+$0x0], vm10;
	[tilespmem:s0+$0xFFFFFFD0] =	vst v6;
	(pc) =	sbr.rel @p3 .LBB2_3-.Ltmp0, $4  }
0x73: {  	[tilespmem:s0+$0xFFFFFFE0] =	vst v7;
	v4 =	vld.idx.msk [tilespmem:v13+s8+$0x0], vm9  }
0x74: {  	[tilespmem:s0+$0xFFFFFFF0] =	vst v8;
	v5 =	vld.idx.msk [tilespmem:v14+s8+$0x0], vm1  }
0x75: {  	[tilespmem:s0+$0x0] =	vst v9;
	v6 =	vld.idx.msk [tilespmem:v15+s8+$0x0], vm2  }
0x76: {  	s2 =	sadd.s32 $0x100, s2;
	[tilespmem:s0+$0x10] =	vst v10;
	v7 =	vld.idx.msk [tilespmem:v16+s8+$0x0], vm3  }
0x77: {  	[tilespmem:s0+$0x20] =	vst v3  }
0x78: {  	[tilespmem:s0+$0xFFFFFF80] =	vst v2  }
0x79: {  	[tilespmem:s0+$0x30] =	vst v4  }
0x7a: {  	[tilespmem:s0+$0x40] =	vst v5  }
0x7b: {  	[tilespmem:s0+$0x50] =	vst v6  }
0x7c: {  	[tilespmem:s0+$0x60] =	vst v7  }
0x7d: {  	_ =	swait.ge [sflag:s23], $0x1000  }
0x7e: {  	[sflag:s23] =	ssyncset.done $0x0  }
0x7f: {  	s0 =	simm.s32 @!p2 $0x8;
	[sflag:s23] =	ssyncadd.s32 $0xFFFFF000  }
0x80: {  	[tilespmem:s20], [sflag:$0x5] =	stream.linear.gather [spmem:s9], $0x1000, $0x38;
	[tilespmem:$0x1EF00] =	vst v63  }
0x81: {  	_ =	swait.ge @!p2 [sflag:s0], $0x1000  }
0x82: {  	[sflag:s0] =	ssyncset.done @!p2 $0x0  }
0x83: {  	s31 =	simm.s32 $0x19780;
	[sflag:s0] =	ssyncadd.s32 @!p2 $0xFFFFF000  }
0x84: {  	v2 =	vld [tilespmem:s31+$0x70]  }
0x85: {  	v3 =	vld [tilespmem:s31+$0xFFFFFF90]  }
0x86: {  	v4 =	vld [tilespmem:s31+$0xFFFFFFA0]  }
0x87: {  	v5 =	vld [tilespmem:s31+$0xFFFFFFB0]  }
0x88: {  	v6 =	vld [tilespmem:s31+$0xFFFFFFC0]  }
0x89: {  	v7 =	vld [tilespmem:s31+$0xFFFFFFD0]  }
0x8a: {  	v8 =	vld [tilespmem:s31+$0xFFFFFFE0]  }
0x8b: {  	v9 =	vld [tilespmem:s31+$0xFFFFFFF0]  }
0x8c: {  	v10 =	vld [tilespmem:s31+$0x0]  }
0x8d: {  	v11 =	vld [tilespmem:s31+$0x10]  }
0x8e: {  	v12 =	vld [tilespmem:s31+$0x20];
	vm0 =	vlt.s32 v2, $0xC380  }
0x8f: {  	v13 =	vld [tilespmem:s31+$0x30];
	vm1 =	vlt.s32 v3, $0xC380  }
0x90: {  	v14 =	vld [tilespmem:s31+$0x40];
	vm14 =	vlt.s32 v4, $0xC380  }
0x91: {  	v15 =	vld [tilespmem:s31+$0x50];
	vm2 =	vlt.s32 v5, $0xC380  }
0x92: {  	v16 =	vld [tilespmem:s31+$0x60];
	vm3 =	vlt.s32 v6, $0xC380  }
0x93: {  	v17 =	vld [tilespmem:s31+$0xFFFFFF80];
	vm4 =	vlt.s32 v7, $0xC380  }
0x94: {  	vm5 =	vlt.s32 v8, $0xC380;
	v2 =	vld.idx.msk [tilespmem:v2+s8+$0x0], vm0  }
0x95: {  	vm6 =	vlt.s32 v9, $0xC380;
	v3 =	vld.idx.msk [tilespmem:v3+s8+$0x0], vm1  }
0x96: {  	vm15 =	vlt.s32 v10, $0xC380;
	v4 =	vld.idx.msk [tilespmem:v4+s8+$0x0], vm14  }
0x97: {  	vm9 =	vlt.s32 v11, $0xC380;
	v5 =	vld.idx.msk [tilespmem:v5+s8+$0x0], vm2  }
0x98: {  	vm10 =	vlt.s32 v12, $0xC380;
	v6 =	vld.idx.msk [tilespmem:v6+s8+$0x0], vm3  }
0x99: {  	s0 =	simm.s32 $0x1B7F0;
	vm11 =	vlt.s32 v17, $0xC380;
	v7 =	vld.idx.msk [tilespmem:v7+s8+$0x0], vm4  }
0x9a: {  	vm12 =	vlt.s32 v13, $0xC380;
	v8 =	vld.idx.msk [tilespmem:v8+s8+$0x0], vm5;
	[tilespmem:s0+$0x0] =	vst v2  }
0x9b: {  	vm13 =	vlt.s32 v14, $0xC380;
	v9 =	vld.idx.msk [tilespmem:v9+s8+$0x0], vm6;
	[tilespmem:s0+$0xFFFFFF20] =	vst v3  }
0x9c: {  	vm14 =	vlt.s32 v15, $0xC380;
	v10 =	vld.idx.msk [tilespmem:v10+s8+$0x0], vm15;
	[tilespmem:s0+$0xFFFFFF30] =	vst v4  }
0x9d: {  	vm15 =	vlt.s32 v16, $0xC380;
	v11 =	vld.idx.msk [tilespmem:v11+s8+$0x0], vm9;
	[tilespmem:s0+$0xFFFFFF40] =	vst v5  }
0x9e: {  	[tilespmem:s0+$0xFFFFFF50] =	vst v6;
	v3 =	vld.idx.msk [tilespmem:v12+s8+$0x0], vm10  }
0x9f: {  	v2 =	vld.idx.msk [tilespmem:v17+s8+$0x0], vm11;
	[tilespmem:s0+$0xFFFFFF60] =	vst v7  }
0xa0: {  	[tilespmem:s0+$0xFFFFFF70] =	vst v8;
	v4 =	vld.idx.msk [tilespmem:v13+s8+$0x0], vm12  }
0xa1: {  	[tilespmem:s0+$0xFFFFFF80] =	vst v9;
	v5 =	vld.idx.msk [tilespmem:v14+s8+$0x0], vm13  }
0xa2: {  	[tilespmem:s0+$0xFFFFFF90] =	vst v10;
	v6 =	vld.idx.msk [tilespmem:v15+s8+$0x0], vm14  }
0xa3: {  	s1 =	simm.s32 $0x0;
	s2 =	simm.s32 $0x19880;
	[tilespmem:s0+$0xFFFFFFA0] =	vst v11;
	v7 =	vld.idx.msk [tilespmem:v16+s8+$0x0], vm15  }
.LBB2_5:
0xa4: {  	v8 =	vld [tilespmem:s2+$0x70];
	s1 =	sadd.s32 $0x10, s1;
	[tilespmem:s0+$0xFFFFFFB0] =	vst v3  }
0xa5: {  	v3 =	vld [tilespmem:s2+$0xFFFFFF90];
	p3 =	slt.u32 s1, $0xF0;
	[tilespmem:s0+$0xFFFFFF10] =	vst v2  }
0xa6: {  	v2 =	vld [tilespmem:s2+$0xFFFFFFA0];
	[tilespmem:s0+$0xFFFFFFC0] =	vst v4  }
0xa7: {  	v4 =	vld [tilespmem:s2+$0xFFFFFFB0];
	[tilespmem:s0+$0xFFFFFFD0] =	vst v5  }
0xa8: {  	v5 =	vld [tilespmem:s2+$0xFFFFFFC0];
	[tilespmem:s0+$0xFFFFFFE0] =	vst v6  }
0xa9: {  	v6 =	vld [tilespmem:s2+$0xFFFFFFD0];
	vm5 =	vlt.s32 v8, $0xC380;
	[tilespmem:s0+$0xFFFFFFF0] =	vst v7  }
0xaa: {  	vm9 =	vlt.s32 v3, $0xC380;
	v7 =	vld [tilespmem:s2+$0xFFFFFFE0]  }
0xab: {  	vm1 =	vlt.s32 v2, $0xC380;
	v9 =	vld [tilespmem:s2+$0xFFFFFFF0]  }
0xac: {  	vm2 =	vlt.s32 v4, $0xC380;
	v10 =	vld [tilespmem:s2+$0x0]  }
0xad: {  	vm3 =	vlt.s32 v5, $0xC380;
	v11 =	vld [tilespmem:s2+$0x10]  }
0xae: {  	vm0 =	vlt.s32 v6, $0xC380;
	v12 =	vld [tilespmem:s2+$0x20]  }
0xaf: {  	vm4 =	vlt.s32 v7, $0xC380;
	v8 =	vld.idx.msk [tilespmem:v8+s8+$0x0], vm5  }
0xb0: {  	vm5 =	vlt.s32 v9, $0xC380;
	v13 =	vld [tilespmem:s2+$0x30]  }
0xb1: {  	vm6 =	vlt.s32 v10, $0xC380;
	v14 =	vld [tilespmem:s2+$0x40]  }
0xb2: {  	vm7 =	vlt.s32 v11, $0xC380;
	v15 =	vld [tilespmem:s2+$0x50]  }
0xb3: {  	vm8 =	vlt.s32 v12, $0xC380;
	v16 =	vld [tilespmem:s2+$0x60]  }
0xb4: {  	s0 =	sadd.s32 $0x100, s0;
	v17 =	vld [tilespmem:s2+$0xFFFFFF80]  }
0xb5: {  	v3 =	vld.idx.msk [tilespmem:v3+s8+$0x0], vm9;
	vm9 =	vlt.s32 v13, $0xC380;
	[tilespmem:s0+$0x0] =	vst v8  }
0xb6: {  	v2 =	vld.idx.msk [tilespmem:v2+s8+$0x0], vm1;
	vm1 =	vlt.s32 v14, $0xC380  }
0xb7: {  	v4 =	vld.idx.msk [tilespmem:v4+s8+$0x0], vm2;
	vm2 =	vlt.s32 v15, $0xC380  }
0xb8: {  	v5 =	vld.idx.msk [tilespmem:v5+s8+$0x0], vm3;
	vm3 =	vlt.s32 v16, $0xC380  }
0xb9: {  	vm10 =	vlt.s32 v17, $0xC380;
	v6 =	vld.idx.msk [tilespmem:v6+s8+$0x0], vm0  }
0xba: {  	v7 =	vld.idx.msk [tilespmem:v7+s8+$0x0], vm4  }
0xbb: {  	[tilespmem:s0+$0xFFFFFF20] =	vst v3;
	v8 =	vld.idx.msk [tilespmem:v9+s8+$0x0], vm5  }
0xbc: {  	[tilespmem:s0+$0xFFFFFF30] =	vst v2;
	v9 =	vld.idx.msk [tilespmem:v10+s8+$0x0], vm6  }
0xbd: {  	[tilespmem:s0+$0xFFFFFF40] =	vst v4;
	v10 =	vld.idx.msk [tilespmem:v11+s8+$0x0], vm7  }
0xbe: {  	[tilespmem:s0+$0xFFFFFF50] =	vst v5;
	v3 =	vld.idx.msk [tilespmem:v12+s8+$0x0], vm8  }
.Ltmp1:
0xbf: {  	v2 =	vld.idx.msk [tilespmem:v17+s8+$0x0], vm10;
	[tilespmem:s0+$0xFFFFFF60] =	vst v6;
	(pc) =	sbr.rel @p3 .LBB2_5-.Ltmp1, $4  }
0xc0: {  	[tilespmem:s0+$0xFFFFFF70] =	vst v7;
	v4 =	vld.idx.msk [tilespmem:v13+s8+$0x0], vm9  }
0xc1: {  	[tilespmem:s0+$0xFFFFFF80] =	vst v8;
	v5 =	vld.idx.msk [tilespmem:v14+s8+$0x0], vm1  }
0xc2: {  	[tilespmem:s0+$0xFFFFFF90] =	vst v9;
	v6 =	vld.idx.msk [tilespmem:v15+s8+$0x0], vm2  }
0xc3: {  	s2 =	sadd.s32 $0x100, s2;
	[tilespmem:s0+$0xFFFFFFA0] =	vst v10;
	v7 =	vld.idx.msk [tilespmem:v16+s8+$0x0], vm3  }
0xc4: {  	[tilespmem:s0+$0xFFFFFFB0] =	vst v3  }
0xc5: {  	[tilespmem:s0+$0xFFFFFF10] =	vst v2  }
0xc6: {  	[tilespmem:s0+$0xFFFFFFC0] =	vst v4  }
0xc7: {  	[tilespmem:s0+$0xFFFFFFD0] =	vst v5  }
0xc8: {  	[tilespmem:s0+$0xFFFFFFE0] =	vst v6  }
0xc9: {  	[tilespmem:s0+$0xFFFFFFF0] =	vst v7  }
0xca: {  	_ =	swait.ge [sflag:s4], $0x1000  }
0xcb: {  	[sflag:s4] =	ssyncset.done $0x0  }
0xcc: {  	s0 =	simm.s32 @!p2 $0x9;
	s24 =	rddreg [dreg:$0xc];
	[sflag:s4] =	ssyncadd.s32 $0xFFFFF000  }
0xcd: {  	[tilespmem:s12], [sflag:$0x6] =	stream.linear.gather [spmem:s24], $0x1000, $0x38;
	[tilespmem:$0x1EF00] =	vst v63  }
0xce: {  	_ =	swait.ge @!p2 [sflag:s0], $0x1000  }
0xcf: {  	[sflag:s0] =	ssyncset.done @!p2 $0x0  }
0xd0: {  	s31 =	simm.s32 $0x18780;
	[sflag:s0] =	ssyncadd.s32 @!p2 $0xFFFFF000  }
0xd1: {  	v2 =	vld [tilespmem:s31+$0x70]  }
0xd2: {  	v3 =	vld [tilespmem:s31+$0xFFFFFF90]  }
0xd3: {  	v4 =	vld [tilespmem:s31+$0xFFFFFFA0]  }
0xd4: {  	v5 =	vld [tilespmem:s31+$0xFFFFFFB0]  }
0xd5: {  	v6 =	vld [tilespmem:s31+$0xFFFFFFC0]  }
0xd6: {  	v7 =	vld [tilespmem:s31+$0xFFFFFFD0]  }
0xd7: {  	v8 =	vld [tilespmem:s31+$0xFFFFFFE0]  }
0xd8: {  	v9 =	vld [tilespmem:s31+$0xFFFFFFF0]  }
0xd9: {  	v10 =	vld [tilespmem:s31+$0x0]  }
0xda: {  	v11 =	vld [tilespmem:s31+$0x10]  }
0xdb: {  	v12 =	vld [tilespmem:s31+$0x20];
	vm0 =	vlt.s32 v2, $0xC380  }
0xdc: {  	v13 =	vld [tilespmem:s31+$0x30];
	vm1 =	vlt.s32 v3, $0xC380  }
0xdd: {  	v14 =	vld [tilespmem:s31+$0x40];
	vm14 =	vlt.s32 v4, $0xC380  }
0xde: {  	v15 =	vld [tilespmem:s31+$0x50];
	vm2 =	vlt.s32 v5, $0xC380  }
0xdf: {  	v16 =	vld [tilespmem:s31+$0x60];
	vm3 =	vlt.s32 v6, $0xC380  }
0xe0: {  	v17 =	vld [tilespmem:s31+$0xFFFFFF80];
	vm4 =	vlt.s32 v7, $0xC380  }
0xe1: {  	vm5 =	vlt.s32 v8, $0xC380;
	v2 =	vld.idx.msk [tilespmem:v2+s8+$0x0], vm0  }
0xe2: {  	vm6 =	vlt.s32 v9, $0xC380;
	v3 =	vld.idx.msk [tilespmem:v3+s8+$0x0], vm1  }
0xe3: {  	vm15 =	vlt.s32 v10, $0xC380;
	v4 =	vld.idx.msk [tilespmem:v4+s8+$0x0], vm14  }
0xe4: {  	vm9 =	vlt.s32 v11, $0xC380;
	v5 =	vld.idx.msk [tilespmem:v5+s8+$0x0], vm2  }
0xe5: {  	vm10 =	vlt.s32 v12, $0xC380;
	v6 =	vld.idx.msk [tilespmem:v6+s8+$0x0], vm3  }
0xe6: {  	s0 =	simm.s32 $0x1C7F0;
	vm11 =	vlt.s32 v17, $0xC380;
	v7 =	vld.idx.msk [tilespmem:v7+s8+$0x0], vm4  }
0xe7: {  	vm12 =	vlt.s32 v13, $0xC380;
	v8 =	vld.idx.msk [tilespmem:v8+s8+$0x0], vm5;
	[tilespmem:s0+$0x0] =	vst v2  }
0xe8: {  	vm13 =	vlt.s32 v14, $0xC380;
	v9 =	vld.idx.msk [tilespmem:v9+s8+$0x0], vm6;
	[tilespmem:s0+$0xFFFFFF20] =	vst v3  }
0xe9: {  	vm14 =	vlt.s32 v15, $0xC380;
	v10 =	vld.idx.msk [tilespmem:v10+s8+$0x0], vm15;
	[tilespmem:s0+$0xFFFFFF30] =	vst v4  }
0xea: {  	vm15 =	vlt.s32 v16, $0xC380;
	v11 =	vld.idx.msk [tilespmem:v11+s8+$0x0], vm9;
	[tilespmem:s0+$0xFFFFFF40] =	vst v5  }
0xeb: {  	[tilespmem:s0+$0xFFFFFF50] =	vst v6;
	v3 =	vld.idx.msk [tilespmem:v12+s8+$0x0], vm10  }
0xec: {  	v2 =	vld.idx.msk [tilespmem:v17+s8+$0x0], vm11;
	[tilespmem:s0+$0xFFFFFF60] =	vst v7  }
0xed: {  	[tilespmem:s0+$0xFFFFFF70] =	vst v8;
	v4 =	vld.idx.msk [tilespmem:v13+s8+$0x0], vm12  }
0xee: {  	[tilespmem:s0+$0xFFFFFF80] =	vst v9;
	v5 =	vld.idx.msk [tilespmem:v14+s8+$0x0], vm13  }
0xef: {  	[tilespmem:s0+$0xFFFFFF90] =	vst v10;
	v6 =	vld.idx.msk [tilespmem:v15+s8+$0x0], vm14  }
0xf0: {  	s1 =	simm.s32 $0x0;
	s2 =	simm.s32 $0x18880;
	[tilespmem:s0+$0xFFFFFFA0] =	vst v11;
	v7 =	vld.idx.msk [tilespmem:v16+s8+$0x0], vm15  }
.LBB2_7:
0xf1: {  	v8 =	vld [tilespmem:s2+$0x70];
	s1 =	sadd.s32 $0x10, s1;
	[tilespmem:s0+$0xFFFFFFB0] =	vst v3  }
0xf2: {  	v3 =	vld [tilespmem:s2+$0xFFFFFF90];
	p3 =	slt.u32 s1, $0xF0;
	[tilespmem:s0+$0xFFFFFF10] =	vst v2  }
0xf3: {  	v2 =	vld [tilespmem:s2+$0xFFFFFFA0];
	[tilespmem:s0+$0xFFFFFFC0] =	vst v4  }
0xf4: {  	v4 =	vld [tilespmem:s2+$0xFFFFFFB0];
	[tilespmem:s0+$0xFFFFFFD0] =	vst v5  }
0xf5: {  	v5 =	vld [tilespmem:s2+$0xFFFFFFC0];
	[tilespmem:s0+$0xFFFFFFE0] =	vst v6  }
0xf6: {  	v6 =	vld [tilespmem:s2+$0xFFFFFFD0];
	vm5 =	vlt.s32 v8, $0xC380;
	[tilespmem:s0+$0xFFFFFFF0] =	vst v7  }
0xf7: {  	vm9 =	vlt.s32 v3, $0xC380;
	v7 =	vld [tilespmem:s2+$0xFFFFFFE0]  }
0xf8: {  	vm1 =	vlt.s32 v2, $0xC380;
	v9 =	vld [tilespmem:s2+$0xFFFFFFF0]  }
0xf9: {  	vm2 =	vlt.s32 v4, $0xC380;
	v10 =	vld [tilespmem:s2+$0x0]  }
0xfa: {  	vm3 =	vlt.s32 v5, $0xC380;
	v11 =	vld [tilespmem:s2+$0x10]  }
0xfb: {  	vm0 =	vlt.s32 v6, $0xC380;
	v12 =	vld [tilespmem:s2+$0x20]  }
0xfc: {  	vm4 =	vlt.s32 v7, $0xC380;
	v8 =	vld.idx.msk [tilespmem:v8+s8+$0x0], vm5  }
0xfd: {  	vm5 =	vlt.s32 v9, $0xC380;
	v13 =	vld [tilespmem:s2+$0x30]  }
0xfe: {  	vm6 =	vlt.s32 v10, $0xC380;
	v14 =	vld [tilespmem:s2+$0x40]  }
0xff: {  	vm7 =	vlt.s32 v11, $0xC380;
	v15 =	vld [tilespmem:s2+$0x50]  }
0x100: {  	vm8 =	vlt.s32 v12, $0xC380;
	v16 =	vld [tilespmem:s2+$0x60]  }
0x101: {  	s0 =	sadd.s32 $0x100, s0;
	v17 =	vld [tilespmem:s2+$0xFFFFFF80]  }
0x102: {  	v3 =	vld.idx.msk [tilespmem:v3+s8+$0x0], vm9;
	vm9 =	vlt.s32 v13, $0xC380;
	[tilespmem:s0+$0x0] =	vst v8  }
0x103: {  	v2 =	vld.idx.msk [tilespmem:v2+s8+$0x0], vm1;
	vm1 =	vlt.s32 v14, $0xC380  }
0x104: {  	v4 =	vld.idx.msk [tilespmem:v4+s8+$0x0], vm2;
	vm2 =	vlt.s32 v15, $0xC380  }
0x105: {  	v5 =	vld.idx.msk [tilespmem:v5+s8+$0x0], vm3;
	vm3 =	vlt.s32 v16, $0xC380  }
0x106: {  	vm10 =	vlt.s32 v17, $0xC380;
	v6 =	vld.idx.msk [tilespmem:v6+s8+$0x0], vm0  }
0x107: {  	v7 =	vld.idx.msk [tilespmem:v7+s8+$0x0], vm4  }
0x108: {  	[tilespmem:s0+$0xFFFFFF20] =	vst v3;
	v8 =	vld.idx.msk [tilespmem:v9+s8+$0x0], vm5  }
0x109: {  	[tilespmem:s0+$0xFFFFFF30] =	vst v2;
	v9 =	vld.idx.msk [tilespmem:v10+s8+$0x0], vm6  }
0x10a: {  	[tilespmem:s0+$0xFFFFFF40] =	vst v4;
	v10 =	vld.idx.msk [tilespmem:v11+s8+$0x0], vm7  }
0x10b: {  	[tilespmem:s0+$0xFFFFFF50] =	vst v5;
	v3 =	vld.idx.msk [tilespmem:v12+s8+$0x0], vm8  }
.Ltmp2:
0x10c: {  	v2 =	vld.idx.msk [tilespmem:v17+s8+$0x0], vm10;
	[tilespmem:s0+$0xFFFFFF60] =	vst v6;
	(pc) =	sbr.rel @p3 .LBB2_7-.Ltmp2, $4  }
0x10d: {  	[tilespmem:s0+$0xFFFFFF70] =	vst v7;
	v4 =	vld.idx.msk [tilespmem:v13+s8+$0x0], vm9  }
0x10e: {  	[tilespmem:s0+$0xFFFFFF80] =	vst v8;
	v5 =	vld.idx.msk [tilespmem:v14+s8+$0x0], vm1  }
0x10f: {  	[tilespmem:s0+$0xFFFFFF90] =	vst v9;
	v6 =	vld.idx.msk [tilespmem:v15+s8+$0x0], vm2  }
0x110: {  	s2 =	sadd.s32 $0x100, s2;
	[tilespmem:s0+$0xFFFFFFA0] =	vst v10;
	v7 =	vld.idx.msk [tilespmem:v16+s8+$0x0], vm3  }
0x111: {  	[tilespmem:s0+$0xFFFFFFB0] =	vst v3  }
0x112: {  	[tilespmem:s0+$0xFFFFFF10] =	vst v2  }
0x113: {  	[tilespmem:s0+$0xFFFFFFC0] =	vst v4  }
0x114: {  	[tilespmem:s0+$0xFFFFFFD0] =	vst v5  }
0x115: {  	[tilespmem:s0+$0xFFFFFFE0] =	vst v6  }
0x116: {  	[tilespmem:s0+$0xFFFFFFF0] =	vst v7  }
0x117: {  	_ =	swait.ge [sflag:s23], $0x1000  }
0x118: {  	[sflag:s23] =	ssyncset.done $0x0  }
0x119: {  	[sflag:s23] =	ssyncadd.s32 $0xFFFFF000  }
0x11a: {  	s0 =	simm.s32 @!p2 $0xA;
	s24 =	rddreg [dreg:$0x3]  }
0x11b: {  	[tilespmem:s20], [sflag:$0x5] =	stream.linear.gather [spmem:s24], $0x1000, $0x38;
	[tilespmem:$0x1EF00] =	vst v63  }
0x11c: {  	_ =	swait.ge @!p2 [sflag:s0], $0x1000  }
0x11d: {  	[sflag:s0] =	ssyncset.done @!p2 $0x0  }
0x11e: {  	s31 =	simm.s32 $0x19780;
	[sflag:s0] =	ssyncadd.s32 @!p2 $0xFFFFF000  }
0x11f: {  	v2 =	vld [tilespmem:s31+$0x70]  }
0x120: {  	v3 =	vld [tilespmem:s31+$0xFFFFFF90]  }
0x121: {  	v4 =	vld [tilespmem:s31+$0xFFFFFFA0]  }
0x122: {  	v5 =	vld [tilespmem:s31+$0xFFFFFFB0]  }
0x123: {  	v6 =	vld [tilespmem:s31+$0xFFFFFFC0]  }
0x124: {  	v7 =	vld [tilespmem:s31+$0xFFFFFFD0]  }
0x125: {  	v8 =	vld [tilespmem:s31+$0xFFFFFFE0]  }
0x126: {  	v9 =	vld [tilespmem:s31+$0xFFFFFFF0]  }
0x127: {  	v10 =	vld [tilespmem:s31+$0x0]  }
0x128: {  	v11 =	vld [tilespmem:s31+$0x10]  }
0x129: {  	v12 =	vld [tilespmem:s31+$0x20];
	vm0 =	vlt.s32 v2, $0xC380  }
0x12a: {  	v13 =	vld [tilespmem:s31+$0x30];
	vm1 =	vlt.s32 v3, $0xC380  }
0x12b: {  	v14 =	vld [tilespmem:s31+$0x40];
	vm14 =	vlt.s32 v4, $0xC380  }
0x12c: {  	v15 =	vld [tilespmem:s31+$0x50];
	vm2 =	vlt.s32 v5, $0xC380  }
0x12d: {  	v16 =	vld [tilespmem:s31+$0x60];
	vm3 =	vlt.s32 v6, $0xC380  }
0x12e: {  	v17 =	vld [tilespmem:s31+$0xFFFFFF80];
	vm4 =	vlt.s32 v7, $0xC380  }
0x12f: {  	vm5 =	vlt.s32 v8, $0xC380;
	v2 =	vld.idx.msk [tilespmem:v2+s8+$0x0], vm0  }
0x130: {  	vm6 =	vlt.s32 v9, $0xC380;
	v3 =	vld.idx.msk [tilespmem:v3+s8+$0x0], vm1  }
0x131: {  	vm15 =	vlt.s32 v10, $0xC380;
	v4 =	vld.idx.msk [tilespmem:v4+s8+$0x0], vm14  }
0x132: {  	vm9 =	vlt.s32 v11, $0xC380;
	v5 =	vld.idx.msk [tilespmem:v5+s8+$0x0], vm2  }
0x133: {  	vm10 =	vlt.s32 v12, $0xC380;
	v6 =	vld.idx.msk [tilespmem:v6+s8+$0x0], vm3  }
0x134: {  	s2 =	simm.s32 $0x1D7F0;
	vm11 =	vlt.s32 v17, $0xC380;
	v7 =	vld.idx.msk [tilespmem:v7+s8+$0x0], vm4  }
0x135: {  	vm12 =	vlt.s32 v13, $0xC380;
	v8 =	vld.idx.msk [tilespmem:v8+s8+$0x0], vm5;
	[tilespmem:s2+$0x0] =	vst v2  }
0x136: {  	vm13 =	vlt.s32 v14, $0xC380;
	v9 =	vld.idx.msk [tilespmem:v9+s8+$0x0], vm6;
	[tilespmem:s2+$0xFFFFFF20] =	vst v3  }
0x137: {  	vm14 =	vlt.s32 v15, $0xC380;
	v10 =	vld.idx.msk [tilespmem:v10+s8+$0x0], vm15;
	[tilespmem:s2+$0xFFFFFF30] =	vst v4  }
0x138: {  	vm15 =	vlt.s32 v16, $0xC380;
	v11 =	vld.idx.msk [tilespmem:v11+s8+$0x0], vm9;
	[tilespmem:s2+$0xFFFFFF40] =	vst v5  }
0x139: {  	[tilespmem:s2+$0xFFFFFF50] =	vst v6;
	v4 =	vld.idx.msk [tilespmem:v12+s8+$0x0], vm10  }
0x13a: {  	v2 =	vld.idx.msk [tilespmem:v17+s8+$0x0], vm11;
	[tilespmem:s2+$0xFFFFFF60] =	vst v7  }
0x13b: {  	[tilespmem:s2+$0xFFFFFF70] =	vst v8;
	v3 =	vld.idx.msk [tilespmem:v13+s8+$0x0], vm12  }
0x13c: {  	[tilespmem:s2+$0xFFFFFF80] =	vst v9;
	v5 =	vld.idx.msk [tilespmem:v14+s8+$0x0], vm13  }
0x13d: {  	[tilespmem:s2+$0xFFFFFF90] =	vst v10;
	v6 =	vld.idx.msk [tilespmem:v15+s8+$0x0], vm14  }
0x13e: {  	s1 =	simm.s32 $0x19880;
	s0 =	simm.s32 $0x0;
	[tilespmem:s2+$0xFFFFFFA0] =	vst v11;
	v7 =	vld.idx.msk [tilespmem:v16+s8+$0x0], vm15  }
.LBB2_9:
0x13f: {  	v8 =	vld [tilespmem:s1+$0x70];
	s0 =	sadd.s32 $0x10, s0;
	[tilespmem:s2+$0xFFFFFFB0] =	vst v4  }
0x140: {  	v4 =	vld [tilespmem:s1+$0xFFFFFF90];
	p2 =	slt.u32 s0, $0xF0;
	[tilespmem:s2+$0xFFFFFF10] =	vst v2  }
0x141: {  	v2 =	vld [tilespmem:s1+$0xFFFFFFA0];
	[tilespmem:s2+$0xFFFFFFC0] =	vst v3  }
0x142: {  	v3 =	vld [tilespmem:s1+$0xFFFFFFB0];
	[tilespmem:s2+$0xFFFFFFD0] =	vst v5  }
0x143: {  	v5 =	vld [tilespmem:s1+$0xFFFFFFC0];
	[tilespmem:s2+$0xFFFFFFE0] =	vst v6  }
0x144: {  	v6 =	vld [tilespmem:s1+$0xFFFFFFD0];
	vm5 =	vlt.s32 v8, $0xC380;
	[tilespmem:s2+$0xFFFFFFF0] =	vst v7  }
0x145: {  	vm9 =	vlt.s32 v4, $0xC380;
	v7 =	vld [tilespmem:s1+$0xFFFFFFE0]  }
0x146: {  	vm1 =	vlt.s32 v2, $0xC380;
	v9 =	vld [tilespmem:s1+$0xFFFFFFF0]  }
0x147: {  	vm2 =	vlt.s32 v3, $0xC380;
	v10 =	vld [tilespmem:s1+$0x0]  }
0x148: {  	vm3 =	vlt.s32 v5, $0xC380;
	v11 =	vld [tilespmem:s1+$0x10]  }
0x149: {  	vm0 =	vlt.s32 v6, $0xC380;
	v12 =	vld [tilespmem:s1+$0x20]  }
0x14a: {  	vm4 =	vlt.s32 v7, $0xC380;
	v8 =	vld.idx.msk [tilespmem:v8+s8+$0x0], vm5  }
0x14b: {  	vm5 =	vlt.s32 v9, $0xC380;
	v13 =	vld [tilespmem:s1+$0x30]  }
0x14c: {  	vm6 =	vlt.s32 v10, $0xC380;
	v14 =	vld [tilespmem:s1+$0x40]  }
0x14d: {  	vm7 =	vlt.s32 v11, $0xC380;
	v15 =	vld [tilespmem:s1+$0x50]  }
0x14e: {  	vm8 =	vlt.s32 v12, $0xC380;
	v16 =	vld [tilespmem:s1+$0x60]  }
0x14f: {  	s2 =	sadd.s32 $0x100, s2;
	v17 =	vld [tilespmem:s1+$0xFFFFFF80]  }
0x150: {  	v4 =	vld.idx.msk [tilespmem:v4+s8+$0x0], vm9;
	vm9 =	vlt.s32 v13, $0xC380;
	[tilespmem:s2+$0x0] =	vst v8  }
0x151: {  	v2 =	vld.idx.msk [tilespmem:v2+s8+$0x0], vm1;
	vm1 =	vlt.s32 v14, $0xC380  }
0x152: {  	v3 =	vld.idx.msk [tilespmem:v3+s8+$0x0], vm2;
	vm2 =	vlt.s32 v15, $0xC380  }
0x153: {  	v5 =	vld.idx.msk [tilespmem:v5+s8+$0x0], vm3;
	vm3 =	vlt.s32 v16, $0xC380  }
0x154: {  	vm10 =	vlt.s32 v17, $0xC380;
	v6 =	vld.idx.msk [tilespmem:v6+s8+$0x0], vm0  }
0x155: {  	v7 =	vld.idx.msk [tilespmem:v7+s8+$0x0], vm4  }
0x156: {  	[tilespmem:s2+$0xFFFFFF20] =	vst v4;
	v8 =	vld.idx.msk [tilespmem:v9+s8+$0x0], vm5  }
0x157: {  	[tilespmem:s2+$0xFFFFFF30] =	vst v2;
	v9 =	vld.idx.msk [tilespmem:v10+s8+$0x0], vm6  }
0x158: {  	[tilespmem:s2+$0xFFFFFF40] =	vst v3;
	v10 =	vld.idx.msk [tilespmem:v11+s8+$0x0], vm7  }
0x159: {  	[tilespmem:s2+$0xFFFFFF50] =	vst v5;
	v4 =	vld.idx.msk [tilespmem:v12+s8+$0x0], vm8  }
.Ltmp3:
0x15a: {  	v2 =	vld.idx.msk [tilespmem:v17+s8+$0x0], vm10;
	[tilespmem:s2+$0xFFFFFF60] =	vst v6;
	(pc) =	sbr.rel @p2 .LBB2_9-.Ltmp3, $4  }
0x15b: {  	[tilespmem:s2+$0xFFFFFF70] =	vst v7;
	v3 =	vld.idx.msk [tilespmem:v13+s8+$0x0], vm9  }
0x15c: {  	[tilespmem:s2+$0xFFFFFF80] =	vst v8;
	v5 =	vld.idx.msk [tilespmem:v14+s8+$0x0], vm1  }
0x15d: {  	[tilespmem:s2+$0xFFFFFF90] =	vst v9;
	v6 =	vld.idx.msk [tilespmem:v15+s8+$0x0], vm2  }
0x15e: {  	s1 =	sadd.s32 $0x100, s1;
	[tilespmem:s2+$0xFFFFFFA0] =	vst v10;
	v7 =	vld.idx.msk [tilespmem:v16+s8+$0x0], vm3  }
0x15f: {  	s1 =	sshll.u32 s11, $0x6;
	s0 =	rddreg [dreg:$0x6]  }
0x160: {  	s0 =	sor.u32 s0, s1  }
0x161: {  	[tilespmem:s2+$0xFFFFFFB0] =	vst v4;
	s0 =	sshrl.u32 s0, $0x3  }
0x162: {  	[tilespmem:s2+$0xFFFFFF10] =	vst v2;
	s0 =	sor.u32 $0x4, s0  }
0x163: {  	[dreg:$0x1a] =	wrdreg s0;
	s3 =	smul.u32 $0xC3800, s0  }
0x164: {  	[tilespmem:s2+$0xFFFFFFC0] =	vst v3  }
0x165: {  	[tilespmem:s2+$0xFFFFFFD0] =	vst v5;
	s3 =	sor.u32 s28, s3  }
0x166: {  	[tilespmem:s2+$0xFFFFFFE0] =	vst v6;
	s3 =	sshrl.u32 s3, $0x3  }
0x167: {  	s14 =	simm.s32 $0x2;
	[tilespmem:s2+$0xFFFFFFF0] =	vst v7;
	s6 =	sadd.s32 s13, s3  }
0x168: {  	[tilespmem:s8], [sflag:$0x1] =	stream.strided.gather [hbm4b:s6+s29], $0xC380, s10, s29, $0x38;
	[tilespmem:$0x1EF00] =	vst v63  }
0x169: {  	_ =	swait.ge [sflag:s14], $0xC380  }
0x16a: {  	[sflag:s14] =	ssyncset.done $0x0  }
0x16b: {  	[sflag:s14] =	ssyncadd.s32 $0xFFFF3C80  }
0x16c: {  	_ =	swait.ge [sflag:s4], $0x1000  }
0x16d: {  	[sflag:s4] =	ssyncset.done $0x0  }
0x16e: {  	s15 =	simm.s32 $0x18780;
	[sflag:s4] =	ssyncadd.s32 $0xFFFFF000  }
0x16f: {  	[tilespmem:s12], [sflag:$0x6] =	stream.linear.gather [spmem:s7], $0x1000, $0x38;
	[tilespmem:$0x1EF00] =	vst v63  }
0x170: {  	v7 =	vld [tilespmem:s15+$0x70]  }
0x171: {  	v8 =	vld [tilespmem:s15+$0xFFFFFF80]  }
0x172: {  	v9 =	vld [tilespmem:s15+$0xFFFFFF90]  }
0x173: {  	v10 =	vld [tilespmem:s15+$0xFFFFFFA0]  }
0x174: {  	v4 =	vor.u32 $0x30, v1;
	s16 =	simm.s32 $0x0;
	s17 =	simm.s32 $0x80;
	v11 =	vld [tilespmem:s15+$0xFFFFFFB0]  }
0x175: {  	v2 =	vor.u32 $0x50, v1;
	s18 =	simm.s32 $0x90;
	s19 =	simm.s32 $0xA0;
	s21 =	simm.s32 $0xB0;
	v15 =	vmov s16;
	v17 =	vmov s17;
	v12 =	vld [tilespmem:s15+$0xFFFFFFC0]  }
0x176: {  	s22 =	simm.s32 $0xC0;
	s31 =	simm.s32 $0xE0;
	v20 =	vmov s18;
	v23 =	vmov s19;
	v26 =	vmov s21;
	v13 =	vld [tilespmem:s15+$0xFFFFFFD0]  }
0x177: {  	v30 =	vmov s22;
	v34 =	vmov s31;
	v17 =	vshrl.u32 v17, $0x7;
	v18 =	vld [tilespmem:s15+$0xFFFFFFF0]  }
0x178: {  	v17 =	vshll.u32 v17, v0;
	v6 =	vor.u32 $0x10, v1;
	v5 =	vor.u32 $0x20, v1;
	s2 =	simm.s32 $0xF0;
	v21 =	vld [tilespmem:s15+$0x10]  }
0x179: {  	v3 =	vor.u32 $0x40, v1;
	v16 =	vmov s2;
	v24 =	vld [tilespmem:s15+$0x20];
	vm15 =	vgt.s32 v7, $0xC37F  }
0x17a: {  	v25 =	vld [tilespmem:s15+$0x30];
	vm0 =	vgt.s32 v8, $0xC37F;
	v8 =	vadd.s32 $0xFFFF3C80, v8;
	v7 =	vadd.s32 $0xFFFF3C80, v7  }
0x17b: {  	v28 =	vld [tilespmem:s15+$0x40];
	vm1 =	vgt.s32 v9, $0xC37F;
	v14 =	vadd.s32 $0xFFFF3C80, v9;
	vm2 =	vgt.s32 v10, $0xC37F  }
0x17c: {  	v32 =	vld [tilespmem:s15+$0x60];
	v19 =	vadd.s32 $0xFFFF3C80, v10;
	v10 =	vshrl.u32 v16, $0x7;
	vm3 =	vgt.s32 v11, $0xC37F  }
0x17d: {  	v9 =	vld [tilespmem:s15+$0xFFFFFFE0];
	v11 =	vadd.s32 $0xFFFF3C80, v11;
	vm5 =	vgt.s32 v12, $0xC37F;
	v12 =	vadd.s32 $0xFFFF3C80, v12  }
0x17e: {  	v16 =	vld [tilespmem:s15+$0x0];
	vm6 =	vgt.s32 v13, $0xC37F;
	v13 =	vadd.s32 $0xFFFF3C80, v13;
	vm7 =	vgt.s32 v18, $0xC37F  }
0x17f: {  	v29 =	vadd.s32 $0xFFFF3C80, v18;
	v18 =	vld [tilespmem:s15+$0x50];
	vm9 =	vgt.s32 v21, $0xC37F;
	v21 =	vadd.s32 $0xFFFF3C80, v21  }
0x180: {  	vm11 =	vgt.s32 v24, $0xC37F;
	v24 =	vadd.s32 $0xFFFF3C80, v24;
	vm12 =	vgt.s32 v25, $0xC37F  }
0x181: {  	v25 =	vadd.s32 $0xFFFF3C80, v25;
	vm13 =	vgt.s32 v28, $0xC37F;
	v35 =	vadd.s32 $0xFFFF3C80, v28;
	v22 =	vld.idx.msk [tilespmem:v7+s30+$0x0], vm15  }
0x182: {  	vm10 =	vgt.s32 v32, $0xC37F;
	vm4 =	vgt.s32 v9, $0xC37F;
	v27 =	vadd.s32 $0xFFFF3C80, v9;
	v9 =	vld.idx.msk [tilespmem:v8+s30+$0x0], vm0  }
0x183: {  	v10 =	vshll.u32 v10, v0;
	vm8 =	vgt.s32 v16, $0xC37F;
	v31 =	vadd.s32 $0xFFFF3C80, v16;
	v16 =	vld.idx.msk [tilespmem:v11+s30+$0x0], vm3  }
0x184: {  	s24 =	simm.s32 $0xD0;
	v10 =	vbroadcast v10, $0x0;
	vm14 =	vgt.s32 v18, $0xC37F;
	v39 =	vadd.s32 $0xFFFF3C80, v18;
	v18 =	vld.idx.msk [tilespmem:v12+s30+$0x0], vm5  }
0x185: {  	v40 =	vadd.s32 $0xFFFF3C80, v32;
	v7 =	vor.u32 $0x70, v1;
	v8 =	vmov s24;
	v13 =	vld.idx.msk [tilespmem:v13+s30+$0x0], vm6  }
0x186: {  	v12 =	vshrl.u32 v20, $0x7;
	v20 =	vshrl.u32 v26, $0x7;
	v33 =	vor.u32 v7, v10;
	v10 =	vld.idx.msk [tilespmem:v14+s30+$0x0], vm1  }
0x187: {  	v14 =	vshrl.u32 v15, $0x7;
	v15 =	vld.idx.msk [tilespmem:v19+s30+$0x0], vm2;
	v19 =	vshrl.u32 v23, $0x7;
	v23 =	vshrl.u32 v30, $0x7  }
0x188: {  	v11 =	vld.idx.msk [tilespmem:v29+s30+$0x0], vm7;
	v8 =	vshrl.u32 v8, $0x7;
	v28 =	vshll.u32 v12, v0;
	v30 =	vshll.u32 v20, v0  }
0x189: {  	v20 =	vld.idx.msk [tilespmem:v25+s30+$0x0], vm12;
	v26 =	vshll.u32 v14, v0;
	v29 =	vshll.u32 v19, v0;
	v23 =	vshll.u32 v23, v0  }
0x18a: {  	v63 =	vshll.u32 v8, v0;
	v19 =	vld.idx.msk [tilespmem:v21+s30+$0x0], vm9;
	v28 =	vbroadcast v28, $0x0;
	v41 =	vbroadcast v26, $0x0  }
0x18b: {  	v8 =	vor.u32 $0x60, v1;
	v26 =	vbroadcast v17, $0x0;
	v29 =	vbroadcast v29, $0x0;
	v14 =	vld.idx.msk [tilespmem:v27+s30+$0x0], vm4  }
0x18c: {  	v27 =	vshrl.u32 v34, $0x7;
	v12 =	vld.idx.msk [tilespmem:v31+s30+$0x0], vm8;
	v32 =	vor.u32 v1, v41;
	v31 =	vbroadcast v30, $0x0  }
0x18d: {  	v21 =	vld.idx.msk [tilespmem:v24+s30+$0x0], vm11;
	v30 =	vbroadcast v23, $0x0;
	v36 =	vor.u32 v6, v41;
	v38 =	vor.u32 v5, v41  }
0x18e: {  	v37 =	vor.u32 v4, v41;
	v34 =	vor.u32 v3, v41;
	v23 =	vld.idx.msk [tilespmem:v39+s30+$0x0], vm14;
	v25 =	vor.u32 v8, v41  }
0x18f: {  	v24 =	vor.u32 v7, v41;
	v17 =	vshll.u32 v27, v0;
	[tilespmem:v33+s25+$0x0] =	vst.idx.msk vm15, v22;
	v22 =	vld.idx.msk [tilespmem:v35+s30+$0x0], vm13  }
0x190: {  	s0 =	simm.s32 $0x19700;
	s3 =	simm.s32 $0x0;
	s7 =	simm.s32 $0x18880;
	v35 =	vbroadcast v63, $0x0;
	v27 =	vor.u32 v2, v41;
	v33 =	vbroadcast v17, $0x0;
	v17 =	vld.idx.msk [tilespmem:v40+s30+$0x0], vm10  }
.LBB2_11:
0x191: {  	v39 =	vld [tilespmem:s7+$0x70];
	s3 =	sadd.s32 $0x10, s3;
	v26 =	vor.u32 v1, v26;
	v28 =	vor.u32 v6, v28;
	v29 =	vor.u32 v5, v29  }
0x192: {  	v31 =	vor.u32 v4, v31;
	v30 =	vor.u32 v3, v30;
	v35 =	vor.u32 v2, v35;
	v40 =	vld [tilespmem:s7+$0xFFFFFF80];
	p2 =	slt.u32 s3, $0xF0  }
0x193: {  	v41 =	vld [tilespmem:s7+$0xFFFFFF90];
	[tilespmem:v32+s25+$0x0] =	vst.idx.msk vm0, v9;
	v32 =	vor.u32 v8, v33  }
0x194: {  	v9 =	vld [tilespmem:s7+$0xFFFFFFA0];
	[tilespmem:v36+s25+$0x0] =	vst.idx.msk vm1, v10  }
0x195: {  	v10 =	vld [tilespmem:s7+$0xFFFFFFB0];
	[tilespmem:v38+s25+$0x0] =	vst.idx.msk vm2, v15  }
0x196: {  	v15 =	vld [tilespmem:s7+$0xFFFFFFC0];
	vm15 =	vgt.s32 v39, $0xC37F;
	[tilespmem:v37+s25+$0x0] =	vst.idx.msk vm3, v16  }
0x197: {  	s2 =	sadd.s32 $0x100, s2;
	v36 =	vadd.s32 $0xFFFF3C80, v39;
	vm0 =	vgt.s32 v40, $0xC37F;
	v16 =	vadd.s32 $0xFFFF3C80, v40;
	v33 =	vld [tilespmem:s7+$0xFFFFFFD0];
	[tilespmem:v34+s25+$0x0] =	vst.idx.msk vm5, v18  }
0x198: {  	s12 =	sadd.s32 $0xFFFFFF90, s2;
	s13 =	sadd.s32 $0xFFFFFFA0, s2;
	s14 =	sadd.s32 $0xFFFFFFB0, s2;
	v37 =	vmov s2;
	vm1 =	vgt.s32 v41, $0xC37F;
	v18 =	vadd.s32 $0xFFFF3C80, v41;
	v34 =	vld [tilespmem:s7+$0xFFFFFFE0];
	[tilespmem:v27+s25+$0x0] =	vst.idx.msk vm6, v13  }
0x199: {  	s15 =	sadd.s32 $0xFFFFFFC0, s2;
	s16 =	sadd.s32 $0xFFFFFFD0, s2;
	s17 =	sadd.s32 $0xFFFFFFE0, s2;
	v27 =	vshrl.u32 v37, $0x7;
	vm2 =	vgt.s32 v9, $0xC37F;
	v13 =	vadd.s32 $0xFFFF3C80, v9;
	v9 =	vld [tilespmem:s7+$0xFFFFFFF0];
	[tilespmem:v25+s25+$0x0] =	vst.idx.msk vm4, v14  }
0x19a: {  	s18 =	sadd.s32 $0xFFFFFF10, s2;
	s19 =	sadd.s32 $0xFFFFFFF0, s2;
	v25 =	vshll.u32 v27, v0;
	vm3 =	vgt.s32 v10, $0xC37F;
	v14 =	vadd.s32 $0xFFFF3C80, v10;
	v10 =	vld [tilespmem:s7+$0x0];
	[tilespmem:v24+s25+$0x0] =	vst.idx.msk vm7, v11  }
0x19b: {  	v24 =	vbroadcast v25, $0x0;
	vm5 =	vgt.s32 v15, $0xC37F;
	v11 =	vadd.s32 $0xFFFF3C80, v15;
	v15 =	vld [tilespmem:s7+$0x10];
	[tilespmem:v26+s25+$0x0] =	vst.idx.msk vm8, v12  }
0x19c: {  	vm6 =	vgt.s32 v33, $0xC37F;
	v12 =	vadd.s32 $0xFFFF3C80, v33;
	v25 =	vld.idx.msk [tilespmem:v36+s30+$0x0], vm15;
	[tilespmem:v28+s25+$0x0] =	vst.idx.msk vm9, v19  }
0x19d: {  	v24 =	vor.u32 v7, v24;
	vm4 =	vgt.s32 v34, $0xC37F;
	v19 =	vadd.s32 $0xFFFF3C80, v34;
	v26 =	vld [tilespmem:s7+$0x20];
	[tilespmem:v29+s25+$0x0] =	vst.idx.msk vm11, v21  }
0x19e: {  	v21 =	vmov s18;
	vm7 =	vgt.s32 v9, $0xC37F;
	v27 =	vadd.s32 $0xFFFF3C80, v9;
	v28 =	vld [tilespmem:s7+$0x30];
	[tilespmem:v31+s25+$0x0] =	vst.idx.msk vm12, v20  }
0x19f: {  	v29 =	vmov s12;
	vm8 =	vgt.s32 v10, $0xC37F;
	v20 =	vadd.s32 $0xFFFF3C80, v10;
	v31 =	vld [tilespmem:s7+$0x40];
	[tilespmem:v30+s25+$0x0] =	vst.idx.msk vm13, v22  }
0x1a0: {  	v30 =	vmov s13;
	vm9 =	vgt.s32 v15, $0xC37F;
	v22 =	vadd.s32 $0xFFFF3C80, v15;
	v33 =	vld [tilespmem:s7+$0x50];
	[tilespmem:v35+s25+$0x0] =	vst.idx.msk vm14, v23  }
0x1a1: {  	v34 =	vmov s15;
	v23 =	vmov s14;
	v35 =	vmov s16;
	v36 =	vld [tilespmem:s7+$0x60]  }
0x1a2: {  	v9 =	vld.idx.msk [tilespmem:v16+s30+$0x0], vm0;
	vm11 =	vgt.s32 v26, $0xC37F;
	v37 =	vadd.s32 $0xFFFF3C80, v26;
	v26 =	vmov s17;
	[tilespmem:v24+s25+$0x0] =	vst.idx.msk vm15, v25  }
0x1a3: {  	v25 =	vmov s19;
	v10 =	vld.idx.msk [tilespmem:v18+s30+$0x0], vm1;
	vm12 =	vgt.s32 v28, $0xC37F;
	v24 =	vadd.s32 $0xFFFF3C80, v28;
	[tilespmem:v32+s25+$0x0] =	vst.idx.msk vm10, v17  }
0x1a4: {  	v17 =	vshrl.u32 v21, $0x7;
	v15 =	vld.idx.msk [tilespmem:v13+s30+$0x0], vm2;
	vm13 =	vgt.s32 v31, $0xC37F;
	v38 =	vadd.s32 $0xFFFF3C80, v31  }
0x1a5: {  	v21 =	vshrl.u32 v29, $0x7;
	v16 =	vld.idx.msk [tilespmem:v14+s30+$0x0], vm3;
	vm14 =	vgt.s32 v33, $0xC37F;
	v39 =	vadd.s32 $0xFFFF3C80, v33  }
0x1a6: {  	v28 =	vshrl.u32 v30, $0x7;
	v18 =	vld.idx.msk [tilespmem:v11+s30+$0x0], vm5;
	vm10 =	vgt.s32 v36, $0xC37F;
	v40 =	vadd.s32 $0xFFFF3C80, v36  }
0x1a7: {  	v29 =	vshrl.u32 v35, $0x7;
	v13 =	vld.idx.msk [tilespmem:v12+s30+$0x0], vm6;
	v12 =	vshrl.u32 v23, $0x7;
	v23 =	vshrl.u32 v34, $0x7  }
0x1a8: {  	v25 =	vshrl.u32 v25, $0x7;
	v17 =	vshll.u32 v17, v0;
	v14 =	vld.idx.msk [tilespmem:v19+s30+$0x0], vm4;
	v19 =	vshrl.u32 v26, $0x7  }
0x1a9: {  	v21 =	vshll.u32 v21, v0;
	v30 =	vshll.u32 v12, v0;
	v11 =	vld.idx.msk [tilespmem:v27+s30+$0x0], vm7;
	v27 =	vshll.u32 v28, v0  }
0x1aa: {  	v33 =	vshll.u32 v29, v0;
	v23 =	vshll.u32 v23, v0;
	v34 =	vshll.u32 v19, v0;
	v12 =	vld.idx.msk [tilespmem:v20+s30+$0x0], vm8  }
0x1ab: {  	v25 =	vshll.u32 v25, v0;
	v17 =	vbroadcast v17, $0x0;
	v26 =	vbroadcast v21, $0x0;
	v19 =	vld.idx.msk [tilespmem:v22+s30+$0x0], vm9  }
.Ltmp4:
0x1ac: {  	v29 =	vbroadcast v30, $0x0;
	v28 =	vbroadcast v27, $0x0;
	v21 =	vld.idx.msk [tilespmem:v37+s30+$0x0], vm11;
	(pc) =	sbr.rel @p2 .LBB2_11-.Ltmp4, $4  }
0x1ad: {  	v32 =	vor.u32 v1, v17;
	v31 =	vbroadcast v23, $0x0;
	v30 =	vbroadcast v33, $0x0;
	v20 =	vld.idx.msk [tilespmem:v24+s30+$0x0], vm12  }
0x1ae: {  	v36 =	vor.u32 v6, v17;
	v33 =	vbroadcast v25, $0x0;
	v35 =	vbroadcast v34, $0x0;
	v22 =	vld.idx.msk [tilespmem:v38+s30+$0x0], vm13  }
0x1af: {  	v34 =	vor.u32 v3, v17;
	v37 =	vor.u32 v4, v17;
	v38 =	vor.u32 v5, v17;
	v23 =	vld.idx.msk [tilespmem:v39+s30+$0x0], vm14  }
0x1b0: {  	s7 =	sadd.s32 $0x100, s7;
	v25 =	vor.u32 v8, v17;
	v27 =	vor.u32 v2, v17;
	v24 =	vor.u32 v7, v17;
	v17 =	vld.idx.msk [tilespmem:v40+s30+$0x0], vm10  }
0x1b1: {  	_ =	sdelay $0x4  }
0x1b2: {  	[tilespmem:v32+s25+$0x0] =	vst.idx.msk vm0, v9  }
0x1b3: {  	[tilespmem:v36+s25+$0x0] =	vst.idx.msk vm1, v10  }
0x1b4: {  	[tilespmem:v38+s25+$0x0] =	vst.idx.msk vm2, v15  }
0x1b5: {  	v9 =	vor.u32 v1, v26;
	[tilespmem:v37+s25+$0x0] =	vst.idx.msk vm3, v16  }
0x1b6: {  	v10 =	vor.u32 v6, v28;
	[tilespmem:v34+s25+$0x0] =	vst.idx.msk vm5, v18  }
0x1b7: {  	v15 =	vor.u32 v5, v29;
	[tilespmem:v27+s25+$0x0] =	vst.idx.msk vm6, v13  }
0x1b8: {  	v13 =	vor.u32 v4, v31;
	[tilespmem:v25+s25+$0x0] =	vst.idx.msk vm4, v14  }
0x1b9: {  	[tilespmem:v24+s25+$0x0] =	vst.idx.msk vm7, v11  }
0x1ba: {  	[tilespmem:v9+s25+$0x0] =	vst.idx.msk vm8, v12  }
0x1bb: {  	v14 =	vor.u32 v3, v30;
	[tilespmem:v10+s25+$0x0] =	vst.idx.msk vm9, v19  }
0x1bc: {  	v11 =	vor.u32 v2, v35;
	[tilespmem:v15+s25+$0x0] =	vst.idx.msk vm11, v21  }
0x1bd: {  	v9 =	vor.u32 v8, v33;
	[tilespmem:v13+s25+$0x0] =	vst.idx.msk vm12, v20  }
0x1be: {  	s2 =	sshll.u32 s11, $0x14;
	s3 =	rddreg [dreg:$0xd]  }
0x1bf: {  	s2 =	sor.u32 s2, s3  }
0x1c0: {  	[tilespmem:v14+s25+$0x0] =	vst.idx.msk vm13, v22;
	s2 =	sor.u32 s28, s2  }
0x1c1: {  	[tilespmem:v11+s25+$0x0] =	vst.idx.msk vm14, v23;
	s3 =	sshrl.u32 s2, $0x3  }
0x1c2: {  	[tilespmem:v9+s25+$0x0] =	vst.idx.msk vm10, v17;
	s2 =	sadd.s32 s26, s3  }
0x1c3: {  	[hbm4b:s2+s29] =	stream.strided.scatter [tilespmem:s25], [sflag:$0x7], $0x1000, s10, s29, $0x38;
	[tilespmem:$0x1EF00] =	vst v63  }
0x1c4: {  	_ =	swait.ge [sflag:s23], $0x1000  }
0x1c5: {  	[sflag:s23] =	ssyncset.done $0x0  }
0x1c6: {  	s7 =	simm.s32 $0x19780;
	[sflag:s23] =	ssyncadd.s32 $0xFFFFF000  }
0x1c7: {  	[tilespmem:s20], [sflag:$0x5] =	stream.linear.gather [spmem:s9], $0x1000, $0x38;
	[tilespmem:$0x1EF00] =	vst v63  }
0x1c8: {  	v9 =	vld [tilespmem:s7+$0x70]  }
0x1c9: {  	s12 =	simm.s32 $0x1000;
	s14 =	simm.s32 $0x1030;
	s15 =	simm.s32 $0x1040;
	v10 =	vld [tilespmem:s7+$0xFFFFFF90]  }
0x1ca: {  	s16 =	simm.s32 $0x1050;
	s17 =	simm.s32 $0x1060;
	s18 =	simm.s32 $0x1070;
	v18 =	vmov s12;
	v25 =	vmov s14;
	v26 =	vmov s15;
	v11 =	vld [tilespmem:s7+$0xFFFFFFA0]  }
0x1cb: {  	s19 =	simm.s32 $0x1080;
	s21 =	simm.s32 $0x10A0;
	v28 =	vmov s16;
	v29 =	vmov s17;
	v53 =	vmov s18;
	s2 =	simm.s32 $0x10F0;
	v12 =	vld [tilespmem:s7+$0xFFFFFFB0]  }
0x1cc: {  	s24 =	simm.s32 $0x10C0;
	s31 =	simm.s32 $0x10E0;
	v54 =	vmov s19;
	v57 =	vmov s21;
	v16 =	vmov s2;
	v13 =	vld [tilespmem:s7+$0xFFFFFFC0]  }
0x1cd: {  	v58 =	vmov s24;
	v44 =	vmov s31;
	v16 =	vshrl.u32 v16, $0x7;
	v14 =	vld [tilespmem:s7+$0xFFFFFFD0]  }
0x1ce: {  	v18 =	vshrl.u32 v18, $0x7;
	v59 =	vshrl.u32 v58, $0x7;
	v16 =	vshll.u32 v16, v0;
	v15 =	vld [tilespmem:s7+$0xFFFFFFE0]  }
0x1cf: {  	s13 =	simm.s32 $0x1020;
	v60 =	vshrl.u32 v44, $0x7;
	v18 =	vshll.u32 v18, v0;
	s9 =	simm.s32 $0x1010;
	v16 =	vbroadcast v16, $0x0;
	v17 =	vld [tilespmem:s7+$0xFFFFFFF0]  }
0x1d0: {  	v18 =	vbroadcast v18, $0x0;
	v22 =	vmov s13;
	v19 =	vld [tilespmem:s7+$0x0];
	v21 =	vmov s9  }
0x1d1: {  	v20 =	vld [tilespmem:s7+$0x10];
	v30 =	vor.u32 v7, v16;
	vm15 =	vgt.s32 v9, $0xC37F;
	vm0 =	vgt.s32 v10, $0xC37F  }
0x1d2: {  	v27 =	vld [tilespmem:s7+$0x50];
	v10 =	vadd.s32 $0xFFFF3C80, v10;
	v9 =	vadd.s32 $0xFFFF3C80, v9;
	vm2 =	vgt.s32 v11, $0xC37F  }
0x1d3: {  	v16 =	vld [tilespmem:s7+$0x40];
	v11 =	vadd.s32 $0xFFFF3C80, v11;
	vm1 =	vgt.s32 v12, $0xC37F;
	v12 =	vadd.s32 $0xFFFF3C80, v12  }
0x1d4: {  	vm3 =	vgt.s32 v13, $0xC37F;
	vm4 =	vgt.s32 v14, $0xC37F;
	v23 =	vadd.s32 $0xFFFF3C80, v14;
	v14 =	vld [tilespmem:s7+$0x20]  }
0x1d5: {  	v13 =	vadd.s32 $0xFFFF3C80, v13;
	vm5 =	vgt.s32 v15, $0xC37F;
	v24 =	vadd.s32 $0xFFFF3C80, v15;
	v15 =	vld [tilespmem:s7+$0x30]  }
0x1d6: {  	vm6 =	vgt.s32 v17, $0xC37F;
	vm7 =	vgt.s32 v19, $0xC37F;
	v31 =	vadd.s32 $0xFFFF3C80, v19;
	v19 =	vld [tilespmem:s7+$0x60]  }
0x1d7: {  	s22 =	simm.s32 $0x10B0;
	v17 =	vadd.s32 $0xFFFF3C80, v17;
	vm8 =	vgt.s32 v20, $0xC37F;
	v52 =	vadd.s32 $0xFFFF3C80, v20;
	v20 =	vld [tilespmem:s7+$0xFFFFFF80]  }
0x1d8: {  	vm11 =	vgt.s32 v27, $0xC37F;
	v40 =	vadd.s32 $0xFFFF3C80, v27;
	v27 =	vmov s22  }
0x1d9: {  	vm10 =	vgt.s32 v16, $0xC37F;
	v39 =	vadd.s32 $0xFFFF3C80, v16;
	v27 =	vshrl.u32 v27, $0x7  }
0x1da: {  	v27 =	vshll.u32 v27, v0;
	vm9 =	vgt.s32 v14, $0xC37F;
	v55 =	vadd.s32 $0xFFFF3C80, v14;
	v41 =	vld.idx.msk [tilespmem:v9+s30+$0x0], vm15  }
0x1db: {  	vm13 =	vgt.s32 v15, $0xC37F;
	vm12 =	vgt.s32 v19, $0xC37F;
	v42 =	vadd.s32 $0xFFFF3C80, v19;
	v19 =	vld.idx.msk [tilespmem:v10+s30+$0x0], vm0  }
0x1dc: {  	s28 =	smov.u32 s26;
	s26 =	simm.s32 $0x10D0;
	s20 =	simm.s32 $0x1090;
	v56 =	vadd.s32 $0xFFFF3C80, v15;
	vm14 =	vgt.s32 v20, $0xC37F;
	v43 =	vadd.s32 $0xFFFF3C80, v20;
	v20 =	vld.idx.msk [tilespmem:v11+s30+$0x0], vm2  }
0x1dd: {  	v15 =	vmov s20;
	v10 =	vmov s26;
	v11 =	vshrl.u32 v21, $0x7;
	v16 =	vld.idx.msk [tilespmem:v12+s30+$0x0], vm1  }
0x1de: {  	v21 =	vshrl.u32 v22, $0x7;
	v22 =	vshrl.u32 v25, $0x7;
	v12 =	vshrl.u32 v26, $0x7;
	v14 =	vld.idx.msk [tilespmem:v13+s30+$0x0], vm3  }
0x1df: {  	v25 =	vshrl.u32 v28, $0x7;
	v26 =	vshrl.u32 v29, $0x7;
	v29 =	vshrl.u32 v15, $0x7;
	v15 =	vld.idx.msk [tilespmem:v23+s30+$0x0], vm4  }
0x1e0: {  	v13 =	vshrl.u32 v53, $0x7;
	v28 =	vshrl.u32 v54, $0x7;
	v23 =	vshrl.u32 v57, $0x7;
	v9 =	vld.idx.msk [tilespmem:v24+s30+$0x0], vm5  }
0x1e1: {  	v24 =	vshrl.u32 v10, $0x7;
	v10 =	vld.idx.msk [tilespmem:v17+s30+$0x0], vm6;
	v17 =	vshll.u32 v11, v0;
	v21 =	vshll.u32 v21, v0  }
0x1e2: {  	v61 =	vshll.u32 v22, v0;
	v11 =	vld.idx.msk [tilespmem:v31+s30+$0x0], vm7;
	v62 =	vshll.u32 v12, v0;
	v45 =	vshll.u32 v25, v0  }
0x1e3: {  	v46 =	vshll.u32 v26, v0;
	v12 =	vld.idx.msk [tilespmem:v52+s30+$0x0], vm8;
	v47 =	vshll.u32 v13, v0;
	v48 =	vshll.u32 v28, v0  }
0x1e4: {  	v49 =	vshll.u32 v29, v0;
	v31 =	vor.u32 v1, v18;
	v18 =	vld.idx.msk [tilespmem:v40+s30+$0x0], vm11;
	v29 =	vbroadcast v17, $0x0  }
0x1e5: {  	v28 =	vshll.u32 v23, v0;
	v63 =	vbroadcast v21, $0x0;
	v38 =	vbroadcast v61, $0x0;
	v17 =	vld.idx.msk [tilespmem:v39+s30+$0x0], vm10  }
0x1e6: {  	v26 =	vshll.u32 v59, v0;
	v37 =	vbroadcast v62, $0x0;
	v32 =	vbroadcast v45, $0x0;
	v13 =	vld.idx.msk [tilespmem:v55+s30+$0x0], vm9  }
0x1e7: {  	v25 =	vshll.u32 v24, v0;
	v35 =	vbroadcast v46, $0x0;
	v33 =	vbroadcast v47, $0x0;
	v23 =	vld.idx.msk [tilespmem:v43+s30+$0x0], vm14  }
0x1e8: {  	v24 =	vshll.u32 v60, v0;
	v36 =	vbroadcast v48, $0x0;
	v34 =	vbroadcast v49, $0x0;
	v22 =	vld.idx.msk [tilespmem:v56+s30+$0x0], vm13  }
0x1e9: {  	s12 =	simm.s32 $0x19880;
	s7 =	simm.s32 $0x0;
	v29 =	vor.u32 v6, v29;
	[tilespmem:v30+s25+$0x0] =	vst.idx.msk vm15, v41;
	v21 =	vld.idx.msk [tilespmem:v42+s30+$0x0], vm12;
	v30 =	vor.u32 v5, v63  }
.LBB2_13:
0x1ea: {  	v39 =	vld [tilespmem:s12+$0x70];
	s7 =	sadd.s32 $0x10, s7;
	v38 =	vor.u32 v4, v38;
	v28 =	vbroadcast v28, $0x0;
	v27 =	vbroadcast v27, $0x0  }
0x1eb: {  	v37 =	vor.u32 v3, v37;
	v26 =	vbroadcast v26, $0x0;
	v25 =	vbroadcast v25, $0x0;
	v40 =	vld [tilespmem:s12+$0xFFFFFF90];
	p2 =	slt.u32 s7, $0xF0  }
0x1ec: {  	v24 =	vbroadcast v24, $0x0;
	v41 =	vld [tilespmem:s12+$0xFFFFFFA0];
	[tilespmem:v31+s25+$0x0] =	vst.idx.msk vm14, v23;
	v23 =	vor.u32 v2, v32;
	v31 =	vor.u32 v8, v35  }
0x1ed: {  	v33 =	vor.u32 v7, v33;
	v34 =	vor.u32 v6, v34;
	v35 =	vor.u32 v1, v36;
	v32 =	vld [tilespmem:s12+$0xFFFFFFB0]  }
0x1ee: {  	v28 =	vor.u32 v5, v28;
	v27 =	vor.u32 v4, v27;
	v26 =	vor.u32 v3, v26;
	v36 =	vld [tilespmem:s12+$0xFFFFFFC0]  }
0x1ef: {  	v25 =	vor.u32 v2, v25;
	v24 =	vor.u32 v8, v24;
	v42 =	vld [tilespmem:s12+$0xFFFFFFD0];
	vm14 =	vgt.s32 v39, $0xC37F;
	[tilespmem:v29+s25+$0x0] =	vst.idx.msk vm0, v19  }
0x1f0: {  	s2 =	sadd.s32 $0x100, s2;
	v39 =	vadd.s32 $0xFFFF3C80, v39;
	vm0 =	vgt.s32 v40, $0xC37F;
	v19 =	vadd.s32 $0xFFFF3C80, v40;
	v29 =	vld [tilespmem:s12+$0xFFFFFFE0];
	[tilespmem:v30+s25+$0x0] =	vst.idx.msk vm2, v20  }
0x1f1: {  	s13 =	sadd.s32 $0xFFFFFF10, s2;
	s17 =	sadd.s32 $0xFFFFFF20, s2;
	s18 =	sadd.s32 $0xFFFFFF30, s2;
	v40 =	vmov s2;
	vm2 =	vgt.s32 v41, $0xC37F;
	v20 =	vadd.s32 $0xFFFF3C80, v41;
	v30 =	vld [tilespmem:s12+$0xFFFFFFF0];
	[tilespmem:v38+s25+$0x0] =	vst.idx.msk vm1, v16  }
0x1f2: {  	s19 =	sadd.s32 $0xFFFFFF40, s2;
	s20 =	sadd.s32 $0xFFFFFF50, s2;
	s21 =	sadd.s32 $0xFFFFFF60, s2;
	v38 =	vshrl.u32 v40, $0x7;
	vm1 =	vgt.s32 v32, $0xC37F;
	v16 =	vadd.s32 $0xFFFF3C80, v32;
	v32 =	vld [tilespmem:s12+$0x0];
	[tilespmem:v37+s25+$0x0] =	vst.idx.msk vm3, v14  }
0x1f3: {  	s22 =	sadd.s32 $0xFFFFFF70, s2;
	s31 =	sadd.s32 $0xFFFFFF80, s2;
	s24 =	sadd.s32 $0xFFFFFF90, s2;
	v37 =	vshll.u32 v38, v0;
	vm3 =	vgt.s32 v36, $0xC37F;
	v14 =	vadd.s32 $0xFFFF3C80, v36;
	v36 =	vld [tilespmem:s12+$0x10];
	[tilespmem:v23+s25+$0x0] =	vst.idx.msk vm4, v15  }
0x1f4: {  	s5 =	sadd.s32 $0xFFFFFFA0, s2;
	s26 =	sadd.s32 $0xFFFFFFB0, s2;
	s16 =	sadd.s32 $0xFFFFFFC0, s2;
	v37 =	vbroadcast v37, $0x0;
	vm4 =	vgt.s32 v42, $0xC37F;
	v15 =	vadd.s32 $0xFFFF3C80, v42;
	v23 =	vld [tilespmem:s12+$0x20];
	[tilespmem:v31+s25+$0x0] =	vst.idx.msk vm5, v9  }
0x1f5: {  	s14 =	sadd.s32 $0xFFFFFFE0, s2;
	s15 =	sadd.s32 $0xFFFFFFF0, s2;
	v31 =	vmov s13;
	s13 =	sadd.s32 $0xFFFFFFD0, s2;
	vm5 =	vgt.s32 v29, $0xC37F;
	v9 =	vadd.s32 $0xFFFF3C80, v29;
	v29 =	vld.idx.msk [tilespmem:v39+s30+$0x0], vm14;
	[tilespmem:v33+s25+$0x0] =	vst.idx.msk vm6, v10  }
0x1f6: {  	v33 =	vor.u32 v7, v37;
	vm6 =	vgt.s32 v30, $0xC37F;
	v10 =	vadd.s32 $0xFFFF3C80, v30;
	v30 =	vld [tilespmem:s12+$0x30];
	[tilespmem:v35+s25+$0x0] =	vst.idx.msk vm7, v11  }
0x1f7: {  	v11 =	vmov s17;
	vm7 =	vgt.s32 v32, $0xC37F;
	v32 =	vadd.s32 $0xFFFF3C80, v32;
	v35 =	vld [tilespmem:s12+$0x40];
	[tilespmem:v34+s25+$0x0] =	vst.idx.msk vm8, v12  }
0x1f8: {  	v12 =	vmov s18;
	vm8 =	vgt.s32 v36, $0xC37F;
	v34 =	vadd.s32 $0xFFFF3C80, v36;
	v36 =	vld [tilespmem:s12+$0x50];
	[tilespmem:v28+s25+$0x0] =	vst.idx.msk vm9, v13  }
0x1f9: {  	v13 =	vmov s19;
	vm9 =	vgt.s32 v23, $0xC37F;
	v23 =	vadd.s32 $0xFFFF3C80, v23;
	v28 =	vld [tilespmem:s12+$0x60];
	[tilespmem:v27+s25+$0x0] =	vst.idx.msk vm13, v22  }
0x1fa: {  	v38 =	vmov s22;
	v37 =	vmov s21;
	v27 =	vmov s20;
	v22 =	vld [tilespmem:s12+$0xFFFFFF80]  }
0x1fb: {  	v39 =	vmov s31;
	v19 =	vld.idx.msk [tilespmem:v19+s30+$0x0], vm0;
	vm13 =	vgt.s32 v30, $0xC37F;
	v30 =	vadd.s32 $0xFFFF3C80, v30;
	[tilespmem:v33+s25+$0x0] =	vst.idx.msk vm14, v29  }
0x1fc: {  	v29 =	vmov s24;
	v20 =	vld.idx.msk [tilespmem:v20+s30+$0x0], vm2;
	v33 =	vadd.s32 $0xFFFF3C80, v35;
	[tilespmem:v26+s25+$0x0] =	vst.idx.msk vm10, v17;
	vm10 =	vgt.s32 v35, $0xC37F  }
0x1fd: {  	v17 =	vmov s5;
	v16 =	vld.idx.msk [tilespmem:v16+s30+$0x0], vm1;
	v26 =	vadd.s32 $0xFFFF3C80, v36;
	[tilespmem:v25+s25+$0x0] =	vst.idx.msk vm11, v18;
	vm11 =	vgt.s32 v36, $0xC37F  }
0x1fe: {  	v18 =	vmov s26;
	v14 =	vld.idx.msk [tilespmem:v14+s30+$0x0], vm3;
	v25 =	vadd.s32 $0xFFFF3C80, v28;
	[tilespmem:v24+s25+$0x0] =	vst.idx.msk vm12, v21;
	vm12 =	vgt.s32 v28, $0xC37F  }
0x1ff: {  	vm14 =	vgt.s32 v22, $0xC37F;
	v21 =	vadd.s32 $0xFFFF3C80, v22;
	v15 =	vld.idx.msk [tilespmem:v15+s30+$0x0], vm4;
	v22 =	vmov s16  }
0x200: {  	v35 =	vmov s15;
	v24 =	vmov s13;
	v28 =	vmov s14;
	v9 =	vld.idx.msk [tilespmem:v9+s30+$0x0], vm5  }
0x201: {  	v31 =	vshrl.u32 v31, $0x7;
	v40 =	vshrl.u32 v12, $0x7;
	v36 =	vshrl.u32 v11, $0x7;
	v10 =	vld.idx.msk [tilespmem:v10+s30+$0x0], vm6  }
0x202: {  	v37 =	vshrl.u32 v37, $0x7;
	v41 =	vshrl.u32 v13, $0x7;
	v27 =	vshrl.u32 v27, $0x7;
	v11 =	vld.idx.msk [tilespmem:v32+s30+$0x0], vm7  }
0x203: {  	v29 =	vshrl.u32 v29, $0x7;
	v32 =	vshrl.u32 v38, $0x7;
	v38 =	vshrl.u32 v39, $0x7;
	v12 =	vld.idx.msk [tilespmem:v34+s30+$0x0], vm8  }
0x204: {  	v42 =	vshrl.u32 v22, $0x7;
	v39 =	vshrl.u32 v18, $0x7;
	v34 =	vshrl.u32 v17, $0x7;
	v13 =	vld.idx.msk [tilespmem:v23+s30+$0x0], vm9  }
0x205: {  	v35 =	vshrl.u32 v35, $0x7;
	v24 =	vshrl.u32 v24, $0x7;
	v43 =	vshrl.u32 v28, $0x7;
	v23 =	vld.idx.msk [tilespmem:v21+s30+$0x0], vm14  }
0x206: {  	v31 =	vshll.u32 v31, v0;
	v40 =	vshll.u32 v40, v0;
	v36 =	vshll.u32 v36, v0;
	v22 =	vld.idx.msk [tilespmem:v30+s30+$0x0], vm13  }
0x207: {  	v44 =	vshll.u32 v37, v0;
	v30 =	vshll.u32 v41, v0;
	v41 =	vshll.u32 v27, v0;
	v17 =	vld.idx.msk [tilespmem:v33+s30+$0x0], vm10  }
0x208: {  	v46 =	vshll.u32 v29, v0;
	v45 =	vshll.u32 v38, v0;
	v33 =	vshll.u32 v32, v0;
	v18 =	vld.idx.msk [tilespmem:v26+s30+$0x0], vm11  }
0x209: {  	v28 =	vshll.u32 v39, v0;
	v34 =	vshll.u32 v34, v0;
	v27 =	vshll.u32 v42, v0;
	v21 =	vld.idx.msk [tilespmem:v25+s30+$0x0], vm12  }
0x20a: {  	v26 =	vshll.u32 v24, v0;
	v24 =	vshll.u32 v35, v0;
	v25 =	vshll.u32 v43, v0  }
.Ltmp5:
0x20b: {  	v29 =	vbroadcast v31, $0x0;
	v35 =	vbroadcast v36, $0x0;
	(pc) =	sbr.rel @p2 .LBB2_13-.Ltmp5, $4  }
0x20c: {  	v38 =	vbroadcast v30, $0x0;
	v36 =	vbroadcast v40, $0x0  }
0x20d: {  	v31 =	vor.u32 v1, v29;
	v37 =	vbroadcast v41, $0x0;
	v32 =	vbroadcast v44, $0x0  }
0x20e: {  	v29 =	vor.u32 v6, v35;
	v35 =	vbroadcast v33, $0x0;
	v33 =	vbroadcast v45, $0x0  }
0x20f: {  	s12 =	sadd.s32 $0x100, s12;
	v34 =	vbroadcast v34, $0x0;
	v30 =	vor.u32 v5, v36;
	v36 =	vbroadcast v46, $0x0  }
0x210: {  	_ =	sdelay $0x2  }
0x211: {  	v38 =	vor.u32 v4, v38  }
0x212: {  	v37 =	vor.u32 v3, v37  }
0x213: {  	[tilespmem:v31+s25+$0x0] =	vst.idx.msk vm14, v23;
	v23 =	vor.u32 v2, v32  }
0x214: {  	v31 =	vor.u32 v8, v35;
	[tilespmem:v29+s25+$0x0] =	vst.idx.msk vm0, v19  }
0x215: {  	v19 =	vor.u32 v7, v33;
	[tilespmem:v30+s25+$0x0] =	vst.idx.msk vm2, v20;
	v20 =	vbroadcast v28, $0x0  }
0x216: {  	v28 =	vor.u32 v1, v36;
	[tilespmem:v38+s25+$0x0] =	vst.idx.msk vm1, v16  }
0x217: {  	v20 =	vor.u32 v5, v20;
	v16 =	vbroadcast v27, $0x0;
	[tilespmem:v37+s25+$0x0] =	vst.idx.msk vm3, v14  }
0x218: {  	v27 =	vor.u32 v6, v34;
	v14 =	vbroadcast v26, $0x0;
	[tilespmem:v23+s25+$0x0] =	vst.idx.msk vm4, v15  }
0x219: {  	v15 =	vbroadcast v25, $0x0;
	[tilespmem:v31+s25+$0x0] =	vst.idx.msk vm5, v9;
	v16 =	vor.u32 v4, v16  }
0x21a: {  	v9 =	vbroadcast v24, $0x0;
	[tilespmem:v19+s25+$0x0] =	vst.idx.msk vm6, v10;
	v14 =	vor.u32 v3, v14  }
0x21b: {  	[tilespmem:v28+s25+$0x0] =	vst.idx.msk vm7, v11;
	v10 =	vor.u32 v2, v15  }
0x21c: {  	v9 =	vor.u32 v8, v9;
	[tilespmem:v20+s25+$0x0] =	vst.idx.msk vm9, v13  }
0x21d: {  	[tilespmem:v27+s25+$0x0] =	vst.idx.msk vm8, v12  }
0x21e: {  	[tilespmem:v16+s25+$0x0] =	vst.idx.msk vm13, v22  }
0x21f: {  	[tilespmem:v14+s25+$0x0] =	vst.idx.msk vm10, v17  }
0x220: {  	[tilespmem:v10+s25+$0x0] =	vst.idx.msk vm11, v18  }
0x221: {  	[tilespmem:v9+s25+$0x0] =	vst.idx.msk vm12, v21  }
0x222: {  	s2 =	rddreg [dreg:$0xe]  }
0x223: {  	s5 =	simm.s32 $0x1B700;
	s2 =	sadd.s32 s3, s2  }
0x224: {  	[hbm4b:s2+s29] =	stream.strided.scatter [tilespmem:s5], [sflag:$0x8], $0x1000, s10, s29, $0x38;
	[tilespmem:$0x1EF00] =	vst v63  }
0x225: {  	_ =	swait.ge [sflag:s4], $0x1000  }
0x226: {  	[sflag:s4] =	ssyncset.done $0x0  }
0x227: {  	s9 =	simm.s32 $0x18780;
	s7 =	rddreg [dreg:$0xc];
	[sflag:s4] =	ssyncadd.s32 $0xFFFFF000  }
0x228: {  	[tilespmem:s0], [sflag:$0x6] =	stream.linear.gather [spmem:s7], $0x1000, $0x38;
	[tilespmem:$0x1EF00] =	vst v63  }
0x229: {  	v9 =	vld [tilespmem:s9+$0x70]  }
0x22a: {  	s17 =	simm.s32 $0x2060;
	s18 =	simm.s32 $0x2070;
	s19 =	simm.s32 $0x2080;
	v10 =	vld [tilespmem:s9+$0xFFFFFF90]  }
0x22b: {  	s21 =	simm.s32 $0x20A0;
	s24 =	simm.s32 $0x20C0;
	v29 =	vmov s17;
	v53 =	vmov s18;
	v54 =	vmov s19;
	s2 =	simm.s32 $0x20F0;
	v11 =	vld [tilespmem:s9+$0xFFFFFFA0]  }
0x22c: {  	s31 =	simm.s32 $0x20E0;
	v57 =	vmov s21;
	v58 =	vmov s24;
	v16 =	vmov s2;
	v12 =	vld [tilespmem:s9+$0xFFFFFFB0]  }
0x22d: {  	s14 =	simm.s32 $0x2030;
	v44 =	vmov s31;
	v59 =	vshrl.u32 v58, $0x7;
	v16 =	vshrl.u32 v16, $0x7;
	v13 =	vld [tilespmem:s9+$0xFFFFFFC0]  }
0x22e: {  	s15 =	simm.s32 $0x2040;
	v60 =	vshrl.u32 v44, $0x7;
	v25 =	vmov s14;
	v16 =	vshll.u32 v16, v0;
	s7 =	simm.s32 $0x2000;
	v14 =	vld [tilespmem:s9+$0xFFFFFFD0]  }
0x22f: {  	s13 =	simm.s32 $0x2010;
	s16 =	simm.s32 $0x2050;
	v26 =	vmov s15;
	v16 =	vbroadcast v16, $0x0;
	v15 =	vld [tilespmem:s9+$0xFFFFFFE0];
	v18 =	vmov s7  }
0x230: {  	s12 =	simm.s32 $0x2020;
	v28 =	vmov s16;
	v21 =	vmov s13;
	v17 =	vld [tilespmem:s9+$0xFFFFFFF0];
	v18 =	vshrl.u32 v18, $0x7  }
0x231: {  	v22 =	vmov s12;
	v19 =	vld [tilespmem:s9+$0x0];
	v30 =	vor.u32 v7, v16;
	v18 =	vshll.u32 v18, v0  }
0x232: {  	v20 =	vld [tilespmem:s9+$0x10];
	v18 =	vbroadcast v18, $0x0;
	vm15 =	vgt.s32 v9, $0xC37F;
	vm0 =	vgt.s32 v10, $0xC37F  }
0x233: {  	v27 =	vld [tilespmem:s9+$0x50];
	v10 =	vadd.s32 $0xFFFF3C80, v10;
	v9 =	vadd.s32 $0xFFFF3C80, v9;
	vm2 =	vgt.s32 v11, $0xC37F  }
0x234: {  	v16 =	vld [tilespmem:s9+$0x40];
	v11 =	vadd.s32 $0xFFFF3C80, v11;
	vm1 =	vgt.s32 v12, $0xC37F;
	v12 =	vadd.s32 $0xFFFF3C80, v12  }
0x235: {  	vm3 =	vgt.s32 v13, $0xC37F;
	vm4 =	vgt.s32 v14, $0xC37F;
	v23 =	vadd.s32 $0xFFFF3C80, v14;
	v14 =	vld [tilespmem:s9+$0x20]  }
0x236: {  	v13 =	vadd.s32 $0xFFFF3C80, v13;
	vm5 =	vgt.s32 v15, $0xC37F;
	v24 =	vadd.s32 $0xFFFF3C80, v15;
	v15 =	vld [tilespmem:s9+$0x30]  }
0x237: {  	vm6 =	vgt.s32 v17, $0xC37F;
	vm7 =	vgt.s32 v19, $0xC37F;
	v31 =	vadd.s32 $0xFFFF3C80, v19;
	v19 =	vld [tilespmem:s9+$0x60]  }
0x238: {  	s22 =	simm.s32 $0x20B0;
	v17 =	vadd.s32 $0xFFFF3C80, v17;
	vm8 =	vgt.s32 v20, $0xC37F;
	v52 =	vadd.s32 $0xFFFF3C80, v20;
	v20 =	vld [tilespmem:s9+$0xFFFFFF80]  }
0x239: {  	vm11 =	vgt.s32 v27, $0xC37F;
	v40 =	vadd.s32 $0xFFFF3C80, v27;
	v27 =	vmov s22  }
0x23a: {  	vm10 =	vgt.s32 v16, $0xC37F;
	v39 =	vadd.s32 $0xFFFF3C80, v16;
	v27 =	vshrl.u32 v27, $0x7  }
0x23b: {  	v27 =	vshll.u32 v27, v0;
	vm9 =	vgt.s32 v14, $0xC37F;
	v55 =	vadd.s32 $0xFFFF3C80, v14;
	v41 =	vld.idx.msk [tilespmem:v9+s30+$0x0], vm15  }
0x23c: {  	vm13 =	vgt.s32 v15, $0xC37F;
	vm12 =	vgt.s32 v19, $0xC37F;
	v42 =	vadd.s32 $0xFFFF3C80, v19;
	v19 =	vld.idx.msk [tilespmem:v10+s30+$0x0], vm0  }
0x23d: {  	s20 =	simm.s32 $0x2090;
	s26 =	simm.s32 $0x20D0;
	v56 =	vadd.s32 $0xFFFF3C80, v15;
	vm14 =	vgt.s32 v20, $0xC37F;
	v43 =	vadd.s32 $0xFFFF3C80, v20;
	v20 =	vld.idx.msk [tilespmem:v11+s30+$0x0], vm2  }
0x23e: {  	v15 =	vmov s20;
	v10 =	vmov s26;
	v11 =	vshrl.u32 v21, $0x7;
	v16 =	vld.idx.msk [tilespmem:v12+s30+$0x0], vm1  }
0x23f: {  	v21 =	vshrl.u32 v22, $0x7;
	v22 =	vshrl.u32 v25, $0x7;
	v12 =	vshrl.u32 v26, $0x7;
	v14 =	vld.idx.msk [tilespmem:v13+s30+$0x0], vm3  }
0x240: {  	v25 =	vshrl.u32 v28, $0x7;
	v26 =	vshrl.u32 v29, $0x7;
	v29 =	vshrl.u32 v15, $0x7;
	v15 =	vld.idx.msk [tilespmem:v23+s30+$0x0], vm4  }
0x241: {  	v13 =	vshrl.u32 v53, $0x7;
	v28 =	vshrl.u32 v54, $0x7;
	v23 =	vshrl.u32 v57, $0x7;
	v9 =	vld.idx.msk [tilespmem:v24+s30+$0x0], vm5  }
0x242: {  	v24 =	vshrl.u32 v10, $0x7;
	v10 =	vld.idx.msk [tilespmem:v17+s30+$0x0], vm6;
	v17 =	vshll.u32 v11, v0;
	v21 =	vshll.u32 v21, v0  }
0x243: {  	v61 =	vshll.u32 v22, v0;
	v11 =	vld.idx.msk [tilespmem:v31+s30+$0x0], vm7;
	v62 =	vshll.u32 v12, v0;
	v45 =	vshll.u32 v25, v0  }
0x244: {  	v46 =	vshll.u32 v26, v0;
	v12 =	vld.idx.msk [tilespmem:v52+s30+$0x0], vm8;
	v47 =	vshll.u32 v13, v0;
	v48 =	vshll.u32 v28, v0  }
0x245: {  	v49 =	vshll.u32 v29, v0;
	v31 =	vor.u32 v1, v18;
	v18 =	vld.idx.msk [tilespmem:v40+s30+$0x0], vm11;
	v29 =	vbroadcast v17, $0x0  }
0x246: {  	v28 =	vshll.u32 v23, v0;
	v63 =	vbroadcast v21, $0x0;
	v38 =	vbroadcast v61, $0x0;
	v17 =	vld.idx.msk [tilespmem:v39+s30+$0x0], vm10  }
0x247: {  	v26 =	vshll.u32 v59, v0;
	v37 =	vbroadcast v62, $0x0;
	v32 =	vbroadcast v45, $0x0;
	v13 =	vld.idx.msk [tilespmem:v55+s30+$0x0], vm9  }
0x248: {  	v25 =	vshll.u32 v24, v0;
	v35 =	vbroadcast v46, $0x0;
	v33 =	vbroadcast v47, $0x0;
	v23 =	vld.idx.msk [tilespmem:v43+s30+$0x0], vm14  }
0x249: {  	v24 =	vshll.u32 v60, v0;
	v36 =	vbroadcast v48, $0x0;
	v34 =	vbroadcast v49, $0x0;
	v22 =	vld.idx.msk [tilespmem:v56+s30+$0x0], vm13  }
0x24a: {  	s12 =	simm.s32 $0x18880;
	s7 =	simm.s32 $0x0;
	v29 =	vor.u32 v6, v29;
	[tilespmem:v30+s25+$0x0] =	vst.idx.msk vm15, v41;
	v21 =	vld.idx.msk [tilespmem:v42+s30+$0x0], vm12;
	v30 =	vor.u32 v5, v63  }
.LBB2_15:
0x24b: {  	v39 =	vld [tilespmem:s12+$0x70];
	s7 =	sadd.s32 $0x10, s7;
	v38 =	vor.u32 v4, v38;
	v28 =	vbroadcast v28, $0x0;
	v27 =	vbroadcast v27, $0x0  }
0x24c: {  	v37 =	vor.u32 v3, v37;
	v26 =	vbroadcast v26, $0x0;
	v25 =	vbroadcast v25, $0x0;
	v40 =	vld [tilespmem:s12+$0xFFFFFF90];
	p2 =	slt.u32 s7, $0xF0  }
0x24d: {  	v24 =	vbroadcast v24, $0x0;
	v41 =	vld [tilespmem:s12+$0xFFFFFFA0];
	[tilespmem:v31+s25+$0x0] =	vst.idx.msk vm14, v23;
	v23 =	vor.u32 v2, v32;
	v31 =	vor.u32 v8, v35  }
0x24e: {  	v33 =	vor.u32 v7, v33;
	v34 =	vor.u32 v6, v34;
	v35 =	vor.u32 v1, v36;
	v32 =	vld [tilespmem:s12+$0xFFFFFFB0]  }
0x24f: {  	v28 =	vor.u32 v5, v28;
	v27 =	vor.u32 v4, v27;
	v26 =	vor.u32 v3, v26;
	v36 =	vld [tilespmem:s12+$0xFFFFFFC0]  }
0x250: {  	v25 =	vor.u32 v2, v25;
	v24 =	vor.u32 v8, v24;
	v42 =	vld [tilespmem:s12+$0xFFFFFFD0];
	vm14 =	vgt.s32 v39, $0xC37F;
	[tilespmem:v29+s25+$0x0] =	vst.idx.msk vm0, v19  }
0x251: {  	s2 =	sadd.s32 $0x100, s2;
	v39 =	vadd.s32 $0xFFFF3C80, v39;
	vm0 =	vgt.s32 v40, $0xC37F;
	v19 =	vadd.s32 $0xFFFF3C80, v40;
	v29 =	vld [tilespmem:s12+$0xFFFFFFE0];
	[tilespmem:v30+s25+$0x0] =	vst.idx.msk vm2, v20  }
0x252: {  	s5 =	sadd.s32 $0xFFFFFF10, s2;
	s17 =	sadd.s32 $0xFFFFFF20, s2;
	s18 =	sadd.s32 $0xFFFFFF30, s2;
	v40 =	vmov s2;
	vm2 =	vgt.s32 v41, $0xC37F;
	v20 =	vadd.s32 $0xFFFF3C80, v41;
	v30 =	vld [tilespmem:s12+$0xFFFFFFF0];
	[tilespmem:v38+s25+$0x0] =	vst.idx.msk vm1, v16  }
0x253: {  	s19 =	sadd.s32 $0xFFFFFF40, s2;
	s20 =	sadd.s32 $0xFFFFFF50, s2;
	s21 =	sadd.s32 $0xFFFFFF60, s2;
	v38 =	vshrl.u32 v40, $0x7;
	vm1 =	vgt.s32 v32, $0xC37F;
	v16 =	vadd.s32 $0xFFFF3C80, v32;
	v32 =	vld [tilespmem:s12+$0x0];
	[tilespmem:v37+s25+$0x0] =	vst.idx.msk vm3, v14  }
0x254: {  	s22 =	sadd.s32 $0xFFFFFF70, s2;
	s24 =	sadd.s32 $0xFFFFFF80, s2;
	s26 =	sadd.s32 $0xFFFFFF90, s2;
	v37 =	vshll.u32 v38, v0;
	vm3 =	vgt.s32 v36, $0xC37F;
	v14 =	vadd.s32 $0xFFFF3C80, v36;
	v36 =	vld [tilespmem:s12+$0x10];
	[tilespmem:v23+s25+$0x0] =	vst.idx.msk vm4, v15  }
0x255: {  	s31 =	sadd.s32 $0xFFFFFFA0, s2;
	s9 =	sadd.s32 $0xFFFFFFB0, s2;
	s16 =	sadd.s32 $0xFFFFFFC0, s2;
	v37 =	vbroadcast v37, $0x0;
	vm4 =	vgt.s32 v42, $0xC37F;
	v15 =	vadd.s32 $0xFFFF3C80, v42;
	v23 =	vld [tilespmem:s12+$0x20];
	[tilespmem:v31+s25+$0x0] =	vst.idx.msk vm5, v9  }
0x256: {  	s13 =	sadd.s32 $0xFFFFFFD0, s2;
	s14 =	sadd.s32 $0xFFFFFFE0, s2;
	s15 =	sadd.s32 $0xFFFFFFF0, s2;
	v31 =	vmov s5;
	vm5 =	vgt.s32 v29, $0xC37F;
	v9 =	vadd.s32 $0xFFFF3C80, v29;
	v29 =	vld.idx.msk [tilespmem:v39+s30+$0x0], vm14;
	[tilespmem:v33+s25+$0x0] =	vst.idx.msk vm6, v10  }
0x257: {  	v33 =	vor.u32 v7, v37;
	vm6 =	vgt.s32 v30, $0xC37F;
	v10 =	vadd.s32 $0xFFFF3C80, v30;
	v30 =	vld [tilespmem:s12+$0x30];
	[tilespmem:v35+s25+$0x0] =	vst.idx.msk vm7, v11  }
0x258: {  	v11 =	vmov s17;
	vm7 =	vgt.s32 v32, $0xC37F;
	v32 =	vadd.s32 $0xFFFF3C80, v32;
	v35 =	vld [tilespmem:s12+$0x40];
	[tilespmem:v34+s25+$0x0] =	vst.idx.msk vm8, v12  }
0x259: {  	v12 =	vmov s18;
	vm8 =	vgt.s32 v36, $0xC37F;
	v34 =	vadd.s32 $0xFFFF3C80, v36;
	v36 =	vld [tilespmem:s12+$0x50];
	[tilespmem:v28+s25+$0x0] =	vst.idx.msk vm9, v13  }
0x25a: {  	v13 =	vmov s19;
	vm9 =	vgt.s32 v23, $0xC37F;
	v23 =	vadd.s32 $0xFFFF3C80, v23;
	v28 =	vld [tilespmem:s12+$0x60];
	[tilespmem:v27+s25+$0x0] =	vst.idx.msk vm13, v22  }
0x25b: {  	v38 =	vmov s22;
	v37 =	vmov s21;
	v27 =	vmov s20;
	v22 =	vld [tilespmem:s12+$0xFFFFFF80]  }
0x25c: {  	v39 =	vmov s24;
	v19 =	vld.idx.msk [tilespmem:v19+s30+$0x0], vm0;
	vm13 =	vgt.s32 v30, $0xC37F;
	v30 =	vadd.s32 $0xFFFF3C80, v30;
	[tilespmem:v33+s25+$0x0] =	vst.idx.msk vm14, v29  }
0x25d: {  	v29 =	vmov s26;
	v20 =	vld.idx.msk [tilespmem:v20+s30+$0x0], vm2;
	v33 =	vadd.s32 $0xFFFF3C80, v35;
	[tilespmem:v26+s25+$0x0] =	vst.idx.msk vm10, v17;
	vm10 =	vgt.s32 v35, $0xC37F  }
0x25e: {  	v17 =	vmov s31;
	v16 =	vld.idx.msk [tilespmem:v16+s30+$0x0], vm1;
	v26 =	vadd.s32 $0xFFFF3C80, v36;
	[tilespmem:v25+s25+$0x0] =	vst.idx.msk vm11, v18;
	vm11 =	vgt.s32 v36, $0xC37F  }
0x25f: {  	v18 =	vmov s9;
	v14 =	vld.idx.msk [tilespmem:v14+s30+$0x0], vm3;
	v25 =	vadd.s32 $0xFFFF3C80, v28;
	[tilespmem:v24+s25+$0x0] =	vst.idx.msk vm12, v21;
	vm12 =	vgt.s32 v28, $0xC37F  }
0x260: {  	vm14 =	vgt.s32 v22, $0xC37F;
	v21 =	vadd.s32 $0xFFFF3C80, v22;
	v15 =	vld.idx.msk [tilespmem:v15+s30+$0x0], vm4;
	v22 =	vmov s16  }
0x261: {  	v35 =	vmov s15;
	v24 =	vmov s13;
	v28 =	vmov s14;
	v9 =	vld.idx.msk [tilespmem:v9+s30+$0x0], vm5  }
0x262: {  	v31 =	vshrl.u32 v31, $0x7;
	v40 =	vshrl.u32 v12, $0x7;
	v36 =	vshrl.u32 v11, $0x7;
	v10 =	vld.idx.msk [tilespmem:v10+s30+$0x0], vm6  }
0x263: {  	v37 =	vshrl.u32 v37, $0x7;
	v41 =	vshrl.u32 v13, $0x7;
	v27 =	vshrl.u32 v27, $0x7;
	v11 =	vld.idx.msk [tilespmem:v32+s30+$0x0], vm7  }
0x264: {  	v29 =	vshrl.u32 v29, $0x7;
	v32 =	vshrl.u32 v38, $0x7;
	v38 =	vshrl.u32 v39, $0x7;
	v12 =	vld.idx.msk [tilespmem:v34+s30+$0x0], vm8  }
0x265: {  	v42 =	vshrl.u32 v22, $0x7;
	v39 =	vshrl.u32 v18, $0x7;
	v34 =	vshrl.u32 v17, $0x7;
	v13 =	vld.idx.msk [tilespmem:v23+s30+$0x0], vm9  }
0x266: {  	v35 =	vshrl.u32 v35, $0x7;
	v24 =	vshrl.u32 v24, $0x7;
	v43 =	vshrl.u32 v28, $0x7;
	v23 =	vld.idx.msk [tilespmem:v21+s30+$0x0], vm14  }
0x267: {  	v31 =	vshll.u32 v31, v0;
	v40 =	vshll.u32 v40, v0;
	v36 =	vshll.u32 v36, v0;
	v22 =	vld.idx.msk [tilespmem:v30+s30+$0x0], vm13  }
0x268: {  	v44 =	vshll.u32 v37, v0;
	v30 =	vshll.u32 v41, v0;
	v41 =	vshll.u32 v27, v0;
	v17 =	vld.idx.msk [tilespmem:v33+s30+$0x0], vm10  }
0x269: {  	v46 =	vshll.u32 v29, v0;
	v45 =	vshll.u32 v38, v0;
	v33 =	vshll.u32 v32, v0;
	v18 =	vld.idx.msk [tilespmem:v26+s30+$0x0], vm11  }
0x26a: {  	v28 =	vshll.u32 v39, v0;
	v34 =	vshll.u32 v34, v0;
	v27 =	vshll.u32 v42, v0;
	v21 =	vld.idx.msk [tilespmem:v25+s30+$0x0], vm12  }
0x26b: {  	v26 =	vshll.u32 v24, v0;
	v24 =	vshll.u32 v35, v0;
	v25 =	vshll.u32 v43, v0  }
.Ltmp6:
0x26c: {  	v29 =	vbroadcast v31, $0x0;
	v35 =	vbroadcast v36, $0x0;
	(pc) =	sbr.rel @p2 .LBB2_15-.Ltmp6, $4  }
0x26d: {  	v38 =	vbroadcast v30, $0x0;
	v36 =	vbroadcast v40, $0x0  }
0x26e: {  	v31 =	vor.u32 v1, v29;
	v37 =	vbroadcast v41, $0x0;
	v32 =	vbroadcast v44, $0x0  }
0x26f: {  	v29 =	vor.u32 v6, v35;
	v35 =	vbroadcast v33, $0x0;
	v33 =	vbroadcast v45, $0x0  }
0x270: {  	s12 =	sadd.s32 $0x100, s12;
	v34 =	vbroadcast v34, $0x0;
	v30 =	vor.u32 v5, v36;
	v36 =	vbroadcast v46, $0x0  }
0x271: {  	_ =	sdelay $0x2  }
0x272: {  	v38 =	vor.u32 v4, v38  }
0x273: {  	v37 =	vor.u32 v3, v37  }
0x274: {  	[tilespmem:v31+s25+$0x0] =	vst.idx.msk vm14, v23;
	v23 =	vor.u32 v2, v32  }
0x275: {  	v31 =	vor.u32 v8, v35;
	[tilespmem:v29+s25+$0x0] =	vst.idx.msk vm0, v19  }
0x276: {  	v19 =	vor.u32 v7, v33;
	[tilespmem:v30+s25+$0x0] =	vst.idx.msk vm2, v20;
	v20 =	vbroadcast v28, $0x0  }
0x277: {  	v28 =	vor.u32 v1, v36;
	[tilespmem:v38+s25+$0x0] =	vst.idx.msk vm1, v16  }
0x278: {  	v20 =	vor.u32 v5, v20;
	v16 =	vbroadcast v27, $0x0;
	[tilespmem:v37+s25+$0x0] =	vst.idx.msk vm3, v14  }
0x279: {  	v27 =	vor.u32 v6, v34;
	v14 =	vbroadcast v26, $0x0;
	[tilespmem:v23+s25+$0x0] =	vst.idx.msk vm4, v15  }
0x27a: {  	v15 =	vbroadcast v25, $0x0;
	[tilespmem:v31+s25+$0x0] =	vst.idx.msk vm5, v9;
	v16 =	vor.u32 v4, v16  }
0x27b: {  	v9 =	vbroadcast v24, $0x0;
	[tilespmem:v19+s25+$0x0] =	vst.idx.msk vm6, v10;
	v14 =	vor.u32 v3, v14  }
0x27c: {  	[tilespmem:v28+s25+$0x0] =	vst.idx.msk vm7, v11;
	v10 =	vor.u32 v2, v15  }
0x27d: {  	v9 =	vor.u32 v8, v9;
	[tilespmem:v20+s25+$0x0] =	vst.idx.msk vm9, v13  }
0x27e: {  	[tilespmem:v27+s25+$0x0] =	vst.idx.msk vm8, v12  }
0x27f: {  	[tilespmem:v16+s25+$0x0] =	vst.idx.msk vm13, v22  }
0x280: {  	[tilespmem:v14+s25+$0x0] =	vst.idx.msk vm10, v17  }
0x281: {  	[tilespmem:v10+s25+$0x0] =	vst.idx.msk vm11, v18  }
0x282: {  	[tilespmem:v9+s25+$0x0] =	vst.idx.msk vm12, v21  }
0x283: {  	s2 =	rddreg [dreg:$0xf]  }
0x284: {  	s0 =	simm.s32 $0x1C700;
	s2 =	sadd.s32 s3, s2  }
0x285: {  	[hbm4b:s2+s29] =	stream.strided.scatter [tilespmem:s0], [sflag:$0x9], $0x1000, s10, s29, $0x38;
	[tilespmem:$0x1EF00] =	vst v63  }
0x286: {  	_ =	swait.ge [sflag:s23], $0x1000  }
0x287: {  	[sflag:s23] =	ssyncset.done $0x0  }
0x288: {  	s2 =	simm.s32 @p1 $0x4;
	[sflag:s23] =	ssyncadd.s32 $0xFFFFF000  }
0x289: {  	p3 =	seq.s32 @p1 s11, $0xC;
	_ =	swait.ge @p1 [sflag:s2], $0x800  }
0x28a: {  	p2 =	por p3, !p1;
	s0 =	rddreg [dreg:$0x19];
	[sflag:s2] =	ssyncset.done @p1 $0x0  }
0x28b: {  	s5 =	sadd.s32 @!p2 $0x2, s0;
	[sflag:s2] =	ssyncadd.s32 @p1 $0xFFFFF800  }
0x28c: {  	s7 =	sshll.u32 @!p2 s5, $0x4;
	[bflag:$0x0] =	sbarrier.arrive @p1 $0xFFFF  }
0x28d: {  	s2 =	sshll.u32 @!p2 s5, $0xB;
	s5 =	sand.u32 @!p2 $0x60, s7;
	s7 =	rddreg [dreg:$0x1]  }
0x28e: {  	s9 =	simm.s32 @!p2 $0x10;
	s2 =	sand.u32 @!p2 $0x1C000, s2;
	s5 =	sadd.s32 @!p2 s7, s5  }
0x28f: {  	s12 =	simm.s32 @!p2 $0x80;
	s2 =	sadd.s32 @!p2 s2, s5;
	s5 =	rddreg [dreg:$0x3]  }
0x290: {  	s13 =	simm.s32 @!p2 $0x1C03;
	s7 =	simm.s32 @!p2 $0x1;
	s5 =	sshrl.u32 @!p2 s5, $0x3  }
0x291: {  	[spmem:s5@s9], [sflag:s13] =	dma.strided @!p2 [hbm:s2@s12], $0x800, s7, $0x10   }
0x292: {  	[bflag:$0x0] =	sbarrier.arrive @!p1 $0xFFFF  }
0x293: {  	s10 =	simm.s32 $0x19780;
	s9 =	simm.s32 $0x18700;
	s7 =	rddreg [dreg:$0x4]  }
0x294: {  	[tilespmem:s9], [sflag:$0x5] =	stream.linear.gather [spmem:s7], $0x1000, $0x38;
	[tilespmem:$0x1EF00] =	vst v63  }
0x295: {  	v9 =	vld [tilespmem:s10+$0x70]  }
0x296: {  	v10 =	vld [tilespmem:s10+$0xFFFFFF90]  }
0x297: {  	s18 =	simm.s32 $0x3060;
	s19 =	simm.s32 $0x3070;
	s20 =	simm.s32 $0x3080;
	v11 =	vld [tilespmem:s10+$0xFFFFFFA0]  }
0x298: {  	s22 =	simm.s32 $0x30A0;
	s24 =	simm.s32 $0x30B0;
	s26 =	simm.s32 $0x30C0;
	v29 =	vmov s18;
	v50 =	vmov s19;
	v51 =	vmov s20;
	v12 =	vld [tilespmem:s10+$0xFFFFFFB0]  }
0x299: {  	s31 =	simm.s32 $0x30E0;
	v54 =	vmov s22;
	v40 =	vmov s24;
	v41 =	vmov s26;
	s2 =	simm.s32 $0x30F0;
	v13 =	vld [tilespmem:s10+$0xFFFFFFC0]  }
0x29a: {  	v56 =	vmov s31;
	v57 =	vshrl.u32 v40, $0x7;
	v16 =	vmov s2;
	v14 =	vld [tilespmem:s10+$0xFFFFFFD0]  }
0x29b: {  	s15 =	simm.s32 $0x3030;
	s16 =	simm.s32 $0x3040;
	v58 =	vshrl.u32 v41, $0x7;
	v32 =	vshrl.u32 v56, $0x7;
	v16 =	vshrl.u32 v16, $0x7;
	v15 =	vld [tilespmem:s10+$0xFFFFFFE0]  }
0x29c: {  	s17 =	simm.s32 $0x3050;
	v25 =	vmov s15;
	v26 =	vmov s16;
	s12 =	simm.s32 $0x3000;
	v16 =	vshll.u32 v16, v0;
	v17 =	vld [tilespmem:s10+$0xFFFFFFF0]  }
0x29d: {  	s14 =	simm.s32 $0x3020;
	v28 =	vmov s17;
	s13 =	simm.s32 $0x3010;
	v18 =	vmov s12;
	v19 =	vld [tilespmem:s10+$0x0];
	v16 =	vbroadcast v16, $0x0  }
0x29e: {  	v22 =	vmov s14;
	v21 =	vmov s13;
	v44 =	vshrl.u32 v18, $0x7;
	v20 =	vld [tilespmem:s10+$0x10]  }
0x29f: {  	v59 =	vshll.u32 v44, v0;
	v31 =	vld [tilespmem:s10+$0x60];
	v30 =	vor.u32 v7, v16;
	vm15 =	vgt.s32 v9, $0xC37F  }
0x2a0: {  	v49 =	vld [tilespmem:s10+$0xFFFFFF80];
	vm0 =	vgt.s32 v10, $0xC37F;
	v10 =	vadd.s32 $0xFFFF3C80, v10;
	v9 =	vadd.s32 $0xFFFF3C80, v9  }
0x2a1: {  	v16 =	vld [tilespmem:s10+$0x40];
	vm2 =	vgt.s32 v11, $0xC37F;
	v11 =	vadd.s32 $0xFFFF3C80, v11;
	vm1 =	vgt.s32 v12, $0xC37F  }
0x2a2: {  	v12 =	vadd.s32 $0xFFFF3C80, v12;
	vm4 =	vgt.s32 v14, $0xC37F;
	v23 =	vadd.s32 $0xFFFF3C80, v14;
	v14 =	vld [tilespmem:s10+$0x20]  }
0x2a3: {  	vm3 =	vgt.s32 v13, $0xC37F;
	vm5 =	vgt.s32 v15, $0xC37F;
	v24 =	vadd.s32 $0xFFFF3C80, v15;
	v15 =	vld [tilespmem:s10+$0x30]  }
0x2a4: {  	v13 =	vadd.s32 $0xFFFF3C80, v13;
	vm6 =	vgt.s32 v17, $0xC37F;
	v27 =	vadd.s32 $0xFFFF3C80, v17;
	v17 =	vld [tilespmem:s10+$0x50]  }
0x2a5: {  	vm7 =	vgt.s32 v19, $0xC37F;
	v19 =	vadd.s32 $0xFFFF3C80, v19;
	vm8 =	vgt.s32 v20, $0xC37F  }
0x2a6: {  	v20 =	vadd.s32 $0xFFFF3C80, v20;
	vm12 =	vgt.s32 v31, $0xC37F;
	v43 =	vadd.s32 $0xFFFF3C80, v31  }
0x2a7: {  	vm14 =	vgt.s32 v49, $0xC37F;
	v31 =	vadd.s32 $0xFFFF3C80, v49;
	vm10 =	vgt.s32 v16, $0xC37F  }
0x2a8: {  	v55 =	vadd.s32 $0xFFFF3C80, v16;
	vm9 =	vgt.s32 v14, $0xC37F;
	v52 =	vadd.s32 $0xFFFF3C80, v14;
	v42 =	vld.idx.msk [tilespmem:v9+s30+$0x0], vm15  }
0x2a9: {  	s21 =	simm.s32 $0x3090;
	s29 =	simm.s32 $0x30D0;
	vm13 =	vgt.s32 v15, $0xC37F;
	vm11 =	vgt.s32 v17, $0xC37F;
	v39 =	vadd.s32 $0xFFFF3C80, v17;
	v17 =	vld.idx.msk [tilespmem:v10+s30+$0x0], vm0  }
0x2aa: {  	v53 =	vadd.s32 $0xFFFF3C80, v15;
	v15 =	vmov s21;
	v10 =	vmov s29;
	v18 =	vld.idx.msk [tilespmem:v11+s30+$0x0], vm2  }
0x2ab: {  	v11 =	vshrl.u32 v21, $0x7;
	v21 =	vshrl.u32 v22, $0x7;
	v22 =	vshrl.u32 v25, $0x7;
	v16 =	vld.idx.msk [tilespmem:v12+s30+$0x0], vm1  }
0x2ac: {  	v12 =	vshrl.u32 v26, $0x7;
	v25 =	vshrl.u32 v28, $0x7;
	v26 =	vshrl.u32 v29, $0x7;
	v14 =	vld.idx.msk [tilespmem:v13+s30+$0x0], vm3  }
0x2ad: {  	v13 =	vshrl.u32 v50, $0x7;
	v28 =	vshrl.u32 v51, $0x7;
	v29 =	vshrl.u32 v15, $0x7;
	v15 =	vld.idx.msk [tilespmem:v23+s30+$0x0], vm4  }
0x2ae: {  	v23 =	vshrl.u32 v54, $0x7;
	v9 =	vld.idx.msk [tilespmem:v24+s30+$0x0], vm5;
	v24 =	vshrl.u32 v10, $0x7;
	v60 =	vshll.u32 v11, v0  }
0x2af: {  	v10 =	vld.idx.msk [tilespmem:v27+s30+$0x0], vm6;
	v61 =	vshll.u32 v21, v0;
	v22 =	vshll.u32 v22, v0;
	v62 =	vshll.u32 v12, v0  }
0x2b0: {  	v11 =	vld.idx.msk [tilespmem:v19+s30+$0x0], vm7;
	v45 =	vshll.u32 v25, v0;
	v46 =	vshll.u32 v26, v0;
	v47 =	vshll.u32 v13, v0  }
0x2b1: {  	v12 =	vld.idx.msk [tilespmem:v20+s30+$0x0], vm8;
	v48 =	vshll.u32 v28, v0;
	v49 =	vshll.u32 v29, v0;
	v28 =	vshll.u32 v23, v0  }
0x2b2: {  	v27 =	vshll.u32 v57, v0;
	v23 =	vld.idx.msk [tilespmem:v31+s30+$0x0], vm14;
	v20 =	vbroadcast v59, $0x0;
	v29 =	vbroadcast v60, $0x0  }
0x2b3: {  	v25 =	vshll.u32 v24, v0;
	v63 =	vbroadcast v61, $0x0;
	v34 =	vbroadcast v22, $0x0;
	v19 =	vld.idx.msk [tilespmem:v55+s30+$0x0], vm10  }
0x2b4: {  	v24 =	vshll.u32 v32, v0;
	v36 =	vbroadcast v62, $0x0;
	v32 =	vbroadcast v45, $0x0;
	v22 =	vld.idx.msk [tilespmem:v43+s30+$0x0], vm12  }
0x2b5: {  	p4 =	por @p1 $0x0, $0x0;
	p3 =	por !p3, !p1;
	p2 =	por @!p2 $0x1, $0x1;
	v37 =	vbroadcast v46, $0x0;
	v33 =	vbroadcast v47, $0x0;
	v31 =	vor.u32 v1, v20;
	v13 =	vld.idx.msk [tilespmem:v52+s30+$0x0], vm9  }
0x2b6: {  	p2 =	por @!p3 p4, p4;
	p3 =	sne.s32 @!p1 s11, $0xC;
	v26 =	vshll.u32 v58, v0;
	v38 =	vbroadcast v48, $0x0;
	v35 =	vbroadcast v49, $0x0;
	v21 =	vld.idx.msk [tilespmem:v53+s30+$0x0], vm13  }
0x2b7: {  	s12 =	simm.s32 $0x19880;
	p2 =	por @!p1 p3, p3;
	s7 =	simm.s32 $0x0;
	v29 =	vor.u32 v6, v29;
	v20 =	vld.idx.msk [tilespmem:v39+s30+$0x0], vm11;
	[tilespmem:v30+s25+$0x0] =	vst.idx.msk vm15, v42;
	v30 =	vor.u32 v5, v63  }
.LBB2_17:
0x2b8: {  	v39 =	vld [tilespmem:s12+$0x70];
	s7 =	sadd.s32 $0x10, s7;
	v34 =	vor.u32 v4, v34;
	v28 =	vbroadcast v28, $0x0;
	v27 =	vbroadcast v27, $0x0  }
0x2b9: {  	v36 =	vor.u32 v3, v36;
	v26 =	vbroadcast v26, $0x0;
	v25 =	vbroadcast v25, $0x0;
	v40 =	vld [tilespmem:s12+$0xFFFFFF90];
	p3 =	slt.u32 s7, $0xF0  }
0x2ba: {  	v24 =	vbroadcast v24, $0x0;
	v41 =	vld [tilespmem:s12+$0xFFFFFFA0];
	[tilespmem:v31+s25+$0x0] =	vst.idx.msk vm14, v23;
	v23 =	vor.u32 v2, v32;
	v31 =	vor.u32 v8, v37  }
0x2bb: {  	v33 =	vor.u32 v7, v33;
	v35 =	vor.u32 v6, v35;
	v37 =	vor.u32 v1, v38;
	v32 =	vld [tilespmem:s12+$0xFFFFFFB0]  }
0x2bc: {  	v28 =	vor.u32 v5, v28;
	v27 =	vor.u32 v4, v27;
	v26 =	vor.u32 v3, v26;
	v38 =	vld [tilespmem:s12+$0xFFFFFFC0]  }
0x2bd: {  	v25 =	vor.u32 v2, v25;
	v24 =	vor.u32 v8, v24;
	v42 =	vld [tilespmem:s12+$0xFFFFFFD0];
	vm14 =	vgt.s32 v39, $0xC37F;
	[tilespmem:v29+s25+$0x0] =	vst.idx.msk vm0, v17  }
0x2be: {  	s2 =	sadd.s32 $0x100, s2;
	v39 =	vadd.s32 $0xFFFF3C80, v39;
	vm0 =	vgt.s32 v40, $0xC37F;
	v17 =	vadd.s32 $0xFFFF3C80, v40;
	v29 =	vld [tilespmem:s12+$0xFFFFFFE0];
	[tilespmem:v30+s25+$0x0] =	vst.idx.msk vm2, v18  }
0x2bf: {  	s5 =	sadd.s32 $0xFFFFFF10, s2;
	s9 =	sadd.s32 $0xFFFFFF20, s2;
	s17 =	sadd.s32 $0xFFFFFF30, s2;
	v40 =	vmov s2;
	vm2 =	vgt.s32 v41, $0xC37F;
	v18 =	vadd.s32 $0xFFFF3C80, v41;
	v30 =	vld [tilespmem:s12+$0xFFFFFFF0];
	[tilespmem:v34+s25+$0x0] =	vst.idx.msk vm1, v16  }
0x2c0: {  	s18 =	sadd.s32 $0xFFFFFF40, s2;
	s19 =	sadd.s32 $0xFFFFFF50, s2;
	s20 =	sadd.s32 $0xFFFFFF60, s2;
	v34 =	vshrl.u32 v40, $0x7;
	vm1 =	vgt.s32 v32, $0xC37F;
	v16 =	vadd.s32 $0xFFFF3C80, v32;
	v32 =	vld [tilespmem:s12+$0x0];
	[tilespmem:v36+s25+$0x0] =	vst.idx.msk vm3, v14  }
0x2c1: {  	s21 =	sadd.s32 $0xFFFFFF70, s2;
	s22 =	sadd.s32 $0xFFFFFF80, s2;
	s24 =	sadd.s32 $0xFFFFFF90, s2;
	v34 =	vshll.u32 v34, v0;
	vm3 =	vgt.s32 v38, $0xC37F;
	v14 =	vadd.s32 $0xFFFF3C80, v38;
	v36 =	vld [tilespmem:s12+$0x10];
	[tilespmem:v23+s25+$0x0] =	vst.idx.msk vm4, v15  }
0x2c2: {  	s26 =	sadd.s32 $0xFFFFFFA0, s2;
	s31 =	sadd.s32 $0xFFFFFFB0, s2;
	s16 =	sadd.s32 $0xFFFFFFC0, s2;
	v34 =	vbroadcast v34, $0x0;
	vm4 =	vgt.s32 v42, $0xC37F;
	v15 =	vadd.s32 $0xFFFF3C80, v42;
	v23 =	vld [tilespmem:s12+$0x20];
	[tilespmem:v31+s25+$0x0] =	vst.idx.msk vm5, v9  }
0x2c3: {  	s13 =	sadd.s32 $0xFFFFFFD0, s2;
	s14 =	sadd.s32 $0xFFFFFFE0, s2;
	s15 =	sadd.s32 $0xFFFFFFF0, s2;
	v31 =	vmov s5;
	vm5 =	vgt.s32 v29, $0xC37F;
	v9 =	vadd.s32 $0xFFFF3C80, v29;
	v29 =	vld.idx.msk [tilespmem:v39+s30+$0x0], vm14;
	[tilespmem:v33+s25+$0x0] =	vst.idx.msk vm6, v10  }
0x2c4: {  	v33 =	vor.u32 v7, v34;
	vm6 =	vgt.s32 v30, $0xC37F;
	v10 =	vadd.s32 $0xFFFF3C80, v30;
	v30 =	vld [tilespmem:s12+$0x30];
	[tilespmem:v37+s25+$0x0] =	vst.idx.msk vm7, v11  }
0x2c5: {  	v11 =	vmov s9;
	vm7 =	vgt.s32 v32, $0xC37F;
	v32 =	vadd.s32 $0xFFFF3C80, v32;
	v34 =	vld [tilespmem:s12+$0x40];
	[tilespmem:v35+s25+$0x0] =	vst.idx.msk vm8, v12  }
0x2c6: {  	v12 =	vmov s17;
	vm8 =	vgt.s32 v36, $0xC37F;
	v35 =	vadd.s32 $0xFFFF3C80, v36;
	v36 =	vld [tilespmem:s12+$0x50];
	[tilespmem:v28+s25+$0x0] =	vst.idx.msk vm9, v13  }
0x2c7: {  	v13 =	vmov s18;
	vm9 =	vgt.s32 v23, $0xC37F;
	v23 =	vadd.s32 $0xFFFF3C80, v23;
	v28 =	vld [tilespmem:s12+$0x60];
	[tilespmem:v27+s25+$0x0] =	vst.idx.msk vm13, v21  }
0x2c8: {  	v38 =	vmov s21;
	v37 =	vmov s20;
	v27 =	vmov s19;
	v21 =	vld [tilespmem:s12+$0xFFFFFF80]  }
0x2c9: {  	v39 =	vmov s22;
	v17 =	vld.idx.msk [tilespmem:v17+s30+$0x0], vm0;
	vm13 =	vgt.s32 v30, $0xC37F;
	v30 =	vadd.s32 $0xFFFF3C80, v30;
	[tilespmem:v33+s25+$0x0] =	vst.idx.msk vm14, v29  }
0x2ca: {  	v29 =	vmov s24;
	v18 =	vld.idx.msk [tilespmem:v18+s30+$0x0], vm2;
	v33 =	vadd.s32 $0xFFFF3C80, v34;
	[tilespmem:v26+s25+$0x0] =	vst.idx.msk vm10, v19;
	vm10 =	vgt.s32 v34, $0xC37F  }
0x2cb: {  	v19 =	vmov s26;
	v16 =	vld.idx.msk [tilespmem:v16+s30+$0x0], vm1;
	v26 =	vadd.s32 $0xFFFF3C80, v36;
	[tilespmem:v25+s25+$0x0] =	vst.idx.msk vm11, v20;
	vm11 =	vgt.s32 v36, $0xC37F  }
0x2cc: {  	v20 =	vmov s31;
	v14 =	vld.idx.msk [tilespmem:v14+s30+$0x0], vm3;
	v25 =	vadd.s32 $0xFFFF3C80, v28;
	[tilespmem:v24+s25+$0x0] =	vst.idx.msk vm12, v22;
	vm12 =	vgt.s32 v28, $0xC37F  }
0x2cd: {  	v22 =	vmov s16;
	vm14 =	vgt.s32 v21, $0xC37F;
	v21 =	vadd.s32 $0xFFFF3C80, v21;
	v15 =	vld.idx.msk [tilespmem:v15+s30+$0x0], vm4  }
0x2ce: {  	v34 =	vmov s15;
	v24 =	vmov s13;
	v28 =	vmov s14;
	v9 =	vld.idx.msk [tilespmem:v9+s30+$0x0], vm5  }
0x2cf: {  	v31 =	vshrl.u32 v31, $0x7;
	v40 =	vshrl.u32 v12, $0x7;
	v36 =	vshrl.u32 v11, $0x7;
	v10 =	vld.idx.msk [tilespmem:v10+s30+$0x0], vm6  }
0x2d0: {  	v37 =	vshrl.u32 v37, $0x7;
	v41 =	vshrl.u32 v13, $0x7;
	v27 =	vshrl.u32 v27, $0x7;
	v11 =	vld.idx.msk [tilespmem:v32+s30+$0x0], vm7  }
0x2d1: {  	v29 =	vshrl.u32 v29, $0x7;
	v32 =	vshrl.u32 v38, $0x7;
	v38 =	vshrl.u32 v39, $0x7;
	v12 =	vld.idx.msk [tilespmem:v35+s30+$0x0], vm8  }
0x2d2: {  	v22 =	vshrl.u32 v22, $0x7;
	v39 =	vshrl.u32 v20, $0x7;
	v35 =	vshrl.u32 v19, $0x7;
	v13 =	vld.idx.msk [tilespmem:v23+s30+$0x0], vm9  }
0x2d3: {  	v34 =	vshrl.u32 v34, $0x7;
	v24 =	vshrl.u32 v24, $0x7;
	v42 =	vshrl.u32 v28, $0x7;
	v23 =	vld.idx.msk [tilespmem:v21+s30+$0x0], vm14  }
0x2d4: {  	v31 =	vshll.u32 v31, v0;
	v40 =	vshll.u32 v40, v0;
	v36 =	vshll.u32 v36, v0;
	v21 =	vld.idx.msk [tilespmem:v30+s30+$0x0], vm13  }
0x2d5: {  	v37 =	vshll.u32 v37, v0;
	v30 =	vshll.u32 v41, v0;
	v41 =	vshll.u32 v27, v0;
	v19 =	vld.idx.msk [tilespmem:v33+s30+$0x0], vm10  }
0x2d6: {  	v43 =	vshll.u32 v29, v0;
	v38 =	vshll.u32 v38, v0;
	v33 =	vshll.u32 v32, v0;
	v20 =	vld.idx.msk [tilespmem:v26+s30+$0x0], vm11  }
0x2d7: {  	v28 =	vshll.u32 v39, v0;
	v35 =	vshll.u32 v35, v0;
	v27 =	vshll.u32 v22, v0;
	v22 =	vld.idx.msk [tilespmem:v25+s30+$0x0], vm12  }
0x2d8: {  	v26 =	vshll.u32 v24, v0;
	v24 =	vshll.u32 v34, v0;
	v25 =	vshll.u32 v42, v0  }
.Ltmp7:
0x2d9: {  	v29 =	vbroadcast v31, $0x0;
	v39 =	vbroadcast v36, $0x0;
	(pc) =	sbr.rel @p3 .LBB2_17-.Ltmp7, $4  }
0x2da: {  	v40 =	vbroadcast v40, $0x0;
	v34 =	vbroadcast v30, $0x0  }
0x2db: {  	v31 =	vor.u32 v1, v29;
	v36 =	vbroadcast v41, $0x0;
	v32 =	vbroadcast v37, $0x0  }
0x2dc: {  	v29 =	vor.u32 v6, v39;
	v37 =	vbroadcast v33, $0x0;
	v33 =	vbroadcast v38, $0x0  }
0x2dd: {  	s12 =	sadd.s32 $0x100, s12;
	v35 =	vbroadcast v35, $0x0;
	v30 =	vor.u32 v5, v40;
	v38 =	vbroadcast v43, $0x0  }
0x2de: {  	_ =	sdelay $0x2  }
0x2df: {  	v34 =	vor.u32 v4, v34  }
0x2e0: {  	v36 =	vor.u32 v3, v36  }
0x2e1: {  	[tilespmem:v31+s25+$0x0] =	vst.idx.msk vm14, v23;
	v48 =	vor.u32 v2, v32  }
0x2e2: {  	v49 =	vor.u32 v8, v37;
	[tilespmem:v29+s25+$0x0] =	vst.idx.msk vm0, v17  }
0x2e3: {  	v50 =	vor.u32 v7, v33;
	[tilespmem:v30+s25+$0x0] =	vst.idx.msk vm2, v18  }
0x2e4: {  	v51 =	vbroadcast v28, $0x0;
	v52 =	vor.u32 v1, v38;
	[tilespmem:v34+s25+$0x0] =	vst.idx.msk vm1, v16  }
0x2e5: {  	v53 =	vbroadcast v27, $0x0;
	v54 =	vor.u32 v6, v35;
	[tilespmem:v36+s25+$0x0] =	vst.idx.msk vm3, v14  }
0x2e6: {  	v18 =	vor.u32 v5, v51;
	v14 =	vbroadcast v26, $0x0;
	[tilespmem:v48+s25+$0x0] =	vst.idx.msk vm4, v15  }
0x2e7: {  	v15 =	vbroadcast v25, $0x0;
	v16 =	vor.u32 v4, v53;
	[tilespmem:v49+s25+$0x0] =	vst.idx.msk vm5, v9  }
0x2e8: {  	v9 =	vbroadcast v24, $0x0;
	[tilespmem:v50+s25+$0x0] =	vst.idx.msk vm6, v10;
	v14 =	vor.u32 v3, v14  }
0x2e9: {  	[tilespmem:v52+s25+$0x0] =	vst.idx.msk vm7, v11;
	v10 =	vor.u32 v2, v15  }
0x2ea: {  	[tilespmem:v54+s25+$0x0] =	vst.idx.msk vm8, v12;
	v9 =	vor.u32 v8, v9  }
0x2eb: {  	[tilespmem:v18+s25+$0x0] =	vst.idx.msk vm9, v13  }
0x2ec: {  	[tilespmem:v16+s25+$0x0] =	vst.idx.msk vm13, v21  }
0x2ed: {  	[tilespmem:v14+s25+$0x0] =	vst.idx.msk vm10, v19  }
0x2ee: {  	[tilespmem:v10+s25+$0x0] =	vst.idx.msk vm11, v20  }
0x2ef: {  	[tilespmem:v9+s25+$0x0] =	vst.idx.msk vm12, v22  }
0x2f0: {  	s20 =	simm.s32 $0x80;
	s2 =	rddreg [dreg:$0x10]  }
0x2f1: {  	s5 =	simm.s32 $0x400;
	s0 =	simm.s32 $0x1D700;
	s2 =	sadd.s32 s3, s2  }
0x2f2: {  	[hbm4b:s2+s20] =	stream.strided.scatter [tilespmem:s0], [sflag:$0xA], $0x1000, s5, s20, $0x38;
	[tilespmem:$0x1EF00] =	vst v63  }
0x2f3: {  	s21 =	sadd.s32 $0xC380, s6;
	s22 =	simm.s32 $0x1  }
0x2f4: {  	[tilespmem:s30], [sflag:$0x2] =	stream.strided.gather [hbm4b:s21+s20], $0xC380, s5, s20, $0x38;
	[tilespmem:$0x1EF00] =	vst v63  }
0x2f5: {  	_ =	swait.ge [sflag:s22], $0xC380  }
0x2f6: {  	[sflag:s22] =	ssyncset.done $0x0  }
0x2f7: {  	[sflag:s22] =	ssyncadd.s32 $0xFFFF3C80  }
0x2f8: {  	_ =	swait.ge [sflag:s4], $0x1000  }
0x2f9: {  	s26 =	simm.s32 $0x7;
	[sflag:s4] =	ssyncset.done $0x0  }
0x2fa: {  	s0 =	simm.s32 $0x19700;
	s24 =	rddreg [dreg:$0x11];
	[sflag:s4] =	ssyncadd.s32 $0xFFFFF000  }
0x2fb: {  	[tilespmem:s0], [sflag:$0x6] =	stream.linear.gather [spmem:s24], $0x1000, $0x38;
	[tilespmem:$0x1EF00] =	vst v63  }
0x2fc: {  	_ =	swait.ge [sflag:s26], $0x1000  }
0x2fd: {  	[sflag:s26] =	ssyncset.done $0x0  }
0x2fe: {  	s31 =	simm.s32 $0x18780;
	[sflag:s26] =	ssyncadd.s32 $0xFFFFF000  }
0x2ff: {  	v9 =	vld [tilespmem:s31+$0x70]  }
0x300: {  	v10 =	vld [tilespmem:s31+$0xFFFFFF90]  }
0x301: {  	v11 =	vld [tilespmem:s31+$0xFFFFFFA0]  }
0x302: {  	v12 =	vld [tilespmem:s31+$0xFFFFFFB0]  }
0x303: {  	v13 =	vld [tilespmem:s31+$0xFFFFFFC0]  }
0x304: {  	v14 =	vld [tilespmem:s31+$0xFFFFFFD0]  }
0x305: {  	v15 =	vld [tilespmem:s31+$0xFFFFFFE0]  }
0x306: {  	v55 =	vld [tilespmem:s31+$0xFFFFFFF0]  }
0x307: {  	v56 =	vld [tilespmem:s31+$0x0]  }
0x308: {  	v57 =	vld [tilespmem:s31+$0x10]  }
0x309: {  	v58 =	vld [tilespmem:s31+$0x20];
	vm14 =	vlt.s32 v9, $0xC380  }
0x30a: {  	v59 =	vld [tilespmem:s31+$0x30];
	vm15 =	vlt.s32 v10, $0xC380  }
0x30b: {  	v60 =	vld [tilespmem:s31+$0x40];
	vm9 =	vlt.s32 v11, $0xC380  }
0x30c: {  	v61 =	vld [tilespmem:s31+$0x50];
	vm10 =	vlt.s32 v12, $0xC380  }
0x30d: {  	v62 =	vld [tilespmem:s31+$0x60];
	vm11 =	vlt.s32 v13, $0xC380  }
0x30e: {  	v63 =	vld [tilespmem:s31+$0xFFFFFF80];
	vm12 =	vlt.s32 v14, $0xC380  }
0x30f: {  	vm13 =	vlt.s32 v15, $0xC380;
	v9 =	vld.idx.msk [tilespmem:v9+s8+$0x0], vm14  }
0x310: {  	vm14 =	vlt.s32 v55, $0xC380;
	v10 =	vld.idx.msk [tilespmem:v10+s8+$0x0], vm15  }
0x311: {  	vm15 =	vlt.s32 v56, $0xC380;
	v11 =	vld.idx.msk [tilespmem:v11+s8+$0x0], vm9  }
0x312: {  	vm9 =	vlt.s32 v57, $0xC380;
	v12 =	vld.idx.msk [tilespmem:v12+s8+$0x0], vm10  }
0x313: {  	vm10 =	vlt.s32 v58, $0xC380;
	v13 =	vld.idx.msk [tilespmem:v13+s8+$0x0], vm11  }
0x314: {  	s2 =	simm.s32 $0x1A780;
	vm11 =	vlt.s32 v63, $0xC380;
	v14 =	vld.idx.msk [tilespmem:v14+s8+$0x0], vm12  }
0x315: {  	vm12 =	vlt.s32 v59, $0xC380;
	v15 =	vld.idx.msk [tilespmem:v15+s8+$0x0], vm13;
	[tilespmem:s2+$0x70] =	vst v9  }
0x316: {  	vm13 =	vlt.s32 v60, $0xC380;
	[tilespmem:s2+$0xFFFFFF90] =	vst v10;
	v16 =	vld.idx.msk [tilespmem:v55+s8+$0x0], vm14  }
0x317: {  	[tilespmem:s2+$0xFFFFFFA0] =	vst v11;
	vm14 =	vlt.s32 v61, $0xC380;
	v17 =	vld.idx.msk [tilespmem:v56+s8+$0x0], vm15  }
0x318: {  	[tilespmem:s2+$0xFFFFFFB0] =	vst v12;
	vm15 =	vlt.s32 v62, $0xC380;
	v18 =	vld.idx.msk [tilespmem:v57+s8+$0x0], vm9  }
0x319: {  	[tilespmem:s2+$0xFFFFFFC0] =	vst v13;
	v10 =	vld.idx.msk [tilespmem:v58+s8+$0x0], vm10  }
0x31a: {  	[tilespmem:s2+$0xFFFFFFD0] =	vst v14;
	v9 =	vld.idx.msk [tilespmem:v63+s8+$0x0], vm11  }
0x31b: {  	[tilespmem:s2+$0xFFFFFFE0] =	vst v15;
	v11 =	vld.idx.msk [tilespmem:v59+s8+$0x0], vm12  }
0x31c: {  	v12 =	vld.idx.msk [tilespmem:v60+s8+$0x0], vm13;
	[tilespmem:s2+$0xFFFFFFF0] =	vst v16  }
0x31d: {  	s29 =	simm.s32 $0x80;
	[tilespmem:s2+$0x0] =	vst v17;
	v13 =	vld.idx.msk [tilespmem:v61+s8+$0x0], vm14  }
0x31e: {  	s10 =	simm.s32 $0x400;
	s6 =	simm.s32 $0x18880;
	s3 =	simm.s32 $0x0;
	[tilespmem:s2+$0x10] =	vst v18;
	v14 =	vld.idx.msk [tilespmem:v62+s8+$0x0], vm15  }
.LBB2_19:
0x31f: {  	v15 =	vld [tilespmem:s6+$0x70];
	s3 =	sadd.s32 $0x10, s3;
	[tilespmem:s2+$0x20] =	vst v10  }
0x320: {  	v10 =	vld [tilespmem:s6+$0xFFFFFF90];
	p3 =	slt.u32 s3, $0xF0;
	[tilespmem:s2+$0xFFFFFF80] =	vst v9  }
0x321: {  	v9 =	vld [tilespmem:s6+$0xFFFFFFA0];
	[tilespmem:s2+$0x30] =	vst v11  }
0x322: {  	v11 =	vld [tilespmem:s6+$0xFFFFFFB0];
	[tilespmem:s2+$0x40] =	vst v12  }
0x323: {  	v12 =	vld [tilespmem:s6+$0xFFFFFFC0];
	[tilespmem:s2+$0x50] =	vst v13  }
0x324: {  	v13 =	vld [tilespmem:s6+$0xFFFFFFD0];
	vm5 =	vlt.s32 v15, $0xC380;
	[tilespmem:s2+$0x60] =	vst v14  }
0x325: {  	vm9 =	vlt.s32 v10, $0xC380;
	v14 =	vld [tilespmem:s6+$0xFFFFFFE0]  }
0x326: {  	vm1 =	vlt.s32 v9, $0xC380;
	v16 =	vld [tilespmem:s6+$0xFFFFFFF0]  }
0x327: {  	vm2 =	vlt.s32 v11, $0xC380;
	v17 =	vld [tilespmem:s6+$0x0]  }
0x328: {  	vm3 =	vlt.s32 v12, $0xC380;
	v18 =	vld [tilespmem:s6+$0x10]  }
0x329: {  	vm0 =	vlt.s32 v13, $0xC380;
	v19 =	vld [tilespmem:s6+$0x20]  }
0x32a: {  	vm4 =	vlt.s32 v14, $0xC380;
	v15 =	vld.idx.msk [tilespmem:v15+s8+$0x0], vm5  }
0x32b: {  	vm5 =	vlt.s32 v16, $0xC380;
	v20 =	vld [tilespmem:s6+$0x30]  }
0x32c: {  	vm6 =	vlt.s32 v17, $0xC380;
	v21 =	vld [tilespmem:s6+$0x40]  }
0x32d: {  	vm7 =	vlt.s32 v18, $0xC380;
	v22 =	vld [tilespmem:s6+$0x50]  }
0x32e: {  	vm8 =	vlt.s32 v19, $0xC380;
	v23 =	vld [tilespmem:s6+$0x60]  }
0x32f: {  	s2 =	sadd.s32 $0x100, s2;
	v24 =	vld [tilespmem:s6+$0xFFFFFF80]  }
0x330: {  	v10 =	vld.idx.msk [tilespmem:v10+s8+$0x0], vm9;
	vm9 =	vlt.s32 v20, $0xC380;
	[tilespmem:s2+$0x70] =	vst v15  }
0x331: {  	v9 =	vld.idx.msk [tilespmem:v9+s8+$0x0], vm1;
	vm1 =	vlt.s32 v21, $0xC380  }
0x332: {  	v11 =	vld.idx.msk [tilespmem:v11+s8+$0x0], vm2;
	vm2 =	vlt.s32 v22, $0xC380  }
0x333: {  	v12 =	vld.idx.msk [tilespmem:v12+s8+$0x0], vm3;
	vm3 =	vlt.s32 v23, $0xC380  }
0x334: {  	vm10 =	vlt.s32 v24, $0xC380;
	v13 =	vld.idx.msk [tilespmem:v13+s8+$0x0], vm0  }
0x335: {  	v14 =	vld.idx.msk [tilespmem:v14+s8+$0x0], vm4  }
0x336: {  	[tilespmem:s2+$0xFFFFFF90] =	vst v10;
	v15 =	vld.idx.msk [tilespmem:v16+s8+$0x0], vm5  }
0x337: {  	[tilespmem:s2+$0xFFFFFFA0] =	vst v9;
	v16 =	vld.idx.msk [tilespmem:v17+s8+$0x0], vm6  }
0x338: {  	[tilespmem:s2+$0xFFFFFFB0] =	vst v11;
	v17 =	vld.idx.msk [tilespmem:v18+s8+$0x0], vm7  }
0x339: {  	[tilespmem:s2+$0xFFFFFFC0] =	vst v12;
	v10 =	vld.idx.msk [tilespmem:v19+s8+$0x0], vm8  }
.Ltmp8:
0x33a: {  	v9 =	vld.idx.msk [tilespmem:v24+s8+$0x0], vm10;
	[tilespmem:s2+$0xFFFFFFD0] =	vst v13;
	(pc) =	sbr.rel @p3 .LBB2_19-.Ltmp8, $4  }
0x33b: {  	[tilespmem:s2+$0xFFFFFFE0] =	vst v14;
	v11 =	vld.idx.msk [tilespmem:v20+s8+$0x0], vm9  }
0x33c: {  	[tilespmem:s2+$0xFFFFFFF0] =	vst v15;
	v12 =	vld.idx.msk [tilespmem:v21+s8+$0x0], vm1  }
0x33d: {  	[tilespmem:s2+$0x0] =	vst v16;
	v13 =	vld.idx.msk [tilespmem:v22+s8+$0x0], vm2  }
0x33e: {  	s6 =	sadd.s32 $0x100, s6;
	[tilespmem:s2+$0x10] =	vst v17;
	v14 =	vld.idx.msk [tilespmem:v23+s8+$0x0], vm3  }
0x33f: {  	[tilespmem:s2+$0x20] =	vst v10  }
0x340: {  	[tilespmem:s2+$0xFFFFFF80] =	vst v9  }
0x341: {  	[tilespmem:s2+$0x30] =	vst v11  }
0x342: {  	[tilespmem:s2+$0x40] =	vst v12  }
0x343: {  	[tilespmem:s2+$0x50] =	vst v13  }
0x344: {  	[tilespmem:s2+$0x60] =	vst v14  }
0x345: {  	_ =	swait.ge [sflag:s23], $0x1000  }
0x346: {  	s17 =	simm.s32 $0x18700;
	[sflag:s23] =	ssyncset.done $0x0  }
0x347: {  	s26 =	simm.s32 $0x8;
	s24 =	rddreg [dreg:$0x12];
	[sflag:s23] =	ssyncadd.s32 $0xFFFFF000  }
0x348: {  	[tilespmem:s17], [sflag:$0x5] =	stream.linear.gather [spmem:s24], $0x1000, $0x38;
	[tilespmem:$0x1EF00] =	vst v63  }
0x349: {  	_ =	swait.ge [sflag:s26], $0x1000  }
0x34a: {  	[sflag:s26] =	ssyncset.done $0x0  }
0x34b: {  	s31 =	simm.s32 $0x19780;
	[sflag:s26] =	ssyncadd.s32 $0xFFFFF000  }
0x34c: {  	v9 =	vld [tilespmem:s31+$0x70]  }
0x34d: {  	v10 =	vld [tilespmem:s31+$0xFFFFFF90]  }
0x34e: {  	v11 =	vld [tilespmem:s31+$0xFFFFFFA0]  }
0x34f: {  	v12 =	vld [tilespmem:s31+$0xFFFFFFB0]  }
0x350: {  	v13 =	vld [tilespmem:s31+$0xFFFFFFC0]  }
0x351: {  	v14 =	vld [tilespmem:s31+$0xFFFFFFD0]  }
0x352: {  	v15 =	vld [tilespmem:s31+$0xFFFFFFE0]  }
0x353: {  	v16 =	vld [tilespmem:s31+$0xFFFFFFF0]  }
0x354: {  	v17 =	vld [tilespmem:s31+$0x0]  }
0x355: {  	v18 =	vld [tilespmem:s31+$0x10]  }
0x356: {  	v19 =	vld [tilespmem:s31+$0x20];
	vm0 =	vlt.s32 v9, $0xC380  }
0x357: {  	v20 =	vld [tilespmem:s31+$0x30];
	vm1 =	vlt.s32 v10, $0xC380  }
0x358: {  	v21 =	vld [tilespmem:s31+$0x40];
	vm14 =	vlt.s32 v11, $0xC380  }
0x359: {  	v22 =	vld [tilespmem:s31+$0x50];
	vm2 =	vlt.s32 v12, $0xC380  }
0x35a: {  	v23 =	vld [tilespmem:s31+$0x60];
	vm3 =	vlt.s32 v13, $0xC380  }
0x35b: {  	v24 =	vld [tilespmem:s31+$0xFFFFFF80];
	vm4 =	vlt.s32 v14, $0xC380  }
0x35c: {  	vm5 =	vlt.s32 v15, $0xC380;
	v9 =	vld.idx.msk [tilespmem:v9+s8+$0x0], vm0  }
0x35d: {  	vm6 =	vlt.s32 v16, $0xC380;
	v10 =	vld.idx.msk [tilespmem:v10+s8+$0x0], vm1  }
0x35e: {  	vm15 =	vlt.s32 v17, $0xC380;
	v11 =	vld.idx.msk [tilespmem:v11+s8+$0x0], vm14  }
0x35f: {  	vm9 =	vlt.s32 v18, $0xC380;
	v12 =	vld.idx.msk [tilespmem:v12+s8+$0x0], vm2  }
0x360: {  	vm10 =	vlt.s32 v19, $0xC380;
	v13 =	vld.idx.msk [tilespmem:v13+s8+$0x0], vm3  }
0x361: {  	s2 =	simm.s32 $0x1B7F0;
	vm11 =	vlt.s32 v24, $0xC380;
	v14 =	vld.idx.msk [tilespmem:v14+s8+$0x0], vm4  }
0x362: {  	vm12 =	vlt.s32 v20, $0xC380;
	v15 =	vld.idx.msk [tilespmem:v15+s8+$0x0], vm5;
	[tilespmem:s2+$0x0] =	vst v9  }
0x363: {  	vm13 =	vlt.s32 v21, $0xC380;
	v16 =	vld.idx.msk [tilespmem:v16+s8+$0x0], vm6;
	[tilespmem:s2+$0xFFFFFF20] =	vst v10  }
0x364: {  	vm14 =	vlt.s32 v22, $0xC380;
	v17 =	vld.idx.msk [tilespmem:v17+s8+$0x0], vm15;
	[tilespmem:s2+$0xFFFFFF30] =	vst v11  }
0x365: {  	vm15 =	vlt.s32 v23, $0xC380;
	v18 =	vld.idx.msk [tilespmem:v18+s8+$0x0], vm9;
	[tilespmem:s2+$0xFFFFFF40] =	vst v12  }
0x366: {  	[tilespmem:s2+$0xFFFFFF50] =	vst v13;
	v10 =	vld.idx.msk [tilespmem:v19+s8+$0x0], vm10  }
0x367: {  	v9 =	vld.idx.msk [tilespmem:v24+s8+$0x0], vm11;
	[tilespmem:s2+$0xFFFFFF60] =	vst v14  }
0x368: {  	[tilespmem:s2+$0xFFFFFF70] =	vst v15;
	v11 =	vld.idx.msk [tilespmem:v20+s8+$0x0], vm12  }
0x369: {  	[tilespmem:s2+$0xFFFFFF80] =	vst v16;
	v12 =	vld.idx.msk [tilespmem:v21+s8+$0x0], vm13  }
0x36a: {  	s3 =	simm.s32 $0x0;
	[tilespmem:s2+$0xFFFFFF90] =	vst v17;
	v13 =	vld.idx.msk [tilespmem:v22+s8+$0x0], vm14  }
0x36b: {  	s6 =	simm.s32 $0x19880;
	s18 =	smov.u32 s28;
	s26 =	rddreg [dreg:$0x0];
	[tilespmem:s2+$0xFFFFFFA0] =	vst v18;
	v14 =	vld.idx.msk [tilespmem:v23+s8+$0x0], vm15  }
.LBB2_21:
0x36c: {  	v15 =	vld [tilespmem:s6+$0x70];
	s3 =	sadd.s32 $0x10, s3;
	[tilespmem:s2+$0xFFFFFFB0] =	vst v10  }
0x36d: {  	v10 =	vld [tilespmem:s6+$0xFFFFFF90];
	p3 =	slt.u32 s3, $0xF0;
	[tilespmem:s2+$0xFFFFFF10] =	vst v9  }
0x36e: {  	v9 =	vld [tilespmem:s6+$0xFFFFFFA0];
	[tilespmem:s2+$0xFFFFFFC0] =	vst v11  }
0x36f: {  	v11 =	vld [tilespmem:s6+$0xFFFFFFB0];
	[tilespmem:s2+$0xFFFFFFD0] =	vst v12  }
0x370: {  	v12 =	vld [tilespmem:s6+$0xFFFFFFC0];
	[tilespmem:s2+$0xFFFFFFE0] =	vst v13  }
0x371: {  	v13 =	vld [tilespmem:s6+$0xFFFFFFD0];
	vm5 =	vlt.s32 v15, $0xC380;
	[tilespmem:s2+$0xFFFFFFF0] =	vst v14  }
0x372: {  	vm9 =	vlt.s32 v10, $0xC380;
	v14 =	vld [tilespmem:s6+$0xFFFFFFE0]  }
0x373: {  	vm1 =	vlt.s32 v9, $0xC380;
	v16 =	vld [tilespmem:s6+$0xFFFFFFF0]  }
0x374: {  	vm2 =	vlt.s32 v11, $0xC380;
	v17 =	vld [tilespmem:s6+$0x0]  }
0x375: {  	vm3 =	vlt.s32 v12, $0xC380;
	v18 =	vld [tilespmem:s6+$0x10]  }
0x376: {  	vm0 =	vlt.s32 v13, $0xC380;
	v19 =	vld [tilespmem:s6+$0x20]  }
0x377: {  	vm4 =	vlt.s32 v14, $0xC380;
	v15 =	vld.idx.msk [tilespmem:v15+s8+$0x0], vm5  }
0x378: {  	vm5 =	vlt.s32 v16, $0xC380;
	v20 =	vld [tilespmem:s6+$0x30]  }
0x379: {  	vm6 =	vlt.s32 v17, $0xC380;
	v21 =	vld [tilespmem:s6+$0x40]  }
0x37a: {  	vm7 =	vlt.s32 v18, $0xC380;
	v22 =	vld [tilespmem:s6+$0x50]  }
0x37b: {  	vm8 =	vlt.s32 v19, $0xC380;
	v23 =	vld [tilespmem:s6+$0x60]  }
0x37c: {  	s2 =	sadd.s32 $0x100, s2;
	v24 =	vld [tilespmem:s6+$0xFFFFFF80]  }
0x37d: {  	v10 =	vld.idx.msk [tilespmem:v10+s8+$0x0], vm9;
	vm9 =	vlt.s32 v20, $0xC380;
	[tilespmem:s2+$0x0] =	vst v15  }
0x37e: {  	v9 =	vld.idx.msk [tilespmem:v9+s8+$0x0], vm1;
	vm1 =	vlt.s32 v21, $0xC380  }
0x37f: {  	v11 =	vld.idx.msk [tilespmem:v11+s8+$0x0], vm2;
	vm2 =	vlt.s32 v22, $0xC380  }
0x380: {  	v12 =	vld.idx.msk [tilespmem:v12+s8+$0x0], vm3;
	vm3 =	vlt.s32 v23, $0xC380  }
0x381: {  	vm10 =	vlt.s32 v24, $0xC380;
	v13 =	vld.idx.msk [tilespmem:v13+s8+$0x0], vm0  }
0x382: {  	v14 =	vld.idx.msk [tilespmem:v14+s8+$0x0], vm4  }
0x383: {  	[tilespmem:s2+$0xFFFFFF20] =	vst v10;
	v15 =	vld.idx.msk [tilespmem:v16+s8+$0x0], vm5  }
0x384: {  	[tilespmem:s2+$0xFFFFFF30] =	vst v9;
	v16 =	vld.idx.msk [tilespmem:v17+s8+$0x0], vm6  }
0x385: {  	[tilespmem:s2+$0xFFFFFF40] =	vst v11;
	v17 =	vld.idx.msk [tilespmem:v18+s8+$0x0], vm7  }
0x386: {  	[tilespmem:s2+$0xFFFFFF50] =	vst v12;
	v10 =	vld.idx.msk [tilespmem:v19+s8+$0x0], vm8  }
.Ltmp9:
0x387: {  	v9 =	vld.idx.msk [tilespmem:v24+s8+$0x0], vm10;
	[tilespmem:s2+$0xFFFFFF60] =	vst v13;
	(pc) =	sbr.rel @p3 .LBB2_21-.Ltmp9, $4  }
0x388: {  	[tilespmem:s2+$0xFFFFFF70] =	vst v14;
	v11 =	vld.idx.msk [tilespmem:v20+s8+$0x0], vm9  }
0x389: {  	[tilespmem:s2+$0xFFFFFF80] =	vst v15;
	v12 =	vld.idx.msk [tilespmem:v21+s8+$0x0], vm1  }
0x38a: {  	[tilespmem:s2+$0xFFFFFF90] =	vst v16;
	v13 =	vld.idx.msk [tilespmem:v22+s8+$0x0], vm2  }
0x38b: {  	s6 =	sadd.s32 $0x100, s6;
	[tilespmem:s2+$0xFFFFFFA0] =	vst v17;
	v14 =	vld.idx.msk [tilespmem:v23+s8+$0x0], vm3  }
0x38c: {  	[tilespmem:s2+$0xFFFFFFB0] =	vst v10  }
0x38d: {  	[tilespmem:s2+$0xFFFFFF10] =	vst v9  }
0x38e: {  	[tilespmem:s2+$0xFFFFFFC0] =	vst v11  }
0x38f: {  	[tilespmem:s2+$0xFFFFFFD0] =	vst v12  }
0x390: {  	[tilespmem:s2+$0xFFFFFFE0] =	vst v13  }
0x391: {  	[tilespmem:s2+$0xFFFFFFF0] =	vst v14  }
0x392: {  	_ =	swait.ge [sflag:s4], $0x1000  }
0x393: {  	[sflag:s4] =	ssyncset.done $0x0  }
0x394: {  	s22 =	simm.s32 $0x9;
	s31 =	rddreg [dreg:$0x13];
	[sflag:s4] =	ssyncadd.s32 $0xFFFFF000  }
0x395: {  	[tilespmem:s0], [sflag:$0x6] =	stream.linear.gather [spmem:s31], $0x1000, $0x38;
	[tilespmem:$0x1EF00] =	vst v63  }
0x396: {  	_ =	swait.ge [sflag:s22], $0x1000  }
0x397: {  	[sflag:s22] =	ssyncset.done $0x0  }
0x398: {  	s24 =	simm.s32 $0x18780;
	[sflag:s22] =	ssyncadd.s32 $0xFFFFF000  }
0x399: {  	v9 =	vld [tilespmem:s24+$0x70]  }
0x39a: {  	v10 =	vld [tilespmem:s24+$0xFFFFFF90]  }
0x39b: {  	v11 =	vld [tilespmem:s24+$0xFFFFFFA0]  }
0x39c: {  	v12 =	vld [tilespmem:s24+$0xFFFFFFB0]  }
0x39d: {  	v13 =	vld [tilespmem:s24+$0xFFFFFFC0]  }
0x39e: {  	v14 =	vld [tilespmem:s24+$0xFFFFFFD0]  }
0x39f: {  	v15 =	vld [tilespmem:s24+$0xFFFFFFE0]  }
0x3a0: {  	v16 =	vld [tilespmem:s24+$0xFFFFFFF0]  }
0x3a1: {  	v17 =	vld [tilespmem:s24+$0x0]  }
0x3a2: {  	v18 =	vld [tilespmem:s24+$0x10]  }
0x3a3: {  	v19 =	vld [tilespmem:s24+$0x20];
	vm0 =	vlt.s32 v9, $0xC380  }
0x3a4: {  	v20 =	vld [tilespmem:s24+$0x30];
	vm1 =	vlt.s32 v10, $0xC380  }
0x3a5: {  	v21 =	vld [tilespmem:s24+$0x40];
	vm14 =	vlt.s32 v11, $0xC380  }
0x3a6: {  	v22 =	vld [tilespmem:s24+$0x50];
	vm2 =	vlt.s32 v12, $0xC380  }
0x3a7: {  	v23 =	vld [tilespmem:s24+$0x60];
	vm3 =	vlt.s32 v13, $0xC380  }
0x3a8: {  	v24 =	vld [tilespmem:s24+$0xFFFFFF80];
	vm4 =	vlt.s32 v14, $0xC380  }
0x3a9: {  	vm5 =	vlt.s32 v15, $0xC380;
	v9 =	vld.idx.msk [tilespmem:v9+s8+$0x0], vm0  }
0x3aa: {  	vm6 =	vlt.s32 v16, $0xC380;
	v10 =	vld.idx.msk [tilespmem:v10+s8+$0x0], vm1  }
0x3ab: {  	vm15 =	vlt.s32 v17, $0xC380;
	v11 =	vld.idx.msk [tilespmem:v11+s8+$0x0], vm14  }
0x3ac: {  	vm9 =	vlt.s32 v18, $0xC380;
	v12 =	vld.idx.msk [tilespmem:v12+s8+$0x0], vm2  }
0x3ad: {  	s2 =	simm.s32 $0x1C7F0;
	vm10 =	vlt.s32 v19, $0xC380;
	v13 =	vld.idx.msk [tilespmem:v13+s8+$0x0], vm3  }
0x3ae: {  	vm11 =	vlt.s32 v24, $0xC380;
	v14 =	vld.idx.msk [tilespmem:v14+s8+$0x0], vm4;
	[tilespmem:s2+$0x0] =	vst v9  }
0x3af: {  	vm12 =	vlt.s32 v20, $0xC380;
	v15 =	vld.idx.msk [tilespmem:v15+s8+$0x0], vm5;
	[tilespmem:s2+$0xFFFFFF20] =	vst v10  }
0x3b0: {  	vm13 =	vlt.s32 v21, $0xC380;
	v16 =	vld.idx.msk [tilespmem:v16+s8+$0x0], vm6;
	[tilespmem:s2+$0xFFFFFF30] =	vst v11  }
0x3b1: {  	vm14 =	vlt.s32 v22, $0xC380;
	v17 =	vld.idx.msk [tilespmem:v17+s8+$0x0], vm15;
	[tilespmem:s2+$0xFFFFFF40] =	vst v12  }
0x3b2: {  	vm15 =	vlt.s32 v23, $0xC380;
	v18 =	vld.idx.msk [tilespmem:v18+s8+$0x0], vm9;
	[tilespmem:s2+$0xFFFFFF50] =	vst v13  }
0x3b3: {  	v10 =	vld.idx.msk [tilespmem:v19+s8+$0x0], vm10;
	[tilespmem:s2+$0xFFFFFF60] =	vst v14  }
0x3b4: {  	v9 =	vld.idx.msk [tilespmem:v24+s8+$0x0], vm11;
	[tilespmem:s2+$0xFFFFFF70] =	vst v15  }
0x3b5: {  	v11 =	vld.idx.msk [tilespmem:v20+s8+$0x0], vm12;
	[tilespmem:s2+$0xFFFFFF80] =	vst v16  }
0x3b6: {  	v12 =	vld.idx.msk [tilespmem:v21+s8+$0x0], vm13;
	[tilespmem:s2+$0xFFFFFF90] =	vst v17  }
0x3b7: {  	[tilespmem:s2+$0xFFFFFFA0] =	vst v18;
	v13 =	vld.idx.msk [tilespmem:v22+s8+$0x0], vm14  }
0x3b8: {  	s3 =	simm.s32 $0x0;
	s6 =	simm.s32 $0x18880;
	v14 =	vld.idx.msk [tilespmem:v23+s8+$0x0], vm15;
	s28 =	rddreg [dreg:$0x17]  }
.LBB2_23:
0x3b9: {  	v15 =	vld [tilespmem:s6+$0x70];
	s3 =	sadd.s32 $0x10, s3;
	[tilespmem:s2+$0xFFFFFFB0] =	vst v10  }
0x3ba: {  	v10 =	vld [tilespmem:s6+$0xFFFFFF90];
	p3 =	slt.u32 s3, $0xF0;
	[tilespmem:s2+$0xFFFFFF10] =	vst v9  }
0x3bb: {  	v9 =	vld [tilespmem:s6+$0xFFFFFFA0];
	[tilespmem:s2+$0xFFFFFFC0] =	vst v11  }
0x3bc: {  	v11 =	vld [tilespmem:s6+$0xFFFFFFB0];
	[tilespmem:s2+$0xFFFFFFD0] =	vst v12  }
0x3bd: {  	v12 =	vld [tilespmem:s6+$0xFFFFFFC0];
	[tilespmem:s2+$0xFFFFFFE0] =	vst v13  }
0x3be: {  	v13 =	vld [tilespmem:s6+$0xFFFFFFD0];
	vm5 =	vlt.s32 v15, $0xC380;
	[tilespmem:s2+$0xFFFFFFF0] =	vst v14  }
0x3bf: {  	vm9 =	vlt.s32 v10, $0xC380;
	v14 =	vld [tilespmem:s6+$0xFFFFFFE0]  }
0x3c0: {  	vm1 =	vlt.s32 v9, $0xC380;
	v16 =	vld [tilespmem:s6+$0xFFFFFFF0]  }
0x3c1: {  	vm2 =	vlt.s32 v11, $0xC380;
	v17 =	vld [tilespmem:s6+$0x0]  }
0x3c2: {  	vm3 =	vlt.s32 v12, $0xC380;
	v18 =	vld [tilespmem:s6+$0x10]  }
0x3c3: {  	vm0 =	vlt.s32 v13, $0xC380;
	v19 =	vld [tilespmem:s6+$0x20]  }
0x3c4: {  	vm4 =	vlt.s32 v14, $0xC380;
	v15 =	vld.idx.msk [tilespmem:v15+s8+$0x0], vm5  }
0x3c5: {  	vm5 =	vlt.s32 v16, $0xC380;
	v20 =	vld [tilespmem:s6+$0x30]  }
0x3c6: {  	vm6 =	vlt.s32 v17, $0xC380;
	v21 =	vld [tilespmem:s6+$0x40]  }
0x3c7: {  	vm7 =	vlt.s32 v18, $0xC380;
	v22 =	vld [tilespmem:s6+$0x50]  }
0x3c8: {  	vm8 =	vlt.s32 v19, $0xC380;
	v23 =	vld [tilespmem:s6+$0x60]  }
0x3c9: {  	s2 =	sadd.s32 $0x100, s2;
	v24 =	vld [tilespmem:s6+$0xFFFFFF80]  }
0x3ca: {  	v10 =	vld.idx.msk [tilespmem:v10+s8+$0x0], vm9;
	vm9 =	vlt.s32 v20, $0xC380;
	[tilespmem:s2+$0x0] =	vst v15  }
0x3cb: {  	v9 =	vld.idx.msk [tilespmem:v9+s8+$0x0], vm1;
	vm1 =	vlt.s32 v21, $0xC380  }
0x3cc: {  	v11 =	vld.idx.msk [tilespmem:v11+s8+$0x0], vm2;
	vm2 =	vlt.s32 v22, $0xC380  }
0x3cd: {  	v12 =	vld.idx.msk [tilespmem:v12+s8+$0x0], vm3;
	vm3 =	vlt.s32 v23, $0xC380  }
0x3ce: {  	vm10 =	vlt.s32 v24, $0xC380;
	v13 =	vld.idx.msk [tilespmem:v13+s8+$0x0], vm0  }
0x3cf: {  	v14 =	vld.idx.msk [tilespmem:v14+s8+$0x0], vm4  }
0x3d0: {  	[tilespmem:s2+$0xFFFFFF20] =	vst v10;
	v15 =	vld.idx.msk [tilespmem:v16+s8+$0x0], vm5  }
0x3d1: {  	[tilespmem:s2+$0xFFFFFF30] =	vst v9;
	v16 =	vld.idx.msk [tilespmem:v17+s8+$0x0], vm6  }
0x3d2: {  	[tilespmem:s2+$0xFFFFFF40] =	vst v11;
	v17 =	vld.idx.msk [tilespmem:v18+s8+$0x0], vm7  }
0x3d3: {  	[tilespmem:s2+$0xFFFFFF50] =	vst v12;
	v10 =	vld.idx.msk [tilespmem:v19+s8+$0x0], vm8  }
.Ltmp10:
0x3d4: {  	v9 =	vld.idx.msk [tilespmem:v24+s8+$0x0], vm10;
	[tilespmem:s2+$0xFFFFFF60] =	vst v13;
	(pc) =	sbr.rel @p3 .LBB2_23-.Ltmp10, $4  }
0x3d5: {  	[tilespmem:s2+$0xFFFFFF70] =	vst v14;
	v11 =	vld.idx.msk [tilespmem:v20+s8+$0x0], vm9  }
0x3d6: {  	[tilespmem:s2+$0xFFFFFF80] =	vst v15;
	v12 =	vld.idx.msk [tilespmem:v21+s8+$0x0], vm1  }
0x3d7: {  	[tilespmem:s2+$0xFFFFFF90] =	vst v16;
	v13 =	vld.idx.msk [tilespmem:v22+s8+$0x0], vm2  }
0x3d8: {  	s6 =	sadd.s32 $0x100, s6;
	[tilespmem:s2+$0xFFFFFFA0] =	vst v17;
	v14 =	vld.idx.msk [tilespmem:v23+s8+$0x0], vm3  }
0x3d9: {  	[tilespmem:s2+$0xFFFFFFB0] =	vst v10  }
0x3da: {  	[tilespmem:s2+$0xFFFFFF10] =	vst v9  }
0x3db: {  	[tilespmem:s2+$0xFFFFFFC0] =	vst v11  }
0x3dc: {  	[tilespmem:s2+$0xFFFFFFD0] =	vst v12  }
0x3dd: {  	[tilespmem:s2+$0xFFFFFFE0] =	vst v13  }
0x3de: {  	[tilespmem:s2+$0xFFFFFFF0] =	vst v14  }
0x3df: {  	_ =	swait.ge [sflag:s23], $0x1000  }
0x3e0: {  	[sflag:s23] =	ssyncset.done $0x0  }
0x3e1: {  	[sflag:s23] =	ssyncadd.s32 $0xFFFFF000  }
0x3e2: {  	s22 =	simm.s32 $0xA;
	s21 =	rddreg [dreg:$0x4]  }
0x3e3: {  	[tilespmem:s17], [sflag:$0x5] =	stream.linear.gather [spmem:s21], $0x1000, $0x38;
	[tilespmem:$0x1EF00] =	vst v63  }
0x3e4: {  	_ =	swait.ge [sflag:s22], $0x1000  }
0x3e5: {  	[sflag:s22] =	ssyncset.done $0x0  }
0x3e6: {  	s24 =	simm.s32 $0x19780;
	[sflag:s22] =	ssyncadd.s32 $0xFFFFF000  }
0x3e7: {  	v9 =	vld [tilespmem:s24+$0x70]  }
0x3e8: {  	v10 =	vld [tilespmem:s24+$0xFFFFFF90]  }
0x3e9: {  	v11 =	vld [tilespmem:s24+$0xFFFFFFA0]  }
0x3ea: {  	v12 =	vld [tilespmem:s24+$0xFFFFFFB0]  }
0x3eb: {  	v13 =	vld [tilespmem:s24+$0xFFFFFFC0]  }
0x3ec: {  	v14 =	vld [tilespmem:s24+$0xFFFFFFD0]  }
0x3ed: {  	v15 =	vld [tilespmem:s24+$0xFFFFFFE0]  }
0x3ee: {  	v16 =	vld [tilespmem:s24+$0xFFFFFFF0]  }
0x3ef: {  	v17 =	vld [tilespmem:s24+$0x0]  }
0x3f0: {  	v18 =	vld [tilespmem:s24+$0x10]  }
0x3f1: {  	v19 =	vld [tilespmem:s24+$0x20];
	vm0 =	vlt.s32 v9, $0xC380  }
0x3f2: {  	v20 =	vld [tilespmem:s24+$0x30];
	vm1 =	vlt.s32 v10, $0xC380  }
0x3f3: {  	v21 =	vld [tilespmem:s24+$0x40];
	vm14 =	vlt.s32 v11, $0xC380  }
0x3f4: {  	v22 =	vld [tilespmem:s24+$0x50];
	vm2 =	vlt.s32 v12, $0xC380  }
0x3f5: {  	v23 =	vld [tilespmem:s24+$0x60];
	vm3 =	vlt.s32 v13, $0xC380  }
0x3f6: {  	v24 =	vld [tilespmem:s24+$0xFFFFFF80];
	vm4 =	vlt.s32 v14, $0xC380  }
0x3f7: {  	vm5 =	vlt.s32 v15, $0xC380;
	v9 =	vld.idx.msk [tilespmem:v9+s8+$0x0], vm0  }
0x3f8: {  	vm6 =	vlt.s32 v16, $0xC380;
	v10 =	vld.idx.msk [tilespmem:v10+s8+$0x0], vm1  }
0x3f9: {  	vm15 =	vlt.s32 v17, $0xC380;
	v11 =	vld.idx.msk [tilespmem:v11+s8+$0x0], vm14  }
0x3fa: {  	vm9 =	vlt.s32 v18, $0xC380;
	v12 =	vld.idx.msk [tilespmem:v12+s8+$0x0], vm2  }
0x3fb: {  	vm10 =	vlt.s32 v19, $0xC380;
	v13 =	vld.idx.msk [tilespmem:v13+s8+$0x0], vm3  }
0x3fc: {  	s2 =	simm.s32 $0x1D7F0;
	vm11 =	vlt.s32 v24, $0xC380;
	v14 =	vld.idx.msk [tilespmem:v14+s8+$0x0], vm4  }
0x3fd: {  	vm12 =	vlt.s32 v20, $0xC380;
	v15 =	vld.idx.msk [tilespmem:v15+s8+$0x0], vm5;
	[tilespmem:s2+$0x0] =	vst v9  }
0x3fe: {  	vm13 =	vlt.s32 v21, $0xC380;
	v16 =	vld.idx.msk [tilespmem:v16+s8+$0x0], vm6;
	[tilespmem:s2+$0xFFFFFF20] =	vst v10  }
0x3ff: {  	vm14 =	vlt.s32 v22, $0xC380;
	v17 =	vld.idx.msk [tilespmem:v17+s8+$0x0], vm15;
	[tilespmem:s2+$0xFFFFFF30] =	vst v11  }
0x400: {  	vm15 =	vlt.s32 v23, $0xC380;
	v18 =	vld.idx.msk [tilespmem:v18+s8+$0x0], vm9;
	[tilespmem:s2+$0xFFFFFF40] =	vst v12  }
0x401: {  	[tilespmem:s2+$0xFFFFFF50] =	vst v13;
	v10 =	vld.idx.msk [tilespmem:v19+s8+$0x0], vm10  }
0x402: {  	v9 =	vld.idx.msk [tilespmem:v24+s8+$0x0], vm11;
	[tilespmem:s2+$0xFFFFFF60] =	vst v14  }
0x403: {  	[tilespmem:s2+$0xFFFFFF70] =	vst v15;
	v11 =	vld.idx.msk [tilespmem:v20+s8+$0x0], vm12  }
0x404: {  	[tilespmem:s2+$0xFFFFFF80] =	vst v16;
	v12 =	vld.idx.msk [tilespmem:v21+s8+$0x0], vm13  }
0x405: {  	[tilespmem:s2+$0xFFFFFF90] =	vst v17;
	v13 =	vld.idx.msk [tilespmem:v22+s8+$0x0], vm14  }
0x406: {  	s3 =	simm.s32 $0x0;
	s6 =	simm.s32 $0x19880;
	[tilespmem:s2+$0xFFFFFFA0] =	vst v18;
	v14 =	vld.idx.msk [tilespmem:v23+s8+$0x0], vm15  }
.LBB2_25:
0x407: {  	v15 =	vld [tilespmem:s6+$0x70];
	s3 =	sadd.s32 $0x10, s3;
	[tilespmem:s2+$0xFFFFFFB0] =	vst v10  }
0x408: {  	v10 =	vld [tilespmem:s6+$0xFFFFFF90];
	p3 =	slt.u32 s3, $0xF0;
	[tilespmem:s2+$0xFFFFFF10] =	vst v9  }
0x409: {  	v9 =	vld [tilespmem:s6+$0xFFFFFFA0];
	[tilespmem:s2+$0xFFFFFFC0] =	vst v11  }
0x40a: {  	v11 =	vld [tilespmem:s6+$0xFFFFFFB0];
	[tilespmem:s2+$0xFFFFFFD0] =	vst v12  }
0x40b: {  	v12 =	vld [tilespmem:s6+$0xFFFFFFC0];
	[tilespmem:s2+$0xFFFFFFE0] =	vst v13  }
0x40c: {  	v13 =	vld [tilespmem:s6+$0xFFFFFFD0];
	vm5 =	vlt.s32 v15, $0xC380;
	[tilespmem:s2+$0xFFFFFFF0] =	vst v14  }
0x40d: {  	vm9 =	vlt.s32 v10, $0xC380;
	v14 =	vld [tilespmem:s6+$0xFFFFFFE0]  }
0x40e: {  	vm1 =	vlt.s32 v9, $0xC380;
	v16 =	vld [tilespmem:s6+$0xFFFFFFF0]  }
0x40f: {  	vm2 =	vlt.s32 v11, $0xC380;
	v17 =	vld [tilespmem:s6+$0x0]  }
0x410: {  	vm3 =	vlt.s32 v12, $0xC380;
	v18 =	vld [tilespmem:s6+$0x10]  }
0x411: {  	vm0 =	vlt.s32 v13, $0xC380;
	v19 =	vld [tilespmem:s6+$0x20]  }
0x412: {  	vm4 =	vlt.s32 v14, $0xC380;
	v15 =	vld.idx.msk [tilespmem:v15+s8+$0x0], vm5  }
0x413: {  	vm5 =	vlt.s32 v16, $0xC380;
	v20 =	vld [tilespmem:s6+$0x30]  }
0x414: {  	vm6 =	vlt.s32 v17, $0xC380;
	v21 =	vld [tilespmem:s6+$0x40]  }
0x415: {  	vm7 =	vlt.s32 v18, $0xC380;
	v22 =	vld [tilespmem:s6+$0x50]  }
0x416: {  	vm8 =	vlt.s32 v19, $0xC380;
	v23 =	vld [tilespmem:s6+$0x60]  }
0x417: {  	s2 =	sadd.s32 $0x100, s2;
	v24 =	vld [tilespmem:s6+$0xFFFFFF80]  }
0x418: {  	v10 =	vld.idx.msk [tilespmem:v10+s8+$0x0], vm9;
	vm9 =	vlt.s32 v20, $0xC380;
	[tilespmem:s2+$0x0] =	vst v15  }
0x419: {  	v9 =	vld.idx.msk [tilespmem:v9+s8+$0x0], vm1;
	vm1 =	vlt.s32 v21, $0xC380  }
0x41a: {  	v11 =	vld.idx.msk [tilespmem:v11+s8+$0x0], vm2;
	vm2 =	vlt.s32 v22, $0xC380  }
0x41b: {  	v12 =	vld.idx.msk [tilespmem:v12+s8+$0x0], vm3;
	vm3 =	vlt.s32 v23, $0xC380  }
0x41c: {  	vm10 =	vlt.s32 v24, $0xC380;
	v13 =	vld.idx.msk [tilespmem:v13+s8+$0x0], vm0  }
0x41d: {  	v14 =	vld.idx.msk [tilespmem:v14+s8+$0x0], vm4  }
0x41e: {  	[tilespmem:s2+$0xFFFFFF20] =	vst v10;
	v15 =	vld.idx.msk [tilespmem:v16+s8+$0x0], vm5  }
0x41f: {  	[tilespmem:s2+$0xFFFFFF30] =	vst v9;
	v16 =	vld.idx.msk [tilespmem:v17+s8+$0x0], vm6  }
0x420: {  	[tilespmem:s2+$0xFFFFFF40] =	vst v11;
	v17 =	vld.idx.msk [tilespmem:v18+s8+$0x0], vm7  }
0x421: {  	[tilespmem:s2+$0xFFFFFF50] =	vst v12;
	v10 =	vld.idx.msk [tilespmem:v19+s8+$0x0], vm8  }
.Ltmp11:
0x422: {  	v9 =	vld.idx.msk [tilespmem:v24+s8+$0x0], vm10;
	[tilespmem:s2+$0xFFFFFF60] =	vst v13;
	(pc) =	sbr.rel @p3 .LBB2_25-.Ltmp11, $4  }
0x423: {  	[tilespmem:s2+$0xFFFFFF70] =	vst v14;
	v11 =	vld.idx.msk [tilespmem:v20+s8+$0x0], vm9  }
0x424: {  	[tilespmem:s2+$0xFFFFFF80] =	vst v15;
	v12 =	vld.idx.msk [tilespmem:v21+s8+$0x0], vm1  }
0x425: {  	[tilespmem:s2+$0xFFFFFF90] =	vst v16;
	v13 =	vld.idx.msk [tilespmem:v22+s8+$0x0], vm2  }
0x426: {  	s6 =	sadd.s32 $0x100, s6;
	[tilespmem:s2+$0xFFFFFFA0] =	vst v17;
	v14 =	vld.idx.msk [tilespmem:v23+s8+$0x0], vm3  }
0x427: {  	s3 =	rddreg [dreg:$0x9]  }
0x428: {  	s1 =	sadd.s32 @p2 s3, s1  }
0x429: {  	[tilespmem:s2+$0xFFFFFFB0] =	vst v10;
	s1 =	sshrl.u32 @p2 s1, $0x3  }
0x42a: {  	[tilespmem:s2+$0xFFFFFF10] =	vst v9;
	s1 =	smul.u32 @p2 $0xC3800, s1  }
0x42b: {  	[tilespmem:s2+$0xFFFFFFC0] =	vst v11  }
0x42c: {  	[tilespmem:s2+$0xFFFFFFD0] =	vst v12;
	s1 =	sor.u32 @p2 s28, s1  }
0x42d: {  	s5 =	simm.s32 @p2 $0x0;
	s15 =	simm.s32 $0x2;
	[tilespmem:s2+$0xFFFFFFE0] =	vst v13;
	s1 =	sshrl.u32 @p2 s1, $0x3  }
0x42e: {  	s3 =	simm.s32 @p2 $0x400;
	[tilespmem:s2+$0xFFFFFFF0] =	vst v14;
	s2 =	simm.s32 @p2 $0x80;
	s1 =	sadd.s32 @p2 s26, s1  }
0x42f: {  	[tilespmem:s5], [sflag:$0x1] =	stream.strided.gather @p2 [hbm4b:s1+s2], $0xC380, s3, s2, $0x38;
	[tilespmem:$0x1EF00] =	vst v63  }
0x430: {  	_ =	swait.ge [sflag:s15], $0xC380  }
0x431: {  	[sflag:s15] =	ssyncset.done $0x0  }
0x432: {  	[sflag:s15] =	ssyncadd.s32 $0xFFFF3C80  }
0x433: {  	_ =	swait.ge [sflag:s4], $0x1000  }
0x434: {  	[sflag:s4] =	ssyncset.done $0x0  }
0x435: {  	s19 =	simm.s32 $0x18780;
	s16 =	rddreg [dreg:$0x11];
	[sflag:s4] =	ssyncadd.s32 $0xFFFFF000  }
0x436: {  	[tilespmem:s0], [sflag:$0x6] =	stream.linear.gather [spmem:s16], $0x1000, $0x38;
	[tilespmem:$0x1EF00] =	vst v63  }
0x437: {  	v9 =	vld [tilespmem:s19+$0x70]  }
0x438: {  	v10 =	vld [tilespmem:s19+$0xFFFFFF80]  }
0x439: {  	v11 =	vld [tilespmem:s19+$0xFFFFFF90]  }
0x43a: {  	v12 =	vld [tilespmem:s19+$0xFFFFFFA0]  }
0x43b: {  	s20 =	simm.s32 $0x0;
	v13 =	vld [tilespmem:s19+$0xFFFFFFB0]  }
0x43c: {  	s21 =	simm.s32 $0x80;
	s6 =	simm.s32 $0x90;
	s22 =	simm.s32 $0xA0;
	v21 =	vmov s20;
	v14 =	vld [tilespmem:s19+$0xFFFFFFC0]  }
0x43d: {  	s7 =	simm.s32 $0xB0;
	s24 =	simm.s32 $0xC0;
	s9 =	simm.s32 $0xD0;
	v25 =	vmov s21;
	v28 =	vmov s6;
	v30 =	vmov s22;
	v15 =	vld [tilespmem:s19+$0xFFFFFFD0]  }
0x43e: {  	v31 =	vmov s7;
	v33 =	vmov s24;
	v34 =	vmov s9;
	s26 =	simm.s32 $0xE0;
	s2 =	simm.s32 $0xF0;
	v16 =	vld [tilespmem:s19+$0xFFFFFFE0]  }
0x43f: {  	v36 =	vshrl.u32 v21, $0x7;
	v35 =	vmov s26;
	v17 =	vmov s2;
	v18 =	vld [tilespmem:s19+$0xFFFFFFF0]  }
0x440: {  	v17 =	vshrl.u32 v17, $0x7;
	v19 =	vld [tilespmem:s19+$0x0];
	vm15 =	vgt.s32 v9, $0xC37F;
	v9 =	vadd.s32 $0xFFFF3C80, v9  }
0x441: {  	v23 =	vld [tilespmem:s19+$0x20];
	vm0 =	vgt.s32 v10, $0xC37F;
	v10 =	vadd.s32 $0xFFFF3C80, v10;
	vm1 =	vgt.s32 v11, $0xC37F  }
0x442: {  	v26 =	vld [tilespmem:s19+$0x40];
	v11 =	vadd.s32 $0xFFFF3C80, v11;
	vm2 =	vgt.s32 v12, $0xC37F;
	v12 =	vadd.s32 $0xFFFF3C80, v12  }
0x443: {  	v29 =	vld [tilespmem:s19+$0x50];
	vm3 =	vgt.s32 v13, $0xC37F;
	v20 =	vadd.s32 $0xFFFF3C80, v13;
	v13 =	vshll.u32 v17, v0  }
0x444: {  	v32 =	vld [tilespmem:s19+$0x60];
	vm6 =	vgt.s32 v14, $0xC37F;
	v14 =	vadd.s32 $0xFFFF3C80, v14;
	v13 =	vbroadcast v13, $0x0  }
0x445: {  	v17 =	vld [tilespmem:s19+$0x10];
	vm7 =	vgt.s32 v15, $0xC37F;
	v15 =	vadd.s32 $0xFFFF3C80, v15;
	vm4 =	vgt.s32 v16, $0xC37F  }
0x446: {  	v16 =	vadd.s32 $0xFFFF3C80, v16;
	vm5 =	vgt.s32 v18, $0xC37F;
	v24 =	vor.u32 v7, v13;
	v13 =	vld [tilespmem:s19+$0x30]  }
0x447: {  	v18 =	vadd.s32 $0xFFFF3C80, v18;
	vm8 =	vgt.s32 v19, $0xC37F;
	v27 =	vadd.s32 $0xFFFF3C80, v19;
	v22 =	vld.idx.msk [tilespmem:v9+s30+$0x0], vm15  }
0x448: {  	vm11 =	vgt.s32 v23, $0xC37F;
	v23 =	vadd.s32 $0xFFFF3C80, v23;
	vm13 =	vgt.s32 v26, $0xC37F;
	v9 =	vld.idx.msk [tilespmem:v10+s30+$0x0], vm0  }
0x449: {  	vm14 =	vgt.s32 v29, $0xC37F;
	v39 =	vadd.s32 $0xFFFF3C80, v29;
	v29 =	vshrl.u32 v34, $0x7;
	v10 =	vld.idx.msk [tilespmem:v11+s30+$0x0], vm1  }
0x44a: {  	vm10 =	vgt.s32 v32, $0xC37F;
	v40 =	vadd.s32 $0xFFFF3C80, v32;
	v34 =	vshll.u32 v29, v0;
	v19 =	vld.idx.msk [tilespmem:v20+s30+$0x0], vm3  }
0x44b: {  	vm9 =	vgt.s32 v17, $0xC37F;
	v17 =	vadd.s32 $0xFFFF3C80, v17;
	v11 =	vshrl.u32 v25, $0x7;
	v21 =	vld.idx.msk [tilespmem:v14+s30+$0x0], vm6  }
0x44c: {  	v25 =	vadd.s32 $0xFFFF3C80, v26;
	v20 =	vshrl.u32 v30, $0x7;
	v14 =	vld.idx.msk [tilespmem:v15+s30+$0x0], vm7;
	v26 =	vshrl.u32 v31, $0x7  }
0x44d: {  	v30 =	vshll.u32 v36, v0;
	v15 =	vld.idx.msk [tilespmem:v16+s30+$0x0], vm4;
	v31 =	vshrl.u32 v35, $0x7;
	v35 =	vbroadcast v34, $0x0  }
0x44e: {  	v16 =	vshll.u32 v11, v0;
	v11 =	vld.idx.msk [tilespmem:v18+s30+$0x0], vm5;
	v62 =	vshll.u32 v20, v0;
	v63 =	vshll.u32 v26, v0  }
0x44f: {  	vm12 =	vgt.s32 v13, $0xC37F;
	v37 =	vadd.s32 $0xFFFF3C80, v13;
	v13 =	vld.idx.msk [tilespmem:v12+s30+$0x0], vm2;
	v12 =	vshrl.u32 v28, $0x7  }
0x450: {  	v26 =	vbroadcast v16, $0x0;
	v16 =	vshll.u32 v31, v0;
	v18 =	vshll.u32 v12, v0;
	v12 =	vld.idx.msk [tilespmem:v27+s30+$0x0], vm8  }
0x451: {  	v41 =	vbroadcast v30, $0x0;
	v28 =	vshrl.u32 v33, $0x7;
	v33 =	vbroadcast v16, $0x0;
	v16 =	vld.idx.msk [tilespmem:v40+s30+$0x0], vm10  }
0x452: {  	v29 =	vbroadcast v62, $0x0;
	v31 =	vbroadcast v63, $0x0;
	v20 =	vld.idx.msk [tilespmem:v17+s30+$0x0], vm9  }
0x453: {  	v27 =	vshll.u32 v28, v0;
	v32 =	vor.u32 v1, v41;
	v36 =	vor.u32 v6, v41;
	v17 =	vld.idx.msk [tilespmem:v23+s30+$0x0], vm11  }
0x454: {  	v38 =	vor.u32 v5, v41;
	v34 =	vor.u32 v3, v41;
	[tilespmem:v24+s25+$0x0] =	vst.idx.msk vm15, v22;
	v22 =	vld.idx.msk [tilespmem:v25+s30+$0x0], vm13  }
0x455: {  	v28 =	vbroadcast v18, $0x0;
	v30 =	vbroadcast v27, $0x0;
	v27 =	vor.u32 v2, v41;
	v23 =	vld.idx.msk [tilespmem:v39+s30+$0x0], vm14  }
0x456: {  	s11 =	sadd.s32 $0x1, s11;
	s6 =	simm.s32 $0x18880;
	s3 =	simm.s32 $0x0;
	v25 =	vor.u32 v8, v41;
	v24 =	vor.u32 v7, v41;
	v18 =	vld.idx.msk [tilespmem:v37+s30+$0x0], vm12;
	v37 =	vor.u32 v4, v41  }
.LBB2_27:
0x457: {  	v39 =	vld [tilespmem:s6+$0x70];
	s3 =	sadd.s32 $0x10, s3;
	v26 =	vor.u32 v1, v26;
	v28 =	vor.u32 v6, v28;
	v29 =	vor.u32 v5, v29  }
0x458: {  	v31 =	vor.u32 v4, v31;
	v30 =	vor.u32 v3, v30;
	v35 =	vor.u32 v2, v35;
	v40 =	vld [tilespmem:s6+$0xFFFFFF80];
	p3 =	slt.u32 s3, $0xF0  }
0x459: {  	v41 =	vld [tilespmem:s6+$0xFFFFFF90];
	[tilespmem:v32+s25+$0x0] =	vst.idx.msk vm0, v9;
	v32 =	vor.u32 v8, v33  }
0x45a: {  	v9 =	vld [tilespmem:s6+$0xFFFFFFA0];
	[tilespmem:v36+s25+$0x0] =	vst.idx.msk vm1, v10  }
0x45b: {  	v10 =	vld [tilespmem:s6+$0xFFFFFFB0];
	[tilespmem:v38+s25+$0x0] =	vst.idx.msk vm2, v13  }
0x45c: {  	v13 =	vld [tilespmem:s6+$0xFFFFFFC0];
	vm15 =	vgt.s32 v39, $0xC37F;
	[tilespmem:v37+s25+$0x0] =	vst.idx.msk vm3, v19  }
0x45d: {  	s2 =	sadd.s32 $0x100, s2;
	v36 =	vadd.s32 $0xFFFF3C80, v39;
	vm0 =	vgt.s32 v40, $0xC37F;
	v19 =	vadd.s32 $0xFFFF3C80, v40;
	v33 =	vld [tilespmem:s6+$0xFFFFFFD0];
	[tilespmem:v34+s25+$0x0] =	vst.idx.msk vm6, v21  }
0x45e: {  	s5 =	sadd.s32 $0xFFFFFF90, s2;
	s7 =	sadd.s32 $0xFFFFFFA0, s2;
	s9 =	sadd.s32 $0xFFFFFFB0, s2;
	v37 =	vmov s2;
	vm1 =	vgt.s32 v41, $0xC37F;
	v21 =	vadd.s32 $0xFFFF3C80, v41;
	v34 =	vld [tilespmem:s6+$0xFFFFFFE0];
	[tilespmem:v27+s25+$0x0] =	vst.idx.msk vm7, v14  }
0x45f: {  	s12 =	sadd.s32 $0xFFFFFFC0, s2;
	s13 =	sadd.s32 $0xFFFFFFD0, s2;
	s14 =	sadd.s32 $0xFFFFFFE0, s2;
	v27 =	vshrl.u32 v37, $0x7;
	vm2 =	vgt.s32 v9, $0xC37F;
	v14 =	vadd.s32 $0xFFFF3C80, v9;
	v9 =	vld [tilespmem:s6+$0xFFFFFFF0];
	[tilespmem:v25+s25+$0x0] =	vst.idx.msk vm4, v15  }
0x460: {  	s15 =	sadd.s32 $0xFFFFFF10, s2;
	s16 =	sadd.s32 $0xFFFFFFF0, s2;
	v25 =	vshll.u32 v27, v0;
	vm3 =	vgt.s32 v10, $0xC37F;
	v15 =	vadd.s32 $0xFFFF3C80, v10;
	v10 =	vld [tilespmem:s6+$0x0];
	[tilespmem:v24+s25+$0x0] =	vst.idx.msk vm5, v11  }
0x461: {  	v24 =	vbroadcast v25, $0x0;
	vm6 =	vgt.s32 v13, $0xC37F;
	v11 =	vadd.s32 $0xFFFF3C80, v13;
	v13 =	vld [tilespmem:s6+$0x10];
	[tilespmem:v26+s25+$0x0] =	vst.idx.msk vm8, v12  }
0x462: {  	v12 =	vmov s15;
	vm7 =	vgt.s32 v33, $0xC37F;
	v25 =	vadd.s32 $0xFFFF3C80, v33;
	v26 =	vld.idx.msk [tilespmem:v36+s30+$0x0], vm15;
	[tilespmem:v28+s25+$0x0] =	vst.idx.msk vm9, v20  }
0x463: {  	v24 =	vor.u32 v7, v24;
	vm4 =	vgt.s32 v34, $0xC37F;
	v20 =	vadd.s32 $0xFFFF3C80, v34;
	v27 =	vld [tilespmem:s6+$0x20];
	[tilespmem:v29+s25+$0x0] =	vst.idx.msk vm11, v17  }
0x464: {  	v28 =	vmov s5;
	vm5 =	vgt.s32 v9, $0xC37F;
	v17 =	vadd.s32 $0xFFFF3C80, v9;
	v29 =	vld [tilespmem:s6+$0x30];
	[tilespmem:v31+s25+$0x0] =	vst.idx.msk vm12, v18  }
0x465: {  	v31 =	vmov s7;
	vm8 =	vgt.s32 v10, $0xC37F;
	v18 =	vadd.s32 $0xFFFF3C80, v10;
	v33 =	vld [tilespmem:s6+$0x40];
	[tilespmem:v30+s25+$0x0] =	vst.idx.msk vm13, v22  }
0x466: {  	v30 =	vmov s9;
	vm9 =	vgt.s32 v13, $0xC37F;
	v22 =	vadd.s32 $0xFFFF3C80, v13;
	v34 =	vld [tilespmem:s6+$0x50];
	[tilespmem:v35+s25+$0x0] =	vst.idx.msk vm14, v23  }
0x467: {  	v36 =	vmov s14;
	v23 =	vmov s12;
	v35 =	vmov s13;
	v37 =	vld [tilespmem:s6+$0x60]  }
0x468: {  	v38 =	vmov s16;
	v9 =	vld.idx.msk [tilespmem:v19+s30+$0x0], vm0;
	vm11 =	vgt.s32 v27, $0xC37F;
	v27 =	vadd.s32 $0xFFFF3C80, v27;
	[tilespmem:v24+s25+$0x0] =	vst.idx.msk vm15, v26  }
0x469: {  	v12 =	vshrl.u32 v12, $0x7;
	v10 =	vld.idx.msk [tilespmem:v21+s30+$0x0], vm1;
	vm12 =	vgt.s32 v29, $0xC37F;
	v24 =	vadd.s32 $0xFFFF3C80, v29;
	[tilespmem:v32+s25+$0x0] =	vst.idx.msk vm10, v16  }
0x46a: {  	v16 =	vshrl.u32 v28, $0x7;
	v13 =	vld.idx.msk [tilespmem:v14+s30+$0x0], vm2;
	vm13 =	vgt.s32 v33, $0xC37F;
	v33 =	vadd.s32 $0xFFFF3C80, v33  }
0x46b: {  	v26 =	vshrl.u32 v31, $0x7;
	v19 =	vld.idx.msk [tilespmem:v15+s30+$0x0], vm3;
	vm14 =	vgt.s32 v34, $0xC37F;
	v39 =	vadd.s32 $0xFFFF3C80, v34  }
0x46c: {  	v28 =	vshrl.u32 v30, $0x7;
	v21 =	vld.idx.msk [tilespmem:v11+s30+$0x0], vm6;
	vm10 =	vgt.s32 v37, $0xC37F;
	v40 =	vadd.s32 $0xFFFF3C80, v37  }
0x46d: {  	v23 =	vshrl.u32 v23, $0x7;
	v29 =	vshrl.u32 v36, $0x7;
	v14 =	vld.idx.msk [tilespmem:v25+s30+$0x0], vm7;
	v25 =	vshrl.u32 v35, $0x7  }
0x46e: {  	v30 =	vshll.u32 v12, v0;
	v16 =	vshll.u32 v16, v0;
	v15 =	vld.idx.msk [tilespmem:v20+s30+$0x0], vm4;
	v20 =	vshrl.u32 v38, $0x7  }
0x46f: {  	v23 =	vshll.u32 v23, v0;
	v31 =	vshll.u32 v28, v0;
	v11 =	vld.idx.msk [tilespmem:v17+s30+$0x0], vm5;
	v17 =	vshll.u32 v26, v0  }
0x470: {  	v34 =	vshll.u32 v29, v0;
	v25 =	vshll.u32 v25, v0;
	v37 =	vshll.u32 v20, v0;
	v12 =	vld.idx.msk [tilespmem:v18+s30+$0x0], vm8  }
0x471: {  	v41 =	vbroadcast v30, $0x0;
	v26 =	vbroadcast v16, $0x0;
	v20 =	vld.idx.msk [tilespmem:v22+s30+$0x0], vm9  }
.Ltmp12:
0x472: {  	v29 =	vbroadcast v31, $0x0;
	v28 =	vbroadcast v17, $0x0;
	v17 =	vld.idx.msk [tilespmem:v27+s30+$0x0], vm11;
	(pc) =	sbr.rel @p3 .LBB2_27-.Ltmp12, $4  }
0x473: {  	v31 =	vbroadcast v23, $0x0;
	v32 =	vor.u32 v1, v41;
	v30 =	vbroadcast v25, $0x0;
	v18 =	vld.idx.msk [tilespmem:v24+s30+$0x0], vm12  }
0x474: {  	v36 =	vor.u32 v6, v41;
	v35 =	vbroadcast v34, $0x0;
	v22 =	vld.idx.msk [tilespmem:v33+s30+$0x0], vm13;
	v33 =	vbroadcast v37, $0x0  }
0x475: {  	v34 =	vor.u32 v3, v41;
	v38 =	vor.u32 v5, v41;
	v37 =	vor.u32 v4, v41;
	v23 =	vld.idx.msk [tilespmem:v39+s30+$0x0], vm14  }
0x476: {  	s6 =	sadd.s32 $0x100, s6;
	v25 =	vor.u32 v8, v41;
	v27 =	vor.u32 v2, v41;
	v24 =	vor.u32 v7, v41;
	v16 =	vld.idx.msk [tilespmem:v40+s30+$0x0], vm10  }
0x477: {  	_ =	sdelay $0x4  }
0x478: {  	[tilespmem:v32+s25+$0x0] =	vst.idx.msk vm0, v9  }
0x479: {  	[tilespmem:v36+s25+$0x0] =	vst.idx.msk vm1, v10  }
0x47a: {  	[tilespmem:v38+s25+$0x0] =	vst.idx.msk vm2, v13  }
0x47b: {  	v9 =	vor.u32 v1, v26;
	[tilespmem:v37+s25+$0x0] =	vst.idx.msk vm3, v19  }
0x47c: {  	v10 =	vor.u32 v6, v28;
	[tilespmem:v34+s25+$0x0] =	vst.idx.msk vm6, v21  }
0x47d: {  	v13 =	vor.u32 v5, v29;
	[tilespmem:v27+s25+$0x0] =	vst.idx.msk vm7, v14  }
0x47e: {  	v14 =	vor.u32 v4, v31;
	[tilespmem:v25+s25+$0x0] =	vst.idx.msk vm4, v15  }
0x47f: {  	[tilespmem:v24+s25+$0x0] =	vst.idx.msk vm5, v11  }
0x480: {  	[tilespmem:v9+s25+$0x0] =	vst.idx.msk vm8, v12  }
0x481: {  	v15 =	vor.u32 v3, v30;
	[tilespmem:v10+s25+$0x0] =	vst.idx.msk vm9, v20  }
0x482: {  	v11 =	vor.u32 v2, v35;
	[tilespmem:v13+s25+$0x0] =	vst.idx.msk vm11, v17  }
0x483: {  	v9 =	vor.u32 v8, v33;
	[tilespmem:v14+s25+$0x0] =	vst.idx.msk vm12, v18  }
0x484: {  	s0 =	rddreg [dreg:$0x1a]  }
0x485: {  	s0 =	sshll.u32 s0, $0x11  }
0x486: {  	[tilespmem:v15+s25+$0x0] =	vst.idx.msk vm13, v22;
	s0 =	sor.u32 s28, s0  }
0x487: {  	[tilespmem:v11+s25+$0x0] =	vst.idx.msk vm14, v23;
	s0 =	sshrl.u32 s0, $0x3  }
0x488: {  	[tilespmem:v9+s25+$0x0] =	vst.idx.msk vm10, v16;
	s2 =	sadd.s32 s18, s0  }
0x489: {  	[hbm4b:s2+s29] =	stream.strided.scatter [tilespmem:s25], [sflag:$0x7], $0x1000, s10, s29, $0x38;
	[tilespmem:$0x1EF00] =	vst v63  }
0x48a: {  	_ =	swait.ge [sflag:s23], $0x1000  }
0x48b: {  	[sflag:s23] =	ssyncset.done $0x0  }
0x48c: {  	s3 =	simm.s32 $0x19780;
	s7 =	rddreg [dreg:$0x12];
	[sflag:s23] =	ssyncadd.s32 $0xFFFFF000  }
0x48d: {  	[tilespmem:s17], [sflag:$0x5] =	stream.linear.gather [spmem:s7], $0x1000, $0x38;
	[tilespmem:$0x1EF00] =	vst v63  }
0x48e: {  	v9 =	vld [tilespmem:s3+$0x70]  }
0x48f: {  	s9 =	simm.s32 $0x1010;
	s12 =	simm.s32 $0x1030;
	s13 =	simm.s32 $0x1040;
	v10 =	vld [tilespmem:s3+$0xFFFFFF90]  }
0x490: {  	s14 =	simm.s32 $0x1050;
	s15 =	simm.s32 $0x1060;
	s16 =	simm.s32 $0x1070;
	v21 =	vmov s9;
	v25 =	vmov s12;
	v26 =	vmov s13;
	v11 =	vld [tilespmem:s3+$0xFFFFFFA0]  }
0x491: {  	s19 =	simm.s32 $0x10A0;
	s21 =	simm.s32 $0x10C0;
	v28 =	vmov s14;
	v29 =	vmov s15;
	v53 =	vmov s16;
	s2 =	simm.s32 $0x10F0;
	v12 =	vld [tilespmem:s3+$0xFFFFFFB0]  }
0x492: {  	s5 =	simm.s32 $0x1000;
	s24 =	simm.s32 $0x10E0;
	v57 =	vmov s19;
	v58 =	vmov s21;
	v16 =	vmov s2;
	v13 =	vld [tilespmem:s3+$0xFFFFFFC0]  }
0x493: {  	v44 =	vmov s24;
	v18 =	vmov s5;
	v16 =	vshrl.u32 v16, $0x7;
	v14 =	vld [tilespmem:s3+$0xFFFFFFD0]  }
0x494: {  	v59 =	vshrl.u32 v58, $0x7;
	v18 =	vshrl.u32 v18, $0x7;
	v16 =	vshll.u32 v16, v0;
	v15 =	vld [tilespmem:s3+$0xFFFFFFE0]  }
0x495: {  	s6 =	simm.s32 $0x1020;
	v60 =	vshrl.u32 v44, $0x7;
	v18 =	vshll.u32 v18, v0;
	v16 =	vbroadcast v16, $0x0;
	s17 =	simm.s32 $0x1080;
	v17 =	vld [tilespmem:s3+$0xFFFFFFF0]  }
0x496: {  	v22 =	vmov s6;
	v18 =	vbroadcast v18, $0x0;
	v19 =	vld [tilespmem:s3+$0x0];
	v54 =	vmov s17  }
0x497: {  	v20 =	vld [tilespmem:s3+$0x10];
	v30 =	vor.u32 v7, v16;
	vm15 =	vgt.s32 v9, $0xC37F;
	vm0 =	vgt.s32 v10, $0xC37F  }
0x498: {  	v27 =	vld [tilespmem:s3+$0x50];
	v10 =	vadd.s32 $0xFFFF3C80, v10;
	v9 =	vadd.s32 $0xFFFF3C80, v9;
	vm2 =	vgt.s32 v11, $0xC37F  }
0x499: {  	v16 =	vld [tilespmem:s3+$0x40];
	v11 =	vadd.s32 $0xFFFF3C80, v11;
	vm1 =	vgt.s32 v12, $0xC37F;
	v12 =	vadd.s32 $0xFFFF3C80, v12  }
0x49a: {  	vm3 =	vgt.s32 v13, $0xC37F;
	vm4 =	vgt.s32 v14, $0xC37F;
	v23 =	vadd.s32 $0xFFFF3C80, v14;
	v14 =	vld [tilespmem:s3+$0x20]  }
0x49b: {  	v13 =	vadd.s32 $0xFFFF3C80, v13;
	vm5 =	vgt.s32 v15, $0xC37F;
	v24 =	vadd.s32 $0xFFFF3C80, v15;
	v15 =	vld [tilespmem:s3+$0x30]  }
0x49c: {  	vm6 =	vgt.s32 v17, $0xC37F;
	vm7 =	vgt.s32 v19, $0xC37F;
	v31 =	vadd.s32 $0xFFFF3C80, v19;
	v19 =	vld [tilespmem:s3+$0x60]  }
0x49d: {  	s20 =	simm.s32 $0x10B0;
	v17 =	vadd.s32 $0xFFFF3C80, v17;
	vm8 =	vgt.s32 v20, $0xC37F;
	v52 =	vadd.s32 $0xFFFF3C80, v20;
	v20 =	vld [tilespmem:s3+$0xFFFFFF80]  }
0x49e: {  	vm11 =	vgt.s32 v27, $0xC37F;
	v40 =	vadd.s32 $0xFFFF3C80, v27;
	v27 =	vmov s20  }
0x49f: {  	vm10 =	vgt.s32 v16, $0xC37F;
	v39 =	vadd.s32 $0xFFFF3C80, v16;
	v27 =	vshrl.u32 v27, $0x7  }
0x4a0: {  	v27 =	vshll.u32 v27, v0;
	vm9 =	vgt.s32 v14, $0xC37F;
	v55 =	vadd.s32 $0xFFFF3C80, v14;
	v41 =	vld.idx.msk [tilespmem:v9+s30+$0x0], vm15  }
0x4a1: {  	vm13 =	vgt.s32 v15, $0xC37F;
	vm12 =	vgt.s32 v19, $0xC37F;
	v42 =	vadd.s32 $0xFFFF3C80, v19;
	v19 =	vld.idx.msk [tilespmem:v10+s30+$0x0], vm0  }
0x4a2: {  	s26 =	smov.u32 s18;
	s22 =	simm.s32 $0x10D0;
	s18 =	simm.s32 $0x1090;
	v56 =	vadd.s32 $0xFFFF3C80, v15;
	vm14 =	vgt.s32 v20, $0xC37F;
	v43 =	vadd.s32 $0xFFFF3C80, v20;
	v20 =	vld.idx.msk [tilespmem:v11+s30+$0x0], vm2  }
0x4a3: {  	v15 =	vmov s18;
	v10 =	vmov s22;
	v11 =	vshrl.u32 v21, $0x7;
	v16 =	vld.idx.msk [tilespmem:v12+s30+$0x0], vm1  }
0x4a4: {  	v21 =	vshrl.u32 v22, $0x7;
	v22 =	vshrl.u32 v25, $0x7;
	v12 =	vshrl.u32 v26, $0x7;
	v14 =	vld.idx.msk [tilespmem:v13+s30+$0x0], vm3  }
0x4a5: {  	v25 =	vshrl.u32 v28, $0x7;
	v26 =	vshrl.u32 v29, $0x7;
	v29 =	vshrl.u32 v15, $0x7;
	v15 =	vld.idx.msk [tilespmem:v23+s30+$0x0], vm4  }
0x4a6: {  	v13 =	vshrl.u32 v53, $0x7;
	v28 =	vshrl.u32 v54, $0x7;
	v23 =	vshrl.u32 v57, $0x7;
	v9 =	vld.idx.msk [tilespmem:v24+s30+$0x0], vm5  }
0x4a7: {  	v24 =	vshrl.u32 v10, $0x7;
	v10 =	vld.idx.msk [tilespmem:v17+s30+$0x0], vm6;
	v17 =	vshll.u32 v11, v0;
	v21 =	vshll.u32 v21, v0  }
0x4a8: {  	v61 =	vshll.u32 v22, v0;
	v11 =	vld.idx.msk [tilespmem:v31+s30+$0x0], vm7;
	v62 =	vshll.u32 v12, v0;
	v45 =	vshll.u32 v25, v0  }
0x4a9: {  	v46 =	vshll.u32 v26, v0;
	v12 =	vld.idx.msk [tilespmem:v52+s30+$0x0], vm8;
	v47 =	vshll.u32 v13, v0;
	v48 =	vshll.u32 v28, v0  }
0x4aa: {  	v49 =	vshll.u32 v29, v0;
	v31 =	vor.u32 v1, v18;
	v18 =	vld.idx.msk [tilespmem:v40+s30+$0x0], vm11;
	v29 =	vbroadcast v17, $0x0  }
0x4ab: {  	v28 =	vshll.u32 v23, v0;
	v63 =	vbroadcast v21, $0x0;
	v38 =	vbroadcast v61, $0x0;
	v17 =	vld.idx.msk [tilespmem:v39+s30+$0x0], vm10  }
0x4ac: {  	v26 =	vshll.u32 v59, v0;
	v37 =	vbroadcast v62, $0x0;
	v32 =	vbroadcast v45, $0x0;
	v13 =	vld.idx.msk [tilespmem:v55+s30+$0x0], vm9  }
0x4ad: {  	v25 =	vshll.u32 v24, v0;
	v35 =	vbroadcast v46, $0x0;
	v33 =	vbroadcast v47, $0x0;
	v23 =	vld.idx.msk [tilespmem:v43+s30+$0x0], vm14  }
0x4ae: {  	v24 =	vshll.u32 v60, v0;
	v36 =	vbroadcast v48, $0x0;
	v34 =	vbroadcast v49, $0x0;
	v22 =	vld.idx.msk [tilespmem:v56+s30+$0x0], vm13  }
0x4af: {  	s6 =	simm.s32 $0x19880;
	s3 =	simm.s32 $0x0;
	v29 =	vor.u32 v6, v29;
	[tilespmem:v30+s25+$0x0] =	vst.idx.msk vm15, v41;
	v21 =	vld.idx.msk [tilespmem:v42+s30+$0x0], vm12;
	v30 =	vor.u32 v5, v63  }
.LBB2_29:
0x4b0: {  	v39 =	vld [tilespmem:s6+$0x70];
	s3 =	sadd.s32 $0x10, s3;
	v38 =	vor.u32 v4, v38;
	v28 =	vbroadcast v28, $0x0;
	v27 =	vbroadcast v27, $0x0  }
0x4b1: {  	v37 =	vor.u32 v3, v37;
	v26 =	vbroadcast v26, $0x0;
	v25 =	vbroadcast v25, $0x0;
	v40 =	vld [tilespmem:s6+$0xFFFFFF90];
	p3 =	slt.u32 s3, $0xF0  }
0x4b2: {  	v24 =	vbroadcast v24, $0x0;
	v41 =	vld [tilespmem:s6+$0xFFFFFFA0];
	[tilespmem:v31+s25+$0x0] =	vst.idx.msk vm14, v23;
	v23 =	vor.u32 v2, v32;
	v31 =	vor.u32 v8, v35  }
0x4b3: {  	v33 =	vor.u32 v7, v33;
	v34 =	vor.u32 v6, v34;
	v35 =	vor.u32 v1, v36;
	v32 =	vld [tilespmem:s6+$0xFFFFFFB0]  }
0x4b4: {  	v28 =	vor.u32 v5, v28;
	v27 =	vor.u32 v4, v27;
	v26 =	vor.u32 v3, v26;
	v36 =	vld [tilespmem:s6+$0xFFFFFFC0]  }
0x4b5: {  	v25 =	vor.u32 v2, v25;
	v24 =	vor.u32 v8, v24;
	v42 =	vld [tilespmem:s6+$0xFFFFFFD0];
	vm14 =	vgt.s32 v39, $0xC37F;
	[tilespmem:v29+s25+$0x0] =	vst.idx.msk vm0, v19  }
0x4b6: {  	s2 =	sadd.s32 $0x100, s2;
	v39 =	vadd.s32 $0xFFFF3C80, v39;
	vm0 =	vgt.s32 v40, $0xC37F;
	v19 =	vadd.s32 $0xFFFF3C80, v40;
	v29 =	vld [tilespmem:s6+$0xFFFFFFE0];
	[tilespmem:v30+s25+$0x0] =	vst.idx.msk vm2, v20  }
0x4b7: {  	s5 =	sadd.s32 $0xFFFFFF10, s2;
	s9 =	sadd.s32 $0xFFFFFF20, s2;
	s15 =	sadd.s32 $0xFFFFFF30, s2;
	v40 =	vmov s2;
	vm2 =	vgt.s32 v41, $0xC37F;
	v20 =	vadd.s32 $0xFFFF3C80, v41;
	v30 =	vld [tilespmem:s6+$0xFFFFFFF0];
	[tilespmem:v38+s25+$0x0] =	vst.idx.msk vm1, v16  }
0x4b8: {  	s16 =	sadd.s32 $0xFFFFFF40, s2;
	s17 =	sadd.s32 $0xFFFFFF50, s2;
	s18 =	sadd.s32 $0xFFFFFF60, s2;
	v38 =	vshrl.u32 v40, $0x7;
	vm1 =	vgt.s32 v32, $0xC37F;
	v16 =	vadd.s32 $0xFFFF3C80, v32;
	v32 =	vld [tilespmem:s6+$0x0];
	[tilespmem:v37+s25+$0x0] =	vst.idx.msk vm3, v14  }
0x4b9: {  	s19 =	sadd.s32 $0xFFFFFF70, s2;
	s20 =	sadd.s32 $0xFFFFFF80, s2;
	s21 =	sadd.s32 $0xFFFFFF90, s2;
	v37 =	vshll.u32 v38, v0;
	vm3 =	vgt.s32 v36, $0xC37F;
	v14 =	vadd.s32 $0xFFFF3C80, v36;
	v36 =	vld [tilespmem:s6+$0x10];
	[tilespmem:v23+s25+$0x0] =	vst.idx.msk vm4, v15  }
0x4ba: {  	s22 =	sadd.s32 $0xFFFFFFA0, s2;
	s24 =	sadd.s32 $0xFFFFFFB0, s2;
	s7 =	sadd.s32 $0xFFFFFFC0, s2;
	v37 =	vbroadcast v37, $0x0;
	vm4 =	vgt.s32 v42, $0xC37F;
	v15 =	vadd.s32 $0xFFFF3C80, v42;
	v23 =	vld [tilespmem:s6+$0x20];
	[tilespmem:v31+s25+$0x0] =	vst.idx.msk vm5, v9  }
0x4bb: {  	s12 =	sadd.s32 $0xFFFFFFD0, s2;
	s13 =	sadd.s32 $0xFFFFFFE0, s2;
	s14 =	sadd.s32 $0xFFFFFFF0, s2;
	v31 =	vmov s5;
	vm5 =	vgt.s32 v29, $0xC37F;
	v9 =	vadd.s32 $0xFFFF3C80, v29;
	v29 =	vld.idx.msk [tilespmem:v39+s30+$0x0], vm14;
	[tilespmem:v33+s25+$0x0] =	vst.idx.msk vm6, v10  }
0x4bc: {  	v33 =	vor.u32 v7, v37;
	vm6 =	vgt.s32 v30, $0xC37F;
	v10 =	vadd.s32 $0xFFFF3C80, v30;
	v30 =	vld [tilespmem:s6+$0x30];
	[tilespmem:v35+s25+$0x0] =	vst.idx.msk vm7, v11  }
0x4bd: {  	v11 =	vmov s9;
	vm7 =	vgt.s32 v32, $0xC37F;
	v32 =	vadd.s32 $0xFFFF3C80, v32;
	v35 =	vld [tilespmem:s6+$0x40];
	[tilespmem:v34+s25+$0x0] =	vst.idx.msk vm8, v12  }
0x4be: {  	v12 =	vmov s15;
	vm8 =	vgt.s32 v36, $0xC37F;
	v34 =	vadd.s32 $0xFFFF3C80, v36;
	v36 =	vld [tilespmem:s6+$0x50];
	[tilespmem:v28+s25+$0x0] =	vst.idx.msk vm9, v13  }
0x4bf: {  	v13 =	vmov s16;
	vm9 =	vgt.s32 v23, $0xC37F;
	v23 =	vadd.s32 $0xFFFF3C80, v23;
	v28 =	vld [tilespmem:s6+$0x60];
	[tilespmem:v27+s25+$0x0] =	vst.idx.msk vm13, v22  }
0x4c0: {  	v38 =	vmov s19;
	v37 =	vmov s18;
	v27 =	vmov s17;
	v22 =	vld [tilespmem:s6+$0xFFFFFF80]  }
0x4c1: {  	v39 =	vmov s20;
	v19 =	vld.idx.msk [tilespmem:v19+s30+$0x0], vm0;
	vm13 =	vgt.s32 v30, $0xC37F;
	v30 =	vadd.s32 $0xFFFF3C80, v30;
	[tilespmem:v33+s25+$0x0] =	vst.idx.msk vm14, v29  }
0x4c2: {  	v29 =	vmov s21;
	v20 =	vld.idx.msk [tilespmem:v20+s30+$0x0], vm2;
	v33 =	vadd.s32 $0xFFFF3C80, v35;
	[tilespmem:v26+s25+$0x0] =	vst.idx.msk vm10, v17;
	vm10 =	vgt.s32 v35, $0xC37F  }
0x4c3: {  	v17 =	vmov s22;
	v16 =	vld.idx.msk [tilespmem:v16+s30+$0x0], vm1;
	v26 =	vadd.s32 $0xFFFF3C80, v36;
	[tilespmem:v25+s25+$0x0] =	vst.idx.msk vm11, v18;
	vm11 =	vgt.s32 v36, $0xC37F  }
0x4c4: {  	v18 =	vmov s24;
	v14 =	vld.idx.msk [tilespmem:v14+s30+$0x0], vm3;
	v25 =	vadd.s32 $0xFFFF3C80, v28;
	[tilespmem:v24+s25+$0x0] =	vst.idx.msk vm12, v21;
	vm12 =	vgt.s32 v28, $0xC37F  }
0x4c5: {  	vm14 =	vgt.s32 v22, $0xC37F;
	v21 =	vadd.s32 $0xFFFF3C80, v22;
	v15 =	vld.idx.msk [tilespmem:v15+s30+$0x0], vm4;
	v22 =	vmov s7  }
0x4c6: {  	v35 =	vmov s14;
	v24 =	vmov s12;
	v28 =	vmov s13;
	v9 =	vld.idx.msk [tilespmem:v9+s30+$0x0], vm5  }
0x4c7: {  	v31 =	vshrl.u32 v31, $0x7;
	v40 =	vshrl.u32 v12, $0x7;
	v36 =	vshrl.u32 v11, $0x7;
	v10 =	vld.idx.msk [tilespmem:v10+s30+$0x0], vm6  }
0x4c8: {  	v37 =	vshrl.u32 v37, $0x7;
	v41 =	vshrl.u32 v13, $0x7;
	v27 =	vshrl.u32 v27, $0x7;
	v11 =	vld.idx.msk [tilespmem:v32+s30+$0x0], vm7  }
0x4c9: {  	v29 =	vshrl.u32 v29, $0x7;
	v32 =	vshrl.u32 v38, $0x7;
	v38 =	vshrl.u32 v39, $0x7;
	v12 =	vld.idx.msk [tilespmem:v34+s30+$0x0], vm8  }
0x4ca: {  	v42 =	vshrl.u32 v22, $0x7;
	v39 =	vshrl.u32 v18, $0x7;
	v34 =	vshrl.u32 v17, $0x7;
	v13 =	vld.idx.msk [tilespmem:v23+s30+$0x0], vm9  }
0x4cb: {  	v35 =	vshrl.u32 v35, $0x7;
	v24 =	vshrl.u32 v24, $0x7;
	v43 =	vshrl.u32 v28, $0x7;
	v23 =	vld.idx.msk [tilespmem:v21+s30+$0x0], vm14  }
0x4cc: {  	v31 =	vshll.u32 v31, v0;
	v40 =	vshll.u32 v40, v0;
	v36 =	vshll.u32 v36, v0;
	v22 =	vld.idx.msk [tilespmem:v30+s30+$0x0], vm13  }
0x4cd: {  	v44 =	vshll.u32 v37, v0;
	v30 =	vshll.u32 v41, v0;
	v41 =	vshll.u32 v27, v0;
	v17 =	vld.idx.msk [tilespmem:v33+s30+$0x0], vm10  }
0x4ce: {  	v46 =	vshll.u32 v29, v0;
	v45 =	vshll.u32 v38, v0;
	v33 =	vshll.u32 v32, v0;
	v18 =	vld.idx.msk [tilespmem:v26+s30+$0x0], vm11  }
0x4cf: {  	v28 =	vshll.u32 v39, v0;
	v34 =	vshll.u32 v34, v0;
	v27 =	vshll.u32 v42, v0;
	v21 =	vld.idx.msk [tilespmem:v25+s30+$0x0], vm12  }
0x4d0: {  	v26 =	vshll.u32 v24, v0;
	v24 =	vshll.u32 v35, v0;
	v25 =	vshll.u32 v43, v0  }
.Ltmp13:
0x4d1: {  	v29 =	vbroadcast v31, $0x0;
	v35 =	vbroadcast v36, $0x0;
	(pc) =	sbr.rel @p3 .LBB2_29-.Ltmp13, $4  }
0x4d2: {  	v38 =	vbroadcast v30, $0x0;
	v36 =	vbroadcast v40, $0x0  }
0x4d3: {  	v31 =	vor.u32 v1, v29;
	v37 =	vbroadcast v41, $0x0;
	v32 =	vbroadcast v44, $0x0  }
0x4d4: {  	v29 =	vor.u32 v6, v35;
	v35 =	vbroadcast v33, $0x0;
	v33 =	vbroadcast v45, $0x0  }
0x4d5: {  	s6 =	sadd.s32 $0x100, s6;
	v34 =	vbroadcast v34, $0x0;
	v30 =	vor.u32 v5, v36;
	v36 =	vbroadcast v46, $0x0  }
0x4d6: {  	_ =	sdelay $0x2  }
0x4d7: {  	v38 =	vor.u32 v4, v38  }
0x4d8: {  	v37 =	vor.u32 v3, v37  }
0x4d9: {  	[tilespmem:v31+s25+$0x0] =	vst.idx.msk vm14, v23;
	v23 =	vor.u32 v2, v32  }
0x4da: {  	v31 =	vor.u32 v8, v35;
	[tilespmem:v29+s25+$0x0] =	vst.idx.msk vm0, v19  }
0x4db: {  	v19 =	vor.u32 v7, v33;
	[tilespmem:v30+s25+$0x0] =	vst.idx.msk vm2, v20;
	v20 =	vbroadcast v28, $0x0  }
0x4dc: {  	v28 =	vor.u32 v1, v36;
	[tilespmem:v38+s25+$0x0] =	vst.idx.msk vm1, v16  }
0x4dd: {  	v20 =	vor.u32 v5, v20;
	v16 =	vbroadcast v27, $0x0;
	[tilespmem:v37+s25+$0x0] =	vst.idx.msk vm3, v14  }
0x4de: {  	v27 =	vor.u32 v6, v34;
	v14 =	vbroadcast v26, $0x0;
	[tilespmem:v23+s25+$0x0] =	vst.idx.msk vm4, v15  }
0x4df: {  	v15 =	vbroadcast v25, $0x0;
	[tilespmem:v31+s25+$0x0] =	vst.idx.msk vm5, v9;
	v16 =	vor.u32 v4, v16  }
0x4e0: {  	v9 =	vbroadcast v24, $0x0;
	[tilespmem:v19+s25+$0x0] =	vst.idx.msk vm6, v10;
	v14 =	vor.u32 v3, v14  }
0x4e1: {  	[tilespmem:v28+s25+$0x0] =	vst.idx.msk vm7, v11;
	v10 =	vor.u32 v2, v15  }
0x4e2: {  	v9 =	vor.u32 v8, v9;
	[tilespmem:v20+s25+$0x0] =	vst.idx.msk vm9, v13  }
0x4e3: {  	[tilespmem:v27+s25+$0x0] =	vst.idx.msk vm8, v12  }
0x4e4: {  	[tilespmem:v16+s25+$0x0] =	vst.idx.msk vm13, v22  }
0x4e5: {  	[tilespmem:v14+s25+$0x0] =	vst.idx.msk vm10, v17  }
0x4e6: {  	[tilespmem:v10+s25+$0x0] =	vst.idx.msk vm11, v18  }
0x4e7: {  	[tilespmem:v9+s25+$0x0] =	vst.idx.msk vm12, v21  }
0x4e8: {  	s2 =	rddreg [dreg:$0xe]  }
0x4e9: {  	s3 =	simm.s32 $0x1B700;
	s2 =	sadd.s32 s0, s2  }
0x4ea: {  	[hbm4b:s2+s29] =	stream.strided.scatter [tilespmem:s3], [sflag:$0x8], $0x1000, s10, s29, $0x38;
	[tilespmem:$0x1EF00] =	vst v63  }
0x4eb: {  	_ =	swait.ge [sflag:s4], $0x1000  }
0x4ec: {  	[sflag:s4] =	ssyncset.done $0x0  }
0x4ed: {  	s7 =	simm.s32 $0x19700;
	s9 =	simm.s32 $0x18780;
	[sflag:s4] =	ssyncadd.s32 $0xFFFFF000  }
0x4ee: {  	[tilespmem:s7], [sflag:$0x6] =	stream.linear.gather [spmem:s31], $0x1000, $0x38;
	[tilespmem:$0x1EF00] =	vst v63  }
0x4ef: {  	v9 =	vld [tilespmem:s9+$0x70]  }
0x4f0: {  	s16 =	simm.s32 $0x2060;
	s17 =	simm.s32 $0x2070;
	s18 =	simm.s32 $0x2080;
	v10 =	vld [tilespmem:s9+$0xFFFFFF90]  }
0x4f1: {  	s20 =	simm.s32 $0x20A0;
	s22 =	simm.s32 $0x20C0;
	v29 =	vmov s16;
	v53 =	vmov s17;
	v54 =	vmov s18;
	s2 =	simm.s32 $0x20F0;
	v11 =	vld [tilespmem:s9+$0xFFFFFFA0]  }
0x4f2: {  	s13 =	simm.s32 $0x2030;
	v57 =	vmov s20;
	v58 =	vmov s22;
	v16 =	vmov s2;
	v12 =	vld [tilespmem:s9+$0xFFFFFFB0]  }
0x4f3: {  	s5 =	simm.s32 $0x2000;
	s14 =	simm.s32 $0x2040;
	v59 =	vshrl.u32 v58, $0x7;
	v25 =	vmov s13;
	v16 =	vshrl.u32 v16, $0x7;
	v13 =	vld [tilespmem:s9+$0xFFFFFFC0]  }
0x4f4: {  	s15 =	simm.s32 $0x2050;
	v26 =	vmov s14;
	v18 =	vmov s5;
	v16 =	vshll.u32 v16, v0;
	v14 =	vld [tilespmem:s9+$0xFFFFFFD0]  }
0x4f5: {  	s12 =	simm.s32 $0x2010;
	s6 =	simm.s32 $0x2020;
	v28 =	vmov s15;
	v18 =	vshrl.u32 v18, $0x7;
	v16 =	vbroadcast v16, $0x0;
	v15 =	vld [tilespmem:s9+$0xFFFFFFE0]  }
0x4f6: {  	v21 =	vmov s12;
	v22 =	vmov s6;
	v18 =	vshll.u32 v18, v0;
	s31 =	simm.s32 $0x20E0;
	v17 =	vld [tilespmem:s9+$0xFFFFFFF0]  }
0x4f7: {  	v18 =	vbroadcast v18, $0x0;
	v19 =	vld [tilespmem:s9+$0x0];
	v44 =	vmov s31;
	v30 =	vor.u32 v7, v16  }
0x4f8: {  	v20 =	vld [tilespmem:s9+$0x10];
	v60 =	vshrl.u32 v44, $0x7;
	vm15 =	vgt.s32 v9, $0xC37F;
	vm0 =	vgt.s32 v10, $0xC37F  }
0x4f9: {  	v27 =	vld [tilespmem:s9+$0x50];
	v10 =	vadd.s32 $0xFFFF3C80, v10;
	v9 =	vadd.s32 $0xFFFF3C80, v9;
	vm2 =	vgt.s32 v11, $0xC37F  }
0x4fa: {  	v16 =	vld [tilespmem:s9+$0x40];
	v11 =	vadd.s32 $0xFFFF3C80, v11;
	vm1 =	vgt.s32 v12, $0xC37F;
	v12 =	vadd.s32 $0xFFFF3C80, v12  }
0x4fb: {  	vm3 =	vgt.s32 v13, $0xC37F;
	vm4 =	vgt.s32 v14, $0xC37F;
	v23 =	vadd.s32 $0xFFFF3C80, v14;
	v14 =	vld [tilespmem:s9+$0x20]  }
0x4fc: {  	v13 =	vadd.s32 $0xFFFF3C80, v13;
	vm5 =	vgt.s32 v15, $0xC37F;
	v24 =	vadd.s32 $0xFFFF3C80, v15;
	v15 =	vld [tilespmem:s9+$0x30]  }
0x4fd: {  	vm6 =	vgt.s32 v17, $0xC37F;
	vm7 =	vgt.s32 v19, $0xC37F;
	v31 =	vadd.s32 $0xFFFF3C80, v19;
	v19 =	vld [tilespmem:s9+$0x60]  }
0x4fe: {  	s21 =	simm.s32 $0x20B0;
	v17 =	vadd.s32 $0xFFFF3C80, v17;
	vm8 =	vgt.s32 v20, $0xC37F;
	v52 =	vadd.s32 $0xFFFF3C80, v20;
	v20 =	vld [tilespmem:s9+$0xFFFFFF80]  }
0x4ff: {  	vm11 =	vgt.s32 v27, $0xC37F;
	v40 =	vadd.s32 $0xFFFF3C80, v27;
	v27 =	vmov s21  }
0x500: {  	vm10 =	vgt.s32 v16, $0xC37F;
	v39 =	vadd.s32 $0xFFFF3C80, v16;
	v27 =	vshrl.u32 v27, $0x7  }
0x501: {  	v27 =	vshll.u32 v27, v0;
	vm9 =	vgt.s32 v14, $0xC37F;
	v55 =	vadd.s32 $0xFFFF3C80, v14;
	v41 =	vld.idx.msk [tilespmem:v9+s30+$0x0], vm15  }
0x502: {  	vm13 =	vgt.s32 v15, $0xC37F;
	vm12 =	vgt.s32 v19, $0xC37F;
	v42 =	vadd.s32 $0xFFFF3C80, v19;
	v19 =	vld.idx.msk [tilespmem:v10+s30+$0x0], vm0  }
0x503: {  	s19 =	simm.s32 $0x2090;
	s24 =	simm.s32 $0x20D0;
	v56 =	vadd.s32 $0xFFFF3C80, v15;
	vm14 =	vgt.s32 v20, $0xC37F;
	v43 =	vadd.s32 $0xFFFF3C80, v20;
	v20 =	vld.idx.msk [tilespmem:v11+s30+$0x0], vm2  }
0x504: {  	v15 =	vmov s19;
	v10 =	vmov s24;
	v11 =	vshrl.u32 v21, $0x7;
	v16 =	vld.idx.msk [tilespmem:v12+s30+$0x0], vm1  }
0x505: {  	v21 =	vshrl.u32 v22, $0x7;
	v22 =	vshrl.u32 v25, $0x7;
	v12 =	vshrl.u32 v26, $0x7;
	v14 =	vld.idx.msk [tilespmem:v13+s30+$0x0], vm3  }
0x506: {  	v25 =	vshrl.u32 v28, $0x7;
	v26 =	vshrl.u32 v29, $0x7;
	v29 =	vshrl.u32 v15, $0x7;
	v15 =	vld.idx.msk [tilespmem:v23+s30+$0x0], vm4  }
0x507: {  	v13 =	vshrl.u32 v53, $0x7;
	v28 =	vshrl.u32 v54, $0x7;
	v23 =	vshrl.u32 v57, $0x7;
	v9 =	vld.idx.msk [tilespmem:v24+s30+$0x0], vm5  }
0x508: {  	v24 =	vshrl.u32 v10, $0x7;
	v10 =	vld.idx.msk [tilespmem:v17+s30+$0x0], vm6;
	v17 =	vshll.u32 v11, v0;
	v21 =	vshll.u32 v21, v0  }
0x509: {  	v61 =	vshll.u32 v22, v0;
	v11 =	vld.idx.msk [tilespmem:v31+s30+$0x0], vm7;
	v62 =	vshll.u32 v12, v0;
	v45 =	vshll.u32 v25, v0  }
0x50a: {  	v46 =	vshll.u32 v26, v0;
	v12 =	vld.idx.msk [tilespmem:v52+s30+$0x0], vm8;
	v47 =	vshll.u32 v13, v0;
	v48 =	vshll.u32 v28, v0  }
0x50b: {  	v49 =	vshll.u32 v29, v0;
	v31 =	vor.u32 v1, v18;
	v18 =	vld.idx.msk [tilespmem:v40+s30+$0x0], vm11;
	v29 =	vbroadcast v17, $0x0  }
0x50c: {  	v28 =	vshll.u32 v23, v0;
	v63 =	vbroadcast v21, $0x0;
	v38 =	vbroadcast v61, $0x0;
	v17 =	vld.idx.msk [tilespmem:v39+s30+$0x0], vm10  }
0x50d: {  	v26 =	vshll.u32 v59, v0;
	v37 =	vbroadcast v62, $0x0;
	v32 =	vbroadcast v45, $0x0;
	v13 =	vld.idx.msk [tilespmem:v55+s30+$0x0], vm9  }
0x50e: {  	v25 =	vshll.u32 v24, v0;
	v35 =	vbroadcast v46, $0x0;
	v33 =	vbroadcast v47, $0x0;
	v23 =	vld.idx.msk [tilespmem:v43+s30+$0x0], vm14  }
0x50f: {  	v24 =	vshll.u32 v60, v0;
	v36 =	vbroadcast v48, $0x0;
	v34 =	vbroadcast v49, $0x0;
	v22 =	vld.idx.msk [tilespmem:v56+s30+$0x0], vm13  }
0x510: {  	s6 =	simm.s32 $0x18880;
	s3 =	simm.s32 $0x0;
	v29 =	vor.u32 v6, v29;
	[tilespmem:v30+s25+$0x0] =	vst.idx.msk vm15, v41;
	v21 =	vld.idx.msk [tilespmem:v42+s30+$0x0], vm12;
	v30 =	vor.u32 v5, v63  }
.LBB2_31:
0x511: {  	v39 =	vld [tilespmem:s6+$0x70];
	s3 =	sadd.s32 $0x10, s3;
	v38 =	vor.u32 v4, v38;
	v28 =	vbroadcast v28, $0x0;
	v27 =	vbroadcast v27, $0x0  }
0x512: {  	v37 =	vor.u32 v3, v37;
	v26 =	vbroadcast v26, $0x0;
	v25 =	vbroadcast v25, $0x0;
	v40 =	vld [tilespmem:s6+$0xFFFFFF90];
	p3 =	slt.u32 s3, $0xF0  }
0x513: {  	v24 =	vbroadcast v24, $0x0;
	v41 =	vld [tilespmem:s6+$0xFFFFFFA0];
	[tilespmem:v31+s25+$0x0] =	vst.idx.msk vm14, v23;
	v23 =	vor.u32 v2, v32;
	v31 =	vor.u32 v8, v35  }
0x514: {  	v33 =	vor.u32 v7, v33;
	v34 =	vor.u32 v6, v34;
	v35 =	vor.u32 v1, v36;
	v32 =	vld [tilespmem:s6+$0xFFFFFFB0]  }
0x515: {  	v28 =	vor.u32 v5, v28;
	v27 =	vor.u32 v4, v27;
	v26 =	vor.u32 v3, v26;
	v36 =	vld [tilespmem:s6+$0xFFFFFFC0]  }
0x516: {  	v25 =	vor.u32 v2, v25;
	v24 =	vor.u32 v8, v24;
	v42 =	vld [tilespmem:s6+$0xFFFFFFD0];
	vm14 =	vgt.s32 v39, $0xC37F;
	[tilespmem:v29+s25+$0x0] =	vst.idx.msk vm0, v19  }
0x517: {  	s2 =	sadd.s32 $0x100, s2;
	v39 =	vadd.s32 $0xFFFF3C80, v39;
	vm0 =	vgt.s32 v40, $0xC37F;
	v19 =	vadd.s32 $0xFFFF3C80, v40;
	v29 =	vld [tilespmem:s6+$0xFFFFFFE0];
	[tilespmem:v30+s25+$0x0] =	vst.idx.msk vm2, v20  }
0x518: {  	s5 =	sadd.s32 $0xFFFFFF10, s2;
	s9 =	sadd.s32 $0xFFFFFF20, s2;
	s15 =	sadd.s32 $0xFFFFFF30, s2;
	v40 =	vmov s2;
	vm2 =	vgt.s32 v41, $0xC37F;
	v20 =	vadd.s32 $0xFFFF3C80, v41;
	v30 =	vld [tilespmem:s6+$0xFFFFFFF0];
	[tilespmem:v38+s25+$0x0] =	vst.idx.msk vm1, v16  }
0x519: {  	s16 =	sadd.s32 $0xFFFFFF40, s2;
	s17 =	sadd.s32 $0xFFFFFF50, s2;
	s18 =	sadd.s32 $0xFFFFFF60, s2;
	v38 =	vshrl.u32 v40, $0x7;
	vm1 =	vgt.s32 v32, $0xC37F;
	v16 =	vadd.s32 $0xFFFF3C80, v32;
	v32 =	vld [tilespmem:s6+$0x0];
	[tilespmem:v37+s25+$0x0] =	vst.idx.msk vm3, v14  }
0x51a: {  	s19 =	sadd.s32 $0xFFFFFF70, s2;
	s20 =	sadd.s32 $0xFFFFFF80, s2;
	s21 =	sadd.s32 $0xFFFFFF90, s2;
	v37 =	vshll.u32 v38, v0;
	vm3 =	vgt.s32 v36, $0xC37F;
	v14 =	vadd.s32 $0xFFFF3C80, v36;
	v36 =	vld [tilespmem:s6+$0x10];
	[tilespmem:v23+s25+$0x0] =	vst.idx.msk vm4, v15  }
0x51b: {  	s22 =	sadd.s32 $0xFFFFFFA0, s2;
	s24 =	sadd.s32 $0xFFFFFFB0, s2;
	s7 =	sadd.s32 $0xFFFFFFC0, s2;
	v37 =	vbroadcast v37, $0x0;
	vm4 =	vgt.s32 v42, $0xC37F;
	v15 =	vadd.s32 $0xFFFF3C80, v42;
	v23 =	vld [tilespmem:s6+$0x20];
	[tilespmem:v31+s25+$0x0] =	vst.idx.msk vm5, v9  }
0x51c: {  	s12 =	sadd.s32 $0xFFFFFFD0, s2;
	s13 =	sadd.s32 $0xFFFFFFE0, s2;
	s14 =	sadd.s32 $0xFFFFFFF0, s2;
	v31 =	vmov s5;
	vm5 =	vgt.s32 v29, $0xC37F;
	v9 =	vadd.s32 $0xFFFF3C80, v29;
	v29 =	vld.idx.msk [tilespmem:v39+s30+$0x0], vm14;
	[tilespmem:v33+s25+$0x0] =	vst.idx.msk vm6, v10  }
0x51d: {  	v33 =	vor.u32 v7, v37;
	vm6 =	vgt.s32 v30, $0xC37F;
	v10 =	vadd.s32 $0xFFFF3C80, v30;
	v30 =	vld [tilespmem:s6+$0x30];
	[tilespmem:v35+s25+$0x0] =	vst.idx.msk vm7, v11  }
0x51e: {  	v11 =	vmov s9;
	vm7 =	vgt.s32 v32, $0xC37F;
	v32 =	vadd.s32 $0xFFFF3C80, v32;
	v35 =	vld [tilespmem:s6+$0x40];
	[tilespmem:v34+s25+$0x0] =	vst.idx.msk vm8, v12  }
0x51f: {  	v12 =	vmov s15;
	vm8 =	vgt.s32 v36, $0xC37F;
	v34 =	vadd.s32 $0xFFFF3C80, v36;
	v36 =	vld [tilespmem:s6+$0x50];
	[tilespmem:v28+s25+$0x0] =	vst.idx.msk vm9, v13  }
0x520: {  	v13 =	vmov s16;
	vm9 =	vgt.s32 v23, $0xC37F;
	v23 =	vadd.s32 $0xFFFF3C80, v23;
	v28 =	vld [tilespmem:s6+$0x60];
	[tilespmem:v27+s25+$0x0] =	vst.idx.msk vm13, v22  }
0x521: {  	v38 =	vmov s19;
	v37 =	vmov s18;
	v27 =	vmov s17;
	v22 =	vld [tilespmem:s6+$0xFFFFFF80]  }
0x522: {  	v39 =	vmov s20;
	v19 =	vld.idx.msk [tilespmem:v19+s30+$0x0], vm0;
	vm13 =	vgt.s32 v30, $0xC37F;
	v30 =	vadd.s32 $0xFFFF3C80, v30;
	[tilespmem:v33+s25+$0x0] =	vst.idx.msk vm14, v29  }
0x523: {  	v29 =	vmov s21;
	v20 =	vld.idx.msk [tilespmem:v20+s30+$0x0], vm2;
	v33 =	vadd.s32 $0xFFFF3C80, v35;
	[tilespmem:v26+s25+$0x0] =	vst.idx.msk vm10, v17;
	vm10 =	vgt.s32 v35, $0xC37F  }
0x524: {  	v17 =	vmov s22;
	v16 =	vld.idx.msk [tilespmem:v16+s30+$0x0], vm1;
	v26 =	vadd.s32 $0xFFFF3C80, v36;
	[tilespmem:v25+s25+$0x0] =	vst.idx.msk vm11, v18;
	vm11 =	vgt.s32 v36, $0xC37F  }
0x525: {  	v18 =	vmov s24;
	v14 =	vld.idx.msk [tilespmem:v14+s30+$0x0], vm3;
	v25 =	vadd.s32 $0xFFFF3C80, v28;
	[tilespmem:v24+s25+$0x0] =	vst.idx.msk vm12, v21;
	vm12 =	vgt.s32 v28, $0xC37F  }
0x526: {  	vm14 =	vgt.s32 v22, $0xC37F;
	v21 =	vadd.s32 $0xFFFF3C80, v22;
	v15 =	vld.idx.msk [tilespmem:v15+s30+$0x0], vm4;
	v22 =	vmov s7  }
0x527: {  	v35 =	vmov s14;
	v24 =	vmov s12;
	v28 =	vmov s13;
	v9 =	vld.idx.msk [tilespmem:v9+s30+$0x0], vm5  }
0x528: {  	v31 =	vshrl.u32 v31, $0x7;
	v40 =	vshrl.u32 v12, $0x7;
	v36 =	vshrl.u32 v11, $0x7;
	v10 =	vld.idx.msk [tilespmem:v10+s30+$0x0], vm6  }
0x529: {  	v37 =	vshrl.u32 v37, $0x7;
	v41 =	vshrl.u32 v13, $0x7;
	v27 =	vshrl.u32 v27, $0x7;
	v11 =	vld.idx.msk [tilespmem:v32+s30+$0x0], vm7  }
0x52a: {  	v29 =	vshrl.u32 v29, $0x7;
	v32 =	vshrl.u32 v38, $0x7;
	v38 =	vshrl.u32 v39, $0x7;
	v12 =	vld.idx.msk [tilespmem:v34+s30+$0x0], vm8  }
0x52b: {  	v42 =	vshrl.u32 v22, $0x7;
	v39 =	vshrl.u32 v18, $0x7;
	v34 =	vshrl.u32 v17, $0x7;
	v13 =	vld.idx.msk [tilespmem:v23+s30+$0x0], vm9  }
0x52c: {  	v35 =	vshrl.u32 v35, $0x7;
	v24 =	vshrl.u32 v24, $0x7;
	v43 =	vshrl.u32 v28, $0x7;
	v23 =	vld.idx.msk [tilespmem:v21+s30+$0x0], vm14  }
0x52d: {  	v31 =	vshll.u32 v31, v0;
	v40 =	vshll.u32 v40, v0;
	v36 =	vshll.u32 v36, v0;
	v22 =	vld.idx.msk [tilespmem:v30+s30+$0x0], vm13  }
0x52e: {  	v44 =	vshll.u32 v37, v0;
	v30 =	vshll.u32 v41, v0;
	v41 =	vshll.u32 v27, v0;
	v17 =	vld.idx.msk [tilespmem:v33+s30+$0x0], vm10  }
0x52f: {  	v46 =	vshll.u32 v29, v0;
	v45 =	vshll.u32 v38, v0;
	v33 =	vshll.u32 v32, v0;
	v18 =	vld.idx.msk [tilespmem:v26+s30+$0x0], vm11  }
0x530: {  	v28 =	vshll.u32 v39, v0;
	v34 =	vshll.u32 v34, v0;
	v27 =	vshll.u32 v42, v0;
	v21 =	vld.idx.msk [tilespmem:v25+s30+$0x0], vm12  }
0x531: {  	v26 =	vshll.u32 v24, v0;
	v24 =	vshll.u32 v35, v0;
	v25 =	vshll.u32 v43, v0  }
.Ltmp14:
0x532: {  	v29 =	vbroadcast v31, $0x0;
	v35 =	vbroadcast v36, $0x0;
	(pc) =	sbr.rel @p3 .LBB2_31-.Ltmp14, $4  }
0x533: {  	v38 =	vbroadcast v30, $0x0;
	v36 =	vbroadcast v40, $0x0  }
0x534: {  	v31 =	vor.u32 v1, v29;
	v37 =	vbroadcast v41, $0x0;
	v32 =	vbroadcast v44, $0x0  }
0x535: {  	v29 =	vor.u32 v6, v35;
	v35 =	vbroadcast v33, $0x0;
	v33 =	vbroadcast v45, $0x0  }
0x536: {  	s6 =	sadd.s32 $0x100, s6;
	v34 =	vbroadcast v34, $0x0;
	v30 =	vor.u32 v5, v36;
	v36 =	vbroadcast v46, $0x0  }
0x537: {  	_ =	sdelay $0x2  }
0x538: {  	v38 =	vor.u32 v4, v38  }
0x539: {  	v37 =	vor.u32 v3, v37  }
0x53a: {  	[tilespmem:v31+s25+$0x0] =	vst.idx.msk vm14, v23;
	v23 =	vor.u32 v2, v32  }
0x53b: {  	v31 =	vor.u32 v8, v35;
	[tilespmem:v29+s25+$0x0] =	vst.idx.msk vm0, v19  }
0x53c: {  	v19 =	vor.u32 v7, v33;
	[tilespmem:v30+s25+$0x0] =	vst.idx.msk vm2, v20;
	v20 =	vbroadcast v28, $0x0  }
0x53d: {  	v28 =	vor.u32 v1, v36;
	[tilespmem:v38+s25+$0x0] =	vst.idx.msk vm1, v16  }
0x53e: {  	v20 =	vor.u32 v5, v20;
	v16 =	vbroadcast v27, $0x0;
	[tilespmem:v37+s25+$0x0] =	vst.idx.msk vm3, v14  }
0x53f: {  	v27 =	vor.u32 v6, v34;
	v14 =	vbroadcast v26, $0x0;
	[tilespmem:v23+s25+$0x0] =	vst.idx.msk vm4, v15  }
0x540: {  	v15 =	vbroadcast v25, $0x0;
	[tilespmem:v31+s25+$0x0] =	vst.idx.msk vm5, v9;
	v16 =	vor.u32 v4, v16  }
0x541: {  	v9 =	vbroadcast v24, $0x0;
	[tilespmem:v19+s25+$0x0] =	vst.idx.msk vm6, v10;
	v14 =	vor.u32 v3, v14  }
0x542: {  	[tilespmem:v28+s25+$0x0] =	vst.idx.msk vm7, v11;
	v10 =	vor.u32 v2, v15  }
0x543: {  	v9 =	vor.u32 v8, v9;
	[tilespmem:v20+s25+$0x0] =	vst.idx.msk vm9, v13  }
0x544: {  	[tilespmem:v27+s25+$0x0] =	vst.idx.msk vm8, v12  }
0x545: {  	[tilespmem:v16+s25+$0x0] =	vst.idx.msk vm13, v22  }
0x546: {  	[tilespmem:v14+s25+$0x0] =	vst.idx.msk vm10, v17  }
0x547: {  	[tilespmem:v10+s25+$0x0] =	vst.idx.msk vm11, v18  }
0x548: {  	[tilespmem:v9+s25+$0x0] =	vst.idx.msk vm12, v21  }
0x549: {  	s2 =	rddreg [dreg:$0xf]  }
0x54a: {  	s3 =	simm.s32 $0x1C700;
	s2 =	sadd.s32 s0, s2  }
0x54b: {  	[hbm4b:s2+s29] =	stream.strided.scatter [tilespmem:s3], [sflag:$0x9], $0x1000, s10, s29, $0x38;
	[tilespmem:$0x1EF00] =	vst v63  }
0x54c: {  	s2 =	stileid.u32;
	_ =	swait.ge [sflag:s23], $0x1000  }
0x54d: {  	p3 =	sne.s32 @p2 s2, $0x0;
	[sflag:s23] =	ssyncset.done $0x0  }
0x54e: {  	p4 =	por !p3, !p2;
	p3 =	por p3, !p2;
	[sflag:s23] =	ssyncadd.s32 $0xFFFFF000  }
0x54f: {  	s2 =	simm.s32 @!p3 $0x3;
	[bflag:$0x0] =	sbarrier.arrive @!p4 $0xFFFF  }
0x550: {  	_ =	swait.ge @!p3 [sflag:s2], $0x800  }
0x551: {  	s3 =	rddreg [dreg:$0x19];
	[sflag:s2] =	ssyncset.done @!p3 $0x0  }
0x552: {  	s3 =	sadd.s32 @!p3 $0x3, s3;
	[sflag:s2] =	ssyncadd.s32 @!p3 $0xFFFFF800  }
0x553: {  	s5 =	sshll.u32 @!p3 s3, $0x4;
	[bflag:$0x0] =	sbarrier.arrive @!p3 $0xFFFF  }
0x554: {  	s2 =	sshll.u32 @!p3 s3, $0xB;
	s3 =	sand.u32 @!p3 $0x70, s5;
	s5 =	rddreg [dreg:$0x1]  }
0x555: {  	s6 =	simm.s32 @!p3 $0x10;
	s2 =	sand.u32 @!p3 $0x1C000, s2;
	s3 =	sadd.s32 @!p3 s5, s3  }
0x556: {  	s7 =	simm.s32 @!p3 $0x80;
	s2 =	sadd.s32 @!p3 s2, s3;
	s3 =	rddreg [dreg:$0x4]  }
0x557: {  	s9 =	simm.s32 @!p3 $0x1C04;
	s5 =	simm.s32 @!p3 $0x1;
	s3 =	sshrl.u32 @!p3 s3, $0x3  }
0x558: {  	[spmem:s3@s6], [sflag:s9] =	dma.strided @!p3 [hbm:s2@s7], $0x800, s5, $0x10   }
0x559: {  	s31 =	simm.s32 $0x19780;
	s2 =	simm.s32 @p2 $0x18700;
	s3 =	rddreg [dreg:$0x3]  }
0x55a: {  	[tilespmem:s2], [sflag:$0x5] =	stream.linear.gather @p2 [spmem:s3], $0x1000, $0x38;
	[tilespmem:$0x1EF00] =	vst v63  }
0x55b: {  	v9 =	vld [tilespmem:s31+$0x70]  }
0x55c: {  	s16 =	simm.s32 $0x3060;
	s17 =	simm.s32 $0x3070;
	s22 =	simm.s32 $0x30C0;
	v10 =	vld [tilespmem:s31+$0xFFFFFF90]  }
0x55d: {  	s18 =	simm.s32 $0x3080;
	s20 =	simm.s32 $0x30A0;
	v29 =	vmov s16;
	v53 =	vmov s17;
	v58 =	vmov s22;
	v11 =	vld [tilespmem:s31+$0xFFFFFFA0]  }
0x55e: {  	s13 =	simm.s32 $0x3030;
	s14 =	simm.s32 $0x3040;
	v54 =	vmov s18;
	v57 =	vmov s20;
	v59 =	vshrl.u32 v58, $0x7;
	s7 =	simm.s32 $0x3000;
	v12 =	vld [tilespmem:s31+$0xFFFFFFB0]  }
0x55f: {  	s15 =	simm.s32 $0x3050;
	v25 =	vmov s13;
	v26 =	vmov s14;
	v18 =	vmov s7;
	s2 =	simm.s32 $0x30F0;
	v13 =	vld [tilespmem:s31+$0xFFFFFFC0]  }
0x560: {  	s12 =	simm.s32 $0x3020;
	v28 =	vmov s15;
	v18 =	vshrl.u32 v18, $0x7;
	v14 =	vld [tilespmem:s31+$0xFFFFFFD0];
	v16 =	vmov s2  }
0x561: {  	v22 =	vmov s12;
	s9 =	simm.s32 $0x3010;
	v15 =	vld [tilespmem:s31+$0xFFFFFFE0];
	v18 =	vshll.u32 v18, v0;
	v16 =	vshrl.u32 v16, $0x7  }
0x562: {  	v21 =	vmov s9;
	v17 =	vld [tilespmem:s31+$0xFFFFFFF0];
	v18 =	vbroadcast v18, $0x0;
	v16 =	vshll.u32 v16, v0  }
0x563: {  	v19 =	vld [tilespmem:s31+$0x0];
	v16 =	vbroadcast v16, $0x0;
	vm15 =	vgt.s32 v9, $0xC37F;
	vm0 =	vgt.s32 v10, $0xC37F  }
0x564: {  	v20 =	vld [tilespmem:s31+$0x10];
	v10 =	vadd.s32 $0xFFFF3C80, v10;
	v9 =	vadd.s32 $0xFFFF3C80, v9;
	vm2 =	vgt.s32 v11, $0xC37F  }
0x565: {  	v27 =	vld [tilespmem:s31+$0x50];
	v11 =	vadd.s32 $0xFFFF3C80, v11;
	vm1 =	vgt.s32 v12, $0xC37F;
	v12 =	vadd.s32 $0xFFFF3C80, v12  }
0x566: {  	vm3 =	vgt.s32 v13, $0xC37F;
	vm4 =	vgt.s32 v14, $0xC37F;
	v23 =	vadd.s32 $0xFFFF3C80, v14;
	v14 =	vld [tilespmem:s31+$0x20]  }
0x567: {  	v13 =	vadd.s32 $0xFFFF3C80, v13;
	vm5 =	vgt.s32 v15, $0xC37F;
	v24 =	vadd.s32 $0xFFFF3C80, v15;
	v15 =	vld [tilespmem:s31+$0x30]  }
0x568: {  	vm6 =	vgt.s32 v17, $0xC37F;
	v30 =	vor.u32 v7, v16;
	v16 =	vld [tilespmem:s31+$0x40];
	vm7 =	vgt.s32 v19, $0xC37F  }
0x569: {  	s21 =	simm.s32 $0x30B0;
	v31 =	vadd.s32 $0xFFFF3C80, v19;
	vm8 =	vgt.s32 v20, $0xC37F;
	v52 =	vadd.s32 $0xFFFF3C80, v20;
	v19 =	vld [tilespmem:s31+$0x60]  }
0x56a: {  	v20 =	vld [tilespmem:s31+$0xFFFFFF80];
	vm11 =	vgt.s32 v27, $0xC37F;
	v40 =	vadd.s32 $0xFFFF3C80, v27;
	v27 =	vmov s21;
	s31 =	simm.s32 $0x30E0  }
0x56b: {  	v17 =	vadd.s32 $0xFFFF3C80, v17;
	v44 =	vmov s31;
	v27 =	vshrl.u32 v27, $0x7  }
0x56c: {  	v60 =	vshrl.u32 v44, $0x7;
	v27 =	vshll.u32 v27, v0;
	vm9 =	vgt.s32 v14, $0xC37F  }
0x56d: {  	v55 =	vadd.s32 $0xFFFF3C80, v14;
	vm13 =	vgt.s32 v15, $0xC37F;
	v56 =	vadd.s32 $0xFFFF3C80, v15;
	v41 =	vld.idx.msk [tilespmem:v9+s30+$0x0], vm15  }
0x56e: {  	s19 =	simm.s32 $0x3090;
	vm10 =	vgt.s32 v16, $0xC37F;
	vm12 =	vgt.s32 v19, $0xC37F;
	v42 =	vadd.s32 $0xFFFF3C80, v19;
	v19 =	vld.idx.msk [tilespmem:v10+s30+$0x0], vm0  }
0x56f: {  	s24 =	simm.s32 $0x30D0;
	v15 =	vmov s19;
	vm14 =	vgt.s32 v20, $0xC37F;
	v43 =	vadd.s32 $0xFFFF3C80, v20;
	v20 =	vld.idx.msk [tilespmem:v11+s30+$0x0], vm2  }
0x570: {  	v39 =	vadd.s32 $0xFFFF3C80, v16;
	v10 =	vmov s24;
	v11 =	vshrl.u32 v21, $0x7;
	v16 =	vld.idx.msk [tilespmem:v12+s30+$0x0], vm1  }
0x571: {  	v21 =	vshrl.u32 v22, $0x7;
	v22 =	vshrl.u32 v25, $0x7;
	v12 =	vshrl.u32 v26, $0x7;
	v14 =	vld.idx.msk [tilespmem:v13+s30+$0x0], vm3  }
0x572: {  	v25 =	vshrl.u32 v28, $0x7;
	v26 =	vshrl.u32 v29, $0x7;
	v29 =	vshrl.u32 v15, $0x7;
	v15 =	vld.idx.msk [tilespmem:v23+s30+$0x0], vm4  }
0x573: {  	v13 =	vshrl.u32 v53, $0x7;
	v28 =	vshrl.u32 v54, $0x7;
	v23 =	vshrl.u32 v57, $0x7;
	v9 =	vld.idx.msk [tilespmem:v24+s30+$0x0], vm5  }
0x574: {  	v24 =	vshrl.u32 v10, $0x7;
	v10 =	vld.idx.msk [tilespmem:v17+s30+$0x0], vm6;
	v17 =	vshll.u32 v11, v0;
	v21 =	vshll.u32 v21, v0  }
0x575: {  	v61 =	vshll.u32 v22, v0;
	v11 =	vld.idx.msk [tilespmem:v31+s30+$0x0], vm7;
	v62 =	vshll.u32 v12, v0;
	v45 =	vshll.u32 v25, v0  }
0x576: {  	v46 =	vshll.u32 v26, v0;
	v12 =	vld.idx.msk [tilespmem:v52+s30+$0x0], vm8;
	v47 =	vshll.u32 v13, v0;
	v48 =	vshll.u32 v28, v0  }
0x577: {  	v49 =	vshll.u32 v29, v0;
	v31 =	vor.u32 v1, v18;
	v18 =	vld.idx.msk [tilespmem:v40+s30+$0x0], vm11;
	v29 =	vbroadcast v17, $0x0  }
0x578: {  	v28 =	vshll.u32 v23, v0;
	v63 =	vbroadcast v21, $0x0;
	v38 =	vbroadcast v61, $0x0;
	v13 =	vld.idx.msk [tilespmem:v55+s30+$0x0], vm9  }
0x579: {  	v26 =	vshll.u32 v59, v0;
	v37 =	vbroadcast v62, $0x0;
	v32 =	vbroadcast v45, $0x0;
	v23 =	vld.idx.msk [tilespmem:v43+s30+$0x0], vm14  }
0x57a: {  	v25 =	vshll.u32 v24, v0;
	v35 =	vbroadcast v46, $0x0;
	v33 =	vbroadcast v47, $0x0;
	v22 =	vld.idx.msk [tilespmem:v56+s30+$0x0], vm13  }
0x57b: {  	v24 =	vshll.u32 v60, v0;
	v36 =	vbroadcast v48, $0x0;
	v34 =	vbroadcast v49, $0x0;
	v17 =	vld.idx.msk [tilespmem:v39+s30+$0x0], vm10  }
0x57c: {  	s5 =	simm.s32 $0x19880;
	s3 =	simm.s32 $0x0;
	v29 =	vor.u32 v6, v29;
	[tilespmem:v30+s25+$0x0] =	vst.idx.msk vm15, v41;
	v21 =	vld.idx.msk [tilespmem:v42+s30+$0x0], vm12;
	v30 =	vor.u32 v5, v63  }
.LBB2_33:
0x57d: {  	v39 =	vld [tilespmem:s5+$0x70];
	s3 =	sadd.s32 $0x10, s3;
	v38 =	vor.u32 v4, v38;
	v28 =	vbroadcast v28, $0x0;
	v27 =	vbroadcast v27, $0x0  }
0x57e: {  	v37 =	vor.u32 v3, v37;
	v26 =	vbroadcast v26, $0x0;
	v25 =	vbroadcast v25, $0x0;
	v40 =	vld [tilespmem:s5+$0xFFFFFF90];
	p3 =	slt.u32 s3, $0xF0  }
0x57f: {  	v24 =	vbroadcast v24, $0x0;
	v41 =	vld [tilespmem:s5+$0xFFFFFFA0];
	[tilespmem:v31+s25+$0x0] =	vst.idx.msk vm14, v23;
	v23 =	vor.u32 v2, v32;
	v31 =	vor.u32 v8, v35  }
0x580: {  	v33 =	vor.u32 v7, v33;
	v34 =	vor.u32 v6, v34;
	v35 =	vor.u32 v1, v36;
	v32 =	vld [tilespmem:s5+$0xFFFFFFB0]  }
0x581: {  	v28 =	vor.u32 v5, v28;
	v27 =	vor.u32 v4, v27;
	v26 =	vor.u32 v3, v26;
	v36 =	vld [tilespmem:s5+$0xFFFFFFC0]  }
0x582: {  	v25 =	vor.u32 v2, v25;
	v24 =	vor.u32 v8, v24;
	v42 =	vld [tilespmem:s5+$0xFFFFFFD0];
	vm14 =	vgt.s32 v39, $0xC37F;
	[tilespmem:v29+s25+$0x0] =	vst.idx.msk vm0, v19  }
0x583: {  	s2 =	sadd.s32 $0x100, s2;
	v39 =	vadd.s32 $0xFFFF3C80, v39;
	vm0 =	vgt.s32 v40, $0xC37F;
	v19 =	vadd.s32 $0xFFFF3C80, v40;
	v29 =	vld [tilespmem:s5+$0xFFFFFFE0];
	[tilespmem:v30+s25+$0x0] =	vst.idx.msk vm2, v20  }
0x584: {  	s7 =	sadd.s32 $0xFFFFFF10, s2;
	s9 =	sadd.s32 $0xFFFFFF20, s2;
	s14 =	sadd.s32 $0xFFFFFF30, s2;
	v40 =	vmov s2;
	vm2 =	vgt.s32 v41, $0xC37F;
	v20 =	vadd.s32 $0xFFFF3C80, v41;
	v30 =	vld [tilespmem:s5+$0xFFFFFFF0];
	[tilespmem:v38+s25+$0x0] =	vst.idx.msk vm1, v16  }
0x585: {  	s15 =	sadd.s32 $0xFFFFFF40, s2;
	s16 =	sadd.s32 $0xFFFFFF50, s2;
	s17 =	sadd.s32 $0xFFFFFF60, s2;
	v38 =	vshrl.u32 v40, $0x7;
	vm1 =	vgt.s32 v32, $0xC37F;
	v16 =	vadd.s32 $0xFFFF3C80, v32;
	v32 =	vld [tilespmem:s5+$0x0];
	[tilespmem:v37+s25+$0x0] =	vst.idx.msk vm3, v14  }
0x586: {  	s18 =	sadd.s32 $0xFFFFFF70, s2;
	s19 =	sadd.s32 $0xFFFFFF80, s2;
	s20 =	sadd.s32 $0xFFFFFF90, s2;
	v37 =	vshll.u32 v38, v0;
	vm3 =	vgt.s32 v36, $0xC37F;
	v14 =	vadd.s32 $0xFFFF3C80, v36;
	v36 =	vld [tilespmem:s5+$0x10];
	[tilespmem:v23+s25+$0x0] =	vst.idx.msk vm4, v15  }
0x587: {  	s21 =	sadd.s32 $0xFFFFFFA0, s2;
	s22 =	sadd.s32 $0xFFFFFFB0, s2;
	s6 =	sadd.s32 $0xFFFFFFC0, s2;
	v37 =	vbroadcast v37, $0x0;
	vm4 =	vgt.s32 v42, $0xC37F;
	v15 =	vadd.s32 $0xFFFF3C80, v42;
	v23 =	vld [tilespmem:s5+$0x20];
	[tilespmem:v31+s25+$0x0] =	vst.idx.msk vm5, v9  }
0x588: {  	s12 =	sadd.s32 $0xFFFFFFE0, s2;
	s13 =	sadd.s32 $0xFFFFFFF0, s2;
	v31 =	vmov s7;
	s7 =	sadd.s32 $0xFFFFFFD0, s2;
	vm5 =	vgt.s32 v29, $0xC37F;
	v9 =	vadd.s32 $0xFFFF3C80, v29;
	v29 =	vld.idx.msk [tilespmem:v39+s30+$0x0], vm14;
	[tilespmem:v33+s25+$0x0] =	vst.idx.msk vm6, v10  }
0x589: {  	v33 =	vor.u32 v7, v37;
	vm6 =	vgt.s32 v30, $0xC37F;
	v10 =	vadd.s32 $0xFFFF3C80, v30;
	v30 =	vld [tilespmem:s5+$0x30];
	[tilespmem:v35+s25+$0x0] =	vst.idx.msk vm7, v11  }
0x58a: {  	v11 =	vmov s9;
	vm7 =	vgt.s32 v32, $0xC37F;
	v32 =	vadd.s32 $0xFFFF3C80, v32;
	v35 =	vld [tilespmem:s5+$0x40];
	[tilespmem:v34+s25+$0x0] =	vst.idx.msk vm8, v12  }
0x58b: {  	v12 =	vmov s14;
	vm8 =	vgt.s32 v36, $0xC37F;
	v34 =	vadd.s32 $0xFFFF3C80, v36;
	v36 =	vld [tilespmem:s5+$0x50];
	[tilespmem:v28+s25+$0x0] =	vst.idx.msk vm9, v13  }
0x58c: {  	v13 =	vmov s15;
	vm9 =	vgt.s32 v23, $0xC37F;
	v23 =	vadd.s32 $0xFFFF3C80, v23;
	v28 =	vld [tilespmem:s5+$0x60];
	[tilespmem:v27+s25+$0x0] =	vst.idx.msk vm13, v22  }
0x58d: {  	v38 =	vmov s18;
	v37 =	vmov s17;
	v27 =	vmov s16;
	v22 =	vld [tilespmem:s5+$0xFFFFFF80]  }
0x58e: {  	v39 =	vmov s19;
	v19 =	vld.idx.msk [tilespmem:v19+s30+$0x0], vm0;
	vm13 =	vgt.s32 v30, $0xC37F;
	v30 =	vadd.s32 $0xFFFF3C80, v30;
	[tilespmem:v33+s25+$0x0] =	vst.idx.msk vm14, v29  }
0x58f: {  	v29 =	vmov s20;
	v20 =	vld.idx.msk [tilespmem:v20+s30+$0x0], vm2;
	v33 =	vadd.s32 $0xFFFF3C80, v35;
	[tilespmem:v26+s25+$0x0] =	vst.idx.msk vm10, v17;
	vm10 =	vgt.s32 v35, $0xC37F  }
0x590: {  	v17 =	vmov s21;
	v16 =	vld.idx.msk [tilespmem:v16+s30+$0x0], vm1;
	v26 =	vadd.s32 $0xFFFF3C80, v36;
	[tilespmem:v25+s25+$0x0] =	vst.idx.msk vm11, v18;
	vm11 =	vgt.s32 v36, $0xC37F  }
0x591: {  	v18 =	vmov s22;
	v14 =	vld.idx.msk [tilespmem:v14+s30+$0x0], vm3;
	v25 =	vadd.s32 $0xFFFF3C80, v28;
	[tilespmem:v24+s25+$0x0] =	vst.idx.msk vm12, v21;
	vm12 =	vgt.s32 v28, $0xC37F  }
0x592: {  	vm14 =	vgt.s32 v22, $0xC37F;
	v21 =	vadd.s32 $0xFFFF3C80, v22;
	v15 =	vld.idx.msk [tilespmem:v15+s30+$0x0], vm4;
	v22 =	vmov s6  }
0x593: {  	v35 =	vmov s13;
	v24 =	vmov s7;
	v28 =	vmov s12;
	v9 =	vld.idx.msk [tilespmem:v9+s30+$0x0], vm5  }
0x594: {  	v31 =	vshrl.u32 v31, $0x7;
	v40 =	vshrl.u32 v12, $0x7;
	v36 =	vshrl.u32 v11, $0x7;
	v10 =	vld.idx.msk [tilespmem:v10+s30+$0x0], vm6  }
0x595: {  	v37 =	vshrl.u32 v37, $0x7;
	v41 =	vshrl.u32 v13, $0x7;
	v27 =	vshrl.u32 v27, $0x7;
	v11 =	vld.idx.msk [tilespmem:v32+s30+$0x0], vm7  }
0x596: {  	v29 =	vshrl.u32 v29, $0x7;
	v32 =	vshrl.u32 v38, $0x7;
	v38 =	vshrl.u32 v39, $0x7;
	v12 =	vld.idx.msk [tilespmem:v34+s30+$0x0], vm8  }
0x597: {  	v42 =	vshrl.u32 v22, $0x7;
	v39 =	vshrl.u32 v18, $0x7;
	v34 =	vshrl.u32 v17, $0x7;
	v13 =	vld.idx.msk [tilespmem:v23+s30+$0x0], vm9  }
0x598: {  	v35 =	vshrl.u32 v35, $0x7;
	v24 =	vshrl.u32 v24, $0x7;
	v43 =	vshrl.u32 v28, $0x7;
	v23 =	vld.idx.msk [tilespmem:v21+s30+$0x0], vm14  }
0x599: {  	v31 =	vshll.u32 v31, v0;
	v40 =	vshll.u32 v40, v0;
	v36 =	vshll.u32 v36, v0;
	v22 =	vld.idx.msk [tilespmem:v30+s30+$0x0], vm13  }
0x59a: {  	v44 =	vshll.u32 v37, v0;
	v30 =	vshll.u32 v41, v0;
	v41 =	vshll.u32 v27, v0;
	v17 =	vld.idx.msk [tilespmem:v33+s30+$0x0], vm10  }
0x59b: {  	v46 =	vshll.u32 v29, v0;
	v45 =	vshll.u32 v38, v0;
	v33 =	vshll.u32 v32, v0;
	v18 =	vld.idx.msk [tilespmem:v26+s30+$0x0], vm11  }
0x59c: {  	v28 =	vshll.u32 v39, v0;
	v34 =	vshll.u32 v34, v0;
	v27 =	vshll.u32 v42, v0;
	v21 =	vld.idx.msk [tilespmem:v25+s30+$0x0], vm12  }
0x59d: {  	v26 =	vshll.u32 v24, v0;
	v24 =	vshll.u32 v35, v0;
	v25 =	vshll.u32 v43, v0  }
.Ltmp15:
0x59e: {  	v29 =	vbroadcast v31, $0x0;
	v35 =	vbroadcast v36, $0x0;
	(pc) =	sbr.rel @p3 .LBB2_33-.Ltmp15, $4  }
0x59f: {  	v38 =	vbroadcast v30, $0x0;
	v36 =	vbroadcast v40, $0x0  }
0x5a0: {  	v31 =	vor.u32 v1, v29;
	v37 =	vbroadcast v41, $0x0;
	v32 =	vbroadcast v44, $0x0  }
0x5a1: {  	v29 =	vor.u32 v6, v35;
	v35 =	vbroadcast v33, $0x0;
	v33 =	vbroadcast v45, $0x0  }
0x5a2: {  	s5 =	sadd.s32 $0x100, s5;
	v34 =	vbroadcast v34, $0x0;
	v30 =	vor.u32 v5, v36;
	v36 =	vbroadcast v46, $0x0  }
0x5a3: {  	_ =	sdelay $0x2  }
0x5a4: {  	v38 =	vor.u32 v4, v38  }
0x5a5: {  	v37 =	vor.u32 v3, v37  }
0x5a6: {  	[tilespmem:v31+s25+$0x0] =	vst.idx.msk vm14, v23;
	v54 =	vor.u32 v2, v32  }
0x5a7: {  	v55 =	vor.u32 v8, v35;
	[tilespmem:v29+s25+$0x0] =	vst.idx.msk vm0, v19  }
0x5a8: {  	v7 =	vor.u32 v7, v33;
	[tilespmem:v30+s25+$0x0] =	vst.idx.msk vm2, v20  }
0x5a9: {  	v56 =	vbroadcast v28, $0x0;
	v57 =	vor.u32 v1, v36;
	[tilespmem:v38+s25+$0x0] =	vst.idx.msk vm1, v16  }
0x5aa: {  	v58 =	vbroadcast v27, $0x0;
	v6 =	vor.u32 v6, v34;
	[tilespmem:v37+s25+$0x0] =	vst.idx.msk vm3, v14  }
0x5ab: {  	v59 =	vbroadcast v26, $0x0;
	v5 =	vor.u32 v5, v56;
	[tilespmem:v54+s25+$0x0] =	vst.idx.msk vm4, v15  }
0x5ac: {  	v60 =	vbroadcast v25, $0x0;
	v61 =	vor.u32 v4, v58;
	[tilespmem:v55+s25+$0x0] =	vst.idx.msk vm5, v9  }
0x5ad: {  	v62 =	vbroadcast v24, $0x0;
	v3 =	vor.u32 v3, v59;
	[tilespmem:v7+s25+$0x0] =	vst.idx.msk vm6, v10  }
0x5ae: {  	v2 =	vor.u32 v2, v60;
	[tilespmem:v57+s25+$0x0] =	vst.idx.msk vm7, v11  }
0x5af: {  	v63 =	vor.u32 v8, v62;
	[tilespmem:v6+s25+$0x0] =	vst.idx.msk vm8, v12  }
0x5b0: {  	[tilespmem:v5+s25+$0x0] =	vst.idx.msk vm9, v13  }
0x5b1: {  	[tilespmem:v61+s25+$0x0] =	vst.idx.msk vm13, v22  }
0x5b2: {  	[tilespmem:v3+s25+$0x0] =	vst.idx.msk vm10, v17  }
0x5b3: {  	[tilespmem:v2+s25+$0x0] =	vst.idx.msk vm11, v18  }
0x5b4: {  	[tilespmem:v63+s25+$0x0] =	vst.idx.msk vm12, v21  }
0x5b5: {  	s2 =	rddreg [dreg:$0x10]  }
0x5b6: {  	s31 =	simm.s32 $0x1D700;
	s3 =	simm.s32 @p2 $0xC380;
	s0 =	sadd.s32 s0, s2  }
0x5b7: {  	[hbm4b:s0+s29] =	stream.strided.scatter [tilespmem:s31], [sflag:$0xA], $0x1000, s10, s29, $0x38;
	[tilespmem:$0x1EF00] =	vst v63  }
0x5b8: {  	s2 =	simm.s32 @p2 $0x400;
	s0 =	sadd.s32 @p2 $0xC380, s1;
	s1 =	simm.s32 @p2 $0x80  }
0x5b9: {  	[tilespmem:s3], [sflag:$0x2] =	stream.strided.gather @p2 [hbm4b:s0+s1], $0xC380, s2, s1, $0x38;
	[tilespmem:$0x1EF00] =	vst v63  }
0x5ba: {  	p2 =	sne.s32 s11, $0xD  }
.Ltmp16:
0x5bb: {  	_ = 	snop;
	(pc) =	sbr.rel @p2 .LBB2_2-.Ltmp16, $4  }
0x5bc: {  	_ = 	snop  }
0x5bd: {  	s13 =	rddreg [dreg:$0x0]  }
0x5be: {  	s7 =	rddreg [dreg:$0xa]  }
0x5bf: {  	s20 =	simm.s32 $0x18700;
	s12 =	simm.s32 $0x19700;
	s9 =	rddreg [dreg:$0xb]  }
0x5c0: {  	s0 =	simm.s32 $0x7  }
0x5c1: {  	_ =	swait.ge [sflag:s0], $0x1000  }
0x5c2: {  	[sflag:s0] =	ssyncset.done $0x0  }
0x5c3: {  	s24 =	simm.s32 $0x8;
	[sflag:s0] =	ssyncadd.s32 $0xFFFFF000  }
0x5c4: {  	_ =	swait.ge [sflag:s24], $0x1000  }
0x5c5: {  	[sflag:s24] =	ssyncset.done $0x0  }
0x5c6: {  	s29 =	simm.s32 $0x9;
	[sflag:s24] =	ssyncadd.s32 $0xFFFFF000  }
0x5c7: {  	_ =	swait.ge [sflag:s29], $0x1000  }
0x5c8: {  	[sflag:s29] =	ssyncset.done $0x0  }
0x5c9: {  	s1 =	simm.s32 $0xA;
	[sflag:s29] =	ssyncadd.s32 $0xFFFFF000  }
0x5ca: {  	_ =	swait.ge [sflag:s1], $0x1000  }
0x5cb: {  	s2 =	rddreg [dreg:$0x18]  }
0x5cc: {  	s31 =	rddreg [dreg:$0x14];
	s2 =	sadd.s32 $0x1, s2  }
0x5cd: {  	p2 =	sne.s32 s2, s31  }
.Ltmp17:
0x5ce: {  	_ = 	snop;
	(pc) =	sbr.rel @p2 .LBB2_1-.Ltmp17, $3  }
0x5cf: {  	_ =	sdelay $0x1  }
0x5d0: {  	[sflag:s1] =	ssyncset.done $0x0  }
0x5d1: {  	[sflag:s1] =	ssyncadd.s32 $0xFFFFF000  }
0x5d2: {  	_ =	sfence.sel $0x180000  }
0x5d3: {  	[bflag:$0x0] =	sbarrier.arrive $0xFFFF  }
0x5d4: {  	_ =	strace $0x90000047  }
0x5d5: {  	[bflag:$0x2] =	sbarrier.arrive $0xFFFF  }
0x5d6: {  	s0 =	rddreg [dreg:$0x5]  }
0x5d7: {  	s0 =	sadd.s32 @!p0 $0x100000, s0  }
0x5d8: {  	[sflag:s0] =	ssyncadd.tile.s32 @!p0 $0x1;
	_ =	shalt  }
.Lfunc_end2:
_tile_overlayer_lowered:
.L_overlay_start_2:
0x5d9: {  	(tag) =	ssettag $0x2  }
0x5da: {  	s0 =	rddreg [dreg:$0x0];
	s2 =	stileid.u32  }
0x5db: {  	s1 =	rddreg [dreg:$0x1];
	p0 =	sne.s32 s2, $0x0  }
0x5dc: {  	s3 =	rddreg [dreg:$0x2];
	[bflag:$0x3] =	sbarrier.arrive $0xFFFF;
	s2 =	simm.s32 @!p0 $0x1C0B  }
0x5dd: {  	[timem:s3], [sflag:s2] =	dma.local @!p0 [hbm:s0], s1  }
0x5de: {  	s0 =	simm.s32 @!p0 $0xB  }
0x5df: {  	_ =	swait.ge @!p0 [sflag:s0], s1  }
0x5e0: {  	s1 =	ssub.s32 @!p0 $0x0, s1;
	[sflag:s0] =	ssyncset.done @!p0 $0x0  }
0x5e1: {  	[sflag:s0] =	ssyncadd.s32 @!p0 s1  }
0x5e2: {  	[bflag:$0x3] =	sbarrier.arrive $0xFFFF  }
0x5e3: {  	_ =	shalt  }

</sc_bundles>
